<compile_context>
chip_gen: v7x
topology: tpu7x:2x2x1
jax: 0.10.2.dev20260603
libtpu: 0.0.44.dev20260713+nightly
codegen_flags: <defaults>
</compile_context>

<pallas_src>
import functools

import jax
import jax.numpy as jnp
from jax import lax
from jax.experimental import pallas as pl
from jax.experimental.pallas import tpu as pltpu
from jax.experimental.pallas import tpu_sc as plsc

NC, NS, L = 2, 16, 16
NW = NC * NS
CHUNK = 80
BM = 1024
ZR = 128


def _mesh():
    return plsc.VectorSubcoreMesh(core_axis_name="c", subcore_axis_name="s",
                                  num_cores=NC, num_subcores=NS)


def _deg_call(dst4, n):
    nw, nb, w, chunk = dst4.shape
    rpt = n // NS
    zr = ZR
    w16 = 16

    @functools.partial(
        pl.kernel,
        out_type=jax.ShapeDtypeStruct((NC, n, w16), jnp.float32),
        mesh=_mesh(),
        scratch_types=[
            pltpu.VMEM((nb, w, chunk), jnp.int32),
            pltpu.VMEM((chunk, w16), jnp.float32),
            pltpu.VMEM((zr, w16), jnp.float32),
            pltpu.VMEM_SHARED((n, w16), jnp.float32),
        ],
    )
    def deg_k(dst_hbm, out_hbm, d_idx, ones_v, zbuf, acc):
        cid = lax.axis_index("c")
        sid = lax.axis_index("s")
        wid = sid * NC + cid
        ones = jnp.ones((L,), jnp.float32)
        zeros = jnp.zeros((L,), jnp.float32)

        def fill_ones(i, _):
            ones_v[i, pl.ds(0, L)] = ones
            return 0

        lax.fori_loop(0, chunk, fill_ones, 0)

        def fill_z(i, _):
            zbuf[i, pl.ds(0, L)] = zeros
            return 0

        lax.fori_loop(0, zr, fill_z, 0)
        for r in range(rpt // zr):
            pltpu.sync_copy(zbuf, acc.at[pl.ds(sid * rpt + r * zr, zr)])
        pltpu.sync_copy(dst_hbm.at[wid], d_idx)
        plsc.subcore_barrier()

        def body_b(b, _):
            def body_c(c, _):
                pltpu.sync_copy(ones_v, acc.at[d_idx.at[b, c]], add=True)
                return 0
            return lax.fori_loop(0, w, body_c, 0)

        lax.fori_loop(0, nb, body_b, 0)
        plsc.subcore_barrier()
        pltpu.sync_copy(acc.at[pl.ds(sid * rpt, rpt)],
                        out_hbm.at[cid, pl.ds(sid * rpt, rpt)])

    return deg_k(dst4)


def _seg_call(g, src4, dst4):
    n, d = g.shape
    nw, nb, w, chunk = src4.shape
    rpt = n // NS
    dt = g.dtype

    @functools.partial(
        pl.kernel,
        out_type=jax.ShapeDtypeStruct((NC, n, d), dt),
        mesh=_mesh(),
        scratch_types=[
            pltpu.VMEM((w, chunk), jnp.int32),
            pltpu.VMEM((w, chunk), jnp.int32),
            pltpu.VMEM((chunk, d), dt),
            pltpu.VMEM((chunk, d), dt),
            pltpu.VMEM_SHARED((n, d), dt),
            pltpu.SemaphoreType.DMA,
            pltpu.SemaphoreType.DMA,
        ],
    )
    def seg_k(g_hbm, src_hbm, dst_hbm, out_hbm,
              s_idx, d_idx, buf0, buf1, acc, gsem0, gsem1):
        cid = lax.axis_index("c")
        sid = lax.axis_index("s")
        wid = sid * NC + cid

        zeros = jnp.zeros((L,), dt)
        lane = lax.iota(jnp.int32, L)

        def zrow(i, _):
            def zcol(j, _):
                buf0[i, pl.ds(j * L, L)] = zeros
                return 0
            return lax.fori_loop(0, d // L, zcol, 0)

        lax.fori_loop(0, chunk, zrow, 0)

        def irow(r, _):
            def icol(j, _):
                s_idx[r, pl.ds(j * L, L)] = (
                    lane + (sid * rpt + r * chunk + j * L))
                return 0
            return lax.fori_loop(0, chunk // L, icol, 0)

        lax.fori_loop(0, rpt // chunk, irow, 0)
        for r in range(rpt // chunk):
            pltpu.sync_copy(buf0, acc.at[s_idx.at[r]])
        plsc.subcore_barrier()

        for b in range(nb):
            pltpu.sync_copy(src_hbm.at[wid, b], s_idx)
            pltpu.sync_copy(dst_hbm.at[wid, b], d_idx)
            pltpu.async_copy(g_hbm.at[s_idx.at[0]], buf0, gsem0)

            def body(k, _):
                c0 = 2 * k
                pltpu.async_copy(g_hbm.at[s_idx.at[c0 + 1]], buf1, gsem1)
                pltpu.make_async_copy(g_hbm.at[s_idx.at[c0]], buf0,
                                      gsem0).wait()
                pltpu.sync_copy(buf0, acc.at[d_idx.at[c0]], add=True)
                pltpu.async_copy(g_hbm.at[s_idx.at[c0 + 2]], buf0, gsem0)
                pltpu.make_async_copy(g_hbm.at[s_idx.at[c0 + 1]], buf1,
                                      gsem1).wait()
                pltpu.sync_copy(buf1, acc.at[d_idx.at[c0 + 1]], add=True)
                return 0

            lax.fori_loop(0, (w - 1) // 2, body, 0)
            pltpu.make_async_copy(g_hbm.at[s_idx.at[w - 1]], buf0,
                                  gsem0).wait()
            pltpu.sync_copy(buf0, acc.at[d_idx.at[w - 1]], add=True)

        plsc.subcore_barrier()
        pltpu.sync_copy(acc.at[pl.ds(sid * rpt, rpt)],
                        out_hbm.at[cid, pl.ds(sid * rpt, rpt)])

    return seg_k(g, src4, dst4)


def _dinv_of(dp_ref):
    deg = dp_ref[0, :, 0:1] + dp_ref[1, :, 0:1] + 1.0
    return lax.rsqrt(deg)


def _tc_scale_matmul(x, w, degp):
    n, din = x.shape
    dh = w.shape[1]

    def body(x_ref, w_ref, dp_ref, g_ref):
        h = jnp.dot(x_ref[...], w_ref[...], preferred_element_type=jnp.float32)
        g_ref[...] = h * _dinv_of(dp_ref)

    return pl.pallas_call(
        body,
        grid=(n // BM,),
        in_specs=[
            pl.BlockSpec((BM, din), lambda i: (i, 0)),
            pl.BlockSpec((din, dh), lambda i: (0, 0)),
            pl.BlockSpec((NC, BM, 16), lambda i: (0, i, 0)),
        ],
        out_specs=pl.BlockSpec((BM, dh), lambda i: (i, 0)),
        out_shape=jax.ShapeDtypeStruct((n, dh), jnp.float32),
    )(x, w, degp)


def _tc_mid(agg1p, g1, degp, b1):
    n, dh = g1.shape

    def body(ap_ref, g1_ref, dp_ref, b1_ref, emb_ref, ge_ref):
        dinv = _dinv_of(dp_ref)
        agg = ap_ref[0] + ap_ref[1] + g1_ref[...]
        emb = jnp.maximum(agg * dinv + b1_ref[...][None, :], 0.0)
        emb_ref[...] = emb
        ge_ref[...] = emb * dinv

    return pl.pallas_call(
        body,
        grid=(n // BM,),
        in_specs=[
            pl.BlockSpec((NC, BM, dh), lambda i: (0, i, 0)),
            pl.BlockSpec((BM, dh), lambda i: (i, 0)),
            pl.BlockSpec((NC, BM, 16), lambda i: (0, i, 0)),
            pl.BlockSpec((dh,), lambda i: (0,)),
        ],
        out_specs=[
            pl.BlockSpec((BM, dh), lambda i: (i, 0)),
            pl.BlockSpec((BM, dh), lambda i: (i, 0)),
        ],
        out_shape=[
            jax.ShapeDtypeStruct((n, dh), jnp.float32),
            jax.ShapeDtypeStruct((n, dh), jnp.float32),
        ],
    )(agg1p, g1, degp, b1)


def _tc_final(agg2p, emb, degp, b2, w2):
    n, dh = emb.shape
    dout = w2.shape[1]

    def body(ap_ref, emb_ref, dp_ref, b2_ref, w2_ref, o_ref):
        dinv = _dinv_of(dp_ref)
        t = ap_ref[0] + ap_ref[1] + emb_ref[...] * dinv
        o = jnp.dot(t, w2_ref[...], preferred_element_type=jnp.float32)
        o = o * dinv + b2_ref[...][None, :]
        m = jnp.max(o, axis=1, keepdims=True)
        lse = jnp.log(jnp.sum(jnp.exp(o - m), axis=1, keepdims=True)) + m
        o_ref[...] = o - lse

    return pl.pallas_call(
        body,
        grid=(n // BM,),
        in_specs=[
            pl.BlockSpec((NC, BM, dh), lambda i: (0, i, 0)),
            pl.BlockSpec((BM, dh), lambda i: (i, 0)),
            pl.BlockSpec((NC, BM, 16), lambda i: (0, i, 0)),
            pl.BlockSpec((dout,), lambda i: (0,)),
            pl.BlockSpec((dh, dout), lambda i: (0, 0)),
        ],
        out_specs=pl.BlockSpec((BM, dout), lambda i: (i, 0)),
        out_shape=jax.ShapeDtypeStruct((n, dout), jnp.float32),
    )(agg2p, emb, degp, b2, w2)


def kernel(x, edge_index, W1, b1, W2, b2):
    n = x.shape[0]
    e = edge_index.shape[1]
    npad = -(-n // (NS * ZR)) * (NS * ZR)
    xp = jnp.pad(x, ((0, npad - n), (0, 0)))
    epw = e // NW
    nch = epw // CHUNK
    nb = 5
    w = nch // nb
    src4 = edge_index[0].reshape(NW, nb, w, CHUNK)
    dst4 = edge_index[1].reshape(NW, nb, w, CHUNK)

    degp = _deg_call(dst4, npad)
    g1 = _tc_scale_matmul(xp, W1, degp)
    agg1p = _seg_call(g1, src4, dst4)
    emb, ge = _tc_mid(agg1p, g1, degp, b1)
    agg2p = _seg_call(ge, src4, dst4)
    out = _tc_final(agg2p, emb, degp, b2, W2)
    return out[:n], emb[:n]

# --- scband reference (transcript-rebuilt; emitter-appended) ---
"""Pipeline reference for scband-gcnnet-26379689132134 (READ-ONLY COPY).

The authoritative reference and input builder live on the scoring server;
editing this copy changes nothing except your own understanding.
"""

import jax, jax.numpy as jnp
import numpy as np


def gcn_conv(x, edge_index, W, b):
    N = x.shape[0]
    loop = jnp.arange(N, dtype=edge_index.dtype)
    src = jnp.concatenate([edge_index[0], loop])
    dst = jnp.concatenate([edge_index[1], loop])
    deg = jnp.zeros((N,), x.dtype).at[dst].add(1.0)
    dinv = jnp.where(deg > 0, deg ** -0.5, 0.0)
    norm = dinv[src] * dinv[dst]
    h = x @ W
    msg = h[src] * norm[:, None]
    out = jnp.zeros((N, W.shape[1]), x.dtype).at[dst].add(msg)
    return out + b


def setup_inputs(seed: int = 0):
    key = jax.random.key(seed)
    k1, k2, k3, k4 = jax.random.split(key, 4)
    N, E = 10000, 320000
    din, dh, dout = 128, 128, 64
    x = jax.random.normal(k1, (N, din), dtype=jnp.float32)
    edge_index = jax.random.randint(k2, (2, E), 0, N, dtype=jnp.int32)
    W1 = jax.random.normal(k3, (din, dh), dtype=jnp.float32) * (1.0 / np.sqrt(din))
    b1 = jnp.zeros((dh,), dtype=jnp.float32)
    W2 = jax.random.normal(k4, (dh, dout), dtype=jnp.float32) * (1.0 / np.sqrt(dh))
    b2 = jnp.zeros((dout,), dtype=jnp.float32)
    return {"x": x, "edge_index": edge_index, "W1": W1, "b1": b1, "W2": W2, "b2": b2}


def reference(x, edge_index, W1, b1, W2, b2):
    h = jax.nn.relu(gcn_conv(x, edge_index, W1, b1))
    embeddings = h
    out = gcn_conv(h, edge_index, W2, b2)
    return jax.nn.log_softmax(out, axis=1), embeddings

if __name__ == "__main__":
    import jax
    _d = setup_inputs()
    print(jax.jit(kernel)(*tuple(_d.values())))

</pallas_src>

<mosaic_0001>
#map = affine_map<(d0, d1) -> (0, 0, 0, 0)>
#map1 = affine_map<(d0, d1) -> (0, 0, 0)>
module attributes {stable_mosaic.version = 14 : i64} {
  func.func @deg_k(%arg0: i32, %arg1: i32, %arg2: memref<32x5x25x80xi32, #tpu.memory_space<hbm>>, %arg3: memref<2x10240x16xf32, #tpu.memory_space<hbm>>, %arg4: memref<5x25x80xi32, #tpu.memory_space<vmem>>, %arg5: memref<80x16xf32, #tpu.memory_space<vmem>>, %arg6: memref<128x16xf32, #tpu.memory_space<vmem>>, %arg7: memref<10240x16xf32, #tpu.memory_space<vmem_shared>>) attributes {dimension_semantics = [#tpu.dimension_semantics<core_parallel>, #tpu.dimension_semantics<subcore_parallel>], iteration_bounds = array<i64: 2, 16>, scalar_prefetch = 0 : i64, scratch_operands = 4 : i64, tpu.core_type = #tpu.core_type<sc_vector_subcore>, window_params = [{transform_indices = #map}, {transform_indices = #map1}]} {
    %mul3A = arith.constant 2 : i32
    %mul3A_0 = arith.muli %arg1, %mul3A : i32
    %add3A = arith.addi %mul3A_0, %arg0 : i32
    %broadcast_in_dim3A = arith.constant 1.000000e+00 : f32
    %broadcast_in_dim3A_1 = vector.broadcast %broadcast_in_dim3A : f32 to vector<16xf32>
    %broadcast_in_dim3A_2 = arith.constant 0.000000e+00 : f32
    %broadcast_in_dim3A_3 = vector.broadcast %broadcast_in_dim3A_2 : f32 to vector<16xf32>
    %scan3A = arith.constant 0 : i32
    %scan3A_4 = arith.constant 0 : i32
    %scan3A_5 = arith.constant 80 : i32
    %scan3A_6 = arith.addi %scan3A_4, %scan3A_5 : i32
    %scan3A_7 = arith.constant 1 : i32
    %scan3A_8 = scf.for %scan3A_49 = %scan3A_4 to %scan3A_6 step %scan3A_7 iter_args(%scan3A_50 = %scan3A) -> (i32)  : i32 {
      %swap3A = arith.index_cast %scan3A_49 : i32 to index
      %swap3A_51 = arith.constant 0 : index
      %swap3A_52 = tpu.vector_load %arg5[%swap3A, %swap3A_51] {strides = array<i32>} : memref<80x16xf32, #tpu.memory_space<vmem>>, vector<1x16xf32>,
      %swap3A_53 = vector.shape_cast %swap3A_52 : vector<1x16xf32> to vector<16xf32>
      %swap3A_54 = vector.shape_cast %broadcast_in_dim3A_1 : vector<16xf32> to vector<1x16xf32>
      tpu.vector_store %arg5[%swap3A, %swap3A_51], %swap3A_54 {strides = array<i32>} : memref<80x16xf32, #tpu.memory_space<vmem>>, vector<1x16xf32>,
      %scan3A_55 = arith.constant 0 : i32
      scf.yield %scan3A_55 : i32
    }
    %scan3A_9 = arith.constant 80 : i32
    %scan3A_10 = arith.constant 0 : i32
    %scan3A_11 = arith.constant 0 : i32
    %scan3A_12 = arith.constant 128 : i32
    %scan3A_13 = arith.addi %scan3A_11, %scan3A_12 : i32
    %scan3A_14 = arith.constant 1 : i32
    %scan3A_15 = scf.for %scan3A_49 = %scan3A_11 to %scan3A_13 step %scan3A_14 iter_args(%scan3A_50 = %scan3A_10) -> (i32)  : i32 {
      %swap3A = arith.index_cast %scan3A_49 : i32 to index
      %swap3A_51 = arith.constant 0 : index
      %swap3A_52 = tpu.vector_load %arg6[%swap3A, %swap3A_51] {strides = array<i32>} : memref<128x16xf32, #tpu.memory_space<vmem>>, vector<1x16xf32>,
      %swap3A_53 = vector.shape_cast %swap3A_52 : vector<1x16xf32> to vector<16xf32>
      %swap3A_54 = vector.shape_cast %broadcast_in_dim3A_3 : vector<16xf32> to vector<1x16xf32>
      tpu.vector_store %arg6[%swap3A, %swap3A_51], %swap3A_54 {strides = array<i32>} : memref<128x16xf32, #tpu.memory_space<vmem>>, vector<1x16xf32>,
      %scan3A_55 = arith.constant 0 : i32
      scf.yield %scan3A_55 : i32
    }
    %scan3A_16 = arith.constant 128 : i32
    %mul3A_17 = arith.constant 640 : i32
    %mul3A_18 = arith.muli %arg1, %mul3A_17 : i32
    %add3A_19 = arith.constant 0 : i32
    %add3A_20 = arith.addi %mul3A_18, %add3A_19 : i32
    "tpu.region"() ({
      %run_scoped3A = tpu.sem_alloc : memref<!tpu.dma_semaphore, #tpu.memory_space<semaphore_mem>>
      %dma_start3A = arith.constant 0 : i32
      %dma_start3A_49 = tpu.memref_slice %arg7[%add3A_20, %dma_start3A] : memref<10240x16xf32, #tpu.memory_space<vmem_shared>> -> memref<128x16xf32, #tpu.memory_space<vmem_shared>>
      %dma_start3A_50 = arith.constant 0 : i32
      %dma_start3A_51 = tpu.memref_slice %arg7[%add3A_20, %dma_start3A_50] : memref<10240x16xf32, #tpu.memory_space<vmem_shared>> -> memref<128x16xf32, #tpu.memory_space<vmem_shared>>
      tpu.enqueue_dma source(%arg6 : memref<128x16xf32, #tpu.memory_space<vmem>>) target(%dma_start3A_51 : memref<128x16xf32, #tpu.memory_space<vmem_shared>>) target_semaphore(%run_scoped3A : memref<!tpu.dma_semaphore, #tpu.memory_space<semaphore_mem>>)
      %dma_wait3A = arith.constant 0 : i32
      %dma_wait3A_52 = tpu.memref_slice %arg7[%add3A_20, %dma_wait3A] : memref<10240x16xf32, #tpu.memory_space<vmem_shared>> -> memref<128x16xf32, #tpu.memory_space<vmem_shared>>
      %dma_wait3A_53 = arith.constant 0 : i32
      %dma_wait3A_54 = tpu.memref_slice %arg7[%add3A_20, %dma_wait3A_53] : memref<10240x16xf32, #tpu.memory_space<vmem_shared>> -> memref<128x16xf32, #tpu.memory_space<vmem_shared>>
      tpu.wait_dma2 semaphore(%run_scoped3A : memref<!tpu.dma_semaphore, #tpu.memory_space<semaphore_mem>>) src(%arg6 : memref<128x16xf32, #tpu.memory_space<vmem>>) dst(%dma_wait3A_54 : memref<128x16xf32, #tpu.memory_space<vmem_shared>>)
      tpu.yield
    }) : () -> ()
    %mul3A_21 = arith.constant 640 : i32
    %mul3A_22 = arith.muli %arg1, %mul3A_21 : i32
    %add3A_23 = arith.constant 128 : i32
    %add3A_24 = arith.addi %mul3A_22, %add3A_23 : i32
    "tpu.region"() ({
      %run_scoped3A = tpu.sem_alloc : memref<!tpu.dma_semaphore, #tpu.memory_space<semaphore_mem>>
      %dma_start3A = arith.constant 0 : i32
      %dma_start3A_49 = tpu.memref_slice %arg7[%add3A_24, %dma_start3A] : memref<10240x16xf32, #tpu.memory_space<vmem_shared>> -> memref<128x16xf32, #tpu.memory_space<vmem_shared>>
      %dma_start3A_50 = arith.constant 0 : i32
      %dma_start3A_51 = tpu.memref_slice %arg7[%add3A_24, %dma_start3A_50] : memref<10240x16xf32, #tpu.memory_space<vmem_shared>> -> memref<128x16xf32, #tpu.memory_space<vmem_shared>>
      tpu.enqueue_dma source(%arg6 : memref<128x16xf32, #tpu.memory_space<vmem>>) target(%dma_start3A_51 : memref<128x16xf32, #tpu.memory_space<vmem_shared>>) target_semaphore(%run_scoped3A : memref<!tpu.dma_semaphore, #tpu.memory_space<semaphore_mem>>)
      %dma_wait3A = arith.constant 0 : i32
      %dma_wait3A_52 = tpu.memref_slice %arg7[%add3A_24, %dma_wait3A] : memref<10240x16xf32, #tpu.memory_space<vmem_shared>> -> memref<128x16xf32, #tpu.memory_space<vmem_shared>>
      %dma_wait3A_53 = arith.constant 0 : i32
      %dma_wait3A_54 = tpu.memref_slice %arg7[%add3A_24, %dma_wait3A_53] : memref<10240x16xf32, #tpu.memory_space<vmem_shared>> -> memref<128x16xf32, #tpu.memory_space<vmem_shared>>
      tpu.wait_dma2 semaphore(%run_scoped3A : memref<!tpu.dma_semaphore, #tpu.memory_space<semaphore_mem>>) src(%arg6 : memref<128x16xf32, #tpu.memory_space<vmem>>) dst(%dma_wait3A_54 : memref<128x16xf32, #tpu.memory_space<vmem_shared>>)
      tpu.yield
    }) : () -> ()
    %mul3A_25 = arith.constant 640 : i32
    %mul3A_26 = arith.muli %arg1, %mul3A_25 : i32
    %add3A_27 = arith.constant 256 : i32
    %add3A_28 = arith.addi %mul3A_26, %add3A_27 : i32
    "tpu.region"() ({
      %run_scoped3A = tpu.sem_alloc : memref<!tpu.dma_semaphore, #tpu.memory_space<semaphore_mem>>
      %dma_start3A = arith.constant 0 : i32
      %dma_start3A_49 = tpu.memref_slice %arg7[%add3A_28, %dma_start3A] : memref<10240x16xf32, #tpu.memory_space<vmem_shared>> -> memref<128x16xf32, #tpu.memory_space<vmem_shared>>
      %dma_start3A_50 = arith.constant 0 : i32
      %dma_start3A_51 = tpu.memref_slice %arg7[%add3A_28, %dma_start3A_50] : memref<10240x16xf32, #tpu.memory_space<vmem_shared>> -> memref<128x16xf32, #tpu.memory_space<vmem_shared>>
      tpu.enqueue_dma source(%arg6 : memref<128x16xf32, #tpu.memory_space<vmem>>) target(%dma_start3A_51 : memref<128x16xf32, #tpu.memory_space<vmem_shared>>) target_semaphore(%run_scoped3A : memref<!tpu.dma_semaphore, #tpu.memory_space<semaphore_mem>>)
      %dma_wait3A = arith.constant 0 : i32
      %dma_wait3A_52 = tpu.memref_slice %arg7[%add3A_28, %dma_wait3A] : memref<10240x16xf32, #tpu.memory_space<vmem_shared>> -> memref<128x16xf32, #tpu.memory_space<vmem_shared>>
      %dma_wait3A_53 = arith.constant 0 : i32
      %dma_wait3A_54 = tpu.memref_slice %arg7[%add3A_28, %dma_wait3A_53] : memref<10240x16xf32, #tpu.memory_space<vmem_shared>> -> memref<128x16xf32, #tpu.memory_space<vmem_shared>>
      tpu.wait_dma2 semaphore(%run_scoped3A : memref<!tpu.dma_semaphore, #tpu.memory_space<semaphore_mem>>) src(%arg6 : memref<128x16xf32, #tpu.memory_space<vmem>>) dst(%dma_wait3A_54 : memref<128x16xf32, #tpu.memory_space<vmem_shared>>)
      tpu.yield
    }) : () -> ()
    %mul3A_29 = arith.constant 640 : i32
    %mul3A_30 = arith.muli %arg1, %mul3A_29 : i32
    %add3A_31 = arith.constant 384 : i32
    %add3A_32 = arith.addi %mul3A_30, %add3A_31 : i32
    "tpu.region"() ({
      %run_scoped3A = tpu.sem_alloc : memref<!tpu.dma_semaphore, #tpu.memory_space<semaphore_mem>>
      %dma_start3A = arith.constant 0 : i32
      %dma_start3A_49 = tpu.memref_slice %arg7[%add3A_32, %dma_start3A] : memref<10240x16xf32, #tpu.memory_space<vmem_shared>> -> memref<128x16xf32, #tpu.memory_space<vmem_shared>>
      %dma_start3A_50 = arith.constant 0 : i32
      %dma_start3A_51 = tpu.memref_slice %arg7[%add3A_32, %dma_start3A_50] : memref<10240x16xf32, #tpu.memory_space<vmem_shared>> -> memref<128x16xf32, #tpu.memory_space<vmem_shared>>
      tpu.enqueue_dma source(%arg6 : memref<128x16xf32, #tpu.memory_space<vmem>>) target(%dma_start3A_51 : memref<128x16xf32, #tpu.memory_space<vmem_shared>>) target_semaphore(%run_scoped3A : memref<!tpu.dma_semaphore, #tpu.memory_space<semaphore_mem>>)
      %dma_wait3A = arith.constant 0 : i32
      %dma_wait3A_52 = tpu.memref_slice %arg7[%add3A_32, %dma_wait3A] : memref<10240x16xf32, #tpu.memory_space<vmem_shared>> -> memref<128x16xf32, #tpu.memory_space<vmem_shared>>
      %dma_wait3A_53 = arith.constant 0 : i32
      %dma_wait3A_54 = tpu.memref_slice %arg7[%add3A_32, %dma_wait3A_53] : memref<10240x16xf32, #tpu.memory_space<vmem_shared>> -> memref<128x16xf32, #tpu.memory_space<vmem_shared>>
      tpu.wait_dma2 semaphore(%run_scoped3A : memref<!tpu.dma_semaphore, #tpu.memory_space<semaphore_mem>>) src(%arg6 : memref<128x16xf32, #tpu.memory_space<vmem>>) dst(%dma_wait3A_54 : memref<128x16xf32, #tpu.memory_space<vmem_shared>>)
      tpu.yield
    }) : () -> ()
    %mul3A_33 = arith.constant 640 : i32
    %mul3A_34 = arith.muli %arg1, %mul3A_33 : i32
    %add3A_35 = arith.constant 512 : i32
    %add3A_36 = arith.addi %mul3A_34, %add3A_35 : i32
    "tpu.region"() ({
      %run_scoped3A = tpu.sem_alloc : memref<!tpu.dma_semaphore, #tpu.memory_space<semaphore_mem>>
      %dma_start3A = arith.constant 0 : i32
      %dma_start3A_49 = tpu.memref_slice %arg7[%add3A_36, %dma_start3A] : memref<10240x16xf32, #tpu.memory_space<vmem_shared>> -> memref<128x16xf32, #tpu.memory_space<vmem_shared>>
      %dma_start3A_50 = arith.constant 0 : i32
      %dma_start3A_51 = tpu.memref_slice %arg7[%add3A_36, %dma_start3A_50] : memref<10240x16xf32, #tpu.memory_space<vmem_shared>> -> memref<128x16xf32, #tpu.memory_space<vmem_shared>>
      tpu.enqueue_dma source(%arg6 : memref<128x16xf32, #tpu.memory_space<vmem>>) target(%dma_start3A_51 : memref<128x16xf32, #tpu.memory_space<vmem_shared>>) target_semaphore(%run_scoped3A : memref<!tpu.dma_semaphore, #tpu.memory_space<semaphore_mem>>)
      %dma_wait3A = arith.constant 0 : i32
      %dma_wait3A_52 = tpu.memref_slice %arg7[%add3A_36, %dma_wait3A] : memref<10240x16xf32, #tpu.memory_space<vmem_shared>> -> memref<128x16xf32, #tpu.memory_space<vmem_shared>>
      %dma_wait3A_53 = arith.constant 0 : i32
      %dma_wait3A_54 = tpu.memref_slice %arg7[%add3A_36, %dma_wait3A_53] : memref<10240x16xf32, #tpu.memory_space<vmem_shared>> -> memref<128x16xf32, #tpu.memory_space<vmem_shared>>
      tpu.wait_dma2 semaphore(%run_scoped3A : memref<!tpu.dma_semaphore, #tpu.memory_space<semaphore_mem>>) src(%arg6 : memref<128x16xf32, #tpu.memory_space<vmem>>) dst(%dma_wait3A_54 : memref<128x16xf32, #tpu.memory_space<vmem_shared>>)
      tpu.yield
    }) : () -> ()
    "tpu.region"() ({
      %run_scoped3A = tpu.sem_alloc : memref<!tpu.dma_semaphore, #tpu.memory_space<semaphore_mem>>
      %dma_start3A = arith.constant 0 : i32
      %dma_start3A_49 = arith.constant 0 : i32
      %dma_start3A_50 = arith.constant 0 : i32
      %dma_start3A_51 = tpu.memref_slice %arg2[%add3A, %dma_start3A, %dma_start3A_49, %dma_start3A_50] : memref<32x5x25x80xi32, #tpu.memory_space<hbm>> -> memref<1x5x25x80xi32, #tpu.memory_space<hbm>>
      %dma_start3A_52 = tpu.memref_squeeze %dma_start3A_51 : memref<1x5x25x80xi32, #tpu.memory_space<hbm>> -> memref<5x25x80xi32, #tpu.memory_space<hbm>>
      %dma_start3A_53 = arith.constant 0 : i32
      %dma_start3A_54 = arith.constant 0 : i32
      %dma_start3A_55 = arith.constant 0 : i32
      %dma_start3A_56 = tpu.memref_slice %arg2[%add3A, %dma_start3A_53, %dma_start3A_54, %dma_start3A_55] : memref<32x5x25x80xi32, #tpu.memory_space<hbm>> -> memref<1x5x25x80xi32, #tpu.memory_space<hbm>>
      %dma_start3A_57 = tpu.memref_squeeze %dma_start3A_56 : memref<1x5x25x80xi32, #tpu.memory_space<hbm>> -> memref<5x25x80xi32, #tpu.memory_space<hbm>>
      tpu.enqueue_dma source(%dma_start3A_57 : memref<5x25x80xi32, #tpu.memory_space<hbm>>) target(%arg4 : memref<5x25x80xi32, #tpu.memory_space<vmem>>) target_semaphore(%run_scoped3A : memref<!tpu.dma_semaphore, #tpu.memory_space<semaphore_mem>>)
      %dma_wait3A = arith.constant 0 : i32
      %dma_wait3A_58 = arith.constant 0 : i32
      %dma_wait3A_59 = arith.constant 0 : i32
      %dma_wait3A_60 = tpu.memref_slice %arg2[%add3A, %dma_wait3A, %dma_wait3A_58, %dma_wait3A_59] : memref<32x5x25x80xi32, #tpu.memory_space<hbm>> -> memref<1x5x25x80xi32, #tpu.memory_space<hbm>>
      %dma_wait3A_61 = tpu.memref_squeeze %dma_wait3A_60 : memref<1x5x25x80xi32, #tpu.memory_space<hbm>> -> memref<5x25x80xi32, #tpu.memory_space<hbm>>
      %dma_wait3A_62 = arith.constant 0 : i32
      %dma_wait3A_63 = arith.constant 0 : i32
      %dma_wait3A_64 = arith.constant 0 : i32
      %dma_wait3A_65 = tpu.memref_slice %arg2[%add3A, %dma_wait3A_62, %dma_wait3A_63, %dma_wait3A_64] : memref<32x5x25x80xi32, #tpu.memory_space<hbm>> -> memref<1x5x25x80xi32, #tpu.memory_space<hbm>>
      %dma_wait3A_66 = tpu.memref_squeeze %dma_wait3A_65 : memref<1x5x25x80xi32, #tpu.memory_space<hbm>> -> memref<5x25x80xi32, #tpu.memory_space<hbm>>
      tpu.wait_dma2 semaphore(%run_scoped3A : memref<!tpu.dma_semaphore, #tpu.memory_space<semaphore_mem>>) src(%dma_wait3A_66 : memref<5x25x80xi32, #tpu.memory_space<hbm>>) dst(%arg4 : memref<5x25x80xi32, #tpu.memory_space<vmem>>)
      tpu.yield
    }) : () -> ()
    %barrier3A = arith.constant 0 : index
    tpu.barrier barrier_id(%barrier3A)
    %scan3A_37 = arith.constant 0 : i32
    %scan3A_38 = arith.constant 0 : i32
    %scan3A_39 = arith.constant 5 : i32
    %scan3A_40 = arith.addi %scan3A_38, %scan3A_39 : i32
    %scan3A_41 = arith.constant 1 : i32
    %scan3A_42 = scf.for %scan3A_49 = %scan3A_38 to %scan3A_40 step %scan3A_41 iter_args(%scan3A_50 = %scan3A_37) -> (i32)  : i32 {
      %scan3A_51 = arith.constant 0 : i32
      %scan3A_52 = arith.constant 0 : i32
      %scan3A_53 = arith.constant 25 : i32
      %scan3A_54 = arith.addi %scan3A_52, %scan3A_53 : i32
      %scan3A_55 = arith.constant 1 : i32
      %scan3A_56 = scf.for %scan3A_58 = %scan3A_52 to %scan3A_54 step %scan3A_55 iter_args(%scan3A_59 = %scan3A_51) -> (i32)  : i32 {
        "tpu.region"() ({
          %run_scoped3A = tpu.sem_alloc : memref<!tpu.dma_semaphore, #tpu.memory_space<semaphore_mem>>
          %dma_start3A = arith.constant 0 : i32
          %dma_start3A_61 = tpu.memref_slice %arg4[%scan3A_49, %scan3A_58, %dma_start3A] : memref<5x25x80xi32, #tpu.memory_space<vmem>> -> memref<1x1x80xi32, #tpu.memory_space<vmem>>
          %dma_start3A_62 = tpu.memref_squeeze %dma_start3A_61 : memref<1x1x80xi32, #tpu.memory_space<vmem>> -> memref<80xi32, #tpu.memory_space<vmem>>
          %dma_start3A_63 = arith.constant 0 : i32
          %dma_start3A_64 = arith.constant 0 : i32
          %dma_start3A_65 = tpu.memref_slice %arg7[%dma_start3A_63, %dma_start3A_64] : memref<10240x16xf32, #tpu.memory_space<vmem_shared>> -> memref<10240x16xf32, #tpu.memory_space<vmem_shared>>
          tpu.enqueue_indirect_dma source(%arg5 : memref<80x16xf32, #tpu.memory_space<vmem>>) target(%dma_start3A_65 : memref<10240x16xf32, #tpu.memory_space<vmem_shared>>) offsets(%dma_start3A_62 : memref<80xi32, #tpu.memory_space<vmem>>) semaphore(%run_scoped3A : memref<!tpu.dma_semaphore, #tpu.memory_space<semaphore_mem>>) {add = true}
          %dma_wait3A = arith.constant 0 : i32
          %dma_wait3A_66 = tpu.memref_slice %arg4[%scan3A_49, %scan3A_58, %dma_wait3A] : memref<5x25x80xi32, #tpu.memory_space<vmem>> -> memref<1x1x80xi32, #tpu.memory_space<vmem>>
          %dma_wait3A_67 = tpu.memref_squeeze %dma_wait3A_66 : memref<1x1x80xi32, #tpu.memory_space<vmem>> -> memref<80xi32, #tpu.memory_space<vmem>>
          %dma_wait3A_68 = arith.constant 0 : i32
          %dma_wait3A_69 = arith.constant 0 : i32
          %dma_wait3A_70 = tpu.memref_slice %arg7[%dma_wait3A_68, %dma_wait3A_69] : memref<10240x16xf32, #tpu.memory_space<vmem_shared>> -> memref<10240x16xf32, #tpu.memory_space<vmem_shared>>
          tpu.wait_indirect_dma semaphore(%run_scoped3A : memref<!tpu.dma_semaphore, #tpu.memory_space<semaphore_mem>>) src(%arg5 : memref<80x16xf32, #tpu.memory_space<vmem>>) dst(%dma_wait3A_70 : memref<10240x16xf32, #tpu.memory_space<vmem_shared>>)
          tpu.yield
        }) : () -> ()
        %scan3A_60 = arith.constant 0 : i32
        scf.yield %scan3A_60 : i32
      }
      %scan3A_57 = arith.constant 25 : i32
      scf.yield %scan3A_56 : i32
    }
    %scan3A_43 = arith.constant 5 : i32
    %barrier3A_44 = arith.constant 0 : index
    tpu.barrier barrier_id(%barrier3A_44)
    %mul3A_45 = arith.constant 640 : i32
    %mul3A_46 = arith.muli %arg1, %mul3A_45 : i32
    %mul3A_47 = arith.constant 640 : i32
    %mul3A_48 = arith.muli %arg1, %mul3A_47 : i32
    "tpu.region"() ({
      %run_scoped3A = tpu.sem_alloc : memref<!tpu.dma_semaphore, #tpu.memory_space<semaphore_mem>>
      %dma_start3A = arith.constant 0 : i32
      %dma_start3A_49 = tpu.memref_slice %arg3[%arg0, %mul3A_48, %dma_start3A] : memref<2x10240x16xf32, #tpu.memory_space<hbm>> -> memref<1x640x16xf32, #tpu.memory_space<hbm>>
      %dma_start3A_50 = tpu.memref_squeeze %dma_start3A_49 : memref<1x640x16xf32, #tpu.memory_space<hbm>> -> memref<640x16xf32, #tpu.memory_space<hbm>>
      %dma_start3A_51 = arith.constant 0 : i32
      %dma_start3A_52 = tpu.memref_slice %arg7[%mul3A_46, %dma_start3A_51] : memref<10240x16xf32, #tpu.memory_space<vmem_shared>> -> memref<640x16xf32, #tpu.memory_space<vmem_shared>>
      tpu.enqueue_dma source(%dma_start3A_52 : memref<640x16xf32, #tpu.memory_space<vmem_shared>>) target(%dma_start3A_50 : memref<640x16xf32, #tpu.memory_space<hbm>>) target_semaphore(%run_scoped3A : memref<!tpu.dma_semaphore, #tpu.memory_space<semaphore_mem>>)
      %dma_wait3A = arith.constant 0 : i32
      %dma_wait3A_53 = tpu.memref_slice %arg3[%arg0, %mul3A_48, %dma_wait3A] : memref<2x10240x16xf32, #tpu.memory_space<hbm>> -> memref<1x640x16xf32, #tpu.memory_space<hbm>>
      %dma_wait3A_54 = tpu.memref_squeeze %dma_wait3A_53 : memref<1x640x16xf32, #tpu.memory_space<hbm>> -> memref<640x16xf32, #tpu.memory_space<hbm>>
      %dma_wait3A_55 = arith.constant 0 : i32
      %dma_wait3A_56 = tpu.memref_slice %arg7[%mul3A_46, %dma_wait3A_55] : memref<10240x16xf32, #tpu.memory_space<vmem_shared>> -> memref<640x16xf32, #tpu.memory_space<vmem_shared>>
      tpu.wait_dma2 semaphore(%run_scoped3A : memref<!tpu.dma_semaphore, #tpu.memory_space<semaphore_mem>>) src(%dma_wait3A_56 : memref<640x16xf32, #tpu.memory_space<vmem_shared>>) dst(%dma_wait3A_54 : memref<640x16xf32, #tpu.memory_space<hbm>>)
      tpu.yield
    }) : () -> ()
    return
  }
}

#map = affine_map<(d0, d1) -> (0, 0)>
#map1 = affine_map<(d0, d1) -> (0, 0, 0, 0)>
#map2 = affine_map<(d0, d1) -> (0, 0, 0)>
module attributes {stable_mosaic.version = 14 : i64} {
  func.func @seg_k(%arg0: i32, %arg1: i32, %arg2: memref<10240x128xf32, #tpu.memory_space<hbm>>, %arg3: memref<32x5x25x80xi32, #tpu.memory_space<hbm>>, %arg4: memref<32x5x25x80xi32, #tpu.memory_space<hbm>>, %arg5: memref<2x10240x128xf32, #tpu.memory_space<hbm>>, %arg6: memref<25x80xi32, #tpu.memory_space<vmem>>, %arg7: memref<25x80xi32, #tpu.memory_space<vmem>>, %arg8: memref<80x128xf32, #tpu.memory_space<vmem>>, %arg9: memref<80x128xf32, #tpu.memory_space<vmem>>, %arg10: memref<10240x128xf32, #tpu.memory_space<vmem_shared>>, %arg11: memref<!tpu.dma_semaphore, #tpu.memory_space<semaphore_mem>>, %arg12: memref<!tpu.dma_semaphore, #tpu.memory_space<semaphore_mem>>) attributes {dimension_semantics = [#tpu.dimension_semantics<core_parallel>, #tpu.dimension_semantics<subcore_parallel>], iteration_bounds = array<i64: 2, 16>, scalar_prefetch = 0 : i64, scratch_operands = 7 : i64, tpu.core_type = #tpu.core_type<sc_vector_subcore>, window_params = [{transform_indices = #map}, {transform_indices = #map1}, {transform_indices = #map1}, {transform_indices = #map2}]} {
    %mul3A = arith.constant 2 : i32
    %mul3A_0 = arith.muli %arg1, %mul3A : i32
    %add3A = arith.addi %mul3A_0, %arg0 : i32
    %broadcast_in_dim3A = arith.constant 0.000000e+00 : f32
    %broadcast_in_dim3A_1 = vector.broadcast %broadcast_in_dim3A : f32 to vector<16xf32>
    %iota3A = tpu.iota {dimensions = array<i32: 0>} : vector<16xi32>
    %scan3A = arith.constant 0 : i32
    %scan3A_2 = arith.constant 0 : i32
    %scan3A_3 = arith.constant 80 : i32
    %scan3A_4 = arith.addi %scan3A_2, %scan3A_3 : i32
    %scan3A_5 = arith.constant 1 : i32
    %scan3A_6 = scf.for %scan3A_145 = %scan3A_2 to %scan3A_4 step %scan3A_5 iter_args(%scan3A_146 = %scan3A) -> (i32)  : i32 {
      %scan3A_147 = arith.constant 0 : i32
      %scan3A_148 = arith.constant 0 : i32
      %scan3A_149 = arith.constant 8 : i32
      %scan3A_150 = arith.addi %scan3A_148, %scan3A_149 : i32
      %scan3A_151 = arith.constant 1 : i32
      %scan3A_152 = scf.for %scan3A_154 = %scan3A_148 to %scan3A_150 step %scan3A_151 iter_args(%scan3A_155 = %scan3A_147) -> (i32)  : i32 {
        %mul3A_156 = arith.constant 16 : i32
        %mul3A_157 = arith.muli %scan3A_154, %mul3A_156 : i32
        %swap3A = arith.index_cast %scan3A_145 : i32 to index
        %swap3A_158 = arith.index_cast %mul3A_157 : i32 to index
        %swap3A_159 = tpu.vector_load %arg8[%swap3A, %swap3A_158] {strides = array<i32>} : memref<80x128xf32, #tpu.memory_space<vmem>>, vector<1x16xf32>,
        %swap3A_160 = vector.shape_cast %swap3A_159 : vector<1x16xf32> to vector<16xf32>
        %swap3A_161 = vector.shape_cast %broadcast_in_dim3A_1 : vector<16xf32> to vector<1x16xf32>
        tpu.vector_store %arg8[%swap3A, %swap3A_158], %swap3A_161 {strides = array<i32>} : memref<80x128xf32, #tpu.memory_space<vmem>>, vector<1x16xf32>,
        %scan3A_162 = arith.constant 0 : i32
        scf.yield %scan3A_162 : i32
      }
      %scan3A_153 = arith.constant 8 : i32
      scf.yield %scan3A_152 : i32
    }
    %scan3A_7 = arith.constant 80 : i32
    %scan3A_8 = arith.constant 0 : i32
    %scan3A_9 = arith.constant 0 : i32
    %scan3A_10 = arith.constant 8 : i32
    %scan3A_11 = arith.addi %scan3A_9, %scan3A_10 : i32
    %scan3A_12 = arith.constant 1 : i32
    %scan3A_13 = scf.for %scan3A_145 = %scan3A_9 to %scan3A_11 step %scan3A_12 iter_args(%scan3A_146 = %scan3A_8) -> (i32)  : i32 {
      %scan3A_147 = arith.constant 0 : i32
      %scan3A_148 = arith.constant 0 : i32
      %scan3A_149 = arith.constant 5 : i32
      %scan3A_150 = arith.addi %scan3A_148, %scan3A_149 : i32
      %scan3A_151 = arith.constant 1 : i32
      %scan3A_152 = scf.for %scan3A_154 = %scan3A_148 to %scan3A_150 step %scan3A_151 iter_args(%scan3A_155 = %scan3A_147) -> (i32)  : i32 {
        %mul3A_156 = arith.constant 640 : i32
        %mul3A_157 = arith.muli %arg1, %mul3A_156 : i32
        %mul3A_158 = arith.constant 80 : i32
        %mul3A_159 = arith.muli %scan3A_145, %mul3A_158 : i32
        %add3A_160 = arith.addi %mul3A_157, %mul3A_159 : i32
        %mul3A_161 = arith.constant 16 : i32
        %mul3A_162 = arith.muli %scan3A_154, %mul3A_161 : i32
        %add3A_163 = arith.addi %add3A_160, %mul3A_162 : i32
        %add3A_164 = vector.broadcast %add3A_163 : i32 to vector<16xi32>
        %add3A_165 = arith.addi %iota3A, %add3A_164 : vector<16xi32>
        %mul3A_166 = arith.constant 16 : i32
        %mul3A_167 = arith.muli %scan3A_154, %mul3A_166 : i32
        %swap3A = arith.index_cast %scan3A_145 : i32 to index
        %swap3A_168 = arith.index_cast %mul3A_167 : i32 to index
        %swap3A_169 = tpu.vector_load %arg6[%swap3A, %swap3A_168] {strides = array<i32>} : memref<25x80xi32, #tpu.memory_space<vmem>>, vector<1x16xi32>,
        %swap3A_170 = vector.shape_cast %swap3A_169 : vector<1x16xi32> to vector<16xi32>
        %swap3A_171 = vector.shape_cast %add3A_165 : vector<16xi32> to vector<1x16xi32>
        tpu.vector_store %arg6[%swap3A, %swap3A_168], %swap3A_171 {strides = array<i32>} : memref<25x80xi32, #tpu.memory_space<vmem>>, vector<1x16xi32>,
        %scan3A_172 = arith.constant 0 : i32
        scf.yield %scan3A_172 : i32
      }
      %scan3A_153 = arith.constant 5 : i32
      scf.yield %scan3A_152 : i32
    }
    %scan3A_14 = arith.constant 8 : i32
    %run_scoped3A = arith.constant 0 : i32
    "tpu.region"() ({
      %run_scoped3A_145 = tpu.sem_alloc : memref<!tpu.dma_semaphore, #tpu.memory_space<semaphore_mem>>
      %dma_start3A_146 = arith.constant 0 : i32
      %dma_start3A_147 = tpu.memref_slice %arg6[%run_scoped3A, %dma_start3A_146] : memref<25x80xi32, #tpu.memory_space<vmem>> -> memref<1x80xi32, #tpu.memory_space<vmem>>
      %dma_start3A_148 = tpu.memref_squeeze %dma_start3A_147 : memref<1x80xi32, #tpu.memory_space<vmem>> -> memref<80xi32, #tpu.memory_space<vmem>>
      %dma_start3A_149 = arith.constant 0 : i32
      %dma_start3A_150 = arith.constant 0 : i32
      %dma_start3A_151 = tpu.memref_slice %arg10[%dma_start3A_149, %dma_start3A_150] : memref<10240x128xf32, #tpu.memory_space<vmem_shared>> -> memref<10240x128xf32, #tpu.memory_space<vmem_shared>>
      tpu.enqueue_indirect_dma source(%arg8 : memref<80x128xf32, #tpu.memory_space<vmem>>) target(%dma_start3A_151 : memref<10240x128xf32, #tpu.memory_space<vmem_shared>>) offsets(%dma_start3A_148 : memref<80xi32, #tpu.memory_space<vmem>>) semaphore(%run_scoped3A_145 : memref<!tpu.dma_semaphore, #tpu.memory_space<semaphore_mem>>)
      %dma_wait3A_152 = arith.constant 0 : i32
      %dma_wait3A_153 = tpu.memref_slice %arg6[%run_scoped3A, %dma_wait3A_152] : memref<25x80xi32, #tpu.memory_space<vmem>> -> memref<1x80xi32, #tpu.memory_space<vmem>>
      %dma_wait3A_154 = tpu.memref_squeeze %dma_wait3A_153 : memref<1x80xi32, #tpu.memory_space<vmem>> -> memref<80xi32, #tpu.memory_space<vmem>>
      %dma_wait3A_155 = arith.constant 0 : i32
      %dma_wait3A_156 = arith.constant 0 : i32
      %dma_wait3A_157 = tpu.memref_slice %arg10[%dma_wait3A_155, %dma_wait3A_156] : memref<10240x128xf32, #tpu.memory_space<vmem_shared>> -> memref<10240x128xf32, #tpu.memory_space<vmem_shared>>
      tpu.wait_indirect_dma semaphore(%run_scoped3A_145 : memref<!tpu.dma_semaphore, #tpu.memory_space<semaphore_mem>>) src(%arg8 : memref<80x128xf32, #tpu.memory_space<vmem>>) dst(%dma_wait3A_157 : memref<10240x128xf32, #tpu.memory_space<vmem_shared>>)
      tpu.yield
    }) : () -> ()
    %run_scoped3A_15 = arith.constant 1 : i32
    "tpu.region"() ({
      %run_scoped3A_145 = tpu.sem_alloc : memref<!tpu.dma_semaphore, #tpu.memory_space<semaphore_mem>>
      %dma_start3A_146 = arith.constant 0 : i32
      %dma_start3A_147 = tpu.memref_slice %arg6[%run_scoped3A_15, %dma_start3A_146] : memref<25x80xi32, #tpu.memory_space<vmem>> -> memref<1x80xi32, #tpu.memory_space<vmem>>
      %dma_start3A_148 = tpu.memref_squeeze %dma_start3A_147 : memref<1x80xi32, #tpu.memory_space<vmem>> -> memref<80xi32, #tpu.memory_space<vmem>>
      %dma_start3A_149 = arith.constant 0 : i32
      %dma_start3A_150 = arith.constant 0 : i32
      %dma_start3A_151 = tpu.memref_slice %arg10[%dma_start3A_149, %dma_start3A_150] : memref<10240x128xf32, #tpu.memory_space<vmem_shared>> -> memref<10240x128xf32, #tpu.memory_space<vmem_shared>>
      tpu.enqueue_indirect_dma source(%arg8 : memref<80x128xf32, #tpu.memory_space<vmem>>) target(%dma_start3A_151 : memref<10240x128xf32, #tpu.memory_space<vmem_shared>>) offsets(%dma_start3A_148 : memref<80xi32, #tpu.memory_space<vmem>>) semaphore(%run_scoped3A_145 : memref<!tpu.dma_semaphore, #tpu.memory_space<semaphore_mem>>)
      %dma_wait3A_152 = arith.constant 0 : i32
      %dma_wait3A_153 = tpu.memref_slice %arg6[%run_scoped3A_15, %dma_wait3A_152] : memref<25x80xi32, #tpu.memory_space<vmem>> -> memref<1x80xi32, #tpu.memory_space<vmem>>
      %dma_wait3A_154 = tpu.memref_squeeze %dma_wait3A_153 : memref<1x80xi32, #tpu.memory_space<vmem>> -> memref<80xi32, #tpu.memory_space<vmem>>
      %dma_wait3A_155 = arith.constant 0 : i32
      %dma_wait3A_156 = arith.constant 0 : i32
      %dma_wait3A_157 = tpu.memref_slice %arg10[%dma_wait3A_155, %dma_wait3A_156] : memref<10240x128xf32, #tpu.memory_space<vmem_shared>> -> memref<10240x128xf32, #tpu.memory_space<vmem_shared>>
      tpu.wait_indirect_dma semaphore(%run_scoped3A_145 : memref<!tpu.dma_semaphore, #tpu.memory_space<semaphore_mem>>) src(%arg8 : memref<80x128xf32, #tpu.memory_space<vmem>>) dst(%dma_wait3A_157 : memref<10240x128xf32, #tpu.memory_space<vmem_shared>>)
      tpu.yield
    }) : () -> ()
    %run_scoped3A_16 = arith.constant 2 : i32
    "tpu.region"() ({
      %run_scoped3A_145 = tpu.sem_alloc : memref<!tpu.dma_semaphore, #tpu.memory_space<semaphore_mem>>
      %dma_start3A_146 = arith.constant 0 : i32
      %dma_start3A_147 = tpu.memref_slice %arg6[%run_scoped3A_16, %dma_start3A_146] : memref<25x80xi32, #tpu.memory_space<vmem>> -> memref<1x80xi32, #tpu.memory_space<vmem>>
      %dma_start3A_148 = tpu.memref_squeeze %dma_start3A_147 : memref<1x80xi32, #tpu.memory_space<vmem>> -> memref<80xi32, #tpu.memory_space<vmem>>
      %dma_start3A_149 = arith.constant 0 : i32
      %dma_start3A_150 = arith.constant 0 : i32
      %dma_start3A_151 = tpu.memref_slice %arg10[%dma_start3A_149, %dma_start3A_150] : memref<10240x128xf32, #tpu.memory_space<vmem_shared>> -> memref<10240x128xf32, #tpu.memory_space<vmem_shared>>
      tpu.enqueue_indirect_dma source(%arg8 : memref<80x128xf32, #tpu.memory_space<vmem>>) target(%dma_start3A_151 : memref<10240x128xf32, #tpu.memory_space<vmem_shared>>) offsets(%dma_start3A_148 : memref<80xi32, #tpu.memory_space<vmem>>) semaphore(%run_scoped3A_145 : memref<!tpu.dma_semaphore, #tpu.memory_space<semaphore_mem>>)
      %dma_wait3A_152 = arith.constant 0 : i32
      %dma_wait3A_153 = tpu.memref_slice %arg6[%run_scoped3A_16, %dma_wait3A_152] : memref<25x80xi32, #tpu.memory_space<vmem>> -> memref<1x80xi32, #tpu.memory_space<vmem>>
      %dma_wait3A_154 = tpu.memref_squeeze %dma_wait3A_153 : memref<1x80xi32, #tpu.memory_space<vmem>> -> memref<80xi32, #tpu.memory_space<vmem>>
      %dma_wait3A_155 = arith.constant 0 : i32
      %dma_wait3A_156 = arith.constant 0 : i32
      %dma_wait3A_157 = tpu.memref_slice %arg10[%dma_wait3A_155, %dma_wait3A_156] : memref<10240x128xf32, #tpu.memory_space<vmem_shared>> -> memref<10240x128xf32, #tpu.memory_space<vmem_shared>>
      tpu.wait_indirect_dma semaphore(%run_scoped3A_145 : memref<!tpu.dma_semaphore, #tpu.memory_space<semaphore_mem>>) src(%arg8 : memref<80x128xf32, #tpu.memory_space<vmem>>) dst(%dma_wait3A_157 : memref<10240x128xf32, #tpu.memory_space<vmem_shared>>)
      tpu.yield
    }) : () -> ()
    %run_scoped3A_17 = arith.constant 3 : i32
    "tpu.region"() ({
      %run_scoped3A_145 = tpu.sem_alloc : memref<!tpu.dma_semaphore, #tpu.memory_space<semaphore_mem>>
      %dma_start3A_146 = arith.constant 0 : i32
      %dma_start3A_147 = tpu.memref_slice %arg6[%run_scoped3A_17, %dma_start3A_146] : memref<25x80xi32, #tpu.memory_space<vmem>> -> memref<1x80xi32, #tpu.memory_space<vmem>>
      %dma_start3A_148 = tpu.memref_squeeze %dma_start3A_147 : memref<1x80xi32, #tpu.memory_space<vmem>> -> memref<80xi32, #tpu.memory_space<vmem>>
      %dma_start3A_149 = arith.constant 0 : i32
      %dma_start3A_150 = arith.constant 0 : i32
      %dma_start3A_151 = tpu.memref_slice %arg10[%dma_start3A_149, %dma_start3A_150] : memref<10240x128xf32, #tpu.memory_space<vmem_shared>> -> memref<10240x128xf32, #tpu.memory_space<vmem_shared>>
      tpu.enqueue_indirect_dma source(%arg8 : memref<80x128xf32, #tpu.memory_space<vmem>>) target(%dma_start3A_151 : memref<10240x128xf32, #tpu.memory_space<vmem_shared>>) offsets(%dma_start3A_148 : memref<80xi32, #tpu.memory_space<vmem>>) semaphore(%run_scoped3A_145 : memref<!tpu.dma_semaphore, #tpu.memory_space<semaphore_mem>>)
      %dma_wait3A_152 = arith.constant 0 : i32
      %dma_wait3A_153 = tpu.memref_slice %arg6[%run_scoped3A_17, %dma_wait3A_152] : memref<25x80xi32, #tpu.memory_space<vmem>> -> memref<1x80xi32, #tpu.memory_space<vmem>>
      %dma_wait3A_154 = tpu.memref_squeeze %dma_wait3A_153 : memref<1x80xi32, #tpu.memory_space<vmem>> -> memref<80xi32, #tpu.memory_space<vmem>>
      %dma_wait3A_155 = arith.constant 0 : i32
      %dma_wait3A_156 = arith.constant 0 : i32
      %dma_wait3A_157 = tpu.memref_slice %arg10[%dma_wait3A_155, %dma_wait3A_156] : memref<10240x128xf32, #tpu.memory_space<vmem_shared>> -> memref<10240x128xf32, #tpu.memory_space<vmem_shared>>
      tpu.wait_indirect_dma semaphore(%run_scoped3A_145 : memref<!tpu.dma_semaphore, #tpu.memory_space<semaphore_mem>>) src(%arg8 : memref<80x128xf32, #tpu.memory_space<vmem>>) dst(%dma_wait3A_157 : memref<10240x128xf32, #tpu.memory_space<vmem_shared>>)
      tpu.yield
    }) : () -> ()
    %run_scoped3A_18 = arith.constant 4 : i32
    "tpu.region"() ({
      %run_scoped3A_145 = tpu.sem_alloc : memref<!tpu.dma_semaphore, #tpu.memory_space<semaphore_mem>>
      %dma_start3A_146 = arith.constant 0 : i32
      %dma_start3A_147 = tpu.memref_slice %arg6[%run_scoped3A_18, %dma_start3A_146] : memref<25x80xi32, #tpu.memory_space<vmem>> -> memref<1x80xi32, #tpu.memory_space<vmem>>
      %dma_start3A_148 = tpu.memref_squeeze %dma_start3A_147 : memref<1x80xi32, #tpu.memory_space<vmem>> -> memref<80xi32, #tpu.memory_space<vmem>>
      %dma_start3A_149 = arith.constant 0 : i32
      %dma_start3A_150 = arith.constant 0 : i32
      %dma_start3A_151 = tpu.memref_slice %arg10[%dma_start3A_149, %dma_start3A_150] : memref<10240x128xf32, #tpu.memory_space<vmem_shared>> -> memref<10240x128xf32, #tpu.memory_space<vmem_shared>>
      tpu.enqueue_indirect_dma source(%arg8 : memref<80x128xf32, #tpu.memory_space<vmem>>) target(%dma_start3A_151 : memref<10240x128xf32, #tpu.memory_space<vmem_shared>>) offsets(%dma_start3A_148 : memref<80xi32, #tpu.memory_space<vmem>>) semaphore(%run_scoped3A_145 : memref<!tpu.dma_semaphore, #tpu.memory_space<semaphore_mem>>)
      %dma_wait3A_152 = arith.constant 0 : i32
      %dma_wait3A_153 = tpu.memref_slice %arg6[%run_scoped3A_18, %dma_wait3A_152] : memref<25x80xi32, #tpu.memory_space<vmem>> -> memref<1x80xi32, #tpu.memory_space<vmem>>
      %dma_wait3A_154 = tpu.memref_squeeze %dma_wait3A_153 : memref<1x80xi32, #tpu.memory_space<vmem>> -> memref<80xi32, #tpu.memory_space<vmem>>
      %dma_wait3A_155 = arith.constant 0 : i32
      %dma_wait3A_156 = arith.constant 0 : i32
      %dma_wait3A_157 = tpu.memref_slice %arg10[%dma_wait3A_155, %dma_wait3A_156] : memref<10240x128xf32, #tpu.memory_space<vmem_shared>> -> memref<10240x128xf32, #tpu.memory_space<vmem_shared>>
      tpu.wait_indirect_dma semaphore(%run_scoped3A_145 : memref<!tpu.dma_semaphore, #tpu.memory_space<semaphore_mem>>) src(%arg8 : memref<80x128xf32, #tpu.memory_space<vmem>>) dst(%dma_wait3A_157 : memref<10240x128xf32, #tpu.memory_space<vmem_shared>>)
      tpu.yield
    }) : () -> ()
    %run_scoped3A_19 = arith.constant 5 : i32
    "tpu.region"() ({
      %run_scoped3A_145 = tpu.sem_alloc : memref<!tpu.dma_semaphore, #tpu.memory_space<semaphore_mem>>
      %dma_start3A_146 = arith.constant 0 : i32
      %dma_start3A_147 = tpu.memref_slice %arg6[%run_scoped3A_19, %dma_start3A_146] : memref<25x80xi32, #tpu.memory_space<vmem>> -> memref<1x80xi32, #tpu.memory_space<vmem>>
      %dma_start3A_148 = tpu.memref_squeeze %dma_start3A_147 : memref<1x80xi32, #tpu.memory_space<vmem>> -> memref<80xi32, #tpu.memory_space<vmem>>
      %dma_start3A_149 = arith.constant 0 : i32
      %dma_start3A_150 = arith.constant 0 : i32
      %dma_start3A_151 = tpu.memref_slice %arg10[%dma_start3A_149, %dma_start3A_150] : memref<10240x128xf32, #tpu.memory_space<vmem_shared>> -> memref<10240x128xf32, #tpu.memory_space<vmem_shared>>
      tpu.enqueue_indirect_dma source(%arg8 : memref<80x128xf32, #tpu.memory_space<vmem>>) target(%dma_start3A_151 : memref<10240x128xf32, #tpu.memory_space<vmem_shared>>) offsets(%dma_start3A_148 : memref<80xi32, #tpu.memory_space<vmem>>) semaphore(%run_scoped3A_145 : memref<!tpu.dma_semaphore, #tpu.memory_space<semaphore_mem>>)
      %dma_wait3A_152 = arith.constant 0 : i32
      %dma_wait3A_153 = tpu.memref_slice %arg6[%run_scoped3A_19, %dma_wait3A_152] : memref<25x80xi32, #tpu.memory_space<vmem>> -> memref<1x80xi32, #tpu.memory_space<vmem>>
      %dma_wait3A_154 = tpu.memref_squeeze %dma_wait3A_153 : memref<1x80xi32, #tpu.memory_space<vmem>> -> memref<80xi32, #tpu.memory_space<vmem>>
      %dma_wait3A_155 = arith.constant 0 : i32
      %dma_wait3A_156 = arith.constant 0 : i32
      %dma_wait3A_157 = tpu.memref_slice %arg10[%dma_wait3A_155, %dma_wait3A_156] : memref<10240x128xf32, #tpu.memory_space<vmem_shared>> -> memref<10240x128xf32, #tpu.memory_space<vmem_shared>>
      tpu.wait_indirect_dma semaphore(%run_scoped3A_145 : memref<!tpu.dma_semaphore, #tpu.memory_space<semaphore_mem>>) src(%arg8 : memref<80x128xf32, #tpu.memory_space<vmem>>) dst(%dma_wait3A_157 : memref<10240x128xf32, #tpu.memory_space<vmem_shared>>)
      tpu.yield
    }) : () -> ()
    %run_scoped3A_20 = arith.constant 6 : i32
    "tpu.region"() ({
      %run_scoped3A_145 = tpu.sem_alloc : memref<!tpu.dma_semaphore, #tpu.memory_space<semaphore_mem>>
      %dma_start3A_146 = arith.constant 0 : i32
      %dma_start3A_147 = tpu.memref_slice %arg6[%run_scoped3A_20, %dma_start3A_146] : memref<25x80xi32, #tpu.memory_space<vmem>> -> memref<1x80xi32, #tpu.memory_space<vmem>>
      %dma_start3A_148 = tpu.memref_squeeze %dma_start3A_147 : memref<1x80xi32, #tpu.memory_space<vmem>> -> memref<80xi32, #tpu.memory_space<vmem>>
      %dma_start3A_149 = arith.constant 0 : i32
      %dma_start3A_150 = arith.constant 0 : i32
      %dma_start3A_151 = tpu.memref_slice %arg10[%dma_start3A_149, %dma_start3A_150] : memref<10240x128xf32, #tpu.memory_space<vmem_shared>> -> memref<10240x128xf32, #tpu.memory_space<vmem_shared>>
      tpu.enqueue_indirect_dma source(%arg8 : memref<80x128xf32, #tpu.memory_space<vmem>>) target(%dma_start3A_151 : memref<10240x128xf32, #tpu.memory_space<vmem_shared>>) offsets(%dma_start3A_148 : memref<80xi32, #tpu.memory_space<vmem>>) semaphore(%run_scoped3A_145 : memref<!tpu.dma_semaphore, #tpu.memory_space<semaphore_mem>>)
      %dma_wait3A_152 = arith.constant 0 : i32
      %dma_wait3A_153 = tpu.memref_slice %arg6[%run_scoped3A_20, %dma_wait3A_152] : memref<25x80xi32, #tpu.memory_space<vmem>> -> memref<1x80xi32, #tpu.memory_space<vmem>>
      %dma_wait3A_154 = tpu.memref_squeeze %dma_wait3A_153 : memref<1x80xi32, #tpu.memory_space<vmem>> -> memref<80xi32, #tpu.memory_space<vmem>>
      %dma_wait3A_155 = arith.constant 0 : i32
      %dma_wait3A_156 = arith.constant 0 : i32
      %dma_wait3A_157 = tpu.memref_slice %arg10[%dma_wait3A_155, %dma_wait3A_156] : memref<10240x128xf32, #tpu.memory_space<vmem_shared>> -> memref<10240x128xf32, #tpu.memory_space<vmem_shared>>
      tpu.wait_indirect_dma semaphore(%run_scoped3A_145 : memref<!tpu.dma_semaphore, #tpu.memory_space<semaphore_mem>>) src(%arg8 : memref<80x128xf32, #tpu.memory_space<vmem>>) dst(%dma_wait3A_157 : memref<10240x128xf32, #tpu.memory_space<vmem_shared>>)
      tpu.yield
    }) : () -> ()
    %run_scoped3A_21 = arith.constant 7 : i32
    "tpu.region"() ({
      %run_scoped3A_145 = tpu.sem_alloc : memref<!tpu.dma_semaphore, #tpu.memory_space<semaphore_mem>>
      %dma_start3A_146 = arith.constant 0 : i32
      %dma_start3A_147 = tpu.memref_slice %arg6[%run_scoped3A_21, %dma_start3A_146] : memref<25x80xi32, #tpu.memory_space<vmem>> -> memref<1x80xi32, #tpu.memory_space<vmem>>
      %dma_start3A_148 = tpu.memref_squeeze %dma_start3A_147 : memref<1x80xi32, #tpu.memory_space<vmem>> -> memref<80xi32, #tpu.memory_space<vmem>>
      %dma_start3A_149 = arith.constant 0 : i32
      %dma_start3A_150 = arith.constant 0 : i32
      %dma_start3A_151 = tpu.memref_slice %arg10[%dma_start3A_149, %dma_start3A_150] : memref<10240x128xf32, #tpu.memory_space<vmem_shared>> -> memref<10240x128xf32, #tpu.memory_space<vmem_shared>>
      tpu.enqueue_indirect_dma source(%arg8 : memref<80x128xf32, #tpu.memory_space<vmem>>) target(%dma_start3A_151 : memref<10240x128xf32, #tpu.memory_space<vmem_shared>>) offsets(%dma_start3A_148 : memref<80xi32, #tpu.memory_space<vmem>>) semaphore(%run_scoped3A_145 : memref<!tpu.dma_semaphore, #tpu.memory_space<semaphore_mem>>)
      %dma_wait3A_152 = arith.constant 0 : i32
      %dma_wait3A_153 = tpu.memref_slice %arg6[%run_scoped3A_21, %dma_wait3A_152] : memref<25x80xi32, #tpu.memory_space<vmem>> -> memref<1x80xi32, #tpu.memory_space<vmem>>
      %dma_wait3A_154 = tpu.memref_squeeze %dma_wait3A_153 : memref<1x80xi32, #tpu.memory_space<vmem>> -> memref<80xi32, #tpu.memory_space<vmem>>
      %dma_wait3A_155 = arith.constant 0 : i32
      %dma_wait3A_156 = arith.constant 0 : i32
      %dma_wait3A_157 = tpu.memref_slice %arg10[%dma_wait3A_155, %dma_wait3A_156] : memref<10240x128xf32, #tpu.memory_space<vmem_shared>> -> memref<10240x128xf32, #tpu.memory_space<vmem_shared>>
      tpu.wait_indirect_dma semaphore(%run_scoped3A_145 : memref<!tpu.dma_semaphore, #tpu.memory_space<semaphore_mem>>) src(%arg8 : memref<80x128xf32, #tpu.memory_space<vmem>>) dst(%dma_wait3A_157 : memref<10240x128xf32, #tpu.memory_space<vmem_shared>>)
      tpu.yield
    }) : () -> ()
    %barrier3A = arith.constant 0 : index
    tpu.barrier barrier_id(%barrier3A)
    %run_scoped3A_22 = arith.constant 0 : i32
    "tpu.region"() ({
      %run_scoped3A_145 = tpu.sem_alloc : memref<!tpu.dma_semaphore, #tpu.memory_space<semaphore_mem>>
      %dma_start3A_146 = arith.constant 0 : i32
      %dma_start3A_147 = arith.constant 0 : i32
      %dma_start3A_148 = tpu.memref_slice %arg3[%add3A, %run_scoped3A_22, %dma_start3A_146, %dma_start3A_147] : memref<32x5x25x80xi32, #tpu.memory_space<hbm>> -> memref<1x1x25x80xi32, #tpu.memory_space<hbm>>
      %dma_start3A_149 = tpu.memref_squeeze %dma_start3A_148 : memref<1x1x25x80xi32, #tpu.memory_space<hbm>> -> memref<25x80xi32, #tpu.memory_space<hbm>>
      %dma_start3A_150 = arith.constant 0 : i32
      %dma_start3A_151 = arith.constant 0 : i32
      %dma_start3A_152 = tpu.memref_slice %arg3[%add3A, %run_scoped3A_22, %dma_start3A_150, %dma_start3A_151] : memref<32x5x25x80xi32, #tpu.memory_space<hbm>> -> memref<1x1x25x80xi32, #tpu.memory_space<hbm>>
      %dma_start3A_153 = tpu.memref_squeeze %dma_start3A_152 : memref<1x1x25x80xi32, #tpu.memory_space<hbm>> -> memref<25x80xi32, #tpu.memory_space<hbm>>
      tpu.enqueue_dma source(%dma_start3A_153 : memref<25x80xi32, #tpu.memory_space<hbm>>) target(%arg6 : memref<25x80xi32, #tpu.memory_space<vmem>>) target_semaphore(%run_scoped3A_145 : memref<!tpu.dma_semaphore, #tpu.memory_space<semaphore_mem>>)
      %dma_wait3A_154 = arith.constant 0 : i32
      %dma_wait3A_155 = arith.constant 0 : i32
      %dma_wait3A_156 = tpu.memref_slice %arg3[%add3A, %run_scoped3A_22, %dma_wait3A_154, %dma_wait3A_155] : memref<32x5x25x80xi32, #tpu.memory_space<hbm>> -> memref<1x1x25x80xi32, #tpu.memory_space<hbm>>
      %dma_wait3A_157 = tpu.memref_squeeze %dma_wait3A_156 : memref<1x1x25x80xi32, #tpu.memory_space<hbm>> -> memref<25x80xi32, #tpu.memory_space<hbm>>
      %dma_wait3A_158 = arith.constant 0 : i32
      %dma_wait3A_159 = arith.constant 0 : i32
      %dma_wait3A_160 = tpu.memref_slice %arg3[%add3A, %run_scoped3A_22, %dma_wait3A_158, %dma_wait3A_159] : memref<32x5x25x80xi32, #tpu.memory_space<hbm>> -> memref<1x1x25x80xi32, #tpu.memory_space<hbm>>
      %dma_wait3A_161 = tpu.memref_squeeze %dma_wait3A_160 : memref<1x1x25x80xi32, #tpu.memory_space<hbm>> -> memref<25x80xi32, #tpu.memory_space<hbm>>
      tpu.wait_dma2 semaphore(%run_scoped3A_145 : memref<!tpu.dma_semaphore, #tpu.memory_space<semaphore_mem>>) src(%dma_wait3A_161 : memref<25x80xi32, #tpu.memory_space<hbm>>) dst(%arg6 : memref<25x80xi32, #tpu.memory_space<vmem>>)
      tpu.yield
    }) : () -> ()
    %run_scoped3A_23 = arith.constant 0 : i32
    "tpu.region"() ({
      %run_scoped3A_145 = tpu.sem_alloc : memref<!tpu.dma_semaphore, #tpu.memory_space<semaphore_mem>>
      %dma_start3A_146 = arith.constant 0 : i32
      %dma_start3A_147 = arith.constant 0 : i32
      %dma_start3A_148 = tpu.memref_slice %arg4[%add3A, %run_scoped3A_23, %dma_start3A_146, %dma_start3A_147] : memref<32x5x25x80xi32, #tpu.memory_space<hbm>> -> memref<1x1x25x80xi32, #tpu.memory_space<hbm>>
      %dma_start3A_149 = tpu.memref_squeeze %dma_start3A_148 : memref<1x1x25x80xi32, #tpu.memory_space<hbm>> -> memref<25x80xi32, #tpu.memory_space<hbm>>
      %dma_start3A_150 = arith.constant 0 : i32
      %dma_start3A_151 = arith.constant 0 : i32
      %dma_start3A_152 = tpu.memref_slice %arg4[%add3A, %run_scoped3A_23, %dma_start3A_150, %dma_start3A_151] : memref<32x5x25x80xi32, #tpu.memory_space<hbm>> -> memref<1x1x25x80xi32, #tpu.memory_space<hbm>>
      %dma_start3A_153 = tpu.memref_squeeze %dma_start3A_152 : memref<1x1x25x80xi32, #tpu.memory_space<hbm>> -> memref<25x80xi32, #tpu.memory_space<hbm>>
      tpu.enqueue_dma source(%dma_start3A_153 : memref<25x80xi32, #tpu.memory_space<hbm>>) target(%arg7 : memref<25x80xi32, #tpu.memory_space<vmem>>) target_semaphore(%run_scoped3A_145 : memref<!tpu.dma_semaphore, #tpu.memory_space<semaphore_mem>>)
      %dma_wait3A_154 = arith.constant 0 : i32
      %dma_wait3A_155 = arith.constant 0 : i32
      %dma_wait3A_156 = tpu.memref_slice %arg4[%add3A, %run_scoped3A_23, %dma_wait3A_154, %dma_wait3A_155] : memref<32x5x25x80xi32, #tpu.memory_space<hbm>> -> memref<1x1x25x80xi32, #tpu.memory_space<hbm>>
      %dma_wait3A_157 = tpu.memref_squeeze %dma_wait3A_156 : memref<1x1x25x80xi32, #tpu.memory_space<hbm>> -> memref<25x80xi32, #tpu.memory_space<hbm>>
      %dma_wait3A_158 = arith.constant 0 : i32
      %dma_wait3A_159 = arith.constant 0 : i32
      %dma_wait3A_160 = tpu.memref_slice %arg4[%add3A, %run_scoped3A_23, %dma_wait3A_158, %dma_wait3A_159] : memref<32x5x25x80xi32, #tpu.memory_space<hbm>> -> memref<1x1x25x80xi32, #tpu.memory_space<hbm>>
      %dma_wait3A_161 = tpu.memref_squeeze %dma_wait3A_160 : memref<1x1x25x80xi32, #tpu.memory_space<hbm>> -> memref<25x80xi32, #tpu.memory_space<hbm>>
      tpu.wait_dma2 semaphore(%run_scoped3A_145 : memref<!tpu.dma_semaphore, #tpu.memory_space<semaphore_mem>>) src(%dma_wait3A_161 : memref<25x80xi32, #tpu.memory_space<hbm>>) dst(%arg7 : memref<25x80xi32, #tpu.memory_space<vmem>>)
      tpu.yield
    }) : () -> ()
    %dma_start3A = arith.constant 0 : i32
    %dma_start3A_24 = arith.constant 0 : i32
    %dma_start3A_25 = tpu.memref_slice %arg6[%dma_start3A, %dma_start3A_24] : memref<25x80xi32, #tpu.memory_space<vmem>> -> memref<1x80xi32, #tpu.memory_space<vmem>>
    %dma_start3A_26 = tpu.memref_squeeze %dma_start3A_25 : memref<1x80xi32, #tpu.memory_space<vmem>> -> memref<80xi32, #tpu.memory_space<vmem>>
    %dma_start3A_27 = arith.constant 0 : i32
    %dma_start3A_28 = arith.constant 0 : i32
    %dma_start3A_29 = tpu.memref_slice %arg2[%dma_start3A_27, %dma_start3A_28] : memref<10240x128xf32, #tpu.memory_space<hbm>> -> memref<10240x128xf32, #tpu.memory_space<hbm>>
    tpu.enqueue_indirect_dma source(%dma_start3A_29 : memref<10240x128xf32, #tpu.memory_space<hbm>>) target(%arg8 : memref<80x128xf32, #tpu.memory_space<vmem>>) offsets(%dma_start3A_26 : memref<80xi32, #tpu.memory_space<vmem>>) semaphore(%arg11 : memref<!tpu.dma_semaphore, #tpu.memory_space<semaphore_mem>>)
    %scan3A_30 = arith.constant 0 : i32
    %scan3A_31 = arith.constant 0 : i32
    %scan3A_32 = arith.constant 12 : i32
    %scan3A_33 = arith.addi %scan3A_31, %scan3A_32 : i32
    %scan3A_34 = arith.constant 1 : i32
    %scan3A_35 = scf.for %scan3A_145 = %scan3A_31 to %scan3A_33 step %scan3A_34 iter_args(%scan3A_146 = %scan3A_30) -> (i32)  : i32 {
      %mul3A_147 = arith.constant 2 : i32
      %mul3A_148 = arith.muli %mul3A_147, %scan3A_145 : i32
      %add3A_149 = arith.constant 1 : i32
      %add3A_150 = arith.addi %mul3A_148, %add3A_149 : i32
      %dma_start3A_151 = arith.constant 0 : i32
      %dma_start3A_152 = tpu.memref_slice %arg6[%add3A_150, %dma_start3A_151] : memref<25x80xi32, #tpu.memory_space<vmem>> -> memref<1x80xi32, #tpu.memory_space<vmem>>
      %dma_start3A_153 = tpu.memref_squeeze %dma_start3A_152 : memref<1x80xi32, #tpu.memory_space<vmem>> -> memref<80xi32, #tpu.memory_space<vmem>>
      %dma_start3A_154 = arith.constant 0 : i32
      %dma_start3A_155 = arith.constant 0 : i32
      %dma_start3A_156 = tpu.memref_slice %arg2[%dma_start3A_154, %dma_start3A_155] : memref<10240x128xf32, #tpu.memory_space<hbm>> -> memref<10240x128xf32, #tpu.memory_space<hbm>>
      tpu.enqueue_indirect_dma source(%dma_start3A_156 : memref<10240x128xf32, #tpu.memory_space<hbm>>) target(%arg9 : memref<80x128xf32, #tpu.memory_space<vmem>>) offsets(%dma_start3A_153 : memref<80xi32, #tpu.memory_space<vmem>>) semaphore(%arg12 : memref<!tpu.dma_semaphore, #tpu.memory_space<semaphore_mem>>)
      %dma_wait3A_157 = arith.constant 0 : i32
      %dma_wait3A_158 = tpu.memref_slice %arg6[%mul3A_148, %dma_wait3A_157] : memref<25x80xi32, #tpu.memory_space<vmem>> -> memref<1x80xi32, #tpu.memory_space<vmem>>
      %dma_wait3A_159 = tpu.memref_squeeze %dma_wait3A_158 : memref<1x80xi32, #tpu.memory_space<vmem>> -> memref<80xi32, #tpu.memory_space<vmem>>
      %dma_wait3A_160 = arith.constant 0 : i32
      %dma_wait3A_161 = arith.constant 0 : i32
      %dma_wait3A_162 = tpu.memref_slice %arg2[%dma_wait3A_160, %dma_wait3A_161] : memref<10240x128xf32, #tpu.memory_space<hbm>> -> memref<10240x128xf32, #tpu.memory_space<hbm>>
      tpu.wait_indirect_dma semaphore(%arg11 : memref<!tpu.dma_semaphore, #tpu.memory_space<semaphore_mem>>) src(%dma_wait3A_162 : memref<10240x128xf32, #tpu.memory_space<hbm>>) dst(%arg8 : memref<80x128xf32, #tpu.memory_space<vmem>>)
      "tpu.region"() ({
        %run_scoped3A_182 = tpu.sem_alloc : memref<!tpu.dma_semaphore, #tpu.memory_space<semaphore_mem>>
        %dma_start3A_183 = arith.constant 0 : i32
        %dma_start3A_184 = tpu.memref_slice %arg7[%mul3A_148, %dma_start3A_183] : memref<25x80xi32, #tpu.memory_space<vmem>> -> memref<1x80xi32, #tpu.memory_space<vmem>>
        %dma_start3A_185 = tpu.memref_squeeze %dma_start3A_184 : memref<1x80xi32, #tpu.memory_space<vmem>> -> memref<80xi32, #tpu.memory_space<vmem>>
        %dma_start3A_186 = arith.constant 0 : i32
        %dma_start3A_187 = arith.constant 0 : i32
        %dma_start3A_188 = tpu.memref_slice %arg10[%dma_start3A_186, %dma_start3A_187] : memref<10240x128xf32, #tpu.memory_space<vmem_shared>> -> memref<10240x128xf32, #tpu.memory_space<vmem_shared>>
        tpu.enqueue_indirect_dma source(%arg8 : memref<80x128xf32, #tpu.memory_space<vmem>>) target(%dma_start3A_188 : memref<10240x128xf32, #tpu.memory_space<vmem_shared>>) offsets(%dma_start3A_185 : memref<80xi32, #tpu.memory_space<vmem>>) semaphore(%run_scoped3A_182 : memref<!tpu.dma_semaphore, #tpu.memory_space<semaphore_mem>>) {add = true}
        %dma_wait3A_189 = arith.constant 0 : i32
        %dma_wait3A_190 = tpu.memref_slice %arg7[%mul3A_148, %dma_wait3A_189] : memref<25x80xi32, #tpu.memory_space<vmem>> -> memref<1x80xi32, #tpu.memory_space<vmem>>
        %dma_wait3A_191 = tpu.memref_squeeze %dma_wait3A_190 : memref<1x80xi32, #tpu.memory_space<vmem>> -> memref<80xi32, #tpu.memory_space<vmem>>
        %dma_wait3A_192 = arith.constant 0 : i32
        %dma_wait3A_193 = arith.constant 0 : i32
        %dma_wait3A_194 = tpu.memref_slice %arg10[%dma_wait3A_192, %dma_wait3A_193] : memref<10240x128xf32, #tpu.memory_space<vmem_shared>> -> memref<10240x128xf32, #tpu.memory_space<vmem_shared>>
        tpu.wait_indirect_dma semaphore(%run_scoped3A_182 : memref<!tpu.dma_semaphore, #tpu.memory_space<semaphore_mem>>) src(%arg8 : memref<80x128xf32, #tpu.memory_space<vmem>>) dst(%dma_wait3A_194 : memref<10240x128xf32, #tpu.memory_space<vmem_shared>>)
        tpu.yield
      }) : () -> ()
      %add3A_163 = arith.constant 2 : i32
      %add3A_164 = arith.addi %mul3A_148, %add3A_163 : i32
      %dma_start3A_165 = arith.constant 0 : i32
      %dma_start3A_166 = tpu.memref_slice %arg6[%add3A_164, %dma_start3A_165] : memref<25x80xi32, #tpu.memory_space<vmem>> -> memref<1x80xi32, #tpu.memory_space<vmem>>
      %dma_start3A_167 = tpu.memref_squeeze %dma_start3A_166 : memref<1x80xi32, #tpu.memory_space<vmem>> -> memref<80xi32, #tpu.memory_space<vmem>>
      %dma_start3A_168 = arith.constant 0 : i32
      %dma_start3A_169 = arith.constant 0 : i32
      %dma_start3A_170 = tpu.memref_slice %arg2[%dma_start3A_168, %dma_start3A_169] : memref<10240x128xf32, #tpu.memory_space<hbm>> -> memref<10240x128xf32, #tpu.memory_space<hbm>>
      tpu.enqueue_indirect_dma source(%dma_start3A_170 : memref<10240x128xf32, #tpu.memory_space<hbm>>) target(%arg8 : memref<80x128xf32, #tpu.memory_space<vmem>>) offsets(%dma_start3A_167 : memref<80xi32, #tpu.memory_space<vmem>>) semaphore(%arg11 : memref<!tpu.dma_semaphore, #tpu.memory_space<semaphore_mem>>)
      %add3A_171 = arith.constant 1 : i32
      %add3A_172 = arith.addi %mul3A_148, %add3A_171 : i32
      %dma_wait3A_173 = arith.constant 0 : i32
      %dma_wait3A_174 = tpu.memref_slice %arg6[%add3A_172, %dma_wait3A_173] : memref<25x80xi32, #tpu.memory_space<vmem>> -> memref<1x80xi32, #tpu.memory_space<vmem>>
      %dma_wait3A_175 = tpu.memref_squeeze %dma_wait3A_174 : memref<1x80xi32, #tpu.memory_space<vmem>> -> memref<80xi32, #tpu.memory_space<vmem>>
      %dma_wait3A_176 = arith.constant 0 : i32
      %dma_wait3A_177 = arith.constant 0 : i32
      %dma_wait3A_178 = tpu.memref_slice %arg2[%dma_wait3A_176, %dma_wait3A_177] : memref<10240x128xf32, #tpu.memory_space<hbm>> -> memref<10240x128xf32, #tpu.memory_space<hbm>>
      tpu.wait_indirect_dma semaphore(%arg12 : memref<!tpu.dma_semaphore, #tpu.memory_space<semaphore_mem>>) src(%dma_wait3A_178 : memref<10240x128xf32, #tpu.memory_space<hbm>>) dst(%arg9 : memref<80x128xf32, #tpu.memory_space<vmem>>)
      %add3A_179 = arith.constant 1 : i32
      %add3A_180 = arith.addi %mul3A_148, %add3A_179 : i32
      "tpu.region"() ({
        %run_scoped3A_182 = tpu.sem_alloc : memref<!tpu.dma_semaphore, #tpu.memory_space<semaphore_mem>>
        %dma_start3A_183 = arith.constant 0 : i32
        %dma_start3A_184 = tpu.memref_slice %arg7[%add3A_180, %dma_start3A_183] : memref<25x80xi32, #tpu.memory_space<vmem>> -> memref<1x80xi32, #tpu.memory_space<vmem>>
        %dma_start3A_185 = tpu.memref_squeeze %dma_start3A_184 : memref<1x80xi32, #tpu.memory_space<vmem>> -> memref<80xi32, #tpu.memory_space<vmem>>
        %dma_start3A_186 = arith.constant 0 : i32
        %dma_start3A_187 = arith.constant 0 : i32
        %dma_start3A_188 = tpu.memref_slice %arg10[%dma_start3A_186, %dma_start3A_187] : memref<10240x128xf32, #tpu.memory_space<vmem_shared>> -> memref<10240x128xf32, #tpu.memory_space<vmem_shared>>
        tpu.enqueue_indirect_dma source(%arg9 : memref<80x128xf32, #tpu.memory_space<vmem>>) target(%dma_start3A_188 : memref<10240x128xf32, #tpu.memory_space<vmem_shared>>) offsets(%dma_start3A_185 : memref<80xi32, #tpu.memory_space<vmem>>) semaphore(%run_scoped3A_182 : memref<!tpu.dma_semaphore, #tpu.memory_space<semaphore_mem>>) {add = true}
        %dma_wait3A_189 = arith.constant 0 : i32
        %dma_wait3A_190 = tpu.memref_slice %arg7[%add3A_180, %dma_wait3A_189] : memref<25x80xi32, #tpu.memory_space<vmem>> -> memref<1x80xi32, #tpu.memory_space<vmem>>
        %dma_wait3A_191 = tpu.memref_squeeze %dma_wait3A_190 : memref<1x80xi32, #tpu.memory_space<vmem>> -> memref<80xi32, #tpu.memory_space<vmem>>
        %dma_wait3A_192 = arith.constant 0 : i32
        %dma_wait3A_193 = arith.constant 0 : i32
        %dma_wait3A_194 = tpu.memref_slice %arg10[%dma_wait3A_192, %dma_wait3A_193] : memref<10240x128xf32, #tpu.memory_space<vmem_shared>> -> memref<10240x128xf32, #tpu.memory_space<vmem_shared>>
        tpu.wait_indirect_dma semaphore(%run_scoped3A_182 : memref<!tpu.dma_semaphore, #tpu.memory_space<semaphore_mem>>) src(%arg9 : memref<80x128xf32, #tpu.memory_space<vmem>>) dst(%dma_wait3A_194 : memref<10240x128xf32, #tpu.memory_space<vmem_shared>>)
        tpu.yield
      }) : () -> ()
      %scan3A_181 = arith.constant 0 : i32
      scf.yield %scan3A_181 : i32
    }
    %scan3A_36 = arith.constant 12 : i32
    %dma_wait3A = arith.constant 24 : i32
    %dma_wait3A_37 = arith.constant 0 : i32
    %dma_wait3A_38 = tpu.memref_slice %arg6[%dma_wait3A, %dma_wait3A_37] : memref<25x80xi32, #tpu.memory_space<vmem>> -> memref<1x80xi32, #tpu.memory_space<vmem>>
    %dma_wait3A_39 = tpu.memref_squeeze %dma_wait3A_38 : memref<1x80xi32, #tpu.memory_space<vmem>> -> memref<80xi32, #tpu.memory_space<vmem>>
    %dma_wait3A_40 = arith.constant 0 : i32
    %dma_wait3A_41 = arith.constant 0 : i32
    %dma_wait3A_42 = tpu.memref_slice %arg2[%dma_wait3A_40, %dma_wait3A_41] : memref<10240x128xf32, #tpu.memory_space<hbm>> -> memref<10240x128xf32, #tpu.memory_space<hbm>>
    tpu.wait_indirect_dma semaphore(%arg11 : memref<!tpu.dma_semaphore, #tpu.memory_space<semaphore_mem>>) src(%dma_wait3A_42 : memref<10240x128xf32, #tpu.memory_space<hbm>>) dst(%arg8 : memref<80x128xf32, #tpu.memory_space<vmem>>)
    %run_scoped3A_43 = arith.constant 24 : i32
    "tpu.region"() ({
      %run_scoped3A_145 = tpu.sem_alloc : memref<!tpu.dma_semaphore, #tpu.memory_space<semaphore_mem>>
      %dma_start3A_146 = arith.constant 0 : i32
      %dma_start3A_147 = tpu.memref_slice %arg7[%run_scoped3A_43, %dma_start3A_146] : memref<25x80xi32, #tpu.memory_space<vmem>> -> memref<1x80xi32, #tpu.memory_space<vmem>>
      %dma_start3A_148 = tpu.memref_squeeze %dma_start3A_147 : memref<1x80xi32, #tpu.memory_space<vmem>> -> memref<80xi32, #tpu.memory_space<vmem>>
      %dma_start3A_149 = arith.constant 0 : i32
      %dma_start3A_150 = arith.constant 0 : i32
      %dma_start3A_151 = tpu.memref_slice %arg10[%dma_start3A_149, %dma_start3A_150] : memref<10240x128xf32, #tpu.memory_space<vmem_shared>> -> memref<10240x128xf32, #tpu.memory_space<vmem_shared>>
      tpu.enqueue_indirect_dma source(%arg8 : memref<80x128xf32, #tpu.memory_space<vmem>>) target(%dma_start3A_151 : memref<10240x128xf32, #tpu.memory_space<vmem_shared>>) offsets(%dma_start3A_148 : memref<80xi32, #tpu.memory_space<vmem>>) semaphore(%run_scoped3A_145 : memref<!tpu.dma_semaphore, #tpu.memory_space<semaphore_mem>>) {add = true}
      %dma_wait3A_152 = arith.constant 0 : i32
      %dma_wait3A_153 = tpu.memref_slice %arg7[%run_scoped3A_43, %dma_wait3A_152] : memref<25x80xi32, #tpu.memory_space<vmem>> -> memref<1x80xi32, #tpu.memory_space<vmem>>
      %dma_wait3A_154 = tpu.memref_squeeze %dma_wait3A_153 : memref<1x80xi32, #tpu.memory_space<vmem>> -> memref<80xi32, #tpu.memory_space<vmem>>
      %dma_wait3A_155 = arith.constant 0 : i32
      %dma_wait3A_156 = arith.constant 0 : i32
      %dma_wait3A_157 = tpu.memref_slice %arg10[%dma_wait3A_155, %dma_wait3A_156] : memref<10240x128xf32, #tpu.memory_space<vmem_shared>> -> memref<10240x128xf32, #tpu.memory_space<vmem_shared>>
      tpu.wait_indirect_dma semaphore(%run_scoped3A_145 : memref<!tpu.dma_semaphore, #tpu.memory_space<semaphore_mem>>) src(%arg8 : memref<80x128xf32, #tpu.memory_space<vmem>>) dst(%dma_wait3A_157 : memref<10240x128xf32, #tpu.memory_space<vmem_shared>>)
      tpu.yield
    }) : () -> ()
    %run_scoped3A_44 = arith.constant 1 : i32
    "tpu.region"() ({
      %run_scoped3A_145 = tpu.sem_alloc : memref<!tpu.dma_semaphore, #tpu.memory_space<semaphore_mem>>
      %dma_start3A_146 = arith.constant 0 : i32
      %dma_start3A_147 = arith.constant 0 : i32
      %dma_start3A_148 = tpu.memref_slice %arg3[%add3A, %run_scoped3A_44, %dma_start3A_146, %dma_start3A_147] : memref<32x5x25x80xi32, #tpu.memory_space<hbm>> -> memref<1x1x25x80xi32, #tpu.memory_space<hbm>>
      %dma_start3A_149 = tpu.memref_squeeze %dma_start3A_148 : memref<1x1x25x80xi32, #tpu.memory_space<hbm>> -> memref<25x80xi32, #tpu.memory_space<hbm>>
      %dma_start3A_150 = arith.constant 0 : i32
      %dma_start3A_151 = arith.constant 0 : i32
      %dma_start3A_152 = tpu.memref_slice %arg3[%add3A, %run_scoped3A_44, %dma_start3A_150, %dma_start3A_151] : memref<32x5x25x80xi32, #tpu.memory_space<hbm>> -> memref<1x1x25x80xi32, #tpu.memory_space<hbm>>
      %dma_start3A_153 = tpu.memref_squeeze %dma_start3A_152 : memref<1x1x25x80xi32, #tpu.memory_space<hbm>> -> memref<25x80xi32, #tpu.memory_space<hbm>>
      tpu.enqueue_dma source(%dma_start3A_153 : memref<25x80xi32, #tpu.memory_space<hbm>>) target(%arg6 : memref<25x80xi32, #tpu.memory_space<vmem>>) target_semaphore(%run_scoped3A_145 : memref<!tpu.dma_semaphore, #tpu.memory_space<semaphore_mem>>)
      %dma_wait3A_154 = arith.constant 0 : i32
      %dma_wait3A_155 = arith.constant 0 : i32
      %dma_wait3A_156 = tpu.memref_slice %arg3[%add3A, %run_scoped3A_44, %dma_wait3A_154, %dma_wait3A_155] : memref<32x5x25x80xi32, #tpu.memory_space<hbm>> -> memref<1x1x25x80xi32, #tpu.memory_space<hbm>>
      %dma_wait3A_157 = tpu.memref_squeeze %dma_wait3A_156 : memref<1x1x25x80xi32, #tpu.memory_space<hbm>> -> memref<25x80xi32, #tpu.memory_space<hbm>>
      %dma_wait3A_158 = arith.constant 0 : i32
      %dma_wait3A_159 = arith.constant 0 : i32
      %dma_wait3A_160 = tpu.memref_slice %arg3[%add3A, %run_scoped3A_44, %dma_wait3A_158, %dma_wait3A_159] : memref<32x5x25x80xi32, #tpu.memory_space<hbm>> -> memref<1x1x25x80xi32, #tpu.memory_space<hbm>>
      %dma_wait3A_161 = tpu.memref_squeeze %dma_wait3A_160 : memref<1x1x25x80xi32, #tpu.memory_space<hbm>> -> memref<25x80xi32, #tpu.memory_space<hbm>>
      tpu.wait_dma2 semaphore(%run_scoped3A_145 : memref<!tpu.dma_semaphore, #tpu.memory_space<semaphore_mem>>) src(%dma_wait3A_161 : memref<25x80xi32, #tpu.memory_space<hbm>>) dst(%arg6 : memref<25x80xi32, #tpu.memory_space<vmem>>)
      tpu.yield
    }) : () -> ()
    %run_scoped3A_45 = arith.constant 1 : i32
    "tpu.region"() ({
      %run_scoped3A_145 = tpu.sem_alloc : memref<!tpu.dma_semaphore, #tpu.memory_space<semaphore_mem>>
      %dma_start3A_146 = arith.constant 0 : i32
      %dma_start3A_147 = arith.constant 0 : i32
      %dma_start3A_148 = tpu.memref_slice %arg4[%add3A, %run_scoped3A_45, %dma_start3A_146, %dma_start3A_147] : memref<32x5x25x80xi32, #tpu.memory_space<hbm>> -> memref<1x1x25x80xi32, #tpu.memory_space<hbm>>
      %dma_start3A_149 = tpu.memref_squeeze %dma_start3A_148 : memref<1x1x25x80xi32, #tpu.memory_space<hbm>> -> memref<25x80xi32, #tpu.memory_space<hbm>>
      %dma_start3A_150 = arith.constant 0 : i32
      %dma_start3A_151 = arith.constant 0 : i32
      %dma_start3A_152 = tpu.memref_slice %arg4[%add3A, %run_scoped3A_45, %dma_start3A_150, %dma_start3A_151] : memref<32x5x25x80xi32, #tpu.memory_space<hbm>> -> memref<1x1x25x80xi32, #tpu.memory_space<hbm>>
      %dma_start3A_153 = tpu.memref_squeeze %dma_start3A_152 : memref<1x1x25x80xi32, #tpu.memory_space<hbm>> -> memref<25x80xi32, #tpu.memory_space<hbm>>
      tpu.enqueue_dma source(%dma_start3A_153 : memref<25x80xi32, #tpu.memory_space<hbm>>) target(%arg7 : memref<25x80xi32, #tpu.memory_space<vmem>>) target_semaphore(%run_scoped3A_145 : memref<!tpu.dma_semaphore, #tpu.memory_space<semaphore_mem>>)
      %dma_wait3A_154 = arith.constant 0 : i32
      %dma_wait3A_155 = arith.constant 0 : i32
      %dma_wait3A_156 = tpu.memref_slice %arg4[%add3A, %run_scoped3A_45, %dma_wait3A_154, %dma_wait3A_155] : memref<32x5x25x80xi32, #tpu.memory_space<hbm>> -> memref<1x1x25x80xi32, #tpu.memory_space<hbm>>
      %dma_wait3A_157 = tpu.memref_squeeze %dma_wait3A_156 : memref<1x1x25x80xi32, #tpu.memory_space<hbm>> -> memref<25x80xi32, #tpu.memory_space<hbm>>
      %dma_wait3A_158 = arith.constant 0 : i32
      %dma_wait3A_159 = arith.constant 0 : i32
      %dma_wait3A_160 = tpu.memref_slice %arg4[%add3A, %run_scoped3A_45, %dma_wait3A_158, %dma_wait3A_159] : memref<32x5x25x80xi32, #tpu.memory_space<hbm>> -> memref<1x1x25x80xi32, #tpu.memory_space<hbm>>
      %dma_wait3A_161 = tpu.memref_squeeze %dma_wait3A_160 : memref<1x1x25x80xi32, #tpu.memory_space<hbm>> -> memref<25x80xi32, #tpu.memory_space<hbm>>
      tpu.wait_dma2 semaphore(%run_scoped3A_145 : memref<!tpu.dma_semaphore, #tpu.memory_space<semaphore_mem>>) src(%dma_wait3A_161 : memref<25x80xi32, #tpu.memory_space<hbm>>) dst(%arg7 : memref<25x80xi32, #tpu.memory_space<vmem>>)
      tpu.yield
    }) : () -> ()
    %dma_start3A_46 = arith.constant 0 : i32
    %dma_start3A_47 = arith.constant 0 : i32
    %dma_start3A_48 = tpu.memref_slice %arg6[%dma_start3A_46, %dma_start3A_47] : memref<25x80xi32, #tpu.memory_space<vmem>> -> memref<1x80xi32, #tpu.memory_space<vmem>>
    %dma_start3A_49 = tpu.memref_squeeze %dma_start3A_48 : memref<1x80xi32, #tpu.memory_space<vmem>> -> memref<80xi32, #tpu.memory_space<vmem>>
    %dma_start3A_50 = arith.constant 0 : i32
    %dma_start3A_51 = arith.constant 0 : i32
    %dma_start3A_52 = tpu.memref_slice %arg2[%dma_start3A_50, %dma_start3A_51] : memref<10240x128xf32, #tpu.memory_space<hbm>> -> memref<10240x128xf32, #tpu.memory_space<hbm>>
    tpu.enqueue_indirect_dma source(%dma_start3A_52 : memref<10240x128xf32, #tpu.memory_space<hbm>>) target(%arg8 : memref<80x128xf32, #tpu.memory_space<vmem>>) offsets(%dma_start3A_49 : memref<80xi32, #tpu.memory_space<vmem>>) semaphore(%arg11 : memref<!tpu.dma_semaphore, #tpu.memory_space<semaphore_mem>>)
    %scan3A_53 = arith.constant 0 : i32
    %scan3A_54 = arith.constant 0 : i32
    %scan3A_55 = arith.constant 12 : i32
    %scan3A_56 = arith.addi %scan3A_54, %scan3A_55 : i32
    %scan3A_57 = arith.constant 1 : i32
    %scan3A_58 = scf.for %scan3A_145 = %scan3A_54 to %scan3A_56 step %scan3A_57 iter_args(%scan3A_146 = %scan3A_53) -> (i32)  : i32 {
      %mul3A_147 = arith.constant 2 : i32
      %mul3A_148 = arith.muli %mul3A_147, %scan3A_145 : i32
      %add3A_149 = arith.constant 1 : i32
      %add3A_150 = arith.addi %mul3A_148, %add3A_149 : i32
      %dma_start3A_151 = arith.constant 0 : i32
      %dma_start3A_152 = tpu.memref_slice %arg6[%add3A_150, %dma_start3A_151] : memref<25x80xi32, #tpu.memory_space<vmem>> -> memref<1x80xi32, #tpu.memory_space<vmem>>
      %dma_start3A_153 = tpu.memref_squeeze %dma_start3A_152 : memref<1x80xi32, #tpu.memory_space<vmem>> -> memref<80xi32, #tpu.memory_space<vmem>>
      %dma_start3A_154 = arith.constant 0 : i32
      %dma_start3A_155 = arith.constant 0 : i32
      %dma_start3A_156 = tpu.memref_slice %arg2[%dma_start3A_154, %dma_start3A_155] : memref<10240x128xf32, #tpu.memory_space<hbm>> -> memref<10240x128xf32, #tpu.memory_space<hbm>>
      tpu.enqueue_indirect_dma source(%dma_start3A_156 : memref<10240x128xf32, #tpu.memory_space<hbm>>) target(%arg9 : memref<80x128xf32, #tpu.memory_space<vmem>>) offsets(%dma_start3A_153 : memref<80xi32, #tpu.memory_space<vmem>>) semaphore(%arg12 : memref<!tpu.dma_semaphore, #tpu.memory_space<semaphore_mem>>)
      %dma_wait3A_157 = arith.constant 0 : i32
      %dma_wait3A_158 = tpu.memref_slice %arg6[%mul3A_148, %dma_wait3A_157] : memref<25x80xi32, #tpu.memory_space<vmem>> -> memref<1x80xi32, #tpu.memory_space<vmem>>
      %dma_wait3A_159 = tpu.memref_squeeze %dma_wait3A_158 : memref<1x80xi32, #tpu.memory_space<vmem>> -> memref<80xi32, #tpu.memory_space<vmem>>
      %dma_wait3A_160 = arith.constant 0 : i32
      %dma_wait3A_161 = arith.constant 0 : i32
      %dma_wait3A_162 = tpu.memref_slice %arg2[%dma_wait3A_160, %dma_wait3A_161] : memref<10240x128xf32, #tpu.memory_space<hbm>> -> memref<10240x128xf32, #tpu.memory_space<hbm>>
      tpu.wait_indirect_dma semaphore(%arg11 : memref<!tpu.dma_semaphore, #tpu.memory_space<semaphore_mem>>) src(%dma_wait3A_162 : memref<10240x128xf32, #tpu.memory_space<hbm>>) dst(%arg8 : memref<80x128xf32, #tpu.memory_space<vmem>>)
      "tpu.region"() ({
        %run_scoped3A_182 = tpu.sem_alloc : memref<!tpu.dma_semaphore, #tpu.memory_space<semaphore_mem>>
        %dma_start3A_183 = arith.constant 0 : i32
        %dma_start3A_184 = tpu.memref_slice %arg7[%mul3A_148, %dma_start3A_183] : memref<25x80xi32, #tpu.memory_space<vmem>> -> memref<1x80xi32, #tpu.memory_space<vmem>>
        %dma_start3A_185 = tpu.memref_squeeze %dma_start3A_184 : memref<1x80xi32, #tpu.memory_space<vmem>> -> memref<80xi32, #tpu.memory_space<vmem>>
        %dma_start3A_186 = arith.constant 0 : i32
        %dma_start3A_187 = arith.constant 0 : i32
        %dma_start3A_188 = tpu.memref_slice %arg10[%dma_start3A_186, %dma_start3A_187] : memref<10240x128xf32, #tpu.memory_space<vmem_shared>> -> memref<10240x128xf32, #tpu.memory_space<vmem_shared>>
        tpu.enqueue_indirect_dma source(%arg8 : memref<80x128xf32, #tpu.memory_space<vmem>>) target(%dma_start3A_188 : memref<10240x128xf32, #tpu.memory_space<vmem_shared>>) offsets(%dma_start3A_185 : memref<80xi32, #tpu.memory_space<vmem>>) semaphore(%run_scoped3A_182 : memref<!tpu.dma_semaphore, #tpu.memory_space<semaphore_mem>>) {add = true}
        %dma_wait3A_189 = arith.constant 0 : i32
        %dma_wait3A_190 = tpu.memref_slice %arg7[%mul3A_148, %dma_wait3A_189] : memref<25x80xi32, #tpu.memory_space<vmem>> -> memref<1x80xi32, #tpu.memory_space<vmem>>
        %dma_wait3A_191 = tpu.memref_squeeze %dma_wait3A_190 : memref<1x80xi32, #tpu.memory_space<vmem>> -> memref<80xi32, #tpu.memory_space<vmem>>
        %dma_wait3A_192 = arith.constant 0 : i32
        %dma_wait3A_193 = arith.constant 0 : i32
        %dma_wait3A_194 = tpu.memref_slice %arg10[%dma_wait3A_192, %dma_wait3A_193] : memref<10240x128xf32, #tpu.memory_space<vmem_shared>> -> memref<10240x128xf32, #tpu.memory_space<vmem_shared>>
        tpu.wait_indirect_dma semaphore(%run_scoped3A_182 : memref<!tpu.dma_semaphore, #tpu.memory_space<semaphore_mem>>) src(%arg8 : memref<80x128xf32, #tpu.memory_space<vmem>>) dst(%dma_wait3A_194 : memref<10240x128xf32, #tpu.memory_space<vmem_shared>>)
        tpu.yield
      }) : () -> ()
      %add3A_163 = arith.constant 2 : i32
      %add3A_164 = arith.addi %mul3A_148, %add3A_163 : i32
      %dma_start3A_165 = arith.constant 0 : i32
      %dma_start3A_166 = tpu.memref_slice %arg6[%add3A_164, %dma_start3A_165] : memref<25x80xi32, #tpu.memory_space<vmem>> -> memref<1x80xi32, #tpu.memory_space<vmem>>
      %dma_start3A_167 = tpu.memref_squeeze %dma_start3A_166 : memref<1x80xi32, #tpu.memory_space<vmem>> -> memref<80xi32, #tpu.memory_space<vmem>>
      %dma_start3A_168 = arith.constant 0 : i32
      %dma_start3A_169 = arith.constant 0 : i32
      %dma_start3A_170 = tpu.memref_slice %arg2[%dma_start3A_168, %dma_start3A_169] : memref<10240x128xf32, #tpu.memory_space<hbm>> -> memref<10240x128xf32, #tpu.memory_space<hbm>>
      tpu.enqueue_indirect_dma source(%dma_start3A_170 : memref<10240x128xf32, #tpu.memory_space<hbm>>) target(%arg8 : memref<80x128xf32, #tpu.memory_space<vmem>>) offsets(%dma_start3A_167 : memref<80xi32, #tpu.memory_space<vmem>>) semaphore(%arg11 : memref<!tpu.dma_semaphore, #tpu.memory_space<semaphore_mem>>)
      %add3A_171 = arith.constant 1 : i32
      %add3A_172 = arith.addi %mul3A_148, %add3A_171 : i32
      %dma_wait3A_173 = arith.constant 0 : i32
      %dma_wait3A_174 = tpu.memref_slice %arg6[%add3A_172, %dma_wait3A_173] : memref<25x80xi32, #tpu.memory_space<vmem>> -> memref<1x80xi32, #tpu.memory_space<vmem>>
      %dma_wait3A_175 = tpu.memref_squeeze %dma_wait3A_174 : memref<1x80xi32, #tpu.memory_space<vmem>> -> memref<80xi32, #tpu.memory_space<vmem>>
      %dma_wait3A_176 = arith.constant 0 : i32
      %dma_wait3A_177 = arith.constant 0 : i32
      %dma_wait3A_178 = tpu.memref_slice %arg2[%dma_wait3A_176, %dma_wait3A_177] : memref<10240x128xf32, #tpu.memory_space<hbm>> -> memref<10240x128xf32, #tpu.memory_space<hbm>>
      tpu.wait_indirect_dma semaphore(%arg12 : memref<!tpu.dma_semaphore, #tpu.memory_space<semaphore_mem>>) src(%dma_wait3A_178 : memref<10240x128xf32, #tpu.memory_space<hbm>>) dst(%arg9 : memref<80x128xf32, #tpu.memory_space<vmem>>)
      %add3A_179 = arith.constant 1 : i32
      %add3A_180 = arith.addi %mul3A_148, %add3A_179 : i32
      "tpu.region"() ({
        %run_scoped3A_182 = tpu.sem_alloc : memref<!tpu.dma_semaphore, #tpu.memory_space<semaphore_mem>>
        %dma_start3A_183 = arith.constant 0 : i32
        %dma_start3A_184 = tpu.memref_slice %arg7[%add3A_180, %dma_start3A_183] : memref<25x80xi32, #tpu.memory_space<vmem>> -> memref<1x80xi32, #tpu.memory_space<vmem>>
        %dma_start3A_185 = tpu.memref_squeeze %dma_start3A_184 : memref<1x80xi32, #tpu.memory_space<vmem>> -> memref<80xi32, #tpu.memory_space<vmem>>
        %dma_start3A_186 = arith.constant 0 : i32
        %dma_start3A_187 = arith.constant 0 : i32
        %dma_start3A_188 = tpu.memref_slice %arg10[%dma_start3A_186, %dma_start3A_187] : memref<10240x128xf32, #tpu.memory_space<vmem_shared>> -> memref<10240x128xf32, #tpu.memory_space<vmem_shared>>
        tpu.enqueue_indirect_dma source(%arg9 : memref<80x128xf32, #tpu.memory_space<vmem>>) target(%dma_start3A_188 : memref<10240x128xf32, #tpu.memory_space<vmem_shared>>) offsets(%dma_start3A_185 : memref<80xi32, #tpu.memory_space<vmem>>) semaphore(%run_scoped3A_182 : memref<!tpu.dma_semaphore, #tpu.memory_space<semaphore_mem>>) {add = true}
        %dma_wait3A_189 = arith.constant 0 : i32
        %dma_wait3A_190 = tpu.memref_slice %arg7[%add3A_180, %dma_wait3A_189] : memref<25x80xi32, #tpu.memory_space<vmem>> -> memref<1x80xi32, #tpu.memory_space<vmem>>
        %dma_wait3A_191 = tpu.memref_squeeze %dma_wait3A_190 : memref<1x80xi32, #tpu.memory_space<vmem>> -> memref<80xi32, #tpu.memory_space<vmem>>
        %dma_wait3A_192 = arith.constant 0 : i32
        %dma_wait3A_193 = arith.constant 0 : i32
        %dma_wait3A_194 = tpu.memref_slice %arg10[%dma_wait3A_192, %dma_wait3A_193] : memref<10240x128xf32, #tpu.memory_space<vmem_shared>> -> memref<10240x128xf32, #tpu.memory_space<vmem_shared>>
        tpu.wait_indirect_dma semaphore(%run_scoped3A_182 : memref<!tpu.dma_semaphore, #tpu.memory_space<semaphore_mem>>) src(%arg9 : memref<80x128xf32, #tpu.memory_space<vmem>>) dst(%dma_wait3A_194 : memref<10240x128xf32, #tpu.memory_space<vmem_shared>>)
        tpu.yield
      }) : () -> ()
      %scan3A_181 = arith.constant 0 : i32
      scf.yield %scan3A_181 : i32
    }
    %scan3A_59 = arith.constant 12 : i32
    %dma_wait3A_60 = arith.constant 24 : i32
    %dma_wait3A_61 = arith.constant 0 : i32
    %dma_wait3A_62 = tpu.memref_slice %arg6[%dma_wait3A_60, %dma_wait3A_61] : memref<25x80xi32, #tpu.memory_space<vmem>> -> memref<1x80xi32, #tpu.memory_space<vmem>>
    %dma_wait3A_63 = tpu.memref_squeeze %dma_wait3A_62 : memref<1x80xi32, #tpu.memory_space<vmem>> -> memref<80xi32, #tpu.memory_space<vmem>>
    %dma_wait3A_64 = arith.constant 0 : i32
    %dma_wait3A_65 = arith.constant 0 : i32
    %dma_wait3A_66 = tpu.memref_slice %arg2[%dma_wait3A_64, %dma_wait3A_65] : memref<10240x128xf32, #tpu.memory_space<hbm>> -> memref<10240x128xf32, #tpu.memory_space<hbm>>
    tpu.wait_indirect_dma semaphore(%arg11 : memref<!tpu.dma_semaphore, #tpu.memory_space<semaphore_mem>>) src(%dma_wait3A_66 : memref<10240x128xf32, #tpu.memory_space<hbm>>) dst(%arg8 : memref<80x128xf32, #tpu.memory_space<vmem>>)
    %run_scoped3A_67 = arith.constant 24 : i32
    "tpu.region"() ({
      %run_scoped3A_145 = tpu.sem_alloc : memref<!tpu.dma_semaphore, #tpu.memory_space<semaphore_mem>>
      %dma_start3A_146 = arith.constant 0 : i32
      %dma_start3A_147 = tpu.memref_slice %arg7[%run_scoped3A_67, %dma_start3A_146] : memref<25x80xi32, #tpu.memory_space<vmem>> -> memref<1x80xi32, #tpu.memory_space<vmem>>
      %dma_start3A_148 = tpu.memref_squeeze %dma_start3A_147 : memref<1x80xi32, #tpu.memory_space<vmem>> -> memref<80xi32, #tpu.memory_space<vmem>>
      %dma_start3A_149 = arith.constant 0 : i32
      %dma_start3A_150 = arith.constant 0 : i32
      %dma_start3A_151 = tpu.memref_slice %arg10[%dma_start3A_149, %dma_start3A_150] : memref<10240x128xf32, #tpu.memory_space<vmem_shared>> -> memref<10240x128xf32, #tpu.memory_space<vmem_shared>>
      tpu.enqueue_indirect_dma source(%arg8 : memref<80x128xf32, #tpu.memory_space<vmem>>) target(%dma_start3A_151 : memref<10240x128xf32, #tpu.memory_space<vmem_shared>>) offsets(%dma_start3A_148 : memref<80xi32, #tpu.memory_space<vmem>>) semaphore(%run_scoped3A_145 : memref<!tpu.dma_semaphore, #tpu.memory_space<semaphore_mem>>) {add = true}
      %dma_wait3A_152 = arith.constant 0 : i32
      %dma_wait3A_153 = tpu.memref_slice %arg7[%run_scoped3A_67, %dma_wait3A_152] : memref<25x80xi32, #tpu.memory_space<vmem>> -> memref<1x80xi32, #tpu.memory_space<vmem>>
      %dma_wait3A_154 = tpu.memref_squeeze %dma_wait3A_153 : memref<1x80xi32, #tpu.memory_space<vmem>> -> memref<80xi32, #tpu.memory_space<vmem>>
      %dma_wait3A_155 = arith.constant 0 : i32
      %dma_wait3A_156 = arith.constant 0 : i32
      %dma_wait3A_157 = tpu.memref_slice %arg10[%dma_wait3A_155, %dma_wait3A_156] : memref<10240x128xf32, #tpu.memory_space<vmem_shared>> -> memref<10240x128xf32, #tpu.memory_space<vmem_shared>>
      tpu.wait_indirect_dma semaphore(%run_scoped3A_145 : memref<!tpu.dma_semaphore, #tpu.memory_space<semaphore_mem>>) src(%arg8 : memref<80x128xf32, #tpu.memory_space<vmem>>) dst(%dma_wait3A_157 : memref<10240x128xf32, #tpu.memory_space<vmem_shared>>)
      tpu.yield
    }) : () -> ()
    %run_scoped3A_68 = arith.constant 2 : i32
    "tpu.region"() ({
      %run_scoped3A_145 = tpu.sem_alloc : memref<!tpu.dma_semaphore, #tpu.memory_space<semaphore_mem>>
      %dma_start3A_146 = arith.constant 0 : i32
      %dma_start3A_147 = arith.constant 0 : i32
      %dma_start3A_148 = tpu.memref_slice %arg3[%add3A, %run_scoped3A_68, %dma_start3A_146, %dma_start3A_147] : memref<32x5x25x80xi32, #tpu.memory_space<hbm>> -> memref<1x1x25x80xi32, #tpu.memory_space<hbm>>
      %dma_start3A_149 = tpu.memref_squeeze %dma_start3A_148 : memref<1x1x25x80xi32, #tpu.memory_space<hbm>> -> memref<25x80xi32, #tpu.memory_space<hbm>>
      %dma_start3A_150 = arith.constant 0 : i32
      %dma_start3A_151 = arith.constant 0 : i32
      %dma_start3A_152 = tpu.memref_slice %arg3[%add3A, %run_scoped3A_68, %dma_start3A_150, %dma_start3A_151] : memref<32x5x25x80xi32, #tpu.memory_space<hbm>> -> memref<1x1x25x80xi32, #tpu.memory_space<hbm>>
      %dma_start3A_153 = tpu.memref_squeeze %dma_start3A_152 : memref<1x1x25x80xi32, #tpu.memory_space<hbm>> -> memref<25x80xi32, #tpu.memory_space<hbm>>
      tpu.enqueue_dma source(%dma_start3A_153 : memref<25x80xi32, #tpu.memory_space<hbm>>) target(%arg6 : memref<25x80xi32, #tpu.memory_space<vmem>>) target_semaphore(%run_scoped3A_145 : memref<!tpu.dma_semaphore, #tpu.memory_space<semaphore_mem>>)
      %dma_wait3A_154 = arith.constant 0 : i32
      %dma_wait3A_155 = arith.constant 0 : i32
      %dma_wait3A_156 = tpu.memref_slice %arg3[%add3A, %run_scoped3A_68, %dma_wait3A_154, %dma_wait3A_155] : memref<32x5x25x80xi32, #tpu.memory_space<hbm>> -> memref<1x1x25x80xi32, #tpu.memory_space<hbm>>
      %dma_wait3A_157 = tpu.memref_squeeze %dma_wait3A_156 : memref<1x1x25x80xi32, #tpu.memory_space<hbm>> -> memref<25x80xi32, #tpu.memory_space<hbm>>
      %dma_wait3A_158 = arith.constant 0 : i32
      %dma_wait3A_159 = arith.constant 0 : i32
      %dma_wait3A_160 = tpu.memref_slice %arg3[%add3A, %run_scoped3A_68, %dma_wait3A_158, %dma_wait3A_159] : memref<32x5x25x80xi32, #tpu.memory_space<hbm>> -> memref<1x1x25x80xi32, #tpu.memory_space<hbm>>
      %dma_wait3A_161 = tpu.memref_squeeze %dma_wait3A_160 : memref<1x1x25x80xi32, #tpu.memory_space<hbm>> -> memref<25x80xi32, #tpu.memory_space<hbm>>
      tpu.wait_dma2 semaphore(%run_scoped3A_145 : memref<!tpu.dma_semaphore, #tpu.memory_space<semaphore_mem>>) src(%dma_wait3A_161 : memref<25x80xi32, #tpu.memory_space<hbm>>) dst(%arg6 : memref<25x80xi32, #tpu.memory_space<vmem>>)
      tpu.yield
    }) : () -> ()
    %run_scoped3A_69 = arith.constant 2 : i32
    "tpu.region"() ({
      %run_scoped3A_145 = tpu.sem_alloc : memref<!tpu.dma_semaphore, #tpu.memory_space<semaphore_mem>>
      %dma_start3A_146 = arith.constant 0 : i32
      %dma_start3A_147 = arith.constant 0 : i32
      %dma_start3A_148 = tpu.memref_slice %arg4[%add3A, %run_scoped3A_69, %dma_start3A_146, %dma_start3A_147] : memref<32x5x25x80xi32, #tpu.memory_space<hbm>> -> memref<1x1x25x80xi32, #tpu.memory_space<hbm>>
      %dma_start3A_149 = tpu.memref_squeeze %dma_start3A_148 : memref<1x1x25x80xi32, #tpu.memory_space<hbm>> -> memref<25x80xi32, #tpu.memory_space<hbm>>
      %dma_start3A_150 = arith.constant 0 : i32
      %dma_start3A_151 = arith.constant 0 : i32
      %dma_start3A_152 = tpu.memref_slice %arg4[%add3A, %run_scoped3A_69, %dma_start3A_150, %dma_start3A_151] : memref<32x5x25x80xi32, #tpu.memory_space<hbm>> -> memref<1x1x25x80xi32, #tpu.memory_space<hbm>>
      %dma_start3A_153 = tpu.memref_squeeze %dma_start3A_152 : memref<1x1x25x80xi32, #tpu.memory_space<hbm>> -> memref<25x80xi32, #tpu.memory_space<hbm>>
      tpu.enqueue_dma source(%dma_start3A_153 : memref<25x80xi32, #tpu.memory_space<hbm>>) target(%arg7 : memref<25x80xi32, #tpu.memory_space<vmem>>) target_semaphore(%run_scoped3A_145 : memref<!tpu.dma_semaphore, #tpu.memory_space<semaphore_mem>>)
      %dma_wait3A_154 = arith.constant 0 : i32
      %dma_wait3A_155 = arith.constant 0 : i32
      %dma_wait3A_156 = tpu.memref_slice %arg4[%add3A, %run_scoped3A_69, %dma_wait3A_154, %dma_wait3A_155] : memref<32x5x25x80xi32, #tpu.memory_space<hbm>> -> memref<1x1x25x80xi32, #tpu.memory_space<hbm>>
      %dma_wait3A_157 = tpu.memref_squeeze %dma_wait3A_156 : memref<1x1x25x80xi32, #tpu.memory_space<hbm>> -> memref<25x80xi32, #tpu.memory_space<hbm>>
      %dma_wait3A_158 = arith.constant 0 : i32
      %dma_wait3A_159 = arith.constant 0 : i32
      %dma_wait3A_160 = tpu.memref_slice %arg4[%add3A, %run_scoped3A_69, %dma_wait3A_158, %dma_wait3A_159] : memref<32x5x25x80xi32, #tpu.memory_space<hbm>> -> memref<1x1x25x80xi32, #tpu.memory_space<hbm>>
      %dma_wait3A_161 = tpu.memref_squeeze %dma_wait3A_160 : memref<1x1x25x80xi32, #tpu.memory_space<hbm>> -> memref<25x80xi32, #tpu.memory_space<hbm>>
      tpu.wait_dma2 semaphore(%run_scoped3A_145 : memref<!tpu.dma_semaphore, #tpu.memory_space<semaphore_mem>>) src(%dma_wait3A_161 : memref<25x80xi32, #tpu.memory_space<hbm>>) dst(%arg7 : memref<25x80xi32, #tpu.memory_space<vmem>>)
      tpu.yield
    }) : () -> ()
    %dma_start3A_70 = arith.constant 0 : i32
    %dma_start3A_71 = arith.constant 0 : i32
    %dma_start3A_72 = tpu.memref_slice %arg6[%dma_start3A_70, %dma_start3A_71] : memref<25x80xi32, #tpu.memory_space<vmem>> -> memref<1x80xi32, #tpu.memory_space<vmem>>
    %dma_start3A_73 = tpu.memref_squeeze %dma_start3A_72 : memref<1x80xi32, #tpu.memory_space<vmem>> -> memref<80xi32, #tpu.memory_space<vmem>>
    %dma_start3A_74 = arith.constant 0 : i32
    %dma_start3A_75 = arith.constant 0 : i32
    %dma_start3A_76 = tpu.memref_slice %arg2[%dma_start3A_74, %dma_start3A_75] : memref<10240x128xf32, #tpu.memory_space<hbm>> -> memref<10240x128xf32, #tpu.memory_space<hbm>>
    tpu.enqueue_indirect_dma source(%dma_start3A_76 : memref<10240x128xf32, #tpu.memory_space<hbm>>) target(%arg8 : memref<80x128xf32, #tpu.memory_space<vmem>>) offsets(%dma_start3A_73 : memref<80xi32, #tpu.memory_space<vmem>>) semaphore(%arg11 : memref<!tpu.dma_semaphore, #tpu.memory_space<semaphore_mem>>)
    %scan3A_77 = arith.constant 0 : i32
    %scan3A_78 = arith.constant 0 : i32
    %scan3A_79 = arith.constant 12 : i32
    %scan3A_80 = arith.addi %scan3A_78, %scan3A_79 : i32
    %scan3A_81 = arith.constant 1 : i32
    %scan3A_82 = scf.for %scan3A_145 = %scan3A_78 to %scan3A_80 step %scan3A_81 iter_args(%scan3A_146 = %scan3A_77) -> (i32)  : i32 {
      %mul3A_147 = arith.constant 2 : i32
      %mul3A_148 = arith.muli %mul3A_147, %scan3A_145 : i32
      %add3A_149 = arith.constant 1 : i32
      %add3A_150 = arith.addi %mul3A_148, %add3A_149 : i32
      %dma_start3A_151 = arith.constant 0 : i32
      %dma_start3A_152 = tpu.memref_slice %arg6[%add3A_150, %dma_start3A_151] : memref<25x80xi32, #tpu.memory_space<vmem>> -> memref<1x80xi32, #tpu.memory_space<vmem>>
      %dma_start3A_153 = tpu.memref_squeeze %dma_start3A_152 : memref<1x80xi32, #tpu.memory_space<vmem>> -> memref<80xi32, #tpu.memory_space<vmem>>
      %dma_start3A_154 = arith.constant 0 : i32
      %dma_start3A_155 = arith.constant 0 : i32
      %dma_start3A_156 = tpu.memref_slice %arg2[%dma_start3A_154, %dma_start3A_155] : memref<10240x128xf32, #tpu.memory_space<hbm>> -> memref<10240x128xf32, #tpu.memory_space<hbm>>
      tpu.enqueue_indirect_dma source(%dma_start3A_156 : memref<10240x128xf32, #tpu.memory_space<hbm>>) target(%arg9 : memref<80x128xf32, #tpu.memory_space<vmem>>) offsets(%dma_start3A_153 : memref<80xi32, #tpu.memory_space<vmem>>) semaphore(%arg12 : memref<!tpu.dma_semaphore, #tpu.memory_space<semaphore_mem>>)
      %dma_wait3A_157 = arith.constant 0 : i32
      %dma_wait3A_158 = tpu.memref_slice %arg6[%mul3A_148, %dma_wait3A_157] : memref<25x80xi32, #tpu.memory_space<vmem>> -> memref<1x80xi32, #tpu.memory_space<vmem>>
      %dma_wait3A_159 = tpu.memref_squeeze %dma_wait3A_158 : memref<1x80xi32, #tpu.memory_space<vmem>> -> memref<80xi32, #tpu.memory_space<vmem>>
      %dma_wait3A_160 = arith.constant 0 : i32
      %dma_wait3A_161 = arith.constant 0 : i32
      %dma_wait3A_162 = tpu.memref_slice %arg2[%dma_wait3A_160, %dma_wait3A_161] : memref<10240x128xf32, #tpu.memory_space<hbm>> -> memref<10240x128xf32, #tpu.memory_space<hbm>>
      tpu.wait_indirect_dma semaphore(%arg11 : memref<!tpu.dma_semaphore, #tpu.memory_space<semaphore_mem>>) src(%dma_wait3A_162 : memref<10240x128xf32, #tpu.memory_space<hbm>>) dst(%arg8 : memref<80x128xf32, #tpu.memory_space<vmem>>)
      "tpu.region"() ({
        %run_scoped3A_182 = tpu.sem_alloc : memref<!tpu.dma_semaphore, #tpu.memory_space<semaphore_mem>>
        %dma_start3A_183 = arith.constant 0 : i32
        %dma_start3A_184 = tpu.memref_slice %arg7[%mul3A_148, %dma_start3A_183] : memref<25x80xi32, #tpu.memory_space<vmem>> -> memref<1x80xi32, #tpu.memory_space<vmem>>
        %dma_start3A_185 = tpu.memref_squeeze %dma_start3A_184 : memref<1x80xi32, #tpu.memory_space<vmem>> -> memref<80xi32, #tpu.memory_space<vmem>>
        %dma_start3A_186 = arith.constant 0 : i32
        %dma_start3A_187 = arith.constant 0 : i32
        %dma_start3A_188 = tpu.memref_slice %arg10[%dma_start3A_186, %dma_start3A_187] : memref<10240x128xf32, #tpu.memory_space<vmem_shared>> -> memref<10240x128xf32, #tpu.memory_space<vmem_shared>>
        tpu.enqueue_indirect_dma source(%arg8 : memref<80x128xf32, #tpu.memory_space<vmem>>) target(%dma_start3A_188 : memref<10240x128xf32, #tpu.memory_space<vmem_shared>>) offsets(%dma_start3A_185 : memref<80xi32, #tpu.memory_space<vmem>>) semaphore(%run_scoped3A_182 : memref<!tpu.dma_semaphore, #tpu.memory_space<semaphore_mem>>) {add = true}
        %dma_wait3A_189 = arith.constant 0 : i32
        %dma_wait3A_190 = tpu.memref_slice %arg7[%mul3A_148, %dma_wait3A_189] : memref<25x80xi32, #tpu.memory_space<vmem>> -> memref<1x80xi32, #tpu.memory_space<vmem>>
        %dma_wait3A_191 = tpu.memref_squeeze %dma_wait3A_190 : memref<1x80xi32, #tpu.memory_space<vmem>> -> memref<80xi32, #tpu.memory_space<vmem>>
        %dma_wait3A_192 = arith.constant 0 : i32
        %dma_wait3A_193 = arith.constant 0 : i32
        %dma_wait3A_194 = tpu.memref_slice %arg10[%dma_wait3A_192, %dma_wait3A_193] : memref<10240x128xf32, #tpu.memory_space<vmem_shared>> -> memref<10240x128xf32, #tpu.memory_space<vmem_shared>>
        tpu.wait_indirect_dma semaphore(%run_scoped3A_182 : memref<!tpu.dma_semaphore, #tpu.memory_space<semaphore_mem>>) src(%arg8 : memref<80x128xf32, #tpu.memory_space<vmem>>) dst(%dma_wait3A_194 : memref<10240x128xf32, #tpu.memory_space<vmem_shared>>)
        tpu.yield
      }) : () -> ()
      %add3A_163 = arith.constant 2 : i32
      %add3A_164 = arith.addi %mul3A_148, %add3A_163 : i32
      %dma_start3A_165 = arith.constant 0 : i32
      %dma_start3A_166 = tpu.memref_slice %arg6[%add3A_164, %dma_start3A_165] : memref<25x80xi32, #tpu.memory_space<vmem>> -> memref<1x80xi32, #tpu.memory_space<vmem>>
      %dma_start3A_167 = tpu.memref_squeeze %dma_start3A_166 : memref<1x80xi32, #tpu.memory_space<vmem>> -> memref<80xi32, #tpu.memory_space<vmem>>
      %dma_start3A_168 = arith.constant 0 : i32
      %dma_start3A_169 = arith.constant 0 : i32
      %dma_start3A_170 = tpu.memref_slice %arg2[%dma_start3A_168, %dma_start3A_169] : memref<10240x128xf32, #tpu.memory_space<hbm>> -> memref<10240x128xf32, #tpu.memory_space<hbm>>
      tpu.enqueue_indirect_dma source(%dma_start3A_170 : memref<10240x128xf32, #tpu.memory_space<hbm>>) target(%arg8 : memref<80x128xf32, #tpu.memory_space<vmem>>) offsets(%dma_start3A_167 : memref<80xi32, #tpu.memory_space<vmem>>) semaphore(%arg11 : memref<!tpu.dma_semaphore, #tpu.memory_space<semaphore_mem>>)
      %add3A_171 = arith.constant 1 : i32
      %add3A_172 = arith.addi %mul3A_148, %add3A_171 : i32
      %dma_wait3A_173 = arith.constant 0 : i32
      %dma_wait3A_174 = tpu.memref_slice %arg6[%add3A_172, %dma_wait3A_173] : memref<25x80xi32, #tpu.memory_space<vmem>> -> memref<1x80xi32, #tpu.memory_space<vmem>>
      %dma_wait3A_175 = tpu.memref_squeeze %dma_wait3A_174 : memref<1x80xi32, #tpu.memory_space<vmem>> -> memref<80xi32, #tpu.memory_space<vmem>>
      %dma_wait3A_176 = arith.constant 0 : i32
      %dma_wait3A_177 = arith.constant 0 : i32
      %dma_wait3A_178 = tpu.memref_slice %arg2[%dma_wait3A_176, %dma_wait3A_177] : memref<10240x128xf32, #tpu.memory_space<hbm>> -> memref<10240x128xf32, #tpu.memory_space<hbm>>
      tpu.wait_indirect_dma semaphore(%arg12 : memref<!tpu.dma_semaphore, #tpu.memory_space<semaphore_mem>>) src(%dma_wait3A_178 : memref<10240x128xf32, #tpu.memory_space<hbm>>) dst(%arg9 : memref<80x128xf32, #tpu.memory_space<vmem>>)
      %add3A_179 = arith.constant 1 : i32
      %add3A_180 = arith.addi %mul3A_148, %add3A_179 : i32
      "tpu.region"() ({
        %run_scoped3A_182 = tpu.sem_alloc : memref<!tpu.dma_semaphore, #tpu.memory_space<semaphore_mem>>
        %dma_start3A_183 = arith.constant 0 : i32
        %dma_start3A_184 = tpu.memref_slice %arg7[%add3A_180, %dma_start3A_183] : memref<25x80xi32, #tpu.memory_space<vmem>> -> memref<1x80xi32, #tpu.memory_space<vmem>>
        %dma_start3A_185 = tpu.memref_squeeze %dma_start3A_184 : memref<1x80xi32, #tpu.memory_space<vmem>> -> memref<80xi32, #tpu.memory_space<vmem>>
        %dma_start3A_186 = arith.constant 0 : i32
        %dma_start3A_187 = arith.constant 0 : i32
        %dma_start3A_188 = tpu.memref_slice %arg10[%dma_start3A_186, %dma_start3A_187] : memref<10240x128xf32, #tpu.memory_space<vmem_shared>> -> memref<10240x128xf32, #tpu.memory_space<vmem_shared>>
        tpu.enqueue_indirect_dma source(%arg9 : memref<80x128xf32, #tpu.memory_space<vmem>>) target(%dma_start3A_188 : memref<10240x128xf32, #tpu.memory_space<vmem_shared>>) offsets(%dma_start3A_185 : memref<80xi32, #tpu.memory_space<vmem>>) semaphore(%run_scoped3A_182 : memref<!tpu.dma_semaphore, #tpu.memory_space<semaphore_mem>>) {add = true}
        %dma_wait3A_189 = arith.constant 0 : i32
        %dma_wait3A_190 = tpu.memref_slice %arg7[%add3A_180, %dma_wait3A_189] : memref<25x80xi32, #tpu.memory_space<vmem>> -> memref<1x80xi32, #tpu.memory_space<vmem>>
        %dma_wait3A_191 = tpu.memref_squeeze %dma_wait3A_190 : memref<1x80xi32, #tpu.memory_space<vmem>> -> memref<80xi32, #tpu.memory_space<vmem>>
        %dma_wait3A_192 = arith.constant 0 : i32
        %dma_wait3A_193 = arith.constant 0 : i32
        %dma_wait3A_194 = tpu.memref_slice %arg10[%dma_wait3A_192, %dma_wait3A_193] : memref<10240x128xf32, #tpu.memory_space<vmem_shared>> -> memref<10240x128xf32, #tpu.memory_space<vmem_shared>>
        tpu.wait_indirect_dma semaphore(%run_scoped3A_182 : memref<!tpu.dma_semaphore, #tpu.memory_space<semaphore_mem>>) src(%arg9 : memref<80x128xf32, #tpu.memory_space<vmem>>) dst(%dma_wait3A_194 : memref<10240x128xf32, #tpu.memory_space<vmem_shared>>)
        tpu.yield
      }) : () -> ()
      %scan3A_181 = arith.constant 0 : i32
      scf.yield %scan3A_181 : i32
    }
    %scan3A_83 = arith.constant 12 : i32
    %dma_wait3A_84 = arith.constant 24 : i32
    %dma_wait3A_85 = arith.constant 0 : i32
    %dma_wait3A_86 = tpu.memref_slice %arg6[%dma_wait3A_84, %dma_wait3A_85] : memref<25x80xi32, #tpu.memory_space<vmem>> -> memref<1x80xi32, #tpu.memory_space<vmem>>
    %dma_wait3A_87 = tpu.memref_squeeze %dma_wait3A_86 : memref<1x80xi32, #tpu.memory_space<vmem>> -> memref<80xi32, #tpu.memory_space<vmem>>
    %dma_wait3A_88 = arith.constant 0 : i32
    %dma_wait3A_89 = arith.constant 0 : i32
    %dma_wait3A_90 = tpu.memref_slice %arg2[%dma_wait3A_88, %dma_wait3A_89] : memref<10240x128xf32, #tpu.memory_space<hbm>> -> memref<10240x128xf32, #tpu.memory_space<hbm>>
    tpu.wait_indirect_dma semaphore(%arg11 : memref<!tpu.dma_semaphore, #tpu.memory_space<semaphore_mem>>) src(%dma_wait3A_90 : memref<10240x128xf32, #tpu.memory_space<hbm>>) dst(%arg8 : memref<80x128xf32, #tpu.memory_space<vmem>>)
    %run_scoped3A_91 = arith.constant 24 : i32
    "tpu.region"() ({
      %run_scoped3A_145 = tpu.sem_alloc : memref<!tpu.dma_semaphore, #tpu.memory_space<semaphore_mem>>
      %dma_start3A_146 = arith.constant 0 : i32
      %dma_start3A_147 = tpu.memref_slice %arg7[%run_scoped3A_91, %dma_start3A_146] : memref<25x80xi32, #tpu.memory_space<vmem>> -> memref<1x80xi32, #tpu.memory_space<vmem>>
      %dma_start3A_148 = tpu.memref_squeeze %dma_start3A_147 : memref<1x80xi32, #tpu.memory_space<vmem>> -> memref<80xi32, #tpu.memory_space<vmem>>
      %dma_start3A_149 = arith.constant 0 : i32
      %dma_start3A_150 = arith.constant 0 : i32
      %dma_start3A_151 = tpu.memref_slice %arg10[%dma_start3A_149, %dma_start3A_150] : memref<10240x128xf32, #tpu.memory_space<vmem_shared>> -> memref<10240x128xf32, #tpu.memory_space<vmem_shared>>
      tpu.enqueue_indirect_dma source(%arg8 : memref<80x128xf32, #tpu.memory_space<vmem>>) target(%dma_start3A_151 : memref<10240x128xf32, #tpu.memory_space<vmem_shared>>) offsets(%dma_start3A_148 : memref<80xi32, #tpu.memory_space<vmem>>) semaphore(%run_scoped3A_145 : memref<!tpu.dma_semaphore, #tpu.memory_space<semaphore_mem>>) {add = true}
      %dma_wait3A_152 = arith.constant 0 : i32
      %dma_wait3A_153 = tpu.memref_slice %arg7[%run_scoped3A_91, %dma_wait3A_152] : memref<25x80xi32, #tpu.memory_space<vmem>> -> memref<1x80xi32, #tpu.memory_space<vmem>>
      %dma_wait3A_154 = tpu.memref_squeeze %dma_wait3A_153 : memref<1x80xi32, #tpu.memory_space<vmem>> -> memref<80xi32, #tpu.memory_space<vmem>>
      %dma_wait3A_155 = arith.constant 0 : i32
      %dma_wait3A_156 = arith.constant 0 : i32
      %dma_wait3A_157 = tpu.memref_slice %arg10[%dma_wait3A_155, %dma_wait3A_156] : memref<10240x128xf32, #tpu.memory_space<vmem_shared>> -> memref<10240x128xf32, #tpu.memory_space<vmem_shared>>
      tpu.wait_indirect_dma semaphore(%run_scoped3A_145 : memref<!tpu.dma_semaphore, #tpu.memory_space<semaphore_mem>>) src(%arg8 : memref<80x128xf32, #tpu.memory_space<vmem>>) dst(%dma_wait3A_157 : memref<10240x128xf32, #tpu.memory_space<vmem_shared>>)
      tpu.yield
    }) : () -> ()
    %run_scoped3A_92 = arith.constant 3 : i32
    "tpu.region"() ({
      %run_scoped3A_145 = tpu.sem_alloc : memref<!tpu.dma_semaphore, #tpu.memory_space<semaphore_mem>>
      %dma_start3A_146 = arith.constant 0 : i32
      %dma_start3A_147 = arith.constant 0 : i32
      %dma_start3A_148 = tpu.memref_slice %arg3[%add3A, %run_scoped3A_92, %dma_start3A_146, %dma_start3A_147] : memref<32x5x25x80xi32, #tpu.memory_space<hbm>> -> memref<1x1x25x80xi32, #tpu.memory_space<hbm>>
      %dma_start3A_149 = tpu.memref_squeeze %dma_start3A_148 : memref<1x1x25x80xi32, #tpu.memory_space<hbm>> -> memref<25x80xi32, #tpu.memory_space<hbm>>
      %dma_start3A_150 = arith.constant 0 : i32
      %dma_start3A_151 = arith.constant 0 : i32
      %dma_start3A_152 = tpu.memref_slice %arg3[%add3A, %run_scoped3A_92, %dma_start3A_150, %dma_start3A_151] : memref<32x5x25x80xi32, #tpu.memory_space<hbm>> -> memref<1x1x25x80xi32, #tpu.memory_space<hbm>>
      %dma_start3A_153 = tpu.memref_squeeze %dma_start3A_152 : memref<1x1x25x80xi32, #tpu.memory_space<hbm>> -> memref<25x80xi32, #tpu.memory_space<hbm>>
      tpu.enqueue_dma source(%dma_start3A_153 : memref<25x80xi32, #tpu.memory_space<hbm>>) target(%arg6 : memref<25x80xi32, #tpu.memory_space<vmem>>) target_semaphore(%run_scoped3A_145 : memref<!tpu.dma_semaphore, #tpu.memory_space<semaphore_mem>>)
      %dma_wait3A_154 = arith.constant 0 : i32
      %dma_wait3A_155 = arith.constant 0 : i32
      %dma_wait3A_156 = tpu.memref_slice %arg3[%add3A, %run_scoped3A_92, %dma_wait3A_154, %dma_wait3A_155] : memref<32x5x25x80xi32, #tpu.memory_space<hbm>> -> memref<1x1x25x80xi32, #tpu.memory_space<hbm>>
      %dma_wait3A_157 = tpu.memref_squeeze %dma_wait3A_156 : memref<1x1x25x80xi32, #tpu.memory_space<hbm>> -> memref<25x80xi32, #tpu.memory_space<hbm>>
      %dma_wait3A_158 = arith.constant 0 : i32
      %dma_wait3A_159 = arith.constant 0 : i32
      %dma_wait3A_160 = tpu.memref_slice %arg3[%add3A, %run_scoped3A_92, %dma_wait3A_158, %dma_wait3A_159] : memref<32x5x25x80xi32, #tpu.memory_space<hbm>> -> memref<1x1x25x80xi32, #tpu.memory_space<hbm>>
      %dma_wait3A_161 = tpu.memref_squeeze %dma_wait3A_160 : memref<1x1x25x80xi32, #tpu.memory_space<hbm>> -> memref<25x80xi32, #tpu.memory_space<hbm>>
      tpu.wait_dma2 semaphore(%run_scoped3A_145 : memref<!tpu.dma_semaphore, #tpu.memory_space<semaphore_mem>>) src(%dma_wait3A_161 : memref<25x80xi32, #tpu.memory_space<hbm>>) dst(%arg6 : memref<25x80xi32, #tpu.memory_space<vmem>>)
      tpu.yield
    }) : () -> ()
    %run_scoped3A_93 = arith.constant 3 : i32
    "tpu.region"() ({
      %run_scoped3A_145 = tpu.sem_alloc : memref<!tpu.dma_semaphore, #tpu.memory_space<semaphore_mem>>
      %dma_start3A_146 = arith.constant 0 : i32
      %dma_start3A_147 = arith.constant 0 : i32
      %dma_start3A_148 = tpu.memref_slice %arg4[%add3A, %run_scoped3A_93, %dma_start3A_146, %dma_start3A_147] : memref<32x5x25x80xi32, #tpu.memory_space<hbm>> -> memref<1x1x25x80xi32, #tpu.memory_space<hbm>>
      %dma_start3A_149 = tpu.memref_squeeze %dma_start3A_148 : memref<1x1x25x80xi32, #tpu.memory_space<hbm>> -> memref<25x80xi32, #tpu.memory_space<hbm>>
      %dma_start3A_150 = arith.constant 0 : i32
      %dma_start3A_151 = arith.constant 0 : i32
      %dma_start3A_152 = tpu.memref_slice %arg4[%add3A, %run_scoped3A_93, %dma_start3A_150, %dma_start3A_151] : memref<32x5x25x80xi32, #tpu.memory_space<hbm>> -> memref<1x1x25x80xi32, #tpu.memory_space<hbm>>
      %dma_start3A_153 = tpu.memref_squeeze %dma_start3A_152 : memref<1x1x25x80xi32, #tpu.memory_space<hbm>> -> memref<25x80xi32, #tpu.memory_space<hbm>>
      tpu.enqueue_dma source(%dma_start3A_153 : memref<25x80xi32, #tpu.memory_space<hbm>>) target(%arg7 : memref<25x80xi32, #tpu.memory_space<vmem>>) target_semaphore(%run_scoped3A_145 : memref<!tpu.dma_semaphore, #tpu.memory_space<semaphore_mem>>)
      %dma_wait3A_154 = arith.constant 0 : i32
      %dma_wait3A_155 = arith.constant 0 : i32
      %dma_wait3A_156 = tpu.memref_slice %arg4[%add3A, %run_scoped3A_93, %dma_wait3A_154, %dma_wait3A_155] : memref<32x5x25x80xi32, #tpu.memory_space<hbm>> -> memref<1x1x25x80xi32, #tpu.memory_space<hbm>>
      %dma_wait3A_157 = tpu.memref_squeeze %dma_wait3A_156 : memref<1x1x25x80xi32, #tpu.memory_space<hbm>> -> memref<25x80xi32, #tpu.memory_space<hbm>>
      %dma_wait3A_158 = arith.constant 0 : i32
      %dma_wait3A_159 = arith.constant 0 : i32
      %dma_wait3A_160 = tpu.memref_slice %arg4[%add3A, %run_scoped3A_93, %dma_wait3A_158, %dma_wait3A_159] : memref<32x5x25x80xi32, #tpu.memory_space<hbm>> -> memref<1x1x25x80xi32, #tpu.memory_space<hbm>>
      %dma_wait3A_161 = tpu.memref_squeeze %dma_wait3A_160 : memref<1x1x25x80xi32, #tpu.memory_space<hbm>> -> memref<25x80xi32, #tpu.memory_space<hbm>>
      tpu.wait_dma2 semaphore(%run_scoped3A_145 : memref<!tpu.dma_semaphore, #tpu.memory_space<semaphore_mem>>) src(%dma_wait3A_161 : memref<25x80xi32, #tpu.memory_space<hbm>>) dst(%arg7 : memref<25x80xi32, #tpu.memory_space<vmem>>)
      tpu.yield
    }) : () -> ()
    %dma_start3A_94 = arith.constant 0 : i32
    %dma_start3A_95 = arith.constant 0 : i32
    %dma_start3A_96 = tpu.memref_slice %arg6[%dma_start3A_94, %dma_start3A_95] : memref<25x80xi32, #tpu.memory_space<vmem>> -> memref<1x80xi32, #tpu.memory_space<vmem>>
    %dma_start3A_97 = tpu.memref_squeeze %dma_start3A_96 : memref<1x80xi32, #tpu.memory_space<vmem>> -> memref<80xi32, #tpu.memory_space<vmem>>
    %dma_start3A_98 = arith.constant 0 : i32
    %dma_start3A_99 = arith.constant 0 : i32
    %dma_start3A_100 = tpu.memref_slice %arg2[%dma_start3A_98, %dma_start3A_99] : memref<10240x128xf32, #tpu.memory_space<hbm>> -> memref<10240x128xf32, #tpu.memory_space<hbm>>
    tpu.enqueue_indirect_dma source(%dma_start3A_100 : memref<10240x128xf32, #tpu.memory_space<hbm>>) target(%arg8 : memref<80x128xf32, #tpu.memory_space<vmem>>) offsets(%dma_start3A_97 : memref<80xi32, #tpu.memory_space<vmem>>) semaphore(%arg11 : memref<!tpu.dma_semaphore, #tpu.memory_space<semaphore_mem>>)
    %scan3A_101 = arith.constant 0 : i32
    %scan3A_102 = arith.constant 0 : i32
    %scan3A_103 = arith.constant 12 : i32
    %scan3A_104 = arith.addi %scan3A_102, %scan3A_103 : i32
    %scan3A_105 = arith.constant 1 : i32
    %scan3A_106 = scf.for %scan3A_145 = %scan3A_102 to %scan3A_104 step %scan3A_105 iter_args(%scan3A_146 = %scan3A_101) -> (i32)  : i32 {
      %mul3A_147 = arith.constant 2 : i32
      %mul3A_148 = arith.muli %mul3A_147, %scan3A_145 : i32
      %add3A_149 = arith.constant 1 : i32
      %add3A_150 = arith.addi %mul3A_148, %add3A_149 : i32
      %dma_start3A_151 = arith.constant 0 : i32
      %dma_start3A_152 = tpu.memref_slice %arg6[%add3A_150, %dma_start3A_151] : memref<25x80xi32, #tpu.memory_space<vmem>> -> memref<1x80xi32, #tpu.memory_space<vmem>>
      %dma_start3A_153 = tpu.memref_squeeze %dma_start3A_152 : memref<1x80xi32, #tpu.memory_space<vmem>> -> memref<80xi32, #tpu.memory_space<vmem>>
      %dma_start3A_154 = arith.constant 0 : i32
      %dma_start3A_155 = arith.constant 0 : i32
      %dma_start3A_156 = tpu.memref_slice %arg2[%dma_start3A_154, %dma_start3A_155] : memref<10240x128xf32, #tpu.memory_space<hbm>> -> memref<10240x128xf32, #tpu.memory_space<hbm>>
      tpu.enqueue_indirect_dma source(%dma_start3A_156 : memref<10240x128xf32, #tpu.memory_space<hbm>>) target(%arg9 : memref<80x128xf32, #tpu.memory_space<vmem>>) offsets(%dma_start3A_153 : memref<80xi32, #tpu.memory_space<vmem>>) semaphore(%arg12 : memref<!tpu.dma_semaphore, #tpu.memory_space<semaphore_mem>>)
      %dma_wait3A_157 = arith.constant 0 : i32
      %dma_wait3A_158 = tpu.memref_slice %arg6[%mul3A_148, %dma_wait3A_157] : memref<25x80xi32, #tpu.memory_space<vmem>> -> memref<1x80xi32, #tpu.memory_space<vmem>>
      %dma_wait3A_159 = tpu.memref_squeeze %dma_wait3A_158 : memref<1x80xi32, #tpu.memory_space<vmem>> -> memref<80xi32, #tpu.memory_space<vmem>>
      %dma_wait3A_160 = arith.constant 0 : i32
      %dma_wait3A_161 = arith.constant 0 : i32
      %dma_wait3A_162 = tpu.memref_slice %arg2[%dma_wait3A_160, %dma_wait3A_161] : memref<10240x128xf32, #tpu.memory_space<hbm>> -> memref<10240x128xf32, #tpu.memory_space<hbm>>
      tpu.wait_indirect_dma semaphore(%arg11 : memref<!tpu.dma_semaphore, #tpu.memory_space<semaphore_mem>>) src(%dma_wait3A_162 : memref<10240x128xf32, #tpu.memory_space<hbm>>) dst(%arg8 : memref<80x128xf32, #tpu.memory_space<vmem>>)
      "tpu.region"() ({
        %run_scoped3A_182 = tpu.sem_alloc : memref<!tpu.dma_semaphore, #tpu.memory_space<semaphore_mem>>
        %dma_start3A_183 = arith.constant 0 : i32
        %dma_start3A_184 = tpu.memref_slice %arg7[%mul3A_148, %dma_start3A_183] : memref<25x80xi32, #tpu.memory_space<vmem>> -> memref<1x80xi32, #tpu.memory_space<vmem>>
        %dma_start3A_185 = tpu.memref_squeeze %dma_start3A_184 : memref<1x80xi32, #tpu.memory_space<vmem>> -> memref<80xi32, #tpu.memory_space<vmem>>
        %dma_start3A_186 = arith.constant 0 : i32
        %dma_start3A_187 = arith.constant 0 : i32
        %dma_start3A_188 = tpu.memref_slice %arg10[%dma_start3A_186, %dma_start3A_187] : memref<10240x128xf32, #tpu.memory_space<vmem_shared>> -> memref<10240x128xf32, #tpu.memory_space<vmem_shared>>
        tpu.enqueue_indirect_dma source(%arg8 : memref<80x128xf32, #tpu.memory_space<vmem>>) target(%dma_start3A_188 : memref<10240x128xf32, #tpu.memory_space<vmem_shared>>) offsets(%dma_start3A_185 : memref<80xi32, #tpu.memory_space<vmem>>) semaphore(%run_scoped3A_182 : memref<!tpu.dma_semaphore, #tpu.memory_space<semaphore_mem>>) {add = true}
        %dma_wait3A_189 = arith.constant 0 : i32
        %dma_wait3A_190 = tpu.memref_slice %arg7[%mul3A_148, %dma_wait3A_189] : memref<25x80xi32, #tpu.memory_space<vmem>> -> memref<1x80xi32, #tpu.memory_space<vmem>>
        %dma_wait3A_191 = tpu.memref_squeeze %dma_wait3A_190 : memref<1x80xi32, #tpu.memory_space<vmem>> -> memref<80xi32, #tpu.memory_space<vmem>>
        %dma_wait3A_192 = arith.constant 0 : i32
        %dma_wait3A_193 = arith.constant 0 : i32
        %dma_wait3A_194 = tpu.memref_slice %arg10[%dma_wait3A_192, %dma_wait3A_193] : memref<10240x128xf32, #tpu.memory_space<vmem_shared>> -> memref<10240x128xf32, #tpu.memory_space<vmem_shared>>
        tpu.wait_indirect_dma semaphore(%run_scoped3A_182 : memref<!tpu.dma_semaphore, #tpu.memory_space<semaphore_mem>>) src(%arg8 : memref<80x128xf32, #tpu.memory_space<vmem>>) dst(%dma_wait3A_194 : memref<10240x128xf32, #tpu.memory_space<vmem_shared>>)
        tpu.yield
      }) : () -> ()
      %add3A_163 = arith.constant 2 : i32
      %add3A_164 = arith.addi %mul3A_148, %add3A_163 : i32
      %dma_start3A_165 = arith.constant 0 : i32
      %dma_start3A_166 = tpu.memref_slice %arg6[%add3A_164, %dma_start3A_165] : memref<25x80xi32, #tpu.memory_space<vmem>> -> memref<1x80xi32, #tpu.memory_space<vmem>>
      %dma_start3A_167 = tpu.memref_squeeze %dma_start3A_166 : memref<1x80xi32, #tpu.memory_space<vmem>> -> memref<80xi32, #tpu.memory_space<vmem>>
      %dma_start3A_168 = arith.constant 0 : i32
      %dma_start3A_169 = arith.constant 0 : i32
      %dma_start3A_170 = tpu.memref_slice %arg2[%dma_start3A_168, %dma_start3A_169] : memref<10240x128xf32, #tpu.memory_space<hbm>> -> memref<10240x128xf32, #tpu.memory_space<hbm>>
      tpu.enqueue_indirect_dma source(%dma_start3A_170 : memref<10240x128xf32, #tpu.memory_space<hbm>>) target(%arg8 : memref<80x128xf32, #tpu.memory_space<vmem>>) offsets(%dma_start3A_167 : memref<80xi32, #tpu.memory_space<vmem>>) semaphore(%arg11 : memref<!tpu.dma_semaphore, #tpu.memory_space<semaphore_mem>>)
      %add3A_171 = arith.constant 1 : i32
      %add3A_172 = arith.addi %mul3A_148, %add3A_171 : i32
      %dma_wait3A_173 = arith.constant 0 : i32
      %dma_wait3A_174 = tpu.memref_slice %arg6[%add3A_172, %dma_wait3A_173] : memref<25x80xi32, #tpu.memory_space<vmem>> -> memref<1x80xi32, #tpu.memory_space<vmem>>
      %dma_wait3A_175 = tpu.memref_squeeze %dma_wait3A_174 : memref<1x80xi32, #tpu.memory_space<vmem>> -> memref<80xi32, #tpu.memory_space<vmem>>
      %dma_wait3A_176 = arith.constant 0 : i32
      %dma_wait3A_177 = arith.constant 0 : i32
      %dma_wait3A_178 = tpu.memref_slice %arg2[%dma_wait3A_176, %dma_wait3A_177] : memref<10240x128xf32, #tpu.memory_space<hbm>> -> memref<10240x128xf32, #tpu.memory_space<hbm>>
      tpu.wait_indirect_dma semaphore(%arg12 : memref<!tpu.dma_semaphore, #tpu.memory_space<semaphore_mem>>) src(%dma_wait3A_178 : memref<10240x128xf32, #tpu.memory_space<hbm>>) dst(%arg9 : memref<80x128xf32, #tpu.memory_space<vmem>>)
      %add3A_179 = arith.constant 1 : i32
      %add3A_180 = arith.addi %mul3A_148, %add3A_179 : i32
      "tpu.region"() ({
        %run_scoped3A_182 = tpu.sem_alloc : memref<!tpu.dma_semaphore, #tpu.memory_space<semaphore_mem>>
        %dma_start3A_183 = arith.constant 0 : i32
        %dma_start3A_184 = tpu.memref_slice %arg7[%add3A_180, %dma_start3A_183] : memref<25x80xi32, #tpu.memory_space<vmem>> -> memref<1x80xi32, #tpu.memory_space<vmem>>
        %dma_start3A_185 = tpu.memref_squeeze %dma_start3A_184 : memref<1x80xi32, #tpu.memory_space<vmem>> -> memref<80xi32, #tpu.memory_space<vmem>>
        %dma_start3A_186 = arith.constant 0 : i32
        %dma_start3A_187 = arith.constant 0 : i32
        %dma_start3A_188 = tpu.memref_slice %arg10[%dma_start3A_186, %dma_start3A_187] : memref<10240x128xf32, #tpu.memory_space<vmem_shared>> -> memref<10240x128xf32, #tpu.memory_space<vmem_shared>>
        tpu.enqueue_indirect_dma source(%arg9 : memref<80x128xf32, #tpu.memory_space<vmem>>) target(%dma_start3A_188 : memref<10240x128xf32, #tpu.memory_space<vmem_shared>>) offsets(%dma_start3A_185 : memref<80xi32, #tpu.memory_space<vmem>>) semaphore(%run_scoped3A_182 : memref<!tpu.dma_semaphore, #tpu.memory_space<semaphore_mem>>) {add = true}
        %dma_wait3A_189 = arith.constant 0 : i32
        %dma_wait3A_190 = tpu.memref_slice %arg7[%add3A_180, %dma_wait3A_189] : memref<25x80xi32, #tpu.memory_space<vmem>> -> memref<1x80xi32, #tpu.memory_space<vmem>>
        %dma_wait3A_191 = tpu.memref_squeeze %dma_wait3A_190 : memref<1x80xi32, #tpu.memory_space<vmem>> -> memref<80xi32, #tpu.memory_space<vmem>>
        %dma_wait3A_192 = arith.constant 0 : i32
        %dma_wait3A_193 = arith.constant 0 : i32
        %dma_wait3A_194 = tpu.memref_slice %arg10[%dma_wait3A_192, %dma_wait3A_193] : memref<10240x128xf32, #tpu.memory_space<vmem_shared>> -> memref<10240x128xf32, #tpu.memory_space<vmem_shared>>
        tpu.wait_indirect_dma semaphore(%run_scoped3A_182 : memref<!tpu.dma_semaphore, #tpu.memory_space<semaphore_mem>>) src(%arg9 : memref<80x128xf32, #tpu.memory_space<vmem>>) dst(%dma_wait3A_194 : memref<10240x128xf32, #tpu.memory_space<vmem_shared>>)
        tpu.yield
      }) : () -> ()
      %scan3A_181 = arith.constant 0 : i32
      scf.yield %scan3A_181 : i32
    }
    %scan3A_107 = arith.constant 12 : i32
    %dma_wait3A_108 = arith.constant 24 : i32
    %dma_wait3A_109 = arith.constant 0 : i32
    %dma_wait3A_110 = tpu.memref_slice %arg6[%dma_wait3A_108, %dma_wait3A_109] : memref<25x80xi32, #tpu.memory_space<vmem>> -> memref<1x80xi32, #tpu.memory_space<vmem>>
    %dma_wait3A_111 = tpu.memref_squeeze %dma_wait3A_110 : memref<1x80xi32, #tpu.memory_space<vmem>> -> memref<80xi32, #tpu.memory_space<vmem>>
    %dma_wait3A_112 = arith.constant 0 : i32
    %dma_wait3A_113 = arith.constant 0 : i32
    %dma_wait3A_114 = tpu.memref_slice %arg2[%dma_wait3A_112, %dma_wait3A_113] : memref<10240x128xf32, #tpu.memory_space<hbm>> -> memref<10240x128xf32, #tpu.memory_space<hbm>>
    tpu.wait_indirect_dma semaphore(%arg11 : memref<!tpu.dma_semaphore, #tpu.memory_space<semaphore_mem>>) src(%dma_wait3A_114 : memref<10240x128xf32, #tpu.memory_space<hbm>>) dst(%arg8 : memref<80x128xf32, #tpu.memory_space<vmem>>)
    %run_scoped3A_115 = arith.constant 24 : i32
    "tpu.region"() ({
      %run_scoped3A_145 = tpu.sem_alloc : memref<!tpu.dma_semaphore, #tpu.memory_space<semaphore_mem>>
      %dma_start3A_146 = arith.constant 0 : i32
      %dma_start3A_147 = tpu.memref_slice %arg7[%run_scoped3A_115, %dma_start3A_146] : memref<25x80xi32, #tpu.memory_space<vmem>> -> memref<1x80xi32, #tpu.memory_space<vmem>>
      %dma_start3A_148 = tpu.memref_squeeze %dma_start3A_147 : memref<1x80xi32, #tpu.memory_space<vmem>> -> memref<80xi32, #tpu.memory_space<vmem>>
      %dma_start3A_149 = arith.constant 0 : i32
      %dma_start3A_150 = arith.constant 0 : i32
      %dma_start3A_151 = tpu.memref_slice %arg10[%dma_start3A_149, %dma_start3A_150] : memref<10240x128xf32, #tpu.memory_space<vmem_shared>> -> memref<10240x128xf32, #tpu.memory_space<vmem_shared>>
      tpu.enqueue_indirect_dma source(%arg8 : memref<80x128xf32, #tpu.memory_space<vmem>>) target(%dma_start3A_151 : memref<10240x128xf32, #tpu.memory_space<vmem_shared>>) offsets(%dma_start3A_148 : memref<80xi32, #tpu.memory_space<vmem>>) semaphore(%run_scoped3A_145 : memref<!tpu.dma_semaphore, #tpu.memory_space<semaphore_mem>>) {add = true}
      %dma_wait3A_152 = arith.constant 0 : i32
      %dma_wait3A_153 = tpu.memref_slice %arg7[%run_scoped3A_115, %dma_wait3A_152] : memref<25x80xi32, #tpu.memory_space<vmem>> -> memref<1x80xi32, #tpu.memory_space<vmem>>
      %dma_wait3A_154 = tpu.memref_squeeze %dma_wait3A_153 : memref<1x80xi32, #tpu.memory_space<vmem>> -> memref<80xi32, #tpu.memory_space<vmem>>
      %dma_wait3A_155 = arith.constant 0 : i32
      %dma_wait3A_156 = arith.constant 0 : i32
      %dma_wait3A_157 = tpu.memref_slice %arg10[%dma_wait3A_155, %dma_wait3A_156] : memref<10240x128xf32, #tpu.memory_space<vmem_shared>> -> memref<10240x128xf32, #tpu.memory_space<vmem_shared>>
      tpu.wait_indirect_dma semaphore(%run_scoped3A_145 : memref<!tpu.dma_semaphore, #tpu.memory_space<semaphore_mem>>) src(%arg8 : memref<80x128xf32, #tpu.memory_space<vmem>>) dst(%dma_wait3A_157 : memref<10240x128xf32, #tpu.memory_space<vmem_shared>>)
      tpu.yield
    }) : () -> ()
    %run_scoped3A_116 = arith.constant 4 : i32
    "tpu.region"() ({
      %run_scoped3A_145 = tpu.sem_alloc : memref<!tpu.dma_semaphore, #tpu.memory_space<semaphore_mem>>
      %dma_start3A_146 = arith.constant 0 : i32
      %dma_start3A_147 = arith.constant 0 : i32
      %dma_start3A_148 = tpu.memref_slice %arg3[%add3A, %run_scoped3A_116, %dma_start3A_146, %dma_start3A_147] : memref<32x5x25x80xi32, #tpu.memory_space<hbm>> -> memref<1x1x25x80xi32, #tpu.memory_space<hbm>>
      %dma_start3A_149 = tpu.memref_squeeze %dma_start3A_148 : memref<1x1x25x80xi32, #tpu.memory_space<hbm>> -> memref<25x80xi32, #tpu.memory_space<hbm>>
      %dma_start3A_150 = arith.constant 0 : i32
      %dma_start3A_151 = arith.constant 0 : i32
      %dma_start3A_152 = tpu.memref_slice %arg3[%add3A, %run_scoped3A_116, %dma_start3A_150, %dma_start3A_151] : memref<32x5x25x80xi32, #tpu.memory_space<hbm>> -> memref<1x1x25x80xi32, #tpu.memory_space<hbm>>
      %dma_start3A_153 = tpu.memref_squeeze %dma_start3A_152 : memref<1x1x25x80xi32, #tpu.memory_space<hbm>> -> memref<25x80xi32, #tpu.memory_space<hbm>>
      tpu.enqueue_dma source(%dma_start3A_153 : memref<25x80xi32, #tpu.memory_space<hbm>>) target(%arg6 : memref<25x80xi32, #tpu.memory_space<vmem>>) target_semaphore(%run_scoped3A_145 : memref<!tpu.dma_semaphore, #tpu.memory_space<semaphore_mem>>)
      %dma_wait3A_154 = arith.constant 0 : i32
      %dma_wait3A_155 = arith.constant 0 : i32
      %dma_wait3A_156 = tpu.memref_slice %arg3[%add3A, %run_scoped3A_116, %dma_wait3A_154, %dma_wait3A_155] : memref<32x5x25x80xi32, #tpu.memory_space<hbm>> -> memref<1x1x25x80xi32, #tpu.memory_space<hbm>>
      %dma_wait3A_157 = tpu.memref_squeeze %dma_wait3A_156 : memref<1x1x25x80xi32, #tpu.memory_space<hbm>> -> memref<25x80xi32, #tpu.memory_space<hbm>>
      %dma_wait3A_158 = arith.constant 0 : i32
      %dma_wait3A_159 = arith.constant 0 : i32
      %dma_wait3A_160 = tpu.memref_slice %arg3[%add3A, %run_scoped3A_116, %dma_wait3A_158, %dma_wait3A_159] : memref<32x5x25x80xi32, #tpu.memory_space<hbm>> -> memref<1x1x25x80xi32, #tpu.memory_space<hbm>>
      %dma_wait3A_161 = tpu.memref_squeeze %dma_wait3A_160 : memref<1x1x25x80xi32, #tpu.memory_space<hbm>> -> memref<25x80xi32, #tpu.memory_space<hbm>>
      tpu.wait_dma2 semaphore(%run_scoped3A_145 : memref<!tpu.dma_semaphore, #tpu.memory_space<semaphore_mem>>) src(%dma_wait3A_161 : memref<25x80xi32, #tpu.memory_space<hbm>>) dst(%arg6 : memref<25x80xi32, #tpu.memory_space<vmem>>)
      tpu.yield
    }) : () -> ()
    %run_scoped3A_117 = arith.constant 4 : i32
    "tpu.region"() ({
      %run_scoped3A_145 = tpu.sem_alloc : memref<!tpu.dma_semaphore, #tpu.memory_space<semaphore_mem>>
      %dma_start3A_146 = arith.constant 0 : i32
      %dma_start3A_147 = arith.constant 0 : i32
      %dma_start3A_148 = tpu.memref_slice %arg4[%add3A, %run_scoped3A_117, %dma_start3A_146, %dma_start3A_147] : memref<32x5x25x80xi32, #tpu.memory_space<hbm>> -> memref<1x1x25x80xi32, #tpu.memory_space<hbm>>
      %dma_start3A_149 = tpu.memref_squeeze %dma_start3A_148 : memref<1x1x25x80xi32, #tpu.memory_space<hbm>> -> memref<25x80xi32, #tpu.memory_space<hbm>>
      %dma_start3A_150 = arith.constant 0 : i32
      %dma_start3A_151 = arith.constant 0 : i32
      %dma_start3A_152 = tpu.memref_slice %arg4[%add3A, %run_scoped3A_117, %dma_start3A_150, %dma_start3A_151] : memref<32x5x25x80xi32, #tpu.memory_space<hbm>> -> memref<1x1x25x80xi32, #tpu.memory_space<hbm>>
      %dma_start3A_153 = tpu.memref_squeeze %dma_start3A_152 : memref<1x1x25x80xi32, #tpu.memory_space<hbm>> -> memref<25x80xi32, #tpu.memory_space<hbm>>
      tpu.enqueue_dma source(%dma_start3A_153 : memref<25x80xi32, #tpu.memory_space<hbm>>) target(%arg7 : memref<25x80xi32, #tpu.memory_space<vmem>>) target_semaphore(%run_scoped3A_145 : memref<!tpu.dma_semaphore, #tpu.memory_space<semaphore_mem>>)
      %dma_wait3A_154 = arith.constant 0 : i32
      %dma_wait3A_155 = arith.constant 0 : i32
      %dma_wait3A_156 = tpu.memref_slice %arg4[%add3A, %run_scoped3A_117, %dma_wait3A_154, %dma_wait3A_155] : memref<32x5x25x80xi32, #tpu.memory_space<hbm>> -> memref<1x1x25x80xi32, #tpu.memory_space<hbm>>
      %dma_wait3A_157 = tpu.memref_squeeze %dma_wait3A_156 : memref<1x1x25x80xi32, #tpu.memory_space<hbm>> -> memref<25x80xi32, #tpu.memory_space<hbm>>
      %dma_wait3A_158 = arith.constant 0 : i32
      %dma_wait3A_159 = arith.constant 0 : i32
      %dma_wait3A_160 = tpu.memref_slice %arg4[%add3A, %run_scoped3A_117, %dma_wait3A_158, %dma_wait3A_159] : memref<32x5x25x80xi32, #tpu.memory_space<hbm>> -> memref<1x1x25x80xi32, #tpu.memory_space<hbm>>
      %dma_wait3A_161 = tpu.memref_squeeze %dma_wait3A_160 : memref<1x1x25x80xi32, #tpu.memory_space<hbm>> -> memref<25x80xi32, #tpu.memory_space<hbm>>
      tpu.wait_dma2 semaphore(%run_scoped3A_145 : memref<!tpu.dma_semaphore, #tpu.memory_space<semaphore_mem>>) src(%dma_wait3A_161 : memref<25x80xi32, #tpu.memory_space<hbm>>) dst(%arg7 : memref<25x80xi32, #tpu.memory_space<vmem>>)
      tpu.yield
    }) : () -> ()
    %dma_start3A_118 = arith.constant 0 : i32
    %dma_start3A_119 = arith.constant 0 : i32
    %dma_start3A_120 = tpu.memref_slice %arg6[%dma_start3A_118, %dma_start3A_119] : memref<25x80xi32, #tpu.memory_space<vmem>> -> memref<1x80xi32, #tpu.memory_space<vmem>>
    %dma_start3A_121 = tpu.memref_squeeze %dma_start3A_120 : memref<1x80xi32, #tpu.memory_space<vmem>> -> memref<80xi32, #tpu.memory_space<vmem>>
    %dma_start3A_122 = arith.constant 0 : i32
    %dma_start3A_123 = arith.constant 0 : i32
    %dma_start3A_124 = tpu.memref_slice %arg2[%dma_start3A_122, %dma_start3A_123] : memref<10240x128xf32, #tpu.memory_space<hbm>> -> memref<10240x128xf32, #tpu.memory_space<hbm>>
    tpu.enqueue_indirect_dma source(%dma_start3A_124 : memref<10240x128xf32, #tpu.memory_space<hbm>>) target(%arg8 : memref<80x128xf32, #tpu.memory_space<vmem>>) offsets(%dma_start3A_121 : memref<80xi32, #tpu.memory_space<vmem>>) semaphore(%arg11 : memref<!tpu.dma_semaphore, #tpu.memory_space<semaphore_mem>>)
    %scan3A_125 = arith.constant 0 : i32
    %scan3A_126 = arith.constant 0 : i32
    %scan3A_127 = arith.constant 12 : i32
    %scan3A_128 = arith.addi %scan3A_126, %scan3A_127 : i32
    %scan3A_129 = arith.constant 1 : i32
    %scan3A_130 = scf.for %scan3A_145 = %scan3A_126 to %scan3A_128 step %scan3A_129 iter_args(%scan3A_146 = %scan3A_125) -> (i32)  : i32 {
      %mul3A_147 = arith.constant 2 : i32
      %mul3A_148 = arith.muli %mul3A_147, %scan3A_145 : i32
      %add3A_149 = arith.constant 1 : i32
      %add3A_150 = arith.addi %mul3A_148, %add3A_149 : i32
      %dma_start3A_151 = arith.constant 0 : i32
      %dma_start3A_152 = tpu.memref_slice %arg6[%add3A_150, %dma_start3A_151] : memref<25x80xi32, #tpu.memory_space<vmem>> -> memref<1x80xi32, #tpu.memory_space<vmem>>
      %dma_start3A_153 = tpu.memref_squeeze %dma_start3A_152 : memref<1x80xi32, #tpu.memory_space<vmem>> -> memref<80xi32, #tpu.memory_space<vmem>>
      %dma_start3A_154 = arith.constant 0 : i32
      %dma_start3A_155 = arith.constant 0 : i32
      %dma_start3A_156 = tpu.memref_slice %arg2[%dma_start3A_154, %dma_start3A_155] : memref<10240x128xf32, #tpu.memory_space<hbm>> -> memref<10240x128xf32, #tpu.memory_space<hbm>>
      tpu.enqueue_indirect_dma source(%dma_start3A_156 : memref<10240x128xf32, #tpu.memory_space<hbm>>) target(%arg9 : memref<80x128xf32, #tpu.memory_space<vmem>>) offsets(%dma_start3A_153 : memref<80xi32, #tpu.memory_space<vmem>>) semaphore(%arg12 : memref<!tpu.dma_semaphore, #tpu.memory_space<semaphore_mem>>)
      %dma_wait3A_157 = arith.constant 0 : i32
      %dma_wait3A_158 = tpu.memref_slice %arg6[%mul3A_148, %dma_wait3A_157] : memref<25x80xi32, #tpu.memory_space<vmem>> -> memref<1x80xi32, #tpu.memory_space<vmem>>
      %dma_wait3A_159 = tpu.memref_squeeze %dma_wait3A_158 : memref<1x80xi32, #tpu.memory_space<vmem>> -> memref<80xi32, #tpu.memory_space<vmem>>
      %dma_wait3A_160 = arith.constant 0 : i32
      %dma_wait3A_161 = arith.constant 0 : i32
      %dma_wait3A_162 = tpu.memref_slice %arg2[%dma_wait3A_160, %dma_wait3A_161] : memref<10240x128xf32, #tpu.memory_space<hbm>> -> memref<10240x128xf32, #tpu.memory_space<hbm>>
      tpu.wait_indirect_dma semaphore(%arg11 : memref<!tpu.dma_semaphore, #tpu.memory_space<semaphore_mem>>) src(%dma_wait3A_162 : memref<10240x128xf32, #tpu.memory_space<hbm>>) dst(%arg8 : memref<80x128xf32, #tpu.memory_space<vmem>>)
      "tpu.region"() ({
        %run_scoped3A_182 = tpu.sem_alloc : memref<!tpu.dma_semaphore, #tpu.memory_space<semaphore_mem>>
        %dma_start3A_183 = arith.constant 0 : i32
        %dma_start3A_184 = tpu.memref_slice %arg7[%mul3A_148, %dma_start3A_183] : memref<25x80xi32, #tpu.memory_space<vmem>> -> memref<1x80xi32, #tpu.memory_space<vmem>>
        %dma_start3A_185 = tpu.memref_squeeze %dma_start3A_184 : memref<1x80xi32, #tpu.memory_space<vmem>> -> memref<80xi32, #tpu.memory_space<vmem>>
        %dma_start3A_186 = arith.constant 0 : i32
        %dma_start3A_187 = arith.constant 0 : i32
        %dma_start3A_188 = tpu.memref_slice %arg10[%dma_start3A_186, %dma_start3A_187] : memref<10240x128xf32, #tpu.memory_space<vmem_shared>> -> memref<10240x128xf32, #tpu.memory_space<vmem_shared>>
        tpu.enqueue_indirect_dma source(%arg8 : memref<80x128xf32, #tpu.memory_space<vmem>>) target(%dma_start3A_188 : memref<10240x128xf32, #tpu.memory_space<vmem_shared>>) offsets(%dma_start3A_185 : memref<80xi32, #tpu.memory_space<vmem>>) semaphore(%run_scoped3A_182 : memref<!tpu.dma_semaphore, #tpu.memory_space<semaphore_mem>>) {add = true}
        %dma_wait3A_189 = arith.constant 0 : i32
        %dma_wait3A_190 = tpu.memref_slice %arg7[%mul3A_148, %dma_wait3A_189] : memref<25x80xi32, #tpu.memory_space<vmem>> -> memref<1x80xi32, #tpu.memory_space<vmem>>
        %dma_wait3A_191 = tpu.memref_squeeze %dma_wait3A_190 : memref<1x80xi32, #tpu.memory_space<vmem>> -> memref<80xi32, #tpu.memory_space<vmem>>
        %dma_wait3A_192 = arith.constant 0 : i32
        %dma_wait3A_193 = arith.constant 0 : i32
        %dma_wait3A_194 = tpu.memref_slice %arg10[%dma_wait3A_192, %dma_wait3A_193] : memref<10240x128xf32, #tpu.memory_space<vmem_shared>> -> memref<10240x128xf32, #tpu.memory_space<vmem_shared>>
        tpu.wait_indirect_dma semaphore(%run_scoped3A_182 : memref<!tpu.dma_semaphore, #tpu.memory_space<semaphore_mem>>) src(%arg8 : memref<80x128xf32, #tpu.memory_space<vmem>>) dst(%dma_wait3A_194 : memref<10240x128xf32, #tpu.memory_space<vmem_shared>>)
        tpu.yield
      }) : () -> ()
      %add3A_163 = arith.constant 2 : i32
      %add3A_164 = arith.addi %mul3A_148, %add3A_163 : i32
      %dma_start3A_165 = arith.constant 0 : i32
      %dma_start3A_166 = tpu.memref_slice %arg6[%add3A_164, %dma_start3A_165] : memref<25x80xi32, #tpu.memory_space<vmem>> -> memref<1x80xi32, #tpu.memory_space<vmem>>
      %dma_start3A_167 = tpu.memref_squeeze %dma_start3A_166 : memref<1x80xi32, #tpu.memory_space<vmem>> -> memref<80xi32, #tpu.memory_space<vmem>>
      %dma_start3A_168 = arith.constant 0 : i32
      %dma_start3A_169 = arith.constant 0 : i32
      %dma_start3A_170 = tpu.memref_slice %arg2[%dma_start3A_168, %dma_start3A_169] : memref<10240x128xf32, #tpu.memory_space<hbm>> -> memref<10240x128xf32, #tpu.memory_space<hbm>>
      tpu.enqueue_indirect_dma source(%dma_start3A_170 : memref<10240x128xf32, #tpu.memory_space<hbm>>) target(%arg8 : memref<80x128xf32, #tpu.memory_space<vmem>>) offsets(%dma_start3A_167 : memref<80xi32, #tpu.memory_space<vmem>>) semaphore(%arg11 : memref<!tpu.dma_semaphore, #tpu.memory_space<semaphore_mem>>)
      %add3A_171 = arith.constant 1 : i32
      %add3A_172 = arith.addi %mul3A_148, %add3A_171 : i32
      %dma_wait3A_173 = arith.constant 0 : i32
      %dma_wait3A_174 = tpu.memref_slice %arg6[%add3A_172, %dma_wait3A_173] : memref<25x80xi32, #tpu.memory_space<vmem>> -> memref<1x80xi32, #tpu.memory_space<vmem>>
      %dma_wait3A_175 = tpu.memref_squeeze %dma_wait3A_174 : memref<1x80xi32, #tpu.memory_space<vmem>> -> memref<80xi32, #tpu.memory_space<vmem>>
      %dma_wait3A_176 = arith.constant 0 : i32
      %dma_wait3A_177 = arith.constant 0 : i32
      %dma_wait3A_178 = tpu.memref_slice %arg2[%dma_wait3A_176, %dma_wait3A_177] : memref<10240x128xf32, #tpu.memory_space<hbm>> -> memref<10240x128xf32, #tpu.memory_space<hbm>>
      tpu.wait_indirect_dma semaphore(%arg12 : memref<!tpu.dma_semaphore, #tpu.memory_space<semaphore_mem>>) src(%dma_wait3A_178 : memref<10240x128xf32, #tpu.memory_space<hbm>>) dst(%arg9 : memref<80x128xf32, #tpu.memory_space<vmem>>)
      %add3A_179 = arith.constant 1 : i32
      %add3A_180 = arith.addi %mul3A_148, %add3A_179 : i32
      "tpu.region"() ({
        %run_scoped3A_182 = tpu.sem_alloc : memref<!tpu.dma_semaphore, #tpu.memory_space<semaphore_mem>>
        %dma_start3A_183 = arith.constant 0 : i32
        %dma_start3A_184 = tpu.memref_slice %arg7[%add3A_180, %dma_start3A_183] : memref<25x80xi32, #tpu.memory_space<vmem>> -> memref<1x80xi32, #tpu.memory_space<vmem>>
        %dma_start3A_185 = tpu.memref_squeeze %dma_start3A_184 : memref<1x80xi32, #tpu.memory_space<vmem>> -> memref<80xi32, #tpu.memory_space<vmem>>
        %dma_start3A_186 = arith.constant 0 : i32
        %dma_start3A_187 = arith.constant 0 : i32
        %dma_start3A_188 = tpu.memref_slice %arg10[%dma_start3A_186, %dma_start3A_187] : memref<10240x128xf32, #tpu.memory_space<vmem_shared>> -> memref<10240x128xf32, #tpu.memory_space<vmem_shared>>
        tpu.enqueue_indirect_dma source(%arg9 : memref<80x128xf32, #tpu.memory_space<vmem>>) target(%dma_start3A_188 : memref<10240x128xf32, #tpu.memory_space<vmem_shared>>) offsets(%dma_start3A_185 : memref<80xi32, #tpu.memory_space<vmem>>) semaphore(%run_scoped3A_182 : memref<!tpu.dma_semaphore, #tpu.memory_space<semaphore_mem>>) {add = true}
        %dma_wait3A_189 = arith.constant 0 : i32
        %dma_wait3A_190 = tpu.memref_slice %arg7[%add3A_180, %dma_wait3A_189] : memref<25x80xi32, #tpu.memory_space<vmem>> -> memref<1x80xi32, #tpu.memory_space<vmem>>
        %dma_wait3A_191 = tpu.memref_squeeze %dma_wait3A_190 : memref<1x80xi32, #tpu.memory_space<vmem>> -> memref<80xi32, #tpu.memory_space<vmem>>
        %dma_wait3A_192 = arith.constant 0 : i32
        %dma_wait3A_193 = arith.constant 0 : i32
        %dma_wait3A_194 = tpu.memref_slice %arg10[%dma_wait3A_192, %dma_wait3A_193] : memref<10240x128xf32, #tpu.memory_space<vmem_shared>> -> memref<10240x128xf32, #tpu.memory_space<vmem_shared>>
        tpu.wait_indirect_dma semaphore(%run_scoped3A_182 : memref<!tpu.dma_semaphore, #tpu.memory_space<semaphore_mem>>) src(%arg9 : memref<80x128xf32, #tpu.memory_space<vmem>>) dst(%dma_wait3A_194 : memref<10240x128xf32, #tpu.memory_space<vmem_shared>>)
        tpu.yield
      }) : () -> ()
      %scan3A_181 = arith.constant 0 : i32
      scf.yield %scan3A_181 : i32
    }
    %scan3A_131 = arith.constant 12 : i32
    %dma_wait3A_132 = arith.constant 24 : i32
    %dma_wait3A_133 = arith.constant 0 : i32
    %dma_wait3A_134 = tpu.memref_slice %arg6[%dma_wait3A_132, %dma_wait3A_133] : memref<25x80xi32, #tpu.memory_space<vmem>> -> memref<1x80xi32, #tpu.memory_space<vmem>>
    %dma_wait3A_135 = tpu.memref_squeeze %dma_wait3A_134 : memref<1x80xi32, #tpu.memory_space<vmem>> -> memref<80xi32, #tpu.memory_space<vmem>>
    %dma_wait3A_136 = arith.constant 0 : i32
    %dma_wait3A_137 = arith.constant 0 : i32
    %dma_wait3A_138 = tpu.memref_slice %arg2[%dma_wait3A_136, %dma_wait3A_137] : memref<10240x128xf32, #tpu.memory_space<hbm>> -> memref<10240x128xf32, #tpu.memory_space<hbm>>
    tpu.wait_indirect_dma semaphore(%arg11 : memref<!tpu.dma_semaphore, #tpu.memory_space<semaphore_mem>>) src(%dma_wait3A_138 : memref<10240x128xf32, #tpu.memory_space<hbm>>) dst(%arg8 : memref<80x128xf32, #tpu.memory_space<vmem>>)
    %run_scoped3A_139 = arith.constant 24 : i32
    "tpu.region"() ({
      %run_scoped3A_145 = tpu.sem_alloc : memref<!tpu.dma_semaphore, #tpu.memory_space<semaphore_mem>>
      %dma_start3A_146 = arith.constant 0 : i32
      %dma_start3A_147 = tpu.memref_slice %arg7[%run_scoped3A_139, %dma_start3A_146] : memref<25x80xi32, #tpu.memory_space<vmem>> -> memref<1x80xi32, #tpu.memory_space<vmem>>
      %dma_start3A_148 = tpu.memref_squeeze %dma_start3A_147 : memref<1x80xi32, #tpu.memory_space<vmem>> -> memref<80xi32, #tpu.memory_space<vmem>>
      %dma_start3A_149 = arith.constant 0 : i32
      %dma_start3A_150 = arith.constant 0 : i32
      %dma_start3A_151 = tpu.memref_slice %arg10[%dma_start3A_149, %dma_start3A_150] : memref<10240x128xf32, #tpu.memory_space<vmem_shared>> -> memref<10240x128xf32, #tpu.memory_space<vmem_shared>>
      tpu.enqueue_indirect_dma source(%arg8 : memref<80x128xf32, #tpu.memory_space<vmem>>) target(%dma_start3A_151 : memref<10240x128xf32, #tpu.memory_space<vmem_shared>>) offsets(%dma_start3A_148 : memref<80xi32, #tpu.memory_space<vmem>>) semaphore(%run_scoped3A_145 : memref<!tpu.dma_semaphore, #tpu.memory_space<semaphore_mem>>) {add = true}
      %dma_wait3A_152 = arith.constant 0 : i32
      %dma_wait3A_153 = tpu.memref_slice %arg7[%run_scoped3A_139, %dma_wait3A_152] : memref<25x80xi32, #tpu.memory_space<vmem>> -> memref<1x80xi32, #tpu.memory_space<vmem>>
      %dma_wait3A_154 = tpu.memref_squeeze %dma_wait3A_153 : memref<1x80xi32, #tpu.memory_space<vmem>> -> memref<80xi32, #tpu.memory_space<vmem>>
      %dma_wait3A_155 = arith.constant 0 : i32
      %dma_wait3A_156 = arith.constant 0 : i32
      %dma_wait3A_157 = tpu.memref_slice %arg10[%dma_wait3A_155, %dma_wait3A_156] : memref<10240x128xf32, #tpu.memory_space<vmem_shared>> -> memref<10240x128xf32, #tpu.memory_space<vmem_shared>>
      tpu.wait_indirect_dma semaphore(%run_scoped3A_145 : memref<!tpu.dma_semaphore, #tpu.memory_space<semaphore_mem>>) src(%arg8 : memref<80x128xf32, #tpu.memory_space<vmem>>) dst(%dma_wait3A_157 : memref<10240x128xf32, #tpu.memory_space<vmem_shared>>)
      tpu.yield
    }) : () -> ()
    %barrier3A_140 = arith.constant 0 : index
    tpu.barrier barrier_id(%barrier3A_140)
    %mul3A_141 = arith.constant 640 : i32
    %mul3A_142 = arith.muli %arg1, %mul3A_141 : i32
    %mul3A_143 = arith.constant 640 : i32
    %mul3A_144 = arith.muli %arg1, %mul3A_143 : i32
    "tpu.region"() ({
      %run_scoped3A_145 = tpu.sem_alloc : memref<!tpu.dma_semaphore, #tpu.memory_space<semaphore_mem>>
      %dma_start3A_146 = arith.constant 0 : i32
      %dma_start3A_147 = tpu.memref_slice %arg5[%arg0, %mul3A_144, %dma_start3A_146] : memref<2x10240x128xf32, #tpu.memory_space<hbm>> -> memref<1x640x128xf32, #tpu.memory_space<hbm>>
      %dma_start3A_148 = tpu.memref_squeeze %dma_start3A_147 : memref<1x640x128xf32, #tpu.memory_space<hbm>> -> memref<640x128xf32, #tpu.memory_space<hbm>>
      %dma_start3A_149 = arith.constant 0 : i32
      %dma_start3A_150 = tpu.memref_slice %arg10[%mul3A_142, %dma_start3A_149] : memref<10240x128xf32, #tpu.memory_space<vmem_shared>> -> memref<640x128xf32, #tpu.memory_space<vmem_shared>>
      tpu.enqueue_dma source(%dma_start3A_150 : memref<640x128xf32, #tpu.memory_space<vmem_shared>>) target(%dma_start3A_148 : memref<640x128xf32, #tpu.memory_space<hbm>>) target_semaphore(%run_scoped3A_145 : memref<!tpu.dma_semaphore, #tpu.memory_space<semaphore_mem>>)
      %dma_wait3A_151 = arith.constant 0 : i32
      %dma_wait3A_152 = tpu.memref_slice %arg5[%arg0, %mul3A_144, %dma_wait3A_151] : memref<2x10240x128xf32, #tpu.memory_space<hbm>> -> memref<1x640x128xf32, #tpu.memory_space<hbm>>
      %dma_wait3A_153 = tpu.memref_squeeze %dma_wait3A_152 : memref<1x640x128xf32, #tpu.memory_space<hbm>> -> memref<640x128xf32, #tpu.memory_space<hbm>>
      %dma_wait3A_154 = arith.constant 0 : i32
      %dma_wait3A_155 = tpu.memref_slice %arg10[%mul3A_142, %dma_wait3A_154] : memref<10240x128xf32, #tpu.memory_space<vmem_shared>> -> memref<640x128xf32, #tpu.memory_space<vmem_shared>>
      tpu.wait_dma2 semaphore(%run_scoped3A_145 : memref<!tpu.dma_semaphore, #tpu.memory_space<semaphore_mem>>) src(%dma_wait3A_155 : memref<640x128xf32, #tpu.memory_space<vmem_shared>>) dst(%dma_wait3A_153 : memref<640x128xf32, #tpu.memory_space<hbm>>)
      tpu.yield
    }) : () -> ()
    return
  }
}

#map = affine_map<(d0, d1) -> (0, 0)>
#map1 = affine_map<(d0, d1) -> (0, 0, 0, 0)>
#map2 = affine_map<(d0, d1) -> (0, 0, 0)>
module attributes {stable_mosaic.version = 14 : i64} {
  func.func @seg_k(%arg0: i32, %arg1: i32, %arg2: memref<10240x128xf32, #tpu.memory_space<hbm>>, %arg3: memref<32x5x25x80xi32, #tpu.memory_space<hbm>>, %arg4: memref<32x5x25x80xi32, #tpu.memory_space<hbm>>, %arg5: memref<2x10240x128xf32, #tpu.memory_space<hbm>>, %arg6: memref<25x80xi32, #tpu.memory_space<vmem>>, %arg7: memref<25x80xi32, #tpu.memory_space<vmem>>, %arg8: memref<80x128xf32, #tpu.memory_space<vmem>>, %arg9: memref<80x128xf32, #tpu.memory_space<vmem>>, %arg10: memref<10240x128xf32, #tpu.memory_space<vmem_shared>>, %arg11: memref<!tpu.dma_semaphore, #tpu.memory_space<semaphore_mem>>, %arg12: memref<!tpu.dma_semaphore, #tpu.memory_space<semaphore_mem>>) attributes {dimension_semantics = [#tpu.dimension_semantics<core_parallel>, #tpu.dimension_semantics<subcore_parallel>], iteration_bounds = array<i64: 2, 16>, scalar_prefetch = 0 : i64, scratch_operands = 7 : i64, tpu.core_type = #tpu.core_type<sc_vector_subcore>, window_params = [{transform_indices = #map}, {transform_indices = #map1}, {transform_indices = #map1}, {transform_indices = #map2}]} {
    %mul3A = arith.constant 2 : i32
    %mul3A_0 = arith.muli %arg1, %mul3A : i32
    %add3A = arith.addi %mul3A_0, %arg0 : i32
    %broadcast_in_dim3A = arith.constant 0.000000e+00 : f32
    %broadcast_in_dim3A_1 = vector.broadcast %broadcast_in_dim3A : f32 to vector<16xf32>
    %iota3A = tpu.iota {dimensions = array<i32: 0>} : vector<16xi32>
    %scan3A = arith.constant 0 : i32
    %scan3A_2 = arith.constant 0 : i32
    %scan3A_3 = arith.constant 80 : i32
    %scan3A_4 = arith.addi %scan3A_2, %scan3A_3 : i32
    %scan3A_5 = arith.constant 1 : i32
    %scan3A_6 = scf.for %scan3A_145 = %scan3A_2 to %scan3A_4 step %scan3A_5 iter_args(%scan3A_146 = %scan3A) -> (i32)  : i32 {
      %scan3A_147 = arith.constant 0 : i32
      %scan3A_148 = arith.constant 0 : i32
      %scan3A_149 = arith.constant 8 : i32
      %scan3A_150 = arith.addi %scan3A_148, %scan3A_149 : i32
      %scan3A_151 = arith.constant 1 : i32
      %scan3A_152 = scf.for %scan3A_154 = %scan3A_148 to %scan3A_150 step %scan3A_151 iter_args(%scan3A_155 = %scan3A_147) -> (i32)  : i32 {
        %mul3A_156 = arith.constant 16 : i32
        %mul3A_157 = arith.muli %scan3A_154, %mul3A_156 : i32
        %swap3A = arith.index_cast %scan3A_145 : i32 to index
        %swap3A_158 = arith.index_cast %mul3A_157 : i32 to index
        %swap3A_159 = tpu.vector_load %arg8[%swap3A, %swap3A_158] {strides = array<i32>} : memref<80x128xf32, #tpu.memory_space<vmem>>, vector<1x16xf32>,
        %swap3A_160 = vector.shape_cast %swap3A_159 : vector<1x16xf32> to vector<16xf32>
        %swap3A_161 = vector.shape_cast %broadcast_in_dim3A_1 : vector<16xf32> to vector<1x16xf32>
        tpu.vector_store %arg8[%swap3A, %swap3A_158], %swap3A_161 {strides = array<i32>} : memref<80x128xf32, #tpu.memory_space<vmem>>, vector<1x16xf32>,
        %scan3A_162 = arith.constant 0 : i32
        scf.yield %scan3A_162 : i32
      }
      %scan3A_153 = arith.constant 8 : i32
      scf.yield %scan3A_152 : i32
    }
    %scan3A_7 = arith.constant 80 : i32
    %scan3A_8 = arith.constant 0 : i32
    %scan3A_9 = arith.constant 0 : i32
    %scan3A_10 = arith.constant 8 : i32
    %scan3A_11 = arith.addi %scan3A_9, %scan3A_10 : i32
    %scan3A_12 = arith.constant 1 : i32
    %scan3A_13 = scf.for %scan3A_145 = %scan3A_9 to %scan3A_11 step %scan3A_12 iter_args(%scan3A_146 = %scan3A_8) -> (i32)  : i32 {
      %scan3A_147 = arith.constant 0 : i32
      %scan3A_148 = arith.constant 0 : i32
      %scan3A_149 = arith.constant 5 : i32
      %scan3A_150 = arith.addi %scan3A_148, %scan3A_149 : i32
      %scan3A_151 = arith.constant 1 : i32
      %scan3A_152 = scf.for %scan3A_154 = %scan3A_148 to %scan3A_150 step %scan3A_151 iter_args(%scan3A_155 = %scan3A_147) -> (i32)  : i32 {
        %mul3A_156 = arith.constant 640 : i32
        %mul3A_157 = arith.muli %arg1, %mul3A_156 : i32
        %mul3A_158 = arith.constant 80 : i32
        %mul3A_159 = arith.muli %scan3A_145, %mul3A_158 : i32
        %add3A_160 = arith.addi %mul3A_157, %mul3A_159 : i32
        %mul3A_161 = arith.constant 16 : i32
        %mul3A_162 = arith.muli %scan3A_154, %mul3A_161 : i32
        %add3A_163 = arith.addi %add3A_160, %mul3A_162 : i32
        %add3A_164 = vector.broadcast %add3A_163 : i32 to vector<16xi32>
        %add3A_165 = arith.addi %iota3A, %add3A_164 : vector<16xi32>
        %mul3A_166 = arith.constant 16 : i32
        %mul3A_167 = arith.muli %scan3A_154, %mul3A_166 : i32
        %swap3A = arith.index_cast %scan3A_145 : i32 to index
        %swap3A_168 = arith.index_cast %mul3A_167 : i32 to index
        %swap3A_169 = tpu.vector_load %arg6[%swap3A, %swap3A_168] {strides = array<i32>} : memref<25x80xi32, #tpu.memory_space<vmem>>, vector<1x16xi32>,
        %swap3A_170 = vector.shape_cast %swap3A_169 : vector<1x16xi32> to vector<16xi32>
        %swap3A_171 = vector.shape_cast %add3A_165 : vector<16xi32> to vector<1x16xi32>
        tpu.vector_store %arg6[%swap3A, %swap3A_168], %swap3A_171 {strides = array<i32>} : memref<25x80xi32, #tpu.memory_space<vmem>>, vector<1x16xi32>,
        %scan3A_172 = arith.constant 0 : i32
        scf.yield %scan3A_172 : i32
      }
      %scan3A_153 = arith.constant 5 : i32
      scf.yield %scan3A_152 : i32
    }
    %scan3A_14 = arith.constant 8 : i32
    %run_scoped3A = arith.constant 0 : i32
    "tpu.region"() ({
      %run_scoped3A_145 = tpu.sem_alloc : memref<!tpu.dma_semaphore, #tpu.memory_space<semaphore_mem>>
      %dma_start3A_146 = arith.constant 0 : i32
      %dma_start3A_147 = tpu.memref_slice %arg6[%run_scoped3A, %dma_start3A_146] : memref<25x80xi32, #tpu.memory_space<vmem>> -> memref<1x80xi32, #tpu.memory_space<vmem>>
      %dma_start3A_148 = tpu.memref_squeeze %dma_start3A_147 : memref<1x80xi32, #tpu.memory_space<vmem>> -> memref<80xi32, #tpu.memory_space<vmem>>
      %dma_start3A_149 = arith.constant 0 : i32
      %dma_start3A_150 = arith.constant 0 : i32
      %dma_start3A_151 = tpu.memref_slice %arg10[%dma_start3A_149, %dma_start3A_150] : memref<10240x128xf32, #tpu.memory_space<vmem_shared>> -> memref<10240x128xf32, #tpu.memory_space<vmem_shared>>
      tpu.enqueue_indirect_dma source(%arg8 : memref<80x128xf32, #tpu.memory_space<vmem>>) target(%dma_start3A_151 : memref<10240x128xf32, #tpu.memory_space<vmem_shared>>) offsets(%dma_start3A_148 : memref<80xi32, #tpu.memory_space<vmem>>) semaphore(%run_scoped3A_145 : memref<!tpu.dma_semaphore, #tpu.memory_space<semaphore_mem>>)
      %dma_wait3A_152 = arith.constant 0 : i32
      %dma_wait3A_153 = tpu.memref_slice %arg6[%run_scoped3A, %dma_wait3A_152] : memref<25x80xi32, #tpu.memory_space<vmem>> -> memref<1x80xi32, #tpu.memory_space<vmem>>
      %dma_wait3A_154 = tpu.memref_squeeze %dma_wait3A_153 : memref<1x80xi32, #tpu.memory_space<vmem>> -> memref<80xi32, #tpu.memory_space<vmem>>
      %dma_wait3A_155 = arith.constant 0 : i32
      %dma_wait3A_156 = arith.constant 0 : i32
      %dma_wait3A_157 = tpu.memref_slice %arg10[%dma_wait3A_155, %dma_wait3A_156] : memref<10240x128xf32, #tpu.memory_space<vmem_shared>> -> memref<10240x128xf32, #tpu.memory_space<vmem_shared>>
      tpu.wait_indirect_dma semaphore(%run_scoped3A_145 : memref<!tpu.dma_semaphore, #tpu.memory_space<semaphore_mem>>) src(%arg8 : memref<80x128xf32, #tpu.memory_space<vmem>>) dst(%dma_wait3A_157 : memref<10240x128xf32, #tpu.memory_space<vmem_shared>>)
      tpu.yield
    }) : () -> ()
    %run_scoped3A_15 = arith.constant 1 : i32
    "tpu.region"() ({
      %run_scoped3A_145 = tpu.sem_alloc : memref<!tpu.dma_semaphore, #tpu.memory_space<semaphore_mem>>
      %dma_start3A_146 = arith.constant 0 : i32
      %dma_start3A_147 = tpu.memref_slice %arg6[%run_scoped3A_15, %dma_start3A_146] : memref<25x80xi32, #tpu.memory_space<vmem>> -> memref<1x80xi32, #tpu.memory_space<vmem>>
      %dma_start3A_148 = tpu.memref_squeeze %dma_start3A_147 : memref<1x80xi32, #tpu.memory_space<vmem>> -> memref<80xi32, #tpu.memory_space<vmem>>
      %dma_start3A_149 = arith.constant 0 : i32
      %dma_start3A_150 = arith.constant 0 : i32
      %dma_start3A_151 = tpu.memref_slice %arg10[%dma_start3A_149, %dma_start3A_150] : memref<10240x128xf32, #tpu.memory_space<vmem_shared>> -> memref<10240x128xf32, #tpu.memory_space<vmem_shared>>
      tpu.enqueue_indirect_dma source(%arg8 : memref<80x128xf32, #tpu.memory_space<vmem>>) target(%dma_start3A_151 : memref<10240x128xf32, #tpu.memory_space<vmem_shared>>) offsets(%dma_start3A_148 : memref<80xi32, #tpu.memory_space<vmem>>) semaphore(%run_scoped3A_145 : memref<!tpu.dma_semaphore, #tpu.memory_space<semaphore_mem>>)
      %dma_wait3A_152 = arith.constant 0 : i32
      %dma_wait3A_153 = tpu.memref_slice %arg6[%run_scoped3A_15, %dma_wait3A_152] : memref<25x80xi32, #tpu.memory_space<vmem>> -> memref<1x80xi32, #tpu.memory_space<vmem>>
      %dma_wait3A_154 = tpu.memref_squeeze %dma_wait3A_153 : memref<1x80xi32, #tpu.memory_space<vmem>> -> memref<80xi32, #tpu.memory_space<vmem>>
      %dma_wait3A_155 = arith.constant 0 : i32
      %dma_wait3A_156 = arith.constant 0 : i32
      %dma_wait3A_157 = tpu.memref_slice %arg10[%dma_wait3A_155, %dma_wait3A_156] : memref<10240x128xf32, #tpu.memory_space<vmem_shared>> -> memref<10240x128xf32, #tpu.memory_space<vmem_shared>>
      tpu.wait_indirect_dma semaphore(%run_scoped3A_145 : memref<!tpu.dma_semaphore, #tpu.memory_space<semaphore_mem>>) src(%arg8 : memref<80x128xf32, #tpu.memory_space<vmem>>) dst(%dma_wait3A_157 : memref<10240x128xf32, #tpu.memory_space<vmem_shared>>)
      tpu.yield
    }) : () -> ()
    %run_scoped3A_16 = arith.constant 2 : i32
    "tpu.region"() ({
      %run_scoped3A_145 = tpu.sem_alloc : memref<!tpu.dma_semaphore, #tpu.memory_space<semaphore_mem>>
      %dma_start3A_146 = arith.constant 0 : i32
      %dma_start3A_147 = tpu.memref_slice %arg6[%run_scoped3A_16, %dma_start3A_146] : memref<25x80xi32, #tpu.memory_space<vmem>> -> memref<1x80xi32, #tpu.memory_space<vmem>>
      %dma_start3A_148 = tpu.memref_squeeze %dma_start3A_147 : memref<1x80xi32, #tpu.memory_space<vmem>> -> memref<80xi32, #tpu.memory_space<vmem>>
      %dma_start3A_149 = arith.constant 0 : i32
      %dma_start3A_150 = arith.constant 0 : i32
      %dma_start3A_151 = tpu.memref_slice %arg10[%dma_start3A_149, %dma_start3A_150] : memref<10240x128xf32, #tpu.memory_space<vmem_shared>> -> memref<10240x128xf32, #tpu.memory_space<vmem_shared>>
      tpu.enqueue_indirect_dma source(%arg8 : memref<80x128xf32, #tpu.memory_space<vmem>>) target(%dma_start3A_151 : memref<10240x128xf32, #tpu.memory_space<vmem_shared>>) offsets(%dma_start3A_148 : memref<80xi32, #tpu.memory_space<vmem>>) semaphore(%run_scoped3A_145 : memref<!tpu.dma_semaphore, #tpu.memory_space<semaphore_mem>>)
      %dma_wait3A_152 = arith.constant 0 : i32
      %dma_wait3A_153 = tpu.memref_slice %arg6[%run_scoped3A_16, %dma_wait3A_152] : memref<25x80xi32, #tpu.memory_space<vmem>> -> memref<1x80xi32, #tpu.memory_space<vmem>>
      %dma_wait3A_154 = tpu.memref_squeeze %dma_wait3A_153 : memref<1x80xi32, #tpu.memory_space<vmem>> -> memref<80xi32, #tpu.memory_space<vmem>>
      %dma_wait3A_155 = arith.constant 0 : i32
      %dma_wait3A_156 = arith.constant 0 : i32
      %dma_wait3A_157 = tpu.memref_slice %arg10[%dma_wait3A_155, %dma_wait3A_156] : memref<10240x128xf32, #tpu.memory_space<vmem_shared>> -> memref<10240x128xf32, #tpu.memory_space<vmem_shared>>
      tpu.wait_indirect_dma semaphore(%run_scoped3A_145 : memref<!tpu.dma_semaphore, #tpu.memory_space<semaphore_mem>>) src(%arg8 : memref<80x128xf32, #tpu.memory_space<vmem>>) dst(%dma_wait3A_157 : memref<10240x128xf32, #tpu.memory_space<vmem_shared>>)
      tpu.yield
    }) : () -> ()
    %run_scoped3A_17 = arith.constant 3 : i32
    "tpu.region"() ({
      %run_scoped3A_145 = tpu.sem_alloc : memref<!tpu.dma_semaphore, #tpu.memory_space<semaphore_mem>>
      %dma_start3A_146 = arith.constant 0 : i32
      %dma_start3A_147 = tpu.memref_slice %arg6[%run_scoped3A_17, %dma_start3A_146] : memref<25x80xi32, #tpu.memory_space<vmem>> -> memref<1x80xi32, #tpu.memory_space<vmem>>
      %dma_start3A_148 = tpu.memref_squeeze %dma_start3A_147 : memref<1x80xi32, #tpu.memory_space<vmem>> -> memref<80xi32, #tpu.memory_space<vmem>>
      %dma_start3A_149 = arith.constant 0 : i32
      %dma_start3A_150 = arith.constant 0 : i32
      %dma_start3A_151 = tpu.memref_slice %arg10[%dma_start3A_149, %dma_start3A_150] : memref<10240x128xf32, #tpu.memory_space<vmem_shared>> -> memref<10240x128xf32, #tpu.memory_space<vmem_shared>>
      tpu.enqueue_indirect_dma source(%arg8 : memref<80x128xf32, #tpu.memory_space<vmem>>) target(%dma_start3A_151 : memref<10240x128xf32, #tpu.memory_space<vmem_shared>>) offsets(%dma_start3A_148 : memref<80xi32, #tpu.memory_space<vmem>>) semaphore(%run_scoped3A_145 : memref<!tpu.dma_semaphore, #tpu.memory_space<semaphore_mem>>)
      %dma_wait3A_152 = arith.constant 0 : i32
      %dma_wait3A_153 = tpu.memref_slice %arg6[%run_scoped3A_17, %dma_wait3A_152] : memref<25x80xi32, #tpu.memory_space<vmem>> -> memref<1x80xi32, #tpu.memory_space<vmem>>
      %dma_wait3A_154 = tpu.memref_squeeze %dma_wait3A_153 : memref<1x80xi32, #tpu.memory_space<vmem>> -> memref<80xi32, #tpu.memory_space<vmem>>
      %dma_wait3A_155 = arith.constant 0 : i32
      %dma_wait3A_156 = arith.constant 0 : i32
      %dma_wait3A_157 = tpu.memref_slice %arg10[%dma_wait3A_155, %dma_wait3A_156] : memref<10240x128xf32, #tpu.memory_space<vmem_shared>> -> memref<10240x128xf32, #tpu.memory_space<vmem_shared>>
      tpu.wait_indirect_dma semaphore(%run_scoped3A_145 : memref<!tpu.dma_semaphore, #tpu.memory_space<semaphore_mem>>) src(%arg8 : memref<80x128xf32, #tpu.memory_space<vmem>>) dst(%dma_wait3A_157 : memref<10240x128xf32, #tpu.memory_space<vmem_shared>>)
      tpu.yield
    }) : () -> ()
    %run_scoped3A_18 = arith.constant 4 : i32
    "tpu.region"() ({
      %run_scoped3A_145 = tpu.sem_alloc : memref<!tpu.dma_semaphore, #tpu.memory_space<semaphore_mem>>
      %dma_start3A_146 = arith.constant 0 : i32
      %dma_start3A_147 = tpu.memref_slice %arg6[%run_scoped3A_18, %dma_start3A_146] : memref<25x80xi32, #tpu.memory_space<vmem>> -> memref<1x80xi32, #tpu.memory_space<vmem>>
      %dma_start3A_148 = tpu.memref_squeeze %dma_start3A_147 : memref<1x80xi32, #tpu.memory_space<vmem>> -> memref<80xi32, #tpu.memory_space<vmem>>
      %dma_start3A_149 = arith.constant 0 : i32
      %dma_start3A_150 = arith.constant 0 : i32
      %dma_start3A_151 = tpu.memref_slice %arg10[%dma_start3A_149, %dma_start3A_150] : memref<10240x128xf32, #tpu.memory_space<vmem_shared>> -> memref<10240x128xf32, #tpu.memory_space<vmem_shared>>
      tpu.enqueue_indirect_dma source(%arg8 : memref<80x128xf32, #tpu.memory_space<vmem>>) target(%dma_start3A_151 : memref<10240x128xf32, #tpu.memory_space<vmem_shared>>) offsets(%dma_start3A_148 : memref<80xi32, #tpu.memory_space<vmem>>) semaphore(%run_scoped3A_145 : memref<!tpu.dma_semaphore, #tpu.memory_space<semaphore_mem>>)
      %dma_wait3A_152 = arith.constant 0 : i32
      %dma_wait3A_153 = tpu.memref_slice %arg6[%run_scoped3A_18, %dma_wait3A_152] : memref<25x80xi32, #tpu.memory_space<vmem>> -> memref<1x80xi32, #tpu.memory_space<vmem>>
      %dma_wait3A_154 = tpu.memref_squeeze %dma_wait3A_153 : memref<1x80xi32, #tpu.memory_space<vmem>> -> memref<80xi32, #tpu.memory_space<vmem>>
      %dma_wait3A_155 = arith.constant 0 : i32
      %dma_wait3A_156 = arith.constant 0 : i32
      %dma_wait3A_157 = tpu.memref_slice %arg10[%dma_wait3A_155, %dma_wait3A_156] : memref<10240x128xf32, #tpu.memory_space<vmem_shared>> -> memref<10240x128xf32, #tpu.memory_space<vmem_shared>>
      tpu.wait_indirect_dma semaphore(%run_scoped3A_145 : memref<!tpu.dma_semaphore, #tpu.memory_space<semaphore_mem>>) src(%arg8 : memref<80x128xf32, #tpu.memory_space<vmem>>) dst(%dma_wait3A_157 : memref<10240x128xf32, #tpu.memory_space<vmem_shared>>)
      tpu.yield
    }) : () -> ()
    %run_scoped3A_19 = arith.constant 5 : i32
    "tpu.region"() ({
      %run_scoped3A_145 = tpu.sem_alloc : memref<!tpu.dma_semaphore, #tpu.memory_space<semaphore_mem>>
      %dma_start3A_146 = arith.constant 0 : i32
      %dma_start3A_147 = tpu.memref_slice %arg6[%run_scoped3A_19, %dma_start3A_146] : memref<25x80xi32, #tpu.memory_space<vmem>> -> memref<1x80xi32, #tpu.memory_space<vmem>>
      %dma_start3A_148 = tpu.memref_squeeze %dma_start3A_147 : memref<1x80xi32, #tpu.memory_space<vmem>> -> memref<80xi32, #tpu.memory_space<vmem>>
      %dma_start3A_149 = arith.constant 0 : i32
      %dma_start3A_150 = arith.constant 0 : i32
      %dma_start3A_151 = tpu.memref_slice %arg10[%dma_start3A_149, %dma_start3A_150] : memref<10240x128xf32, #tpu.memory_space<vmem_shared>> -> memref<10240x128xf32, #tpu.memory_space<vmem_shared>>
      tpu.enqueue_indirect_dma source(%arg8 : memref<80x128xf32, #tpu.memory_space<vmem>>) target(%dma_start3A_151 : memref<10240x128xf32, #tpu.memory_space<vmem_shared>>) offsets(%dma_start3A_148 : memref<80xi32, #tpu.memory_space<vmem>>) semaphore(%run_scoped3A_145 : memref<!tpu.dma_semaphore, #tpu.memory_space<semaphore_mem>>)
      %dma_wait3A_152 = arith.constant 0 : i32
      %dma_wait3A_153 = tpu.memref_slice %arg6[%run_scoped3A_19, %dma_wait3A_152] : memref<25x80xi32, #tpu.memory_space<vmem>> -> memref<1x80xi32, #tpu.memory_space<vmem>>
      %dma_wait3A_154 = tpu.memref_squeeze %dma_wait3A_153 : memref<1x80xi32, #tpu.memory_space<vmem>> -> memref<80xi32, #tpu.memory_space<vmem>>
      %dma_wait3A_155 = arith.constant 0 : i32
      %dma_wait3A_156 = arith.constant 0 : i32
      %dma_wait3A_157 = tpu.memref_slice %arg10[%dma_wait3A_155, %dma_wait3A_156] : memref<10240x128xf32, #tpu.memory_space<vmem_shared>> -> memref<10240x128xf32, #tpu.memory_space<vmem_shared>>
      tpu.wait_indirect_dma semaphore(%run_scoped3A_145 : memref<!tpu.dma_semaphore, #tpu.memory_space<semaphore_mem>>) src(%arg8 : memref<80x128xf32, #tpu.memory_space<vmem>>) dst(%dma_wait3A_157 : memref<10240x128xf32, #tpu.memory_space<vmem_shared>>)
      tpu.yield
    }) : () -> ()
    %run_scoped3A_20 = arith.constant 6 : i32
    "tpu.region"() ({
      %run_scoped3A_145 = tpu.sem_alloc : memref<!tpu.dma_semaphore, #tpu.memory_space<semaphore_mem>>
      %dma_start3A_146 = arith.constant 0 : i32
      %dma_start3A_147 = tpu.memref_slice %arg6[%run_scoped3A_20, %dma_start3A_146] : memref<25x80xi32, #tpu.memory_space<vmem>> -> memref<1x80xi32, #tpu.memory_space<vmem>>
      %dma_start3A_148 = tpu.memref_squeeze %dma_start3A_147 : memref<1x80xi32, #tpu.memory_space<vmem>> -> memref<80xi32, #tpu.memory_space<vmem>>
      %dma_start3A_149 = arith.constant 0 : i32
      %dma_start3A_150 = arith.constant 0 : i32
      %dma_start3A_151 = tpu.memref_slice %arg10[%dma_start3A_149, %dma_start3A_150] : memref<10240x128xf32, #tpu.memory_space<vmem_shared>> -> memref<10240x128xf32, #tpu.memory_space<vmem_shared>>
      tpu.enqueue_indirect_dma source(%arg8 : memref<80x128xf32, #tpu.memory_space<vmem>>) target(%dma_start3A_151 : memref<10240x128xf32, #tpu.memory_space<vmem_shared>>) offsets(%dma_start3A_148 : memref<80xi32, #tpu.memory_space<vmem>>) semaphore(%run_scoped3A_145 : memref<!tpu.dma_semaphore, #tpu.memory_space<semaphore_mem>>)
      %dma_wait3A_152 = arith.constant 0 : i32
      %dma_wait3A_153 = tpu.memref_slice %arg6[%run_scoped3A_20, %dma_wait3A_152] : memref<25x80xi32, #tpu.memory_space<vmem>> -> memref<1x80xi32, #tpu.memory_space<vmem>>
      %dma_wait3A_154 = tpu.memref_squeeze %dma_wait3A_153 : memref<1x80xi32, #tpu.memory_space<vmem>> -> memref<80xi32, #tpu.memory_space<vmem>>
      %dma_wait3A_155 = arith.constant 0 : i32
      %dma_wait3A_156 = arith.constant 0 : i32
      %dma_wait3A_157 = tpu.memref_slice %arg10[%dma_wait3A_155, %dma_wait3A_156] : memref<10240x128xf32, #tpu.memory_space<vmem_shared>> -> memref<10240x128xf32, #tpu.memory_space<vmem_shared>>
      tpu.wait_indirect_dma semaphore(%run_scoped3A_145 : memref<!tpu.dma_semaphore, #tpu.memory_space<semaphore_mem>>) src(%arg8 : memref<80x128xf32, #tpu.memory_space<vmem>>) dst(%dma_wait3A_157 : memref<10240x128xf32, #tpu.memory_space<vmem_shared>>)
      tpu.yield
    }) : () -> ()
    %run_scoped3A_21 = arith.constant 7 : i32
    "tpu.region"() ({
      %run_scoped3A_145 = tpu.sem_alloc : memref<!tpu.dma_semaphore, #tpu.memory_space<semaphore_mem>>
      %dma_start3A_146 = arith.constant 0 : i32
      %dma_start3A_147 = tpu.memref_slice %arg6[%run_scoped3A_21, %dma_start3A_146] : memref<25x80xi32, #tpu.memory_space<vmem>> -> memref<1x80xi32, #tpu.memory_space<vmem>>
      %dma_start3A_148 = tpu.memref_squeeze %dma_start3A_147 : memref<1x80xi32, #tpu.memory_space<vmem>> -> memref<80xi32, #tpu.memory_space<vmem>>
      %dma_start3A_149 = arith.constant 0 : i32
      %dma_start3A_150 = arith.constant 0 : i32
      %dma_start3A_151 = tpu.memref_slice %arg10[%dma_start3A_149, %dma_start3A_150] : memref<10240x128xf32, #tpu.memory_space<vmem_shared>> -> memref<10240x128xf32, #tpu.memory_space<vmem_shared>>
      tpu.enqueue_indirect_dma source(%arg8 : memref<80x128xf32, #tpu.memory_space<vmem>>) target(%dma_start3A_151 : memref<10240x128xf32, #tpu.memory_space<vmem_shared>>) offsets(%dma_start3A_148 : memref<80xi32, #tpu.memory_space<vmem>>) semaphore(%run_scoped3A_145 : memref<!tpu.dma_semaphore, #tpu.memory_space<semaphore_mem>>)
      %dma_wait3A_152 = arith.constant 0 : i32
      %dma_wait3A_153 = tpu.memref_slice %arg6[%run_scoped3A_21, %dma_wait3A_152] : memref<25x80xi32, #tpu.memory_space<vmem>> -> memref<1x80xi32, #tpu.memory_space<vmem>>
      %dma_wait3A_154 = tpu.memref_squeeze %dma_wait3A_153 : memref<1x80xi32, #tpu.memory_space<vmem>> -> memref<80xi32, #tpu.memory_space<vmem>>
      %dma_wait3A_155 = arith.constant 0 : i32
      %dma_wait3A_156 = arith.constant 0 : i32
      %dma_wait3A_157 = tpu.memref_slice %arg10[%dma_wait3A_155, %dma_wait3A_156] : memref<10240x128xf32, #tpu.memory_space<vmem_shared>> -> memref<10240x128xf32, #tpu.memory_space<vmem_shared>>
      tpu.wait_indirect_dma semaphore(%run_scoped3A_145 : memref<!tpu.dma_semaphore, #tpu.memory_space<semaphore_mem>>) src(%arg8 : memref<80x128xf32, #tpu.memory_space<vmem>>) dst(%dma_wait3A_157 : memref<10240x128xf32, #tpu.memory_space<vmem_shared>>)
      tpu.yield
    }) : () -> ()
    %barrier3A = arith.constant 0 : index
    tpu.barrier barrier_id(%barrier3A)
    %run_scoped3A_22 = arith.constant 0 : i32
    "tpu.region"() ({
      %run_scoped3A_145 = tpu.sem_alloc : memref<!tpu.dma_semaphore, #tpu.memory_space<semaphore_mem>>
      %dma_start3A_146 = arith.constant 0 : i32
      %dma_start3A_147 = arith.constant 0 : i32
      %dma_start3A_148 = tpu.memref_slice %arg3[%add3A, %run_scoped3A_22, %dma_start3A_146, %dma_start3A_147] : memref<32x5x25x80xi32, #tpu.memory_space<hbm>> -> memref<1x1x25x80xi32, #tpu.memory_space<hbm>>
      %dma_start3A_149 = tpu.memref_squeeze %dma_start3A_148 : memref<1x1x25x80xi32, #tpu.memory_space<hbm>> -> memref<25x80xi32, #tpu.memory_space<hbm>>
      %dma_start3A_150 = arith.constant 0 : i32
      %dma_start3A_151 = arith.constant 0 : i32
      %dma_start3A_152 = tpu.memref_slice %arg3[%add3A, %run_scoped3A_22, %dma_start3A_150, %dma_start3A_151] : memref<32x5x25x80xi32, #tpu.memory_space<hbm>> -> memref<1x1x25x80xi32, #tpu.memory_space<hbm>>
      %dma_start3A_153 = tpu.memref_squeeze %dma_start3A_152 : memref<1x1x25x80xi32, #tpu.memory_space<hbm>> -> memref<25x80xi32, #tpu.memory_space<hbm>>
      tpu.enqueue_dma source(%dma_start3A_153 : memref<25x80xi32, #tpu.memory_space<hbm>>) target(%arg6 : memref<25x80xi32, #tpu.memory_space<vmem>>) target_semaphore(%run_scoped3A_145 : memref<!tpu.dma_semaphore, #tpu.memory_space<semaphore_mem>>)
      %dma_wait3A_154 = arith.constant 0 : i32
      %dma_wait3A_155 = arith.constant 0 : i32
      %dma_wait3A_156 = tpu.memref_slice %arg3[%add3A, %run_scoped3A_22, %dma_wait3A_154, %dma_wait3A_155] : memref<32x5x25x80xi32, #tpu.memory_space<hbm>> -> memref<1x1x25x80xi32, #tpu.memory_space<hbm>>
      %dma_wait3A_157 = tpu.memref_squeeze %dma_wait3A_156 : memref<1x1x25x80xi32, #tpu.memory_space<hbm>> -> memref<25x80xi32, #tpu.memory_space<hbm>>
      %dma_wait3A_158 = arith.constant 0 : i32
      %dma_wait3A_159 = arith.constant 0 : i32
      %dma_wait3A_160 = tpu.memref_slice %arg3[%add3A, %run_scoped3A_22, %dma_wait3A_158, %dma_wait3A_159] : memref<32x5x25x80xi32, #tpu.memory_space<hbm>> -> memref<1x1x25x80xi32, #tpu.memory_space<hbm>>
      %dma_wait3A_161 = tpu.memref_squeeze %dma_wait3A_160 : memref<1x1x25x80xi32, #tpu.memory_space<hbm>> -> memref<25x80xi32, #tpu.memory_space<hbm>>
      tpu.wait_dma2 semaphore(%run_scoped3A_145 : memref<!tpu.dma_semaphore, #tpu.memory_space<semaphore_mem>>) src(%dma_wait3A_161 : memref<25x80xi32, #tpu.memory_space<hbm>>) dst(%arg6 : memref<25x80xi32, #tpu.memory_space<vmem>>)
      tpu.yield
    }) : () -> ()
    %run_scoped3A_23 = arith.constant 0 : i32
    "tpu.region"() ({
      %run_scoped3A_145 = tpu.sem_alloc : memref<!tpu.dma_semaphore, #tpu.memory_space<semaphore_mem>>
      %dma_start3A_146 = arith.constant 0 : i32
      %dma_start3A_147 = arith.constant 0 : i32
      %dma_start3A_148 = tpu.memref_slice %arg4[%add3A, %run_scoped3A_23, %dma_start3A_146, %dma_start3A_147] : memref<32x5x25x80xi32, #tpu.memory_space<hbm>> -> memref<1x1x25x80xi32, #tpu.memory_space<hbm>>
      %dma_start3A_149 = tpu.memref_squeeze %dma_start3A_148 : memref<1x1x25x80xi32, #tpu.memory_space<hbm>> -> memref<25x80xi32, #tpu.memory_space<hbm>>
      %dma_start3A_150 = arith.constant 0 : i32
      %dma_start3A_151 = arith.constant 0 : i32
      %dma_start3A_152 = tpu.memref_slice %arg4[%add3A, %run_scoped3A_23, %dma_start3A_150, %dma_start3A_151] : memref<32x5x25x80xi32, #tpu.memory_space<hbm>> -> memref<1x1x25x80xi32, #tpu.memory_space<hbm>>
      %dma_start3A_153 = tpu.memref_squeeze %dma_start3A_152 : memref<1x1x25x80xi32, #tpu.memory_space<hbm>> -> memref<25x80xi32, #tpu.memory_space<hbm>>
      tpu.enqueue_dma source(%dma_start3A_153 : memref<25x80xi32, #tpu.memory_space<hbm>>) target(%arg7 : memref<25x80xi32, #tpu.memory_space<vmem>>) target_semaphore(%run_scoped3A_145 : memref<!tpu.dma_semaphore, #tpu.memory_space<semaphore_mem>>)
      %dma_wait3A_154 = arith.constant 0 : i32
      %dma_wait3A_155 = arith.constant 0 : i32
      %dma_wait3A_156 = tpu.memref_slice %arg4[%add3A, %run_scoped3A_23, %dma_wait3A_154, %dma_wait3A_155] : memref<32x5x25x80xi32, #tpu.memory_space<hbm>> -> memref<1x1x25x80xi32, #tpu.memory_space<hbm>>
      %dma_wait3A_157 = tpu.memref_squeeze %dma_wait3A_156 : memref<1x1x25x80xi32, #tpu.memory_space<hbm>> -> memref<25x80xi32, #tpu.memory_space<hbm>>
      %dma_wait3A_158 = arith.constant 0 : i32
      %dma_wait3A_159 = arith.constant 0 : i32
      %dma_wait3A_160 = tpu.memref_slice %arg4[%add3A, %run_scoped3A_23, %dma_wait3A_158, %dma_wait3A_159] : memref<32x5x25x80xi32, #tpu.memory_space<hbm>> -> memref<1x1x25x80xi32, #tpu.memory_space<hbm>>
      %dma_wait3A_161 = tpu.memref_squeeze %dma_wait3A_160 : memref<1x1x25x80xi32, #tpu.memory_space<hbm>> -> memref<25x80xi32, #tpu.memory_space<hbm>>
      tpu.wait_dma2 semaphore(%run_scoped3A_145 : memref<!tpu.dma_semaphore, #tpu.memory_space<semaphore_mem>>) src(%dma_wait3A_161 : memref<25x80xi32, #tpu.memory_space<hbm>>) dst(%arg7 : memref<25x80xi32, #tpu.memory_space<vmem>>)
      tpu.yield
    }) : () -> ()
    %dma_start3A = arith.constant 0 : i32
    %dma_start3A_24 = arith.constant 0 : i32
    %dma_start3A_25 = tpu.memref_slice %arg6[%dma_start3A, %dma_start3A_24] : memref<25x80xi32, #tpu.memory_space<vmem>> -> memref<1x80xi32, #tpu.memory_space<vmem>>
    %dma_start3A_26 = tpu.memref_squeeze %dma_start3A_25 : memref<1x80xi32, #tpu.memory_space<vmem>> -> memref<80xi32, #tpu.memory_space<vmem>>
    %dma_start3A_27 = arith.constant 0 : i32
    %dma_start3A_28 = arith.constant 0 : i32
    %dma_start3A_29 = tpu.memref_slice %arg2[%dma_start3A_27, %dma_start3A_28] : memref<10240x128xf32, #tpu.memory_space<hbm>> -> memref<10240x128xf32, #tpu.memory_space<hbm>>
    tpu.enqueue_indirect_dma source(%dma_start3A_29 : memref<10240x128xf32, #tpu.memory_space<hbm>>) target(%arg8 : memref<80x128xf32, #tpu.memory_space<vmem>>) offsets(%dma_start3A_26 : memref<80xi32, #tpu.memory_space<vmem>>) semaphore(%arg11 : memref<!tpu.dma_semaphore, #tpu.memory_space<semaphore_mem>>)
    %scan3A_30 = arith.constant 0 : i32
    %scan3A_31 = arith.constant 0 : i32
    %scan3A_32 = arith.constant 12 : i32
    %scan3A_33 = arith.addi %scan3A_31, %scan3A_32 : i32
    %scan3A_34 = arith.constant 1 : i32
    %scan3A_35 = scf.for %scan3A_145 = %scan3A_31 to %scan3A_33 step %scan3A_34 iter_args(%scan3A_146 = %scan3A_30) -> (i32)  : i32 {
      %mul3A_147 = arith.constant 2 : i32
      %mul3A_148 = arith.muli %mul3A_147, %scan3A_145 : i32
      %add3A_149 = arith.constant 1 : i32
      %add3A_150 = arith.addi %mul3A_148, %add3A_149 : i32
      %dma_start3A_151 = arith.constant 0 : i32
      %dma_start3A_152 = tpu.memref_slice %arg6[%add3A_150, %dma_start3A_151] : memref<25x80xi32, #tpu.memory_space<vmem>> -> memref<1x80xi32, #tpu.memory_space<vmem>>
      %dma_start3A_153 = tpu.memref_squeeze %dma_start3A_152 : memref<1x80xi32, #tpu.memory_space<vmem>> -> memref<80xi32, #tpu.memory_space<vmem>>
      %dma_start3A_154 = arith.constant 0 : i32
      %dma_start3A_155 = arith.constant 0 : i32
      %dma_start3A_156 = tpu.memref_slice %arg2[%dma_start3A_154, %dma_start3A_155] : memref<10240x128xf32, #tpu.memory_space<hbm>> -> memref<10240x128xf32, #tpu.memory_space<hbm>>
      tpu.enqueue_indirect_dma source(%dma_start3A_156 : memref<10240x128xf32, #tpu.memory_space<hbm>>) target(%arg9 : memref<80x128xf32, #tpu.memory_space<vmem>>) offsets(%dma_start3A_153 : memref<80xi32, #tpu.memory_space<vmem>>) semaphore(%arg12 : memref<!tpu.dma_semaphore, #tpu.memory_space<semaphore_mem>>)
      %dma_wait3A_157 = arith.constant 0 : i32
      %dma_wait3A_158 = tpu.memref_slice %arg6[%mul3A_148, %dma_wait3A_157] : memref<25x80xi32, #tpu.memory_space<vmem>> -> memref<1x80xi32, #tpu.memory_space<vmem>>
      %dma_wait3A_159 = tpu.memref_squeeze %dma_wait3A_158 : memref<1x80xi32, #tpu.memory_space<vmem>> -> memref<80xi32, #tpu.memory_space<vmem>>
      %dma_wait3A_160 = arith.constant 0 : i32
      %dma_wait3A_161 = arith.constant 0 : i32
      %dma_wait3A_162 = tpu.memref_slice %arg2[%dma_wait3A_160, %dma_wait3A_161] : memref<10240x128xf32, #tpu.memory_space<hbm>> -> memref<10240x128xf32, #tpu.memory_space<hbm>>
      tpu.wait_indirect_dma semaphore(%arg11 : memref<!tpu.dma_semaphore, #tpu.memory_space<semaphore_mem>>) src(%dma_wait3A_162 : memref<10240x128xf32, #tpu.memory_space<hbm>>) dst(%arg8 : memref<80x128xf32, #tpu.memory_space<vmem>>)
      "tpu.region"() ({
        %run_scoped3A_182 = tpu.sem_alloc : memref<!tpu.dma_semaphore, #tpu.memory_space<semaphore_mem>>
        %dma_start3A_183 = arith.constant 0 : i32
        %dma_start3A_184 = tpu.memref_slice %arg7[%mul3A_148, %dma_start3A_183] : memref<25x80xi32, #tpu.memory_space<vmem>> -> memref<1x80xi32, #tpu.memory_space<vmem>>
        %dma_start3A_185 = tpu.memref_squeeze %dma_start3A_184 : memref<1x80xi32, #tpu.memory_space<vmem>> -> memref<80xi32, #tpu.memory_space<vmem>>
        %dma_start3A_186 = arith.constant 0 : i32
        %dma_start3A_187 = arith.constant 0 : i32
        %dma_start3A_188 = tpu.memref_slice %arg10[%dma_start3A_186, %dma_start3A_187] : memref<10240x128xf32, #tpu.memory_space<vmem_shared>> -> memref<10240x128xf32, #tpu.memory_space<vmem_shared>>
        tpu.enqueue_indirect_dma source(%arg8 : memref<80x128xf32, #tpu.memory_space<vmem>>) target(%dma_start3A_188 : memref<10240x128xf32, #tpu.memory_space<vmem_shared>>) offsets(%dma_start3A_185 : memref<80xi32, #tpu.memory_space<vmem>>) semaphore(%run_scoped3A_182 : memref<!tpu.dma_semaphore, #tpu.memory_space<semaphore_mem>>) {add = true}
        %dma_wait3A_189 = arith.constant 0 : i32
        %dma_wait3A_190 = tpu.memref_slice %arg7[%mul3A_148, %dma_wait3A_189] : memref<25x80xi32, #tpu.memory_space<vmem>> -> memref<1x80xi32, #tpu.memory_space<vmem>>
        %dma_wait3A_191 = tpu.memref_squeeze %dma_wait3A_190 : memref<1x80xi32, #tpu.memory_space<vmem>> -> memref<80xi32, #tpu.memory_space<vmem>>
        %dma_wait3A_192 = arith.constant 0 : i32
        %dma_wait3A_193 = arith.constant 0 : i32
        %dma_wait3A_194 = tpu.memref_slice %arg10[%dma_wait3A_192, %dma_wait3A_193] : memref<10240x128xf32, #tpu.memory_space<vmem_shared>> -> memref<10240x128xf32, #tpu.memory_space<vmem_shared>>
        tpu.wait_indirect_dma semaphore(%run_scoped3A_182 : memref<!tpu.dma_semaphore, #tpu.memory_space<semaphore_mem>>) src(%arg8 : memref<80x128xf32, #tpu.memory_space<vmem>>) dst(%dma_wait3A_194 : memref<10240x128xf32, #tpu.memory_space<vmem_shared>>)
        tpu.yield
      }) : () -> ()
      %add3A_163 = arith.constant 2 : i32
      %add3A_164 = arith.addi %mul3A_148, %add3A_163 : i32
      %dma_start3A_165 = arith.constant 0 : i32
      %dma_start3A_166 = tpu.memref_slice %arg6[%add3A_164, %dma_start3A_165] : memref<25x80xi32, #tpu.memory_space<vmem>> -> memref<1x80xi32, #tpu.memory_space<vmem>>
      %dma_start3A_167 = tpu.memref_squeeze %dma_start3A_166 : memref<1x80xi32, #tpu.memory_space<vmem>> -> memref<80xi32, #tpu.memory_space<vmem>>
      %dma_start3A_168 = arith.constant 0 : i32
      %dma_start3A_169 = arith.constant 0 : i32
      %dma_start3A_170 = tpu.memref_slice %arg2[%dma_start3A_168, %dma_start3A_169] : memref<10240x128xf32, #tpu.memory_space<hbm>> -> memref<10240x128xf32, #tpu.memory_space<hbm>>
      tpu.enqueue_indirect_dma source(%dma_start3A_170 : memref<10240x128xf32, #tpu.memory_space<hbm>>) target(%arg8 : memref<80x128xf32, #tpu.memory_space<vmem>>) offsets(%dma_start3A_167 : memref<80xi32, #tpu.memory_space<vmem>>) semaphore(%arg11 : memref<!tpu.dma_semaphore, #tpu.memory_space<semaphore_mem>>)
      %add3A_171 = arith.constant 1 : i32
      %add3A_172 = arith.addi %mul3A_148, %add3A_171 : i32
      %dma_wait3A_173 = arith.constant 0 : i32
      %dma_wait3A_174 = tpu.memref_slice %arg6[%add3A_172, %dma_wait3A_173] : memref<25x80xi32, #tpu.memory_space<vmem>> -> memref<1x80xi32, #tpu.memory_space<vmem>>
      %dma_wait3A_175 = tpu.memref_squeeze %dma_wait3A_174 : memref<1x80xi32, #tpu.memory_space<vmem>> -> memref<80xi32, #tpu.memory_space<vmem>>
      %dma_wait3A_176 = arith.constant 0 : i32
      %dma_wait3A_177 = arith.constant 0 : i32
      %dma_wait3A_178 = tpu.memref_slice %arg2[%dma_wait3A_176, %dma_wait3A_177] : memref<10240x128xf32, #tpu.memory_space<hbm>> -> memref<10240x128xf32, #tpu.memory_space<hbm>>
      tpu.wait_indirect_dma semaphore(%arg12 : memref<!tpu.dma_semaphore, #tpu.memory_space<semaphore_mem>>) src(%dma_wait3A_178 : memref<10240x128xf32, #tpu.memory_space<hbm>>) dst(%arg9 : memref<80x128xf32, #tpu.memory_space<vmem>>)
      %add3A_179 = arith.constant 1 : i32
      %add3A_180 = arith.addi %mul3A_148, %add3A_179 : i32
      "tpu.region"() ({
        %run_scoped3A_182 = tpu.sem_alloc : memref<!tpu.dma_semaphore, #tpu.memory_space<semaphore_mem>>
        %dma_start3A_183 = arith.constant 0 : i32
        %dma_start3A_184 = tpu.memref_slice %arg7[%add3A_180, %dma_start3A_183] : memref<25x80xi32, #tpu.memory_space<vmem>> -> memref<1x80xi32, #tpu.memory_space<vmem>>
        %dma_start3A_185 = tpu.memref_squeeze %dma_start3A_184 : memref<1x80xi32, #tpu.memory_space<vmem>> -> memref<80xi32, #tpu.memory_space<vmem>>
        %dma_start3A_186 = arith.constant 0 : i32
        %dma_start3A_187 = arith.constant 0 : i32
        %dma_start3A_188 = tpu.memref_slice %arg10[%dma_start3A_186, %dma_start3A_187] : memref<10240x128xf32, #tpu.memory_space<vmem_shared>> -> memref<10240x128xf32, #tpu.memory_space<vmem_shared>>
        tpu.enqueue_indirect_dma source(%arg9 : memref<80x128xf32, #tpu.memory_space<vmem>>) target(%dma_start3A_188 : memref<10240x128xf32, #tpu.memory_space<vmem_shared>>) offsets(%dma_start3A_185 : memref<80xi32, #tpu.memory_space<vmem>>) semaphore(%run_scoped3A_182 : memref<!tpu.dma_semaphore, #tpu.memory_space<semaphore_mem>>) {add = true}
        %dma_wait3A_189 = arith.constant 0 : i32
        %dma_wait3A_190 = tpu.memref_slice %arg7[%add3A_180, %dma_wait3A_189] : memref<25x80xi32, #tpu.memory_space<vmem>> -> memref<1x80xi32, #tpu.memory_space<vmem>>
        %dma_wait3A_191 = tpu.memref_squeeze %dma_wait3A_190 : memref<1x80xi32, #tpu.memory_space<vmem>> -> memref<80xi32, #tpu.memory_space<vmem>>
        %dma_wait3A_192 = arith.constant 0 : i32
        %dma_wait3A_193 = arith.constant 0 : i32
        %dma_wait3A_194 = tpu.memref_slice %arg10[%dma_wait3A_192, %dma_wait3A_193] : memref<10240x128xf32, #tpu.memory_space<vmem_shared>> -> memref<10240x128xf32, #tpu.memory_space<vmem_shared>>
        tpu.wait_indirect_dma semaphore(%run_scoped3A_182 : memref<!tpu.dma_semaphore, #tpu.memory_space<semaphore_mem>>) src(%arg9 : memref<80x128xf32, #tpu.memory_space<vmem>>) dst(%dma_wait3A_194 : memref<10240x128xf32, #tpu.memory_space<vmem_shared>>)
        tpu.yield
      }) : () -> ()
      %scan3A_181 = arith.constant 0 : i32
      scf.yield %scan3A_181 : i32
    }
    %scan3A_36 = arith.constant 12 : i32
    %dma_wait3A = arith.constant 24 : i32
    %dma_wait3A_37 = arith.constant 0 : i32
    %dma_wait3A_38 = tpu.memref_slice %arg6[%dma_wait3A, %dma_wait3A_37] : memref<25x80xi32, #tpu.memory_space<vmem>> -> memref<1x80xi32, #tpu.memory_space<vmem>>
    %dma_wait3A_39 = tpu.memref_squeeze %dma_wait3A_38 : memref<1x80xi32, #tpu.memory_space<vmem>> -> memref<80xi32, #tpu.memory_space<vmem>>
    %dma_wait3A_40 = arith.constant 0 : i32
    %dma_wait3A_41 = arith.constant 0 : i32
    %dma_wait3A_42 = tpu.memref_slice %arg2[%dma_wait3A_40, %dma_wait3A_41] : memref<10240x128xf32, #tpu.memory_space<hbm>> -> memref<10240x128xf32, #tpu.memory_space<hbm>>
    tpu.wait_indirect_dma semaphore(%arg11 : memref<!tpu.dma_semaphore, #tpu.memory_space<semaphore_mem>>) src(%dma_wait3A_42 : memref<10240x128xf32, #tpu.memory_space<hbm>>) dst(%arg8 : memref<80x128xf32, #tpu.memory_space<vmem>>)
    %run_scoped3A_43 = arith.constant 24 : i32
    "tpu.region"() ({
      %run_scoped3A_145 = tpu.sem_alloc : memref<!tpu.dma_semaphore, #tpu.memory_space<semaphore_mem>>
      %dma_start3A_146 = arith.constant 0 : i32
      %dma_start3A_147 = tpu.memref_slice %arg7[%run_scoped3A_43, %dma_start3A_146] : memref<25x80xi32, #tpu.memory_space<vmem>> -> memref<1x80xi32, #tpu.memory_space<vmem>>
      %dma_start3A_148 = tpu.memref_squeeze %dma_start3A_147 : memref<1x80xi32, #tpu.memory_space<vmem>> -> memref<80xi32, #tpu.memory_space<vmem>>
      %dma_start3A_149 = arith.constant 0 : i32
      %dma_start3A_150 = arith.constant 0 : i32
      %dma_start3A_151 = tpu.memref_slice %arg10[%dma_start3A_149, %dma_start3A_150] : memref<10240x128xf32, #tpu.memory_space<vmem_shared>> -> memref<10240x128xf32, #tpu.memory_space<vmem_shared>>
      tpu.enqueue_indirect_dma source(%arg8 : memref<80x128xf32, #tpu.memory_space<vmem>>) target(%dma_start3A_151 : memref<10240x128xf32, #tpu.memory_space<vmem_shared>>) offsets(%dma_start3A_148 : memref<80xi32, #tpu.memory_space<vmem>>) semaphore(%run_scoped3A_145 : memref<!tpu.dma_semaphore, #tpu.memory_space<semaphore_mem>>) {add = true}
      %dma_wait3A_152 = arith.constant 0 : i32
      %dma_wait3A_153 = tpu.memref_slice %arg7[%run_scoped3A_43, %dma_wait3A_152] : memref<25x80xi32, #tpu.memory_space<vmem>> -> memref<1x80xi32, #tpu.memory_space<vmem>>
      %dma_wait3A_154 = tpu.memref_squeeze %dma_wait3A_153 : memref<1x80xi32, #tpu.memory_space<vmem>> -> memref<80xi32, #tpu.memory_space<vmem>>
      %dma_wait3A_155 = arith.constant 0 : i32
      %dma_wait3A_156 = arith.constant 0 : i32
      %dma_wait3A_157 = tpu.memref_slice %arg10[%dma_wait3A_155, %dma_wait3A_156] : memref<10240x128xf32, #tpu.memory_space<vmem_shared>> -> memref<10240x128xf32, #tpu.memory_space<vmem_shared>>
      tpu.wait_indirect_dma semaphore(%run_scoped3A_145 : memref<!tpu.dma_semaphore, #tpu.memory_space<semaphore_mem>>) src(%arg8 : memref<80x128xf32, #tpu.memory_space<vmem>>) dst(%dma_wait3A_157 : memref<10240x128xf32, #tpu.memory_space<vmem_shared>>)
      tpu.yield
    }) : () -> ()
    %run_scoped3A_44 = arith.constant 1 : i32
    "tpu.region"() ({
      %run_scoped3A_145 = tpu.sem_alloc : memref<!tpu.dma_semaphore, #tpu.memory_space<semaphore_mem>>
      %dma_start3A_146 = arith.constant 0 : i32
      %dma_start3A_147 = arith.constant 0 : i32
      %dma_start3A_148 = tpu.memref_slice %arg3[%add3A, %run_scoped3A_44, %dma_start3A_146, %dma_start3A_147] : memref<32x5x25x80xi32, #tpu.memory_space<hbm>> -> memref<1x1x25x80xi32, #tpu.memory_space<hbm>>
      %dma_start3A_149 = tpu.memref_squeeze %dma_start3A_148 : memref<1x1x25x80xi32, #tpu.memory_space<hbm>> -> memref<25x80xi32, #tpu.memory_space<hbm>>
      %dma_start3A_150 = arith.constant 0 : i32
      %dma_start3A_151 = arith.constant 0 : i32
      %dma_start3A_152 = tpu.memref_slice %arg3[%add3A, %run_scoped3A_44, %dma_start3A_150, %dma_start3A_151] : memref<32x5x25x80xi32, #tpu.memory_space<hbm>> -> memref<1x1x25x80xi32, #tpu.memory_space<hbm>>
      %dma_start3A_153 = tpu.memref_squeeze %dma_start3A_152 : memref<1x1x25x80xi32, #tpu.memory_space<hbm>> -> memref<25x80xi32, #tpu.memory_space<hbm>>
      tpu.enqueue_dma source(%dma_start3A_153 : memref<25x80xi32, #tpu.memory_space<hbm>>) target(%arg6 : memref<25x80xi32, #tpu.memory_space<vmem>>) target_semaphore(%run_scoped3A_145 : memref<!tpu.dma_semaphore, #tpu.memory_space<semaphore_mem>>)
      %dma_wait3A_154 = arith.constant 0 : i32
      %dma_wait3A_155 = arith.constant 0 : i32
      %dma_wait3A_156 = tpu.memref_slice %arg3[%add3A, %run_scoped3A_44, %dma_wait3A_154, %dma_wait3A_155] : memref<32x5x25x80xi32, #tpu.memory_space<hbm>> -> memref<1x1x25x80xi32, #tpu.memory_space<hbm>>
      %dma_wait3A_157 = tpu.memref_squeeze %dma_wait3A_156 : memref<1x1x25x80xi32, #tpu.memory_space<hbm>> -> memref<25x80xi32, #tpu.memory_space<hbm>>
      %dma_wait3A_158 = arith.constant 0 : i32
      %dma_wait3A_159 = arith.constant 0 : i32
      %dma_wait3A_160 = tpu.memref_slice %arg3[%add3A, %run_scoped3A_44, %dma_wait3A_158, %dma_wait3A_159] : memref<32x5x25x80xi32, #tpu.memory_space<hbm>> -> memref<1x1x25x80xi32, #tpu.memory_space<hbm>>
      %dma_wait3A_161 = tpu.memref_squeeze %dma_wait3A_160 : memref<1x1x25x80xi32, #tpu.memory_space<hbm>> -> memref<25x80xi32, #tpu.memory_space<hbm>>
      tpu.wait_dma2 semaphore(%run_scoped3A_145 : memref<!tpu.dma_semaphore, #tpu.memory_space<semaphore_mem>>) src(%dma_wait3A_161 : memref<25x80xi32, #tpu.memory_space<hbm>>) dst(%arg6 : memref<25x80xi32, #tpu.memory_space<vmem>>)
      tpu.yield
    }) : () -> ()
    %run_scoped3A_45 = arith.constant 1 : i32
    "tpu.region"() ({
      %run_scoped3A_145 = tpu.sem_alloc : memref<!tpu.dma_semaphore, #tpu.memory_space<semaphore_mem>>
      %dma_start3A_146 = arith.constant 0 : i32
      %dma_start3A_147 = arith.constant 0 : i32
      %dma_start3A_148 = tpu.memref_slice %arg4[%add3A, %run_scoped3A_45, %dma_start3A_146, %dma_start3A_147] : memref<32x5x25x80xi32, #tpu.memory_space<hbm>> -> memref<1x1x25x80xi32, #tpu.memory_space<hbm>>
      %dma_start3A_149 = tpu.memref_squeeze %dma_start3A_148 : memref<1x1x25x80xi32, #tpu.memory_space<hbm>> -> memref<25x80xi32, #tpu.memory_space<hbm>>
      %dma_start3A_150 = arith.constant 0 : i32
      %dma_start3A_151 = arith.constant 0 : i32
      %dma_start3A_152 = tpu.memref_slice %arg4[%add3A, %run_scoped3A_45, %dma_start3A_150, %dma_start3A_151] : memref<32x5x25x80xi32, #tpu.memory_space<hbm>> -> memref<1x1x25x80xi32, #tpu.memory_space<hbm>>
      %dma_start3A_153 = tpu.memref_squeeze %dma_start3A_152 : memref<1x1x25x80xi32, #tpu.memory_space<hbm>> -> memref<25x80xi32, #tpu.memory_space<hbm>>
      tpu.enqueue_dma source(%dma_start3A_153 : memref<25x80xi32, #tpu.memory_space<hbm>>) target(%arg7 : memref<25x80xi32, #tpu.memory_space<vmem>>) target_semaphore(%run_scoped3A_145 : memref<!tpu.dma_semaphore, #tpu.memory_space<semaphore_mem>>)
      %dma_wait3A_154 = arith.constant 0 : i32
      %dma_wait3A_155 = arith.constant 0 : i32
      %dma_wait3A_156 = tpu.memref_slice %arg4[%add3A, %run_scoped3A_45, %dma_wait3A_154, %dma_wait3A_155] : memref<32x5x25x80xi32, #tpu.memory_space<hbm>> -> memref<1x1x25x80xi32, #tpu.memory_space<hbm>>
      %dma_wait3A_157 = tpu.memref_squeeze %dma_wait3A_156 : memref<1x1x25x80xi32, #tpu.memory_space<hbm>> -> memref<25x80xi32, #tpu.memory_space<hbm>>
      %dma_wait3A_158 = arith.constant 0 : i32
      %dma_wait3A_159 = arith.constant 0 : i32
      %dma_wait3A_160 = tpu.memref_slice %arg4[%add3A, %run_scoped3A_45, %dma_wait3A_158, %dma_wait3A_159] : memref<32x5x25x80xi32, #tpu.memory_space<hbm>> -> memref<1x1x25x80xi32, #tpu.memory_space<hbm>>
      %dma_wait3A_161 = tpu.memref_squeeze %dma_wait3A_160 : memref<1x1x25x80xi32, #tpu.memory_space<hbm>> -> memref<25x80xi32, #tpu.memory_space<hbm>>
      tpu.wait_dma2 semaphore(%run_scoped3A_145 : memref<!tpu.dma_semaphore, #tpu.memory_space<semaphore_mem>>) src(%dma_wait3A_161 : memref<25x80xi32, #tpu.memory_space<hbm>>) dst(%arg7 : memref<25x80xi32, #tpu.memory_space<vmem>>)
      tpu.yield
    }) : () -> ()
    %dma_start3A_46 = arith.constant 0 : i32
    %dma_start3A_47 = arith.constant 0 : i32
    %dma_start3A_48 = tpu.memref_slice %arg6[%dma_start3A_46, %dma_start3A_47] : memref<25x80xi32, #tpu.memory_space<vmem>> -> memref<1x80xi32, #tpu.memory_space<vmem>>
    %dma_start3A_49 = tpu.memref_squeeze %dma_start3A_48 : memref<1x80xi32, #tpu.memory_space<vmem>> -> memref<80xi32, #tpu.memory_space<vmem>>
    %dma_start3A_50 = arith.constant 0 : i32
    %dma_start3A_51 = arith.constant 0 : i32
    %dma_start3A_52 = tpu.memref_slice %arg2[%dma_start3A_50, %dma_start3A_51] : memref<10240x128xf32, #tpu.memory_space<hbm>> -> memref<10240x128xf32, #tpu.memory_space<hbm>>
    tpu.enqueue_indirect_dma source(%dma_start3A_52 : memref<10240x128xf32, #tpu.memory_space<hbm>>) target(%arg8 : memref<80x128xf32, #tpu.memory_space<vmem>>) offsets(%dma_start3A_49 : memref<80xi32, #tpu.memory_space<vmem>>) semaphore(%arg11 : memref<!tpu.dma_semaphore, #tpu.memory_space<semaphore_mem>>)
    %scan3A_53 = arith.constant 0 : i32
    %scan3A_54 = arith.constant 0 : i32
    %scan3A_55 = arith.constant 12 : i32
    %scan3A_56 = arith.addi %scan3A_54, %scan3A_55 : i32
    %scan3A_57 = arith.constant 1 : i32
    %scan3A_58 = scf.for %scan3A_145 = %scan3A_54 to %scan3A_56 step %scan3A_57 iter_args(%scan3A_146 = %scan3A_53) -> (i32)  : i32 {
      %mul3A_147 = arith.constant 2 : i32
      %mul3A_148 = arith.muli %mul3A_147, %scan3A_145 : i32
      %add3A_149 = arith.constant 1 : i32
      %add3A_150 = arith.addi %mul3A_148, %add3A_149 : i32
      %dma_start3A_151 = arith.constant 0 : i32
      %dma_start3A_152 = tpu.memref_slice %arg6[%add3A_150, %dma_start3A_151] : memref<25x80xi32, #tpu.memory_space<vmem>> -> memref<1x80xi32, #tpu.memory_space<vmem>>
      %dma_start3A_153 = tpu.memref_squeeze %dma_start3A_152 : memref<1x80xi32, #tpu.memory_space<vmem>> -> memref<80xi32, #tpu.memory_space<vmem>>
      %dma_start3A_154 = arith.constant 0 : i32
      %dma_start3A_155 = arith.constant 0 : i32
      %dma_start3A_156 = tpu.memref_slice %arg2[%dma_start3A_154, %dma_start3A_155] : memref<10240x128xf32, #tpu.memory_space<hbm>> -> memref<10240x128xf32, #tpu.memory_space<hbm>>
      tpu.enqueue_indirect_dma source(%dma_start3A_156 : memref<10240x128xf32, #tpu.memory_space<hbm>>) target(%arg9 : memref<80x128xf32, #tpu.memory_space<vmem>>) offsets(%dma_start3A_153 : memref<80xi32, #tpu.memory_space<vmem>>) semaphore(%arg12 : memref<!tpu.dma_semaphore, #tpu.memory_space<semaphore_mem>>)
      %dma_wait3A_157 = arith.constant 0 : i32
      %dma_wait3A_158 = tpu.memref_slice %arg6[%mul3A_148, %dma_wait3A_157] : memref<25x80xi32, #tpu.memory_space<vmem>> -> memref<1x80xi32, #tpu.memory_space<vmem>>
      %dma_wait3A_159 = tpu.memref_squeeze %dma_wait3A_158 : memref<1x80xi32, #tpu.memory_space<vmem>> -> memref<80xi32, #tpu.memory_space<vmem>>
      %dma_wait3A_160 = arith.constant 0 : i32
      %dma_wait3A_161 = arith.constant 0 : i32
      %dma_wait3A_162 = tpu.memref_slice %arg2[%dma_wait3A_160, %dma_wait3A_161] : memref<10240x128xf32, #tpu.memory_space<hbm>> -> memref<10240x128xf32, #tpu.memory_space<hbm>>
      tpu.wait_indirect_dma semaphore(%arg11 : memref<!tpu.dma_semaphore, #tpu.memory_space<semaphore_mem>>) src(%dma_wait3A_162 : memref<10240x128xf32, #tpu.memory_space<hbm>>) dst(%arg8 : memref<80x128xf32, #tpu.memory_space<vmem>>)
      "tpu.region"() ({
        %run_scoped3A_182 = tpu.sem_alloc : memref<!tpu.dma_semaphore, #tpu.memory_space<semaphore_mem>>
        %dma_start3A_183 = arith.constant 0 : i32
        %dma_start3A_184 = tpu.memref_slice %arg7[%mul3A_148, %dma_start3A_183] : memref<25x80xi32, #tpu.memory_space<vmem>> -> memref<1x80xi32, #tpu.memory_space<vmem>>
        %dma_start3A_185 = tpu.memref_squeeze %dma_start3A_184 : memref<1x80xi32, #tpu.memory_space<vmem>> -> memref<80xi32, #tpu.memory_space<vmem>>
        %dma_start3A_186 = arith.constant 0 : i32
        %dma_start3A_187 = arith.constant 0 : i32
        %dma_start3A_188 = tpu.memref_slice %arg10[%dma_start3A_186, %dma_start3A_187] : memref<10240x128xf32, #tpu.memory_space<vmem_shared>> -> memref<10240x128xf32, #tpu.memory_space<vmem_shared>>
        tpu.enqueue_indirect_dma source(%arg8 : memref<80x128xf32, #tpu.memory_space<vmem>>) target(%dma_start3A_188 : memref<10240x128xf32, #tpu.memory_space<vmem_shared>>) offsets(%dma_start3A_185 : memref<80xi32, #tpu.memory_space<vmem>>) semaphore(%run_scoped3A_182 : memref<!tpu.dma_semaphore, #tpu.memory_space<semaphore_mem>>) {add = true}
        %dma_wait3A_189 = arith.constant 0 : i32
        %dma_wait3A_190 = tpu.memref_slice %arg7[%mul3A_148, %dma_wait3A_189] : memref<25x80xi32, #tpu.memory_space<vmem>> -> memref<1x80xi32, #tpu.memory_space<vmem>>
        %dma_wait3A_191 = tpu.memref_squeeze %dma_wait3A_190 : memref<1x80xi32, #tpu.memory_space<vmem>> -> memref<80xi32, #tpu.memory_space<vmem>>
        %dma_wait3A_192 = arith.constant 0 : i32
        %dma_wait3A_193 = arith.constant 0 : i32
        %dma_wait3A_194 = tpu.memref_slice %arg10[%dma_wait3A_192, %dma_wait3A_193] : memref<10240x128xf32, #tpu.memory_space<vmem_shared>> -> memref<10240x128xf32, #tpu.memory_space<vmem_shared>>
        tpu.wait_indirect_dma semaphore(%run_scoped3A_182 : memref<!tpu.dma_semaphore, #tpu.memory_space<semaphore_mem>>) src(%arg8 : memref<80x128xf32, #tpu.memory_space<vmem>>) dst(%dma_wait3A_194 : memref<10240x128xf32, #tpu.memory_space<vmem_shared>>)
        tpu.yield
      }) : () -> ()
      %add3A_163 = arith.constant 2 : i32
      %add3A_164 = arith.addi %mul3A_148, %add3A_163 : i32
      %dma_start3A_165 = arith.constant 0 : i32
      %dma_start3A_166 = tpu.memref_slice %arg6[%add3A_164, %dma_start3A_165] : memref<25x80xi32, #tpu.memory_space<vmem>> -> memref<1x80xi32, #tpu.memory_space<vmem>>
      %dma_start3A_167 = tpu.memref_squeeze %dma_start3A_166 : memref<1x80xi32, #tpu.memory_space<vmem>> -> memref<80xi32, #tpu.memory_space<vmem>>
      %dma_start3A_168 = arith.constant 0 : i32
      %dma_start3A_169 = arith.constant 0 : i32
      %dma_start3A_170 = tpu.memref_slice %arg2[%dma_start3A_168, %dma_start3A_169] : memref<10240x128xf32, #tpu.memory_space<hbm>> -> memref<10240x128xf32, #tpu.memory_space<hbm>>
      tpu.enqueue_indirect_dma source(%dma_start3A_170 : memref<10240x128xf32, #tpu.memory_space<hbm>>) target(%arg8 : memref<80x128xf32, #tpu.memory_space<vmem>>) offsets(%dma_start3A_167 : memref<80xi32, #tpu.memory_space<vmem>>) semaphore(%arg11 : memref<!tpu.dma_semaphore, #tpu.memory_space<semaphore_mem>>)
      %add3A_171 = arith.constant 1 : i32
      %add3A_172 = arith.addi %mul3A_148, %add3A_171 : i32
      %dma_wait3A_173 = arith.constant 0 : i32
      %dma_wait3A_174 = tpu.memref_slice %arg6[%add3A_172, %dma_wait3A_173] : memref<25x80xi32, #tpu.memory_space<vmem>> -> memref<1x80xi32, #tpu.memory_space<vmem>>
      %dma_wait3A_175 = tpu.memref_squeeze %dma_wait3A_174 : memref<1x80xi32, #tpu.memory_space<vmem>> -> memref<80xi32, #tpu.memory_space<vmem>>
      %dma_wait3A_176 = arith.constant 0 : i32
      %dma_wait3A_177 = arith.constant 0 : i32
      %dma_wait3A_178 = tpu.memref_slice %arg2[%dma_wait3A_176, %dma_wait3A_177] : memref<10240x128xf32, #tpu.memory_space<hbm>> -> memref<10240x128xf32, #tpu.memory_space<hbm>>
      tpu.wait_indirect_dma semaphore(%arg12 : memref<!tpu.dma_semaphore, #tpu.memory_space<semaphore_mem>>) src(%dma_wait3A_178 : memref<10240x128xf32, #tpu.memory_space<hbm>>) dst(%arg9 : memref<80x128xf32, #tpu.memory_space<vmem>>)
      %add3A_179 = arith.constant 1 : i32
      %add3A_180 = arith.addi %mul3A_148, %add3A_179 : i32
      "tpu.region"() ({
        %run_scoped3A_182 = tpu.sem_alloc : memref<!tpu.dma_semaphore, #tpu.memory_space<semaphore_mem>>
        %dma_start3A_183 = arith.constant 0 : i32
        %dma_start3A_184 = tpu.memref_slice %arg7[%add3A_180, %dma_start3A_183] : memref<25x80xi32, #tpu.memory_space<vmem>> -> memref<1x80xi32, #tpu.memory_space<vmem>>
        %dma_start3A_185 = tpu.memref_squeeze %dma_start3A_184 : memref<1x80xi32, #tpu.memory_space<vmem>> -> memref<80xi32, #tpu.memory_space<vmem>>
        %dma_start3A_186 = arith.constant 0 : i32
        %dma_start3A_187 = arith.constant 0 : i32
        %dma_start3A_188 = tpu.memref_slice %arg10[%dma_start3A_186, %dma_start3A_187] : memref<10240x128xf32, #tpu.memory_space<vmem_shared>> -> memref<10240x128xf32, #tpu.memory_space<vmem_shared>>
        tpu.enqueue_indirect_dma source(%arg9 : memref<80x128xf32, #tpu.memory_space<vmem>>) target(%dma_start3A_188 : memref<10240x128xf32, #tpu.memory_space<vmem_shared>>) offsets(%dma_start3A_185 : memref<80xi32, #tpu.memory_space<vmem>>) semaphore(%run_scoped3A_182 : memref<!tpu.dma_semaphore, #tpu.memory_space<semaphore_mem>>) {add = true}
        %dma_wait3A_189 = arith.constant 0 : i32
        %dma_wait3A_190 = tpu.memref_slice %arg7[%add3A_180, %dma_wait3A_189] : memref<25x80xi32, #tpu.memory_space<vmem>> -> memref<1x80xi32, #tpu.memory_space<vmem>>
        %dma_wait3A_191 = tpu.memref_squeeze %dma_wait3A_190 : memref<1x80xi32, #tpu.memory_space<vmem>> -> memref<80xi32, #tpu.memory_space<vmem>>
        %dma_wait3A_192 = arith.constant 0 : i32
        %dma_wait3A_193 = arith.constant 0 : i32
        %dma_wait3A_194 = tpu.memref_slice %arg10[%dma_wait3A_192, %dma_wait3A_193] : memref<10240x128xf32, #tpu.memory_space<vmem_shared>> -> memref<10240x128xf32, #tpu.memory_space<vmem_shared>>
        tpu.wait_indirect_dma semaphore(%run_scoped3A_182 : memref<!tpu.dma_semaphore, #tpu.memory_space<semaphore_mem>>) src(%arg9 : memref<80x128xf32, #tpu.memory_space<vmem>>) dst(%dma_wait3A_194 : memref<10240x128xf32, #tpu.memory_space<vmem_shared>>)
        tpu.yield
      }) : () -> ()
      %scan3A_181 = arith.constant 0 : i32
      scf.yield %scan3A_181 : i32
    }
    %scan3A_59 = arith.constant 12 : i32
    %dma_wait3A_60 = arith.constant 24 : i32
    %dma_wait3A_61 = arith.constant 0 : i32
    %dma_wait3A_62 = tpu.memref_slice %arg6[%dma_wait3A_60, %dma_wait3A_61] : memref<25x80xi32, #tpu.memory_space<vmem>> -> memref<1x80xi32, #tpu.memory_space<vmem>>
    %dma_wait3A_63 = tpu.memref_squeeze %dma_wait3A_62 : memref<1x80xi32, #tpu.memory_space<vmem>> -> memref<80xi32, #tpu.memory_space<vmem>>
    %dma_wait3A_64 = arith.constant 0 : i32
    %dma_wait3A_65 = arith.constant 0 : i32
    %dma_wait3A_66 = tpu.memref_slice %arg2[%dma_wait3A_64, %dma_wait3A_65] : memref<10240x128xf32, #tpu.memory_space<hbm>> -> memref<10240x128xf32, #tpu.memory_space<hbm>>
    tpu.wait_indirect_dma semaphore(%arg11 : memref<!tpu.dma_semaphore, #tpu.memory_space<semaphore_mem>>) src(%dma_wait3A_66 : memref<10240x128xf32, #tpu.memory_space<hbm>>) dst(%arg8 : memref<80x128xf32, #tpu.memory_space<vmem>>)
    %run_scoped3A_67 = arith.constant 24 : i32
    "tpu.region"() ({
      %run_scoped3A_145 = tpu.sem_alloc : memref<!tpu.dma_semaphore, #tpu.memory_space<semaphore_mem>>
      %dma_start3A_146 = arith.constant 0 : i32
      %dma_start3A_147 = tpu.memref_slice %arg7[%run_scoped3A_67, %dma_start3A_146] : memref<25x80xi32, #tpu.memory_space<vmem>> -> memref<1x80xi32, #tpu.memory_space<vmem>>
      %dma_start3A_148 = tpu.memref_squeeze %dma_start3A_147 : memref<1x80xi32, #tpu.memory_space<vmem>> -> memref<80xi32, #tpu.memory_space<vmem>>
      %dma_start3A_149 = arith.constant 0 : i32
      %dma_start3A_150 = arith.constant 0 : i32
      %dma_start3A_151 = tpu.memref_slice %arg10[%dma_start3A_149, %dma_start3A_150] : memref<10240x128xf32, #tpu.memory_space<vmem_shared>> -> memref<10240x128xf32, #tpu.memory_space<vmem_shared>>
      tpu.enqueue_indirect_dma source(%arg8 : memref<80x128xf32, #tpu.memory_space<vmem>>) target(%dma_start3A_151 : memref<10240x128xf32, #tpu.memory_space<vmem_shared>>) offsets(%dma_start3A_148 : memref<80xi32, #tpu.memory_space<vmem>>) semaphore(%run_scoped3A_145 : memref<!tpu.dma_semaphore, #tpu.memory_space<semaphore_mem>>) {add = true}
      %dma_wait3A_152 = arith.constant 0 : i32
      %dma_wait3A_153 = tpu.memref_slice %arg7[%run_scoped3A_67, %dma_wait3A_152] : memref<25x80xi32, #tpu.memory_space<vmem>> -> memref<1x80xi32, #tpu.memory_space<vmem>>
      %dma_wait3A_154 = tpu.memref_squeeze %dma_wait3A_153 : memref<1x80xi32, #tpu.memory_space<vmem>> -> memref<80xi32, #tpu.memory_space<vmem>>
      %dma_wait3A_155 = arith.constant 0 : i32
      %dma_wait3A_156 = arith.constant 0 : i32
      %dma_wait3A_157 = tpu.memref_slice %arg10[%dma_wait3A_155, %dma_wait3A_156] : memref<10240x128xf32, #tpu.memory_space<vmem_shared>> -> memref<10240x128xf32, #tpu.memory_space<vmem_shared>>
      tpu.wait_indirect_dma semaphore(%run_scoped3A_145 : memref<!tpu.dma_semaphore, #tpu.memory_space<semaphore_mem>>) src(%arg8 : memref<80x128xf32, #tpu.memory_space<vmem>>) dst(%dma_wait3A_157 : memref<10240x128xf32, #tpu.memory_space<vmem_shared>>)
      tpu.yield
    }) : () -> ()
    %run_scoped3A_68 = arith.constant 2 : i32
    "tpu.region"() ({
      %run_scoped3A_145 = tpu.sem_alloc : memref<!tpu.dma_semaphore, #tpu.memory_space<semaphore_mem>>
      %dma_start3A_146 = arith.constant 0 : i32
      %dma_start3A_147 = arith.constant 0 : i32
      %dma_start3A_148 = tpu.memref_slice %arg3[%add3A, %run_scoped3A_68, %dma_start3A_146, %dma_start3A_147] : memref<32x5x25x80xi32, #tpu.memory_space<hbm>> -> memref<1x1x25x80xi32, #tpu.memory_space<hbm>>
      %dma_start3A_149 = tpu.memref_squeeze %dma_start3A_148 : memref<1x1x25x80xi32, #tpu.memory_space<hbm>> -> memref<25x80xi32, #tpu.memory_space<hbm>>
      %dma_start3A_150 = arith.constant 0 : i32
      %dma_start3A_151 = arith.constant 0 : i32
      %dma_start3A_152 = tpu.memref_slice %arg3[%add3A, %run_scoped3A_68, %dma_start3A_150, %dma_start3A_151] : memref<32x5x25x80xi32, #tpu.memory_space<hbm>> -> memref<1x1x25x80xi32, #tpu.memory_space<hbm>>
      %dma_start3A_153 = tpu.memref_squeeze %dma_start3A_152 : memref<1x1x25x80xi32, #tpu.memory_space<hbm>> -> memref<25x80xi32, #tpu.memory_space<hbm>>
      tpu.enqueue_dma source(%dma_start3A_153 : memref<25x80xi32, #tpu.memory_space<hbm>>) target(%arg6 : memref<25x80xi32, #tpu.memory_space<vmem>>) target_semaphore(%run_scoped3A_145 : memref<!tpu.dma_semaphore, #tpu.memory_space<semaphore_mem>>)
      %dma_wait3A_154 = arith.constant 0 : i32
      %dma_wait3A_155 = arith.constant 0 : i32
      %dma_wait3A_156 = tpu.memref_slice %arg3[%add3A, %run_scoped3A_68, %dma_wait3A_154, %dma_wait3A_155] : memref<32x5x25x80xi32, #tpu.memory_space<hbm>> -> memref<1x1x25x80xi32, #tpu.memory_space<hbm>>
      %dma_wait3A_157 = tpu.memref_squeeze %dma_wait3A_156 : memref<1x1x25x80xi32, #tpu.memory_space<hbm>> -> memref<25x80xi32, #tpu.memory_space<hbm>>
      %dma_wait3A_158 = arith.constant 0 : i32
      %dma_wait3A_159 = arith.constant 0 : i32
      %dma_wait3A_160 = tpu.memref_slice %arg3[%add3A, %run_scoped3A_68, %dma_wait3A_158, %dma_wait3A_159] : memref<32x5x25x80xi32, #tpu.memory_space<hbm>> -> memref<1x1x25x80xi32, #tpu.memory_space<hbm>>
      %dma_wait3A_161 = tpu.memref_squeeze %dma_wait3A_160 : memref<1x1x25x80xi32, #tpu.memory_space<hbm>> -> memref<25x80xi32, #tpu.memory_space<hbm>>
      tpu.wait_dma2 semaphore(%run_scoped3A_145 : memref<!tpu.dma_semaphore, #tpu.memory_space<semaphore_mem>>) src(%dma_wait3A_161 : memref<25x80xi32, #tpu.memory_space<hbm>>) dst(%arg6 : memref<25x80xi32, #tpu.memory_space<vmem>>)
      tpu.yield
    }) : () -> ()
    %run_scoped3A_69 = arith.constant 2 : i32
    "tpu.region"() ({
      %run_scoped3A_145 = tpu.sem_alloc : memref<!tpu.dma_semaphore, #tpu.memory_space<semaphore_mem>>
      %dma_start3A_146 = arith.constant 0 : i32
      %dma_start3A_147 = arith.constant 0 : i32
      %dma_start3A_148 = tpu.memref_slice %arg4[%add3A, %run_scoped3A_69, %dma_start3A_146, %dma_start3A_147] : memref<32x5x25x80xi32, #tpu.memory_space<hbm>> -> memref<1x1x25x80xi32, #tpu.memory_space<hbm>>
      %dma_start3A_149 = tpu.memref_squeeze %dma_start3A_148 : memref<1x1x25x80xi32, #tpu.memory_space<hbm>> -> memref<25x80xi32, #tpu.memory_space<hbm>>
      %dma_start3A_150 = arith.constant 0 : i32
      %dma_start3A_151 = arith.constant 0 : i32
      %dma_start3A_152 = tpu.memref_slice %arg4[%add3A, %run_scoped3A_69, %dma_start3A_150, %dma_start3A_151] : memref<32x5x25x80xi32, #tpu.memory_space<hbm>> -> memref<1x1x25x80xi32, #tpu.memory_space<hbm>>
      %dma_start3A_153 = tpu.memref_squeeze %dma_start3A_152 : memref<1x1x25x80xi32, #tpu.memory_space<hbm>> -> memref<25x80xi32, #tpu.memory_space<hbm>>
      tpu.enqueue_dma source(%dma_start3A_153 : memref<25x80xi32, #tpu.memory_space<hbm>>) target(%arg7 : memref<25x80xi32, #tpu.memory_space<vmem>>) target_semaphore(%run_scoped3A_145 : memref<!tpu.dma_semaphore, #tpu.memory_space<semaphore_mem>>)
      %dma_wait3A_154 = arith.constant 0 : i32
      %dma_wait3A_155 = arith.constant 0 : i32
      %dma_wait3A_156 = tpu.memref_slice %arg4[%add3A, %run_scoped3A_69, %dma_wait3A_154, %dma_wait3A_155] : memref<32x5x25x80xi32, #tpu.memory_space<hbm>> -> memref<1x1x25x80xi32, #tpu.memory_space<hbm>>
      %dma_wait3A_157 = tpu.memref_squeeze %dma_wait3A_156 : memref<1x1x25x80xi32, #tpu.memory_space<hbm>> -> memref<25x80xi32, #tpu.memory_space<hbm>>
      %dma_wait3A_158 = arith.constant 0 : i32
      %dma_wait3A_159 = arith.constant 0 : i32
      %dma_wait3A_160 = tpu.memref_slice %arg4[%add3A, %run_scoped3A_69, %dma_wait3A_158, %dma_wait3A_159] : memref<32x5x25x80xi32, #tpu.memory_space<hbm>> -> memref<1x1x25x80xi32, #tpu.memory_space<hbm>>
      %dma_wait3A_161 = tpu.memref_squeeze %dma_wait3A_160 : memref<1x1x25x80xi32, #tpu.memory_space<hbm>> -> memref<25x80xi32, #tpu.memory_space<hbm>>
      tpu.wait_dma2 semaphore(%run_scoped3A_145 : memref<!tpu.dma_semaphore, #tpu.memory_space<semaphore_mem>>) src(%dma_wait3A_161 : memref<25x80xi32, #tpu.memory_space<hbm>>) dst(%arg7 : memref<25x80xi32, #tpu.memory_space<vmem>>)
      tpu.yield
    }) : () -> ()
    %dma_start3A_70 = arith.constant 0 : i32
    %dma_start3A_71 = arith.constant 0 : i32
    %dma_start3A_72 = tpu.memref_slice %arg6[%dma_start3A_70, %dma_start3A_71] : memref<25x80xi32, #tpu.memory_space<vmem>> -> memref<1x80xi32, #tpu.memory_space<vmem>>
    %dma_start3A_73 = tpu.memref_squeeze %dma_start3A_72 : memref<1x80xi32, #tpu.memory_space<vmem>> -> memref<80xi32, #tpu.memory_space<vmem>>
    %dma_start3A_74 = arith.constant 0 : i32
    %dma_start3A_75 = arith.constant 0 : i32
    %dma_start3A_76 = tpu.memref_slice %arg2[%dma_start3A_74, %dma_start3A_75] : memref<10240x128xf32, #tpu.memory_space<hbm>> -> memref<10240x128xf32, #tpu.memory_space<hbm>>
    tpu.enqueue_indirect_dma source(%dma_start3A_76 : memref<10240x128xf32, #tpu.memory_space<hbm>>) target(%arg8 : memref<80x128xf32, #tpu.memory_space<vmem>>) offsets(%dma_start3A_73 : memref<80xi32, #tpu.memory_space<vmem>>) semaphore(%arg11 : memref<!tpu.dma_semaphore, #tpu.memory_space<semaphore_mem>>)
    %scan3A_77 = arith.constant 0 : i32
    %scan3A_78 = arith.constant 0 : i32
    %scan3A_79 = arith.constant 12 : i32
    %scan3A_80 = arith.addi %scan3A_78, %scan3A_79 : i32
    %scan3A_81 = arith.constant 1 : i32
    %scan3A_82 = scf.for %scan3A_145 = %scan3A_78 to %scan3A_80 step %scan3A_81 iter_args(%scan3A_146 = %scan3A_77) -> (i32)  : i32 {
      %mul3A_147 = arith.constant 2 : i32
      %mul3A_148 = arith.muli %mul3A_147, %scan3A_145 : i32
      %add3A_149 = arith.constant 1 : i32
      %add3A_150 = arith.addi %mul3A_148, %add3A_149 : i32
      %dma_start3A_151 = arith.constant 0 : i32
      %dma_start3A_152 = tpu.memref_slice %arg6[%add3A_150, %dma_start3A_151] : memref<25x80xi32, #tpu.memory_space<vmem>> -> memref<1x80xi32, #tpu.memory_space<vmem>>
      %dma_start3A_153 = tpu.memref_squeeze %dma_start3A_152 : memref<1x80xi32, #tpu.memory_space<vmem>> -> memref<80xi32, #tpu.memory_space<vmem>>
      %dma_start3A_154 = arith.constant 0 : i32
      %dma_start3A_155 = arith.constant 0 : i32
      %dma_start3A_156 = tpu.memref_slice %arg2[%dma_start3A_154, %dma_start3A_155] : memref<10240x128xf32, #tpu.memory_space<hbm>> -> memref<10240x128xf32, #tpu.memory_space<hbm>>
      tpu.enqueue_indirect_dma source(%dma_start3A_156 : memref<10240x128xf32, #tpu.memory_space<hbm>>) target(%arg9 : memref<80x128xf32, #tpu.memory_space<vmem>>) offsets(%dma_start3A_153 : memref<80xi32, #tpu.memory_space<vmem>>) semaphore(%arg12 : memref<!tpu.dma_semaphore, #tpu.memory_space<semaphore_mem>>)
      %dma_wait3A_157 = arith.constant 0 : i32
      %dma_wait3A_158 = tpu.memref_slice %arg6[%mul3A_148, %dma_wait3A_157] : memref<25x80xi32, #tpu.memory_space<vmem>> -> memref<1x80xi32, #tpu.memory_space<vmem>>
      %dma_wait3A_159 = tpu.memref_squeeze %dma_wait3A_158 : memref<1x80xi32, #tpu.memory_space<vmem>> -> memref<80xi32, #tpu.memory_space<vmem>>
      %dma_wait3A_160 = arith.constant 0 : i32
      %dma_wait3A_161 = arith.constant 0 : i32
      %dma_wait3A_162 = tpu.memref_slice %arg2[%dma_wait3A_160, %dma_wait3A_161] : memref<10240x128xf32, #tpu.memory_space<hbm>> -> memref<10240x128xf32, #tpu.memory_space<hbm>>
      tpu.wait_indirect_dma semaphore(%arg11 : memref<!tpu.dma_semaphore, #tpu.memory_space<semaphore_mem>>) src(%dma_wait3A_162 : memref<10240x128xf32, #tpu.memory_space<hbm>>) dst(%arg8 : memref<80x128xf32, #tpu.memory_space<vmem>>)
      "tpu.region"() ({
        %run_scoped3A_182 = tpu.sem_alloc : memref<!tpu.dma_semaphore, #tpu.memory_space<semaphore_mem>>
        %dma_start3A_183 = arith.constant 0 : i32
        %dma_start3A_184 = tpu.memref_slice %arg7[%mul3A_148, %dma_start3A_183] : memref<25x80xi32, #tpu.memory_space<vmem>> -> memref<1x80xi32, #tpu.memory_space<vmem>>
        %dma_start3A_185 = tpu.memref_squeeze %dma_start3A_184 : memref<1x80xi32, #tpu.memory_space<vmem>> -> memref<80xi32, #tpu.memory_space<vmem>>
        %dma_start3A_186 = arith.constant 0 : i32
        %dma_start3A_187 = arith.constant 0 : i32
        %dma_start3A_188 = tpu.memref_slice %arg10[%dma_start3A_186, %dma_start3A_187] : memref<10240x128xf32, #tpu.memory_space<vmem_shared>> -> memref<10240x128xf32, #tpu.memory_space<vmem_shared>>
        tpu.enqueue_indirect_dma source(%arg8 : memref<80x128xf32, #tpu.memory_space<vmem>>) target(%dma_start3A_188 : memref<10240x128xf32, #tpu.memory_space<vmem_shared>>) offsets(%dma_start3A_185 : memref<80xi32, #tpu.memory_space<vmem>>) semaphore(%run_scoped3A_182 : memref<!tpu.dma_semaphore, #tpu.memory_space<semaphore_mem>>) {add = true}
        %dma_wait3A_189 = arith.constant 0 : i32
        %dma_wait3A_190 = tpu.memref_slice %arg7[%mul3A_148, %dma_wait3A_189] : memref<25x80xi32, #tpu.memory_space<vmem>> -> memref<1x80xi32, #tpu.memory_space<vmem>>
        %dma_wait3A_191 = tpu.memref_squeeze %dma_wait3A_190 : memref<1x80xi32, #tpu.memory_space<vmem>> -> memref<80xi32, #tpu.memory_space<vmem>>
        %dma_wait3A_192 = arith.constant 0 : i32
        %dma_wait3A_193 = arith.constant 0 : i32
        %dma_wait3A_194 = tpu.memref_slice %arg10[%dma_wait3A_192, %dma_wait3A_193] : memref<10240x128xf32, #tpu.memory_space<vmem_shared>> -> memref<10240x128xf32, #tpu.memory_space<vmem_shared>>
        tpu.wait_indirect_dma semaphore(%run_scoped3A_182 : memref<!tpu.dma_semaphore, #tpu.memory_space<semaphore_mem>>) src(%arg8 : memref<80x128xf32, #tpu.memory_space<vmem>>) dst(%dma_wait3A_194 : memref<10240x128xf32, #tpu.memory_space<vmem_shared>>)
        tpu.yield
      }) : () -> ()
      %add3A_163 = arith.constant 2 : i32
      %add3A_164 = arith.addi %mul3A_148, %add3A_163 : i32
      %dma_start3A_165 = arith.constant 0 : i32
      %dma_start3A_166 = tpu.memref_slice %arg6[%add3A_164, %dma_start3A_165] : memref<25x80xi32, #tpu.memory_space<vmem>> -> memref<1x80xi32, #tpu.memory_space<vmem>>
      %dma_start3A_167 = tpu.memref_squeeze %dma_start3A_166 : memref<1x80xi32, #tpu.memory_space<vmem>> -> memref<80xi32, #tpu.memory_space<vmem>>
      %dma_start3A_168 = arith.constant 0 : i32
      %dma_start3A_169 = arith.constant 0 : i32
      %dma_start3A_170 = tpu.memref_slice %arg2[%dma_start3A_168, %dma_start3A_169] : memref<10240x128xf32, #tpu.memory_space<hbm>> -> memref<10240x128xf32, #tpu.memory_space<hbm>>
      tpu.enqueue_indirect_dma source(%dma_start3A_170 : memref<10240x128xf32, #tpu.memory_space<hbm>>) target(%arg8 : memref<80x128xf32, #tpu.memory_space<vmem>>) offsets(%dma_start3A_167 : memref<80xi32, #tpu.memory_space<vmem>>) semaphore(%arg11 : memref<!tpu.dma_semaphore, #tpu.memory_space<semaphore_mem>>)
      %add3A_171 = arith.constant 1 : i32
      %add3A_172 = arith.addi %mul3A_148, %add3A_171 : i32
      %dma_wait3A_173 = arith.constant 0 : i32
      %dma_wait3A_174 = tpu.memref_slice %arg6[%add3A_172, %dma_wait3A_173] : memref<25x80xi32, #tpu.memory_space<vmem>> -> memref<1x80xi32, #tpu.memory_space<vmem>>
      %dma_wait3A_175 = tpu.memref_squeeze %dma_wait3A_174 : memref<1x80xi32, #tpu.memory_space<vmem>> -> memref<80xi32, #tpu.memory_space<vmem>>
      %dma_wait3A_176 = arith.constant 0 : i32
      %dma_wait3A_177 = arith.constant 0 : i32
      %dma_wait3A_178 = tpu.memref_slice %arg2[%dma_wait3A_176, %dma_wait3A_177] : memref<10240x128xf32, #tpu.memory_space<hbm>> -> memref<10240x128xf32, #tpu.memory_space<hbm>>
      tpu.wait_indirect_dma semaphore(%arg12 : memref<!tpu.dma_semaphore, #tpu.memory_space<semaphore_mem>>) src(%dma_wait3A_178 : memref<10240x128xf32, #tpu.memory_space<hbm>>) dst(%arg9 : memref<80x128xf32, #tpu.memory_space<vmem>>)
      %add3A_179 = arith.constant 1 : i32
      %add3A_180 = arith.addi %mul3A_148, %add3A_179 : i32
      "tpu.region"() ({
        %run_scoped3A_182 = tpu.sem_alloc : memref<!tpu.dma_semaphore, #tpu.memory_space<semaphore_mem>>
        %dma_start3A_183 = arith.constant 0 : i32
        %dma_start3A_184 = tpu.memref_slice %arg7[%add3A_180, %dma_start3A_183] : memref<25x80xi32, #tpu.memory_space<vmem>> -> memref<1x80xi32, #tpu.memory_space<vmem>>
        %dma_start3A_185 = tpu.memref_squeeze %dma_start3A_184 : memref<1x80xi32, #tpu.memory_space<vmem>> -> memref<80xi32, #tpu.memory_space<vmem>>
        %dma_start3A_186 = arith.constant 0 : i32
        %dma_start3A_187 = arith.constant 0 : i32
        %dma_start3A_188 = tpu.memref_slice %arg10[%dma_start3A_186, %dma_start3A_187] : memref<10240x128xf32, #tpu.memory_space<vmem_shared>> -> memref<10240x128xf32, #tpu.memory_space<vmem_shared>>
        tpu.enqueue_indirect_dma source(%arg9 : memref<80x128xf32, #tpu.memory_space<vmem>>) target(%dma_start3A_188 : memref<10240x128xf32, #tpu.memory_space<vmem_shared>>) offsets(%dma_start3A_185 : memref<80xi32, #tpu.memory_space<vmem>>) semaphore(%run_scoped3A_182 : memref<!tpu.dma_semaphore, #tpu.memory_space<semaphore_mem>>) {add = true}
        %dma_wait3A_189 = arith.constant 0 : i32
        %dma_wait3A_190 = tpu.memref_slice %arg7[%add3A_180, %dma_wait3A_189] : memref<25x80xi32, #tpu.memory_space<vmem>> -> memref<1x80xi32, #tpu.memory_space<vmem>>
        %dma_wait3A_191 = tpu.memref_squeeze %dma_wait3A_190 : memref<1x80xi32, #tpu.memory_space<vmem>> -> memref<80xi32, #tpu.memory_space<vmem>>
        %dma_wait3A_192 = arith.constant 0 : i32
        %dma_wait3A_193 = arith.constant 0 : i32
        %dma_wait3A_194 = tpu.memref_slice %arg10[%dma_wait3A_192, %dma_wait3A_193] : memref<10240x128xf32, #tpu.memory_space<vmem_shared>> -> memref<10240x128xf32, #tpu.memory_space<vmem_shared>>
        tpu.wait_indirect_dma semaphore(%run_scoped3A_182 : memref<!tpu.dma_semaphore, #tpu.memory_space<semaphore_mem>>) src(%arg9 : memref<80x128xf32, #tpu.memory_space<vmem>>) dst(%dma_wait3A_194 : memref<10240x128xf32, #tpu.memory_space<vmem_shared>>)
        tpu.yield
      }) : () -> ()
      %scan3A_181 = arith.constant 0 : i32
      scf.yield %scan3A_181 : i32
    }
    %scan3A_83 = arith.constant 12 : i32
    %dma_wait3A_84 = arith.constant 24 : i32
    %dma_wait3A_85 = arith.constant 0 : i32
    %dma_wait3A_86 = tpu.memref_slice %arg6[%dma_wait3A_84, %dma_wait3A_85] : memref<25x80xi32, #tpu.memory_space<vmem>> -> memref<1x80xi32, #tpu.memory_space<vmem>>
    %dma_wait3A_87 = tpu.memref_squeeze %dma_wait3A_86 : memref<1x80xi32, #tpu.memory_space<vmem>> -> memref<80xi32, #tpu.memory_space<vmem>>
    %dma_wait3A_88 = arith.constant 0 : i32
    %dma_wait3A_89 = arith.constant 0 : i32
    %dma_wait3A_90 = tpu.memref_slice %arg2[%dma_wait3A_88, %dma_wait3A_89] : memref<10240x128xf32, #tpu.memory_space<hbm>> -> memref<10240x128xf32, #tpu.memory_space<hbm>>
    tpu.wait_indirect_dma semaphore(%arg11 : memref<!tpu.dma_semaphore, #tpu.memory_space<semaphore_mem>>) src(%dma_wait3A_90 : memref<10240x128xf32, #tpu.memory_space<hbm>>) dst(%arg8 : memref<80x128xf32, #tpu.memory_space<vmem>>)
    %run_scoped3A_91 = arith.constant 24 : i32
    "tpu.region"() ({
      %run_scoped3A_145 = tpu.sem_alloc : memref<!tpu.dma_semaphore, #tpu.memory_space<semaphore_mem>>
      %dma_start3A_146 = arith.constant 0 : i32
      %dma_start3A_147 = tpu.memref_slice %arg7[%run_scoped3A_91, %dma_start3A_146] : memref<25x80xi32, #tpu.memory_space<vmem>> -> memref<1x80xi32, #tpu.memory_space<vmem>>
      %dma_start3A_148 = tpu.memref_squeeze %dma_start3A_147 : memref<1x80xi32, #tpu.memory_space<vmem>> -> memref<80xi32, #tpu.memory_space<vmem>>
      %dma_start3A_149 = arith.constant 0 : i32
      %dma_start3A_150 = arith.constant 0 : i32
      %dma_start3A_151 = tpu.memref_slice %arg10[%dma_start3A_149, %dma_start3A_150] : memref<10240x128xf32, #tpu.memory_space<vmem_shared>> -> memref<10240x128xf32, #tpu.memory_space<vmem_shared>>
      tpu.enqueue_indirect_dma source(%arg8 : memref<80x128xf32, #tpu.memory_space<vmem>>) target(%dma_start3A_151 : memref<10240x128xf32, #tpu.memory_space<vmem_shared>>) offsets(%dma_start3A_148 : memref<80xi32, #tpu.memory_space<vmem>>) semaphore(%run_scoped3A_145 : memref<!tpu.dma_semaphore, #tpu.memory_space<semaphore_mem>>) {add = true}
      %dma_wait3A_152 = arith.constant 0 : i32
      %dma_wait3A_153 = tpu.memref_slice %arg7[%run_scoped3A_91, %dma_wait3A_152] : memref<25x80xi32, #tpu.memory_space<vmem>> -> memref<1x80xi32, #tpu.memory_space<vmem>>
      %dma_wait3A_154 = tpu.memref_squeeze %dma_wait3A_153 : memref<1x80xi32, #tpu.memory_space<vmem>> -> memref<80xi32, #tpu.memory_space<vmem>>
      %dma_wait3A_155 = arith.constant 0 : i32
      %dma_wait3A_156 = arith.constant 0 : i32
      %dma_wait3A_157 = tpu.memref_slice %arg10[%dma_wait3A_155, %dma_wait3A_156] : memref<10240x128xf32, #tpu.memory_space<vmem_shared>> -> memref<10240x128xf32, #tpu.memory_space<vmem_shared>>
      tpu.wait_indirect_dma semaphore(%run_scoped3A_145 : memref<!tpu.dma_semaphore, #tpu.memory_space<semaphore_mem>>) src(%arg8 : memref<80x128xf32, #tpu.memory_space<vmem>>) dst(%dma_wait3A_157 : memref<10240x128xf32, #tpu.memory_space<vmem_shared>>)
      tpu.yield
    }) : () -> ()
    %run_scoped3A_92 = arith.constant 3 : i32
    "tpu.region"() ({
      %run_scoped3A_145 = tpu.sem_alloc : memref<!tpu.dma_semaphore, #tpu.memory_space<semaphore_mem>>
      %dma_start3A_146 = arith.constant 0 : i32
      %dma_start3A_147 = arith.constant 0 : i32
      %dma_start3A_148 = tpu.memref_slice %arg3[%add3A, %run_scoped3A_92, %dma_start3A_146, %dma_start3A_147] : memref<32x5x25x80xi32, #tpu.memory_space<hbm>> -> memref<1x1x25x80xi32, #tpu.memory_space<hbm>>
      %dma_start3A_149 = tpu.memref_squeeze %dma_start3A_148 : memref<1x1x25x80xi32, #tpu.memory_space<hbm>> -> memref<25x80xi32, #tpu.memory_space<hbm>>
      %dma_start3A_150 = arith.constant 0 : i32
      %dma_start3A_151 = arith.constant 0 : i32
      %dma_start3A_152 = tpu.memref_slice %arg3[%add3A, %run_scoped3A_92, %dma_start3A_150, %dma_start3A_151] : memref<32x5x25x80xi32, #tpu.memory_space<hbm>> -> memref<1x1x25x80xi32, #tpu.memory_space<hbm>>
      %dma_start3A_153 = tpu.memref_squeeze %dma_start3A_152 : memref<1x1x25x80xi32, #tpu.memory_space<hbm>> -> memref<25x80xi32, #tpu.memory_space<hbm>>
      tpu.enqueue_dma source(%dma_start3A_153 : memref<25x80xi32, #tpu.memory_space<hbm>>) target(%arg6 : memref<25x80xi32, #tpu.memory_space<vmem>>) target_semaphore(%run_scoped3A_145 : memref<!tpu.dma_semaphore, #tpu.memory_space<semaphore_mem>>)
      %dma_wait3A_154 = arith.constant 0 : i32
      %dma_wait3A_155 = arith.constant 0 : i32
      %dma_wait3A_156 = tpu.memref_slice %arg3[%add3A, %run_scoped3A_92, %dma_wait3A_154, %dma_wait3A_155] : memref<32x5x25x80xi32, #tpu.memory_space<hbm>> -> memref<1x1x25x80xi32, #tpu.memory_space<hbm>>
      %dma_wait3A_157 = tpu.memref_squeeze %dma_wait3A_156 : memref<1x1x25x80xi32, #tpu.memory_space<hbm>> -> memref<25x80xi32, #tpu.memory_space<hbm>>
      %dma_wait3A_158 = arith.constant 0 : i32
      %dma_wait3A_159 = arith.constant 0 : i32
      %dma_wait3A_160 = tpu.memref_slice %arg3[%add3A, %run_scoped3A_92, %dma_wait3A_158, %dma_wait3A_159] : memref<32x5x25x80xi32, #tpu.memory_space<hbm>> -> memref<1x1x25x80xi32, #tpu.memory_space<hbm>>
      %dma_wait3A_161 = tpu.memref_squeeze %dma_wait3A_160 : memref<1x1x25x80xi32, #tpu.memory_space<hbm>> -> memref<25x80xi32, #tpu.memory_space<hbm>>
      tpu.wait_dma2 semaphore(%run_scoped3A_145 : memref<!tpu.dma_semaphore, #tpu.memory_space<semaphore_mem>>) src(%dma_wait3A_161 : memref<25x80xi32, #tpu.memory_space<hbm>>) dst(%arg6 : memref<25x80xi32, #tpu.memory_space<vmem>>)
      tpu.yield
    }) : () -> ()
    %run_scoped3A_93 = arith.constant 3 : i32
    "tpu.region"() ({
      %run_scoped3A_145 = tpu.sem_alloc : memref<!tpu.dma_semaphore, #tpu.memory_space<semaphore_mem>>
      %dma_start3A_146 = arith.constant 0 : i32
      %dma_start3A_147 = arith.constant 0 : i32
      %dma_start3A_148 = tpu.memref_slice %arg4[%add3A, %run_scoped3A_93, %dma_start3A_146, %dma_start3A_147] : memref<32x5x25x80xi32, #tpu.memory_space<hbm>> -> memref<1x1x25x80xi32, #tpu.memory_space<hbm>>
      %dma_start3A_149 = tpu.memref_squeeze %dma_start3A_148 : memref<1x1x25x80xi32, #tpu.memory_space<hbm>> -> memref<25x80xi32, #tpu.memory_space<hbm>>
      %dma_start3A_150 = arith.constant 0 : i32
      %dma_start3A_151 = arith.constant 0 : i32
      %dma_start3A_152 = tpu.memref_slice %arg4[%add3A, %run_scoped3A_93, %dma_start3A_150, %dma_start3A_151] : memref<32x5x25x80xi32, #tpu.memory_space<hbm>> -> memref<1x1x25x80xi32, #tpu.memory_space<hbm>>
      %dma_start3A_153 = tpu.memref_squeeze %dma_start3A_152 : memref<1x1x25x80xi32, #tpu.memory_space<hbm>> -> memref<25x80xi32, #tpu.memory_space<hbm>>
      tpu.enqueue_dma source(%dma_start3A_153 : memref<25x80xi32, #tpu.memory_space<hbm>>) target(%arg7 : memref<25x80xi32, #tpu.memory_space<vmem>>) target_semaphore(%run_scoped3A_145 : memref<!tpu.dma_semaphore, #tpu.memory_space<semaphore_mem>>)
      %dma_wait3A_154 = arith.constant 0 : i32
      %dma_wait3A_155 = arith.constant 0 : i32
      %dma_wait3A_156 = tpu.memref_slice %arg4[%add3A, %run_scoped3A_93, %dma_wait3A_154, %dma_wait3A_155] : memref<32x5x25x80xi32, #tpu.memory_space<hbm>> -> memref<1x1x25x80xi32, #tpu.memory_space<hbm>>
      %dma_wait3A_157 = tpu.memref_squeeze %dma_wait3A_156 : memref<1x1x25x80xi32, #tpu.memory_space<hbm>> -> memref<25x80xi32, #tpu.memory_space<hbm>>
      %dma_wait3A_158 = arith.constant 0 : i32
      %dma_wait3A_159 = arith.constant 0 : i32
      %dma_wait3A_160 = tpu.memref_slice %arg4[%add3A, %run_scoped3A_93, %dma_wait3A_158, %dma_wait3A_159] : memref<32x5x25x80xi32, #tpu.memory_space<hbm>> -> memref<1x1x25x80xi32, #tpu.memory_space<hbm>>
      %dma_wait3A_161 = tpu.memref_squeeze %dma_wait3A_160 : memref<1x1x25x80xi32, #tpu.memory_space<hbm>> -> memref<25x80xi32, #tpu.memory_space<hbm>>
      tpu.wait_dma2 semaphore(%run_scoped3A_145 : memref<!tpu.dma_semaphore, #tpu.memory_space<semaphore_mem>>) src(%dma_wait3A_161 : memref<25x80xi32, #tpu.memory_space<hbm>>) dst(%arg7 : memref<25x80xi32, #tpu.memory_space<vmem>>)
      tpu.yield
    }) : () -> ()
    %dma_start3A_94 = arith.constant 0 : i32
    %dma_start3A_95 = arith.constant 0 : i32
    %dma_start3A_96 = tpu.memref_slice %arg6[%dma_start3A_94, %dma_start3A_95] : memref<25x80xi32, #tpu.memory_space<vmem>> -> memref<1x80xi32, #tpu.memory_space<vmem>>
    %dma_start3A_97 = tpu.memref_squeeze %dma_start3A_96 : memref<1x80xi32, #tpu.memory_space<vmem>> -> memref<80xi32, #tpu.memory_space<vmem>>
    %dma_start3A_98 = arith.constant 0 : i32
    %dma_start3A_99 = arith.constant 0 : i32
    %dma_start3A_100 = tpu.memref_slice %arg2[%dma_start3A_98, %dma_start3A_99] : memref<10240x128xf32, #tpu.memory_space<hbm>> -> memref<10240x128xf32, #tpu.memory_space<hbm>>
    tpu.enqueue_indirect_dma source(%dma_start3A_100 : memref<10240x128xf32, #tpu.memory_space<hbm>>) target(%arg8 : memref<80x128xf32, #tpu.memory_space<vmem>>) offsets(%dma_start3A_97 : memref<80xi32, #tpu.memory_space<vmem>>) semaphore(%arg11 : memref<!tpu.dma_semaphore, #tpu.memory_space<semaphore_mem>>)
    %scan3A_101 = arith.constant 0 : i32
    %scan3A_102 = arith.constant 0 : i32
    %scan3A_103 = arith.constant 12 : i32
    %scan3A_104 = arith.addi %scan3A_102, %scan3A_103 : i32
    %scan3A_105 = arith.constant 1 : i32
    %scan3A_106 = scf.for %scan3A_145 = %scan3A_102 to %scan3A_104 step %scan3A_105 iter_args(%scan3A_146 = %scan3A_101) -> (i32)  : i32 {
      %mul3A_147 = arith.constant 2 : i32
      %mul3A_148 = arith.muli %mul3A_147, %scan3A_145 : i32
      %add3A_149 = arith.constant 1 : i32
      %add3A_150 = arith.addi %mul3A_148, %add3A_149 : i32
      %dma_start3A_151 = arith.constant 0 : i32
      %dma_start3A_152 = tpu.memref_slice %arg6[%add3A_150, %dma_start3A_151] : memref<25x80xi32, #tpu.memory_space<vmem>> -> memref<1x80xi32, #tpu.memory_space<vmem>>
      %dma_start3A_153 = tpu.memref_squeeze %dma_start3A_152 : memref<1x80xi32, #tpu.memory_space<vmem>> -> memref<80xi32, #tpu.memory_space<vmem>>
      %dma_start3A_154 = arith.constant 0 : i32
      %dma_start3A_155 = arith.constant 0 : i32
      %dma_start3A_156 = tpu.memref_slice %arg2[%dma_start3A_154, %dma_start3A_155] : memref<10240x128xf32, #tpu.memory_space<hbm>> -> memref<10240x128xf32, #tpu.memory_space<hbm>>
      tpu.enqueue_indirect_dma source(%dma_start3A_156 : memref<10240x128xf32, #tpu.memory_space<hbm>>) target(%arg9 : memref<80x128xf32, #tpu.memory_space<vmem>>) offsets(%dma_start3A_153 : memref<80xi32, #tpu.memory_space<vmem>>) semaphore(%arg12 : memref<!tpu.dma_semaphore, #tpu.memory_space<semaphore_mem>>)
      %dma_wait3A_157 = arith.constant 0 : i32
      %dma_wait3A_158 = tpu.memref_slice %arg6[%mul3A_148, %dma_wait3A_157] : memref<25x80xi32, #tpu.memory_space<vmem>> -> memref<1x80xi32, #tpu.memory_space<vmem>>
      %dma_wait3A_159 = tpu.memref_squeeze %dma_wait3A_158 : memref<1x80xi32, #tpu.memory_space<vmem>> -> memref<80xi32, #tpu.memory_space<vmem>>
      %dma_wait3A_160 = arith.constant 0 : i32
      %dma_wait3A_161 = arith.constant 0 : i32
      %dma_wait3A_162 = tpu.memref_slice %arg2[%dma_wait3A_160, %dma_wait3A_161] : memref<10240x128xf32, #tpu.memory_space<hbm>> -> memref<10240x128xf32, #tpu.memory_space<hbm>>
      tpu.wait_indirect_dma semaphore(%arg11 : memref<!tpu.dma_semaphore, #tpu.memory_space<semaphore_mem>>) src(%dma_wait3A_162 : memref<10240x128xf32, #tpu.memory_space<hbm>>) dst(%arg8 : memref<80x128xf32, #tpu.memory_space<vmem>>)
      "tpu.region"() ({
        %run_scoped3A_182 = tpu.sem_alloc : memref<!tpu.dma_semaphore, #tpu.memory_space<semaphore_mem>>
        %dma_start3A_183 = arith.constant 0 : i32
        %dma_start3A_184 = tpu.memref_slice %arg7[%mul3A_148, %dma_start3A_183] : memref<25x80xi32, #tpu.memory_space<vmem>> -> memref<1x80xi32, #tpu.memory_space<vmem>>
        %dma_start3A_185 = tpu.memref_squeeze %dma_start3A_184 : memref<1x80xi32, #tpu.memory_space<vmem>> -> memref<80xi32, #tpu.memory_space<vmem>>
        %dma_start3A_186 = arith.constant 0 : i32
        %dma_start3A_187 = arith.constant 0 : i32
        %dma_start3A_188 = tpu.memref_slice %arg10[%dma_start3A_186, %dma_start3A_187] : memref<10240x128xf32, #tpu.memory_space<vmem_shared>> -> memref<10240x128xf32, #tpu.memory_space<vmem_shared>>
        tpu.enqueue_indirect_dma source(%arg8 : memref<80x128xf32, #tpu.memory_space<vmem>>) target(%dma_start3A_188 : memref<10240x128xf32, #tpu.memory_space<vmem_shared>>) offsets(%dma_start3A_185 : memref<80xi32, #tpu.memory_space<vmem>>) semaphore(%run_scoped3A_182 : memref<!tpu.dma_semaphore, #tpu.memory_space<semaphore_mem>>) {add = true}
        %dma_wait3A_189 = arith.constant 0 : i32
        %dma_wait3A_190 = tpu.memref_slice %arg7[%mul3A_148, %dma_wait3A_189] : memref<25x80xi32, #tpu.memory_space<vmem>> -> memref<1x80xi32, #tpu.memory_space<vmem>>
        %dma_wait3A_191 = tpu.memref_squeeze %dma_wait3A_190 : memref<1x80xi32, #tpu.memory_space<vmem>> -> memref<80xi32, #tpu.memory_space<vmem>>
        %dma_wait3A_192 = arith.constant 0 : i32
        %dma_wait3A_193 = arith.constant 0 : i32
        %dma_wait3A_194 = tpu.memref_slice %arg10[%dma_wait3A_192, %dma_wait3A_193] : memref<10240x128xf32, #tpu.memory_space<vmem_shared>> -> memref<10240x128xf32, #tpu.memory_space<vmem_shared>>
        tpu.wait_indirect_dma semaphore(%run_scoped3A_182 : memref<!tpu.dma_semaphore, #tpu.memory_space<semaphore_mem>>) src(%arg8 : memref<80x128xf32, #tpu.memory_space<vmem>>) dst(%dma_wait3A_194 : memref<10240x128xf32, #tpu.memory_space<vmem_shared>>)
        tpu.yield
      }) : () -> ()
      %add3A_163 = arith.constant 2 : i32
      %add3A_164 = arith.addi %mul3A_148, %add3A_163 : i32
      %dma_start3A_165 = arith.constant 0 : i32
      %dma_start3A_166 = tpu.memref_slice %arg6[%add3A_164, %dma_start3A_165] : memref<25x80xi32, #tpu.memory_space<vmem>> -> memref<1x80xi32, #tpu.memory_space<vmem>>
      %dma_start3A_167 = tpu.memref_squeeze %dma_start3A_166 : memref<1x80xi32, #tpu.memory_space<vmem>> -> memref<80xi32, #tpu.memory_space<vmem>>
      %dma_start3A_168 = arith.constant 0 : i32
      %dma_start3A_169 = arith.constant 0 : i32
      %dma_start3A_170 = tpu.memref_slice %arg2[%dma_start3A_168, %dma_start3A_169] : memref<10240x128xf32, #tpu.memory_space<hbm>> -> memref<10240x128xf32, #tpu.memory_space<hbm>>
      tpu.enqueue_indirect_dma source(%dma_start3A_170 : memref<10240x128xf32, #tpu.memory_space<hbm>>) target(%arg8 : memref<80x128xf32, #tpu.memory_space<vmem>>) offsets(%dma_start3A_167 : memref<80xi32, #tpu.memory_space<vmem>>) semaphore(%arg11 : memref<!tpu.dma_semaphore, #tpu.memory_space<semaphore_mem>>)
      %add3A_171 = arith.constant 1 : i32
      %add3A_172 = arith.addi %mul3A_148, %add3A_171 : i32
      %dma_wait3A_173 = arith.constant 0 : i32
      %dma_wait3A_174 = tpu.memref_slice %arg6[%add3A_172, %dma_wait3A_173] : memref<25x80xi32, #tpu.memory_space<vmem>> -> memref<1x80xi32, #tpu.memory_space<vmem>>
      %dma_wait3A_175 = tpu.memref_squeeze %dma_wait3A_174 : memref<1x80xi32, #tpu.memory_space<vmem>> -> memref<80xi32, #tpu.memory_space<vmem>>
      %dma_wait3A_176 = arith.constant 0 : i32
      %dma_wait3A_177 = arith.constant 0 : i32
      %dma_wait3A_178 = tpu.memref_slice %arg2[%dma_wait3A_176, %dma_wait3A_177] : memref<10240x128xf32, #tpu.memory_space<hbm>> -> memref<10240x128xf32, #tpu.memory_space<hbm>>
      tpu.wait_indirect_dma semaphore(%arg12 : memref<!tpu.dma_semaphore, #tpu.memory_space<semaphore_mem>>) src(%dma_wait3A_178 : memref<10240x128xf32, #tpu.memory_space<hbm>>) dst(%arg9 : memref<80x128xf32, #tpu.memory_space<vmem>>)
      %add3A_179 = arith.constant 1 : i32
      %add3A_180 = arith.addi %mul3A_148, %add3A_179 : i32
      "tpu.region"() ({
        %run_scoped3A_182 = tpu.sem_alloc : memref<!tpu.dma_semaphore, #tpu.memory_space<semaphore_mem>>
        %dma_start3A_183 = arith.constant 0 : i32
        %dma_start3A_184 = tpu.memref_slice %arg7[%add3A_180, %dma_start3A_183] : memref<25x80xi32, #tpu.memory_space<vmem>> -> memref<1x80xi32, #tpu.memory_space<vmem>>
        %dma_start3A_185 = tpu.memref_squeeze %dma_start3A_184 : memref<1x80xi32, #tpu.memory_space<vmem>> -> memref<80xi32, #tpu.memory_space<vmem>>
        %dma_start3A_186 = arith.constant 0 : i32
        %dma_start3A_187 = arith.constant 0 : i32
        %dma_start3A_188 = tpu.memref_slice %arg10[%dma_start3A_186, %dma_start3A_187] : memref<10240x128xf32, #tpu.memory_space<vmem_shared>> -> memref<10240x128xf32, #tpu.memory_space<vmem_shared>>
        tpu.enqueue_indirect_dma source(%arg9 : memref<80x128xf32, #tpu.memory_space<vmem>>) target(%dma_start3A_188 : memref<10240x128xf32, #tpu.memory_space<vmem_shared>>) offsets(%dma_start3A_185 : memref<80xi32, #tpu.memory_space<vmem>>) semaphore(%run_scoped3A_182 : memref<!tpu.dma_semaphore, #tpu.memory_space<semaphore_mem>>) {add = true}
        %dma_wait3A_189 = arith.constant 0 : i32
        %dma_wait3A_190 = tpu.memref_slice %arg7[%add3A_180, %dma_wait3A_189] : memref<25x80xi32, #tpu.memory_space<vmem>> -> memref<1x80xi32, #tpu.memory_space<vmem>>
        %dma_wait3A_191 = tpu.memref_squeeze %dma_wait3A_190 : memref<1x80xi32, #tpu.memory_space<vmem>> -> memref<80xi32, #tpu.memory_space<vmem>>
        %dma_wait3A_192 = arith.constant 0 : i32
        %dma_wait3A_193 = arith.constant 0 : i32
        %dma_wait3A_194 = tpu.memref_slice %arg10[%dma_wait3A_192, %dma_wait3A_193] : memref<10240x128xf32, #tpu.memory_space<vmem_shared>> -> memref<10240x128xf32, #tpu.memory_space<vmem_shared>>
        tpu.wait_indirect_dma semaphore(%run_scoped3A_182 : memref<!tpu.dma_semaphore, #tpu.memory_space<semaphore_mem>>) src(%arg9 : memref<80x128xf32, #tpu.memory_space<vmem>>) dst(%dma_wait3A_194 : memref<10240x128xf32, #tpu.memory_space<vmem_shared>>)
        tpu.yield
      }) : () -> ()
      %scan3A_181 = arith.constant 0 : i32
      scf.yield %scan3A_181 : i32
    }
    %scan3A_107 = arith.constant 12 : i32
    %dma_wait3A_108 = arith.constant 24 : i32
    %dma_wait3A_109 = arith.constant 0 : i32
    %dma_wait3A_110 = tpu.memref_slice %arg6[%dma_wait3A_108, %dma_wait3A_109] : memref<25x80xi32, #tpu.memory_space<vmem>> -> memref<1x80xi32, #tpu.memory_space<vmem>>
    %dma_wait3A_111 = tpu.memref_squeeze %dma_wait3A_110 : memref<1x80xi32, #tpu.memory_space<vmem>> -> memref<80xi32, #tpu.memory_space<vmem>>
    %dma_wait3A_112 = arith.constant 0 : i32
    %dma_wait3A_113 = arith.constant 0 : i32
    %dma_wait3A_114 = tpu.memref_slice %arg2[%dma_wait3A_112, %dma_wait3A_113] : memref<10240x128xf32, #tpu.memory_space<hbm>> -> memref<10240x128xf32, #tpu.memory_space<hbm>>
    tpu.wait_indirect_dma semaphore(%arg11 : memref<!tpu.dma_semaphore, #tpu.memory_space<semaphore_mem>>) src(%dma_wait3A_114 : memref<10240x128xf32, #tpu.memory_space<hbm>>) dst(%arg8 : memref<80x128xf32, #tpu.memory_space<vmem>>)
    %run_scoped3A_115 = arith.constant 24 : i32
    "tpu.region"() ({
      %run_scoped3A_145 = tpu.sem_alloc : memref<!tpu.dma_semaphore, #tpu.memory_space<semaphore_mem>>
      %dma_start3A_146 = arith.constant 0 : i32
      %dma_start3A_147 = tpu.memref_slice %arg7[%run_scoped3A_115, %dma_start3A_146] : memref<25x80xi32, #tpu.memory_space<vmem>> -> memref<1x80xi32, #tpu.memory_space<vmem>>
      %dma_start3A_148 = tpu.memref_squeeze %dma_start3A_147 : memref<1x80xi32, #tpu.memory_space<vmem>> -> memref<80xi32, #tpu.memory_space<vmem>>
      %dma_start3A_149 = arith.constant 0 : i32
      %dma_start3A_150 = arith.constant 0 : i32
      %dma_start3A_151 = tpu.memref_slice %arg10[%dma_start3A_149, %dma_start3A_150] : memref<10240x128xf32, #tpu.memory_space<vmem_shared>> -> memref<10240x128xf32, #tpu.memory_space<vmem_shared>>
      tpu.enqueue_indirect_dma source(%arg8 : memref<80x128xf32, #tpu.memory_space<vmem>>) target(%dma_start3A_151 : memref<10240x128xf32, #tpu.memory_space<vmem_shared>>) offsets(%dma_start3A_148 : memref<80xi32, #tpu.memory_space<vmem>>) semaphore(%run_scoped3A_145 : memref<!tpu.dma_semaphore, #tpu.memory_space<semaphore_mem>>) {add = true}
      %dma_wait3A_152 = arith.constant 0 : i32
      %dma_wait3A_153 = tpu.memref_slice %arg7[%run_scoped3A_115, %dma_wait3A_152] : memref<25x80xi32, #tpu.memory_space<vmem>> -> memref<1x80xi32, #tpu.memory_space<vmem>>
      %dma_wait3A_154 = tpu.memref_squeeze %dma_wait3A_153 : memref<1x80xi32, #tpu.memory_space<vmem>> -> memref<80xi32, #tpu.memory_space<vmem>>
      %dma_wait3A_155 = arith.constant 0 : i32
      %dma_wait3A_156 = arith.constant 0 : i32
      %dma_wait3A_157 = tpu.memref_slice %arg10[%dma_wait3A_155, %dma_wait3A_156] : memref<10240x128xf32, #tpu.memory_space<vmem_shared>> -> memref<10240x128xf32, #tpu.memory_space<vmem_shared>>
      tpu.wait_indirect_dma semaphore(%run_scoped3A_145 : memref<!tpu.dma_semaphore, #tpu.memory_space<semaphore_mem>>) src(%arg8 : memref<80x128xf32, #tpu.memory_space<vmem>>) dst(%dma_wait3A_157 : memref<10240x128xf32, #tpu.memory_space<vmem_shared>>)
      tpu.yield
    }) : () -> ()
    %run_scoped3A_116 = arith.constant 4 : i32
    "tpu.region"() ({
      %run_scoped3A_145 = tpu.sem_alloc : memref<!tpu.dma_semaphore, #tpu.memory_space<semaphore_mem>>
      %dma_start3A_146 = arith.constant 0 : i32
      %dma_start3A_147 = arith.constant 0 : i32
      %dma_start3A_148 = tpu.memref_slice %arg3[%add3A, %run_scoped3A_116, %dma_start3A_146, %dma_start3A_147] : memref<32x5x25x80xi32, #tpu.memory_space<hbm>> -> memref<1x1x25x80xi32, #tpu.memory_space<hbm>>
      %dma_start3A_149 = tpu.memref_squeeze %dma_start3A_148 : memref<1x1x25x80xi32, #tpu.memory_space<hbm>> -> memref<25x80xi32, #tpu.memory_space<hbm>>
      %dma_start3A_150 = arith.constant 0 : i32
      %dma_start3A_151 = arith.constant 0 : i32
      %dma_start3A_152 = tpu.memref_slice %arg3[%add3A, %run_scoped3A_116, %dma_start3A_150, %dma_start3A_151] : memref<32x5x25x80xi32, #tpu.memory_space<hbm>> -> memref<1x1x25x80xi32, #tpu.memory_space<hbm>>
      %dma_start3A_153 = tpu.memref_squeeze %dma_start3A_152 : memref<1x1x25x80xi32, #tpu.memory_space<hbm>> -> memref<25x80xi32, #tpu.memory_space<hbm>>
      tpu.enqueue_dma source(%dma_start3A_153 : memref<25x80xi32, #tpu.memory_space<hbm>>) target(%arg6 : memref<25x80xi32, #tpu.memory_space<vmem>>) target_semaphore(%run_scoped3A_145 : memref<!tpu.dma_semaphore, #tpu.memory_space<semaphore_mem>>)
      %dma_wait3A_154 = arith.constant 0 : i32
      %dma_wait3A_155 = arith.constant 0 : i32
      %dma_wait3A_156 = tpu.memref_slice %arg3[%add3A, %run_scoped3A_116, %dma_wait3A_154, %dma_wait3A_155] : memref<32x5x25x80xi32, #tpu.memory_space<hbm>> -> memref<1x1x25x80xi32, #tpu.memory_space<hbm>>
      %dma_wait3A_157 = tpu.memref_squeeze %dma_wait3A_156 : memref<1x1x25x80xi32, #tpu.memory_space<hbm>> -> memref<25x80xi32, #tpu.memory_space<hbm>>
      %dma_wait3A_158 = arith.constant 0 : i32
      %dma_wait3A_159 = arith.constant 0 : i32
      %dma_wait3A_160 = tpu.memref_slice %arg3[%add3A, %run_scoped3A_116, %dma_wait3A_158, %dma_wait3A_159] : memref<32x5x25x80xi32, #tpu.memory_space<hbm>> -> memref<1x1x25x80xi32, #tpu.memory_space<hbm>>
      %dma_wait3A_161 = tpu.memref_squeeze %dma_wait3A_160 : memref<1x1x25x80xi32, #tpu.memory_space<hbm>> -> memref<25x80xi32, #tpu.memory_space<hbm>>
      tpu.wait_dma2 semaphore(%run_scoped3A_145 : memref<!tpu.dma_semaphore, #tpu.memory_space<semaphore_mem>>) src(%dma_wait3A_161 : memref<25x80xi32, #tpu.memory_space<hbm>>) dst(%arg6 : memref<25x80xi32, #tpu.memory_space<vmem>>)
      tpu.yield
    }) : () -> ()
    %run_scoped3A_117 = arith.constant 4 : i32
    "tpu.region"() ({
      %run_scoped3A_145 = tpu.sem_alloc : memref<!tpu.dma_semaphore, #tpu.memory_space<semaphore_mem>>
      %dma_start3A_146 = arith.constant 0 : i32
      %dma_start3A_147 = arith.constant 0 : i32
      %dma_start3A_148 = tpu.memref_slice %arg4[%add3A, %run_scoped3A_117, %dma_start3A_146, %dma_start3A_147] : memref<32x5x25x80xi32, #tpu.memory_space<hbm>> -> memref<1x1x25x80xi32, #tpu.memory_space<hbm>>
      %dma_start3A_149 = tpu.memref_squeeze %dma_start3A_148 : memref<1x1x25x80xi32, #tpu.memory_space<hbm>> -> memref<25x80xi32, #tpu.memory_space<hbm>>
      %dma_start3A_150 = arith.constant 0 : i32
      %dma_start3A_151 = arith.constant 0 : i32
      %dma_start3A_152 = tpu.memref_slice %arg4[%add3A, %run_scoped3A_117, %dma_start3A_150, %dma_start3A_151] : memref<32x5x25x80xi32, #tpu.memory_space<hbm>> -> memref<1x1x25x80xi32, #tpu.memory_space<hbm>>
      %dma_start3A_153 = tpu.memref_squeeze %dma_start3A_152 : memref<1x1x25x80xi32, #tpu.memory_space<hbm>> -> memref<25x80xi32, #tpu.memory_space<hbm>>
      tpu.enqueue_dma source(%dma_start3A_153 : memref<25x80xi32, #tpu.memory_space<hbm>>) target(%arg7 : memref<25x80xi32, #tpu.memory_space<vmem>>) target_semaphore(%run_scoped3A_145 : memref<!tpu.dma_semaphore, #tpu.memory_space<semaphore_mem>>)
      %dma_wait3A_154 = arith.constant 0 : i32
      %dma_wait3A_155 = arith.constant 0 : i32
      %dma_wait3A_156 = tpu.memref_slice %arg4[%add3A, %run_scoped3A_117, %dma_wait3A_154, %dma_wait3A_155] : memref<32x5x25x80xi32, #tpu.memory_space<hbm>> -> memref<1x1x25x80xi32, #tpu.memory_space<hbm>>
      %dma_wait3A_157 = tpu.memref_squeeze %dma_wait3A_156 : memref<1x1x25x80xi32, #tpu.memory_space<hbm>> -> memref<25x80xi32, #tpu.memory_space<hbm>>
      %dma_wait3A_158 = arith.constant 0 : i32
      %dma_wait3A_159 = arith.constant 0 : i32
      %dma_wait3A_160 = tpu.memref_slice %arg4[%add3A, %run_scoped3A_117, %dma_wait3A_158, %dma_wait3A_159] : memref<32x5x25x80xi32, #tpu.memory_space<hbm>> -> memref<1x1x25x80xi32, #tpu.memory_space<hbm>>
      %dma_wait3A_161 = tpu.memref_squeeze %dma_wait3A_160 : memref<1x1x25x80xi32, #tpu.memory_space<hbm>> -> memref<25x80xi32, #tpu.memory_space<hbm>>
      tpu.wait_dma2 semaphore(%run_scoped3A_145 : memref<!tpu.dma_semaphore, #tpu.memory_space<semaphore_mem>>) src(%dma_wait3A_161 : memref<25x80xi32, #tpu.memory_space<hbm>>) dst(%arg7 : memref<25x80xi32, #tpu.memory_space<vmem>>)
      tpu.yield
    }) : () -> ()
    %dma_start3A_118 = arith.constant 0 : i32
    %dma_start3A_119 = arith.constant 0 : i32
    %dma_start3A_120 = tpu.memref_slice %arg6[%dma_start3A_118, %dma_start3A_119] : memref<25x80xi32, #tpu.memory_space<vmem>> -> memref<1x80xi32, #tpu.memory_space<vmem>>
    %dma_start3A_121 = tpu.memref_squeeze %dma_start3A_120 : memref<1x80xi32, #tpu.memory_space<vmem>> -> memref<80xi32, #tpu.memory_space<vmem>>
    %dma_start3A_122 = arith.constant 0 : i32
    %dma_start3A_123 = arith.constant 0 : i32
    %dma_start3A_124 = tpu.memref_slice %arg2[%dma_start3A_122, %dma_start3A_123] : memref<10240x128xf32, #tpu.memory_space<hbm>> -> memref<10240x128xf32, #tpu.memory_space<hbm>>
    tpu.enqueue_indirect_dma source(%dma_start3A_124 : memref<10240x128xf32, #tpu.memory_space<hbm>>) target(%arg8 : memref<80x128xf32, #tpu.memory_space<vmem>>) offsets(%dma_start3A_121 : memref<80xi32, #tpu.memory_space<vmem>>) semaphore(%arg11 : memref<!tpu.dma_semaphore, #tpu.memory_space<semaphore_mem>>)
    %scan3A_125 = arith.constant 0 : i32
    %scan3A_126 = arith.constant 0 : i32
    %scan3A_127 = arith.constant 12 : i32
    %scan3A_128 = arith.addi %scan3A_126, %scan3A_127 : i32
    %scan3A_129 = arith.constant 1 : i32
    %scan3A_130 = scf.for %scan3A_145 = %scan3A_126 to %scan3A_128 step %scan3A_129 iter_args(%scan3A_146 = %scan3A_125) -> (i32)  : i32 {
      %mul3A_147 = arith.constant 2 : i32
      %mul3A_148 = arith.muli %mul3A_147, %scan3A_145 : i32
      %add3A_149 = arith.constant 1 : i32
      %add3A_150 = arith.addi %mul3A_148, %add3A_149 : i32
      %dma_start3A_151 = arith.constant 0 : i32
      %dma_start3A_152 = tpu.memref_slice %arg6[%add3A_150, %dma_start3A_151] : memref<25x80xi32, #tpu.memory_space<vmem>> -> memref<1x80xi32, #tpu.memory_space<vmem>>
      %dma_start3A_153 = tpu.memref_squeeze %dma_start3A_152 : memref<1x80xi32, #tpu.memory_space<vmem>> -> memref<80xi32, #tpu.memory_space<vmem>>
      %dma_start3A_154 = arith.constant 0 : i32
      %dma_start3A_155 = arith.constant 0 : i32
      %dma_start3A_156 = tpu.memref_slice %arg2[%dma_start3A_154, %dma_start3A_155] : memref<10240x128xf32, #tpu.memory_space<hbm>> -> memref<10240x128xf32, #tpu.memory_space<hbm>>
      tpu.enqueue_indirect_dma source(%dma_start3A_156 : memref<10240x128xf32, #tpu.memory_space<hbm>>) target(%arg9 : memref<80x128xf32, #tpu.memory_space<vmem>>) offsets(%dma_start3A_153 : memref<80xi32, #tpu.memory_space<vmem>>) semaphore(%arg12 : memref<!tpu.dma_semaphore, #tpu.memory_space<semaphore_mem>>)
      %dma_wait3A_157 = arith.constant 0 : i32
      %dma_wait3A_158 = tpu.memref_slice %arg6[%mul3A_148, %dma_wait3A_157] : memref<25x80xi32, #tpu.memory_space<vmem>> -> memref<1x80xi32, #tpu.memory_space<vmem>>
      %dma_wait3A_159 = tpu.memref_squeeze %dma_wait3A_158 : memref<1x80xi32, #tpu.memory_space<vmem>> -> memref<80xi32, #tpu.memory_space<vmem>>
      %dma_wait3A_160 = arith.constant 0 : i32
      %dma_wait3A_161 = arith.constant 0 : i32
      %dma_wait3A_162 = tpu.memref_slice %arg2[%dma_wait3A_160, %dma_wait3A_161] : memref<10240x128xf32, #tpu.memory_space<hbm>> -> memref<10240x128xf32, #tpu.memory_space<hbm>>
      tpu.wait_indirect_dma semaphore(%arg11 : memref<!tpu.dma_semaphore, #tpu.memory_space<semaphore_mem>>) src(%dma_wait3A_162 : memref<10240x128xf32, #tpu.memory_space<hbm>>) dst(%arg8 : memref<80x128xf32, #tpu.memory_space<vmem>>)
      "tpu.region"() ({
        %run_scoped3A_182 = tpu.sem_alloc : memref<!tpu.dma_semaphore, #tpu.memory_space<semaphore_mem>>
        %dma_start3A_183 = arith.constant 0 : i32
        %dma_start3A_184 = tpu.memref_slice %arg7[%mul3A_148, %dma_start3A_183] : memref<25x80xi32, #tpu.memory_space<vmem>> -> memref<1x80xi32, #tpu.memory_space<vmem>>
        %dma_start3A_185 = tpu.memref_squeeze %dma_start3A_184 : memref<1x80xi32, #tpu.memory_space<vmem>> -> memref<80xi32, #tpu.memory_space<vmem>>
        %dma_start3A_186 = arith.constant 0 : i32
        %dma_start3A_187 = arith.constant 0 : i32
        %dma_start3A_188 = tpu.memref_slice %arg10[%dma_start3A_186, %dma_start3A_187] : memref<10240x128xf32, #tpu.memory_space<vmem_shared>> -> memref<10240x128xf32, #tpu.memory_space<vmem_shared>>
        tpu.enqueue_indirect_dma source(%arg8 : memref<80x128xf32, #tpu.memory_space<vmem>>) target(%dma_start3A_188 : memref<10240x128xf32, #tpu.memory_space<vmem_shared>>) offsets(%dma_start3A_185 : memref<80xi32, #tpu.memory_space<vmem>>) semaphore(%run_scoped3A_182 : memref<!tpu.dma_semaphore, #tpu.memory_space<semaphore_mem>>) {add = true}
        %dma_wait3A_189 = arith.constant 0 : i32
        %dma_wait3A_190 = tpu.memref_slice %arg7[%mul3A_148, %dma_wait3A_189] : memref<25x80xi32, #tpu.memory_space<vmem>> -> memref<1x80xi32, #tpu.memory_space<vmem>>
        %dma_wait3A_191 = tpu.memref_squeeze %dma_wait3A_190 : memref<1x80xi32, #tpu.memory_space<vmem>> -> memref<80xi32, #tpu.memory_space<vmem>>
        %dma_wait3A_192 = arith.constant 0 : i32
        %dma_wait3A_193 = arith.constant 0 : i32
        %dma_wait3A_194 = tpu.memref_slice %arg10[%dma_wait3A_192, %dma_wait3A_193] : memref<10240x128xf32, #tpu.memory_space<vmem_shared>> -> memref<10240x128xf32, #tpu.memory_space<vmem_shared>>
        tpu.wait_indirect_dma semaphore(%run_scoped3A_182 : memref<!tpu.dma_semaphore, #tpu.memory_space<semaphore_mem>>) src(%arg8 : memref<80x128xf32, #tpu.memory_space<vmem>>) dst(%dma_wait3A_194 : memref<10240x128xf32, #tpu.memory_space<vmem_shared>>)
        tpu.yield
      }) : () -> ()
      %add3A_163 = arith.constant 2 : i32
      %add3A_164 = arith.addi %mul3A_148, %add3A_163 : i32
      %dma_start3A_165 = arith.constant 0 : i32
      %dma_start3A_166 = tpu.memref_slice %arg6[%add3A_164, %dma_start3A_165] : memref<25x80xi32, #tpu.memory_space<vmem>> -> memref<1x80xi32, #tpu.memory_space<vmem>>
      %dma_start3A_167 = tpu.memref_squeeze %dma_start3A_166 : memref<1x80xi32, #tpu.memory_space<vmem>> -> memref<80xi32, #tpu.memory_space<vmem>>
      %dma_start3A_168 = arith.constant 0 : i32
      %dma_start3A_169 = arith.constant 0 : i32
      %dma_start3A_170 = tpu.memref_slice %arg2[%dma_start3A_168, %dma_start3A_169] : memref<10240x128xf32, #tpu.memory_space<hbm>> -> memref<10240x128xf32, #tpu.memory_space<hbm>>
      tpu.enqueue_indirect_dma source(%dma_start3A_170 : memref<10240x128xf32, #tpu.memory_space<hbm>>) target(%arg8 : memref<80x128xf32, #tpu.memory_space<vmem>>) offsets(%dma_start3A_167 : memref<80xi32, #tpu.memory_space<vmem>>) semaphore(%arg11 : memref<!tpu.dma_semaphore, #tpu.memory_space<semaphore_mem>>)
      %add3A_171 = arith.constant 1 : i32
      %add3A_172 = arith.addi %mul3A_148, %add3A_171 : i32
      %dma_wait3A_173 = arith.constant 0 : i32
      %dma_wait3A_174 = tpu.memref_slice %arg6[%add3A_172, %dma_wait3A_173] : memref<25x80xi32, #tpu.memory_space<vmem>> -> memref<1x80xi32, #tpu.memory_space<vmem>>
      %dma_wait3A_175 = tpu.memref_squeeze %dma_wait3A_174 : memref<1x80xi32, #tpu.memory_space<vmem>> -> memref<80xi32, #tpu.memory_space<vmem>>
      %dma_wait3A_176 = arith.constant 0 : i32
      %dma_wait3A_177 = arith.constant 0 : i32
      %dma_wait3A_178 = tpu.memref_slice %arg2[%dma_wait3A_176, %dma_wait3A_177] : memref<10240x128xf32, #tpu.memory_space<hbm>> -> memref<10240x128xf32, #tpu.memory_space<hbm>>
      tpu.wait_indirect_dma semaphore(%arg12 : memref<!tpu.dma_semaphore, #tpu.memory_space<semaphore_mem>>) src(%dma_wait3A_178 : memref<10240x128xf32, #tpu.memory_space<hbm>>) dst(%arg9 : memref<80x128xf32, #tpu.memory_space<vmem>>)
      %add3A_179 = arith.constant 1 : i32
      %add3A_180 = arith.addi %mul3A_148, %add3A_179 : i32
      "tpu.region"() ({
        %run_scoped3A_182 = tpu.sem_alloc : memref<!tpu.dma_semaphore, #tpu.memory_space<semaphore_mem>>
        %dma_start3A_183 = arith.constant 0 : i32
        %dma_start3A_184 = tpu.memref_slice %arg7[%add3A_180, %dma_start3A_183] : memref<25x80xi32, #tpu.memory_space<vmem>> -> memref<1x80xi32, #tpu.memory_space<vmem>>
        %dma_start3A_185 = tpu.memref_squeeze %dma_start3A_184 : memref<1x80xi32, #tpu.memory_space<vmem>> -> memref<80xi32, #tpu.memory_space<vmem>>
        %dma_start3A_186 = arith.constant 0 : i32
        %dma_start3A_187 = arith.constant 0 : i32
        %dma_start3A_188 = tpu.memref_slice %arg10[%dma_start3A_186, %dma_start3A_187] : memref<10240x128xf32, #tpu.memory_space<vmem_shared>> -> memref<10240x128xf32, #tpu.memory_space<vmem_shared>>
        tpu.enqueue_indirect_dma source(%arg9 : memref<80x128xf32, #tpu.memory_space<vmem>>) target(%dma_start3A_188 : memref<10240x128xf32, #tpu.memory_space<vmem_shared>>) offsets(%dma_start3A_185 : memref<80xi32, #tpu.memory_space<vmem>>) semaphore(%run_scoped3A_182 : memref<!tpu.dma_semaphore, #tpu.memory_space<semaphore_mem>>) {add = true}
        %dma_wait3A_189 = arith.constant 0 : i32
        %dma_wait3A_190 = tpu.memref_slice %arg7[%add3A_180, %dma_wait3A_189] : memref<25x80xi32, #tpu.memory_space<vmem>> -> memref<1x80xi32, #tpu.memory_space<vmem>>
        %dma_wait3A_191 = tpu.memref_squeeze %dma_wait3A_190 : memref<1x80xi32, #tpu.memory_space<vmem>> -> memref<80xi32, #tpu.memory_space<vmem>>
        %dma_wait3A_192 = arith.constant 0 : i32
        %dma_wait3A_193 = arith.constant 0 : i32
        %dma_wait3A_194 = tpu.memref_slice %arg10[%dma_wait3A_192, %dma_wait3A_193] : memref<10240x128xf32, #tpu.memory_space<vmem_shared>> -> memref<10240x128xf32, #tpu.memory_space<vmem_shared>>
        tpu.wait_indirect_dma semaphore(%run_scoped3A_182 : memref<!tpu.dma_semaphore, #tpu.memory_space<semaphore_mem>>) src(%arg9 : memref<80x128xf32, #tpu.memory_space<vmem>>) dst(%dma_wait3A_194 : memref<10240x128xf32, #tpu.memory_space<vmem_shared>>)
        tpu.yield
      }) : () -> ()
      %scan3A_181 = arith.constant 0 : i32
      scf.yield %scan3A_181 : i32
    }
    %scan3A_131 = arith.constant 12 : i32
    %dma_wait3A_132 = arith.constant 24 : i32
    %dma_wait3A_133 = arith.constant 0 : i32
    %dma_wait3A_134 = tpu.memref_slice %arg6[%dma_wait3A_132, %dma_wait3A_133] : memref<25x80xi32, #tpu.memory_space<vmem>> -> memref<1x80xi32, #tpu.memory_space<vmem>>
    %dma_wait3A_135 = tpu.memref_squeeze %dma_wait3A_134 : memref<1x80xi32, #tpu.memory_space<vmem>> -> memref<80xi32, #tpu.memory_space<vmem>>
    %dma_wait3A_136 = arith.constant 0 : i32
    %dma_wait3A_137 = arith.constant 0 : i32
    %dma_wait3A_138 = tpu.memref_slice %arg2[%dma_wait3A_136, %dma_wait3A_137] : memref<10240x128xf32, #tpu.memory_space<hbm>> -> memref<10240x128xf32, #tpu.memory_space<hbm>>
    tpu.wait_indirect_dma semaphore(%arg11 : memref<!tpu.dma_semaphore, #tpu.memory_space<semaphore_mem>>) src(%dma_wait3A_138 : memref<10240x128xf32, #tpu.memory_space<hbm>>) dst(%arg8 : memref<80x128xf32, #tpu.memory_space<vmem>>)
    %run_scoped3A_139 = arith.constant 24 : i32
    "tpu.region"() ({
      %run_scoped3A_145 = tpu.sem_alloc : memref<!tpu.dma_semaphore, #tpu.memory_space<semaphore_mem>>
      %dma_start3A_146 = arith.constant 0 : i32
      %dma_start3A_147 = tpu.memref_slice %arg7[%run_scoped3A_139, %dma_start3A_146] : memref<25x80xi32, #tpu.memory_space<vmem>> -> memref<1x80xi32, #tpu.memory_space<vmem>>
      %dma_start3A_148 = tpu.memref_squeeze %dma_start3A_147 : memref<1x80xi32, #tpu.memory_space<vmem>> -> memref<80xi32, #tpu.memory_space<vmem>>
      %dma_start3A_149 = arith.constant 0 : i32
      %dma_start3A_150 = arith.constant 0 : i32
      %dma_start3A_151 = tpu.memref_slice %arg10[%dma_start3A_149, %dma_start3A_150] : memref<10240x128xf32, #tpu.memory_space<vmem_shared>> -> memref<10240x128xf32, #tpu.memory_space<vmem_shared>>
      tpu.enqueue_indirect_dma source(%arg8 : memref<80x128xf32, #tpu.memory_space<vmem>>) target(%dma_start3A_151 : memref<10240x128xf32, #tpu.memory_space<vmem_shared>>) offsets(%dma_start3A_148 : memref<80xi32, #tpu.memory_space<vmem>>) semaphore(%run_scoped3A_145 : memref<!tpu.dma_semaphore, #tpu.memory_space<semaphore_mem>>) {add = true}
      %dma_wait3A_152 = arith.constant 0 : i32
      %dma_wait3A_153 = tpu.memref_slice %arg7[%run_scoped3A_139, %dma_wait3A_152] : memref<25x80xi32, #tpu.memory_space<vmem>> -> memref<1x80xi32, #tpu.memory_space<vmem>>
      %dma_wait3A_154 = tpu.memref_squeeze %dma_wait3A_153 : memref<1x80xi32, #tpu.memory_space<vmem>> -> memref<80xi32, #tpu.memory_space<vmem>>
      %dma_wait3A_155 = arith.constant 0 : i32
      %dma_wait3A_156 = arith.constant 0 : i32
      %dma_wait3A_157 = tpu.memref_slice %arg10[%dma_wait3A_155, %dma_wait3A_156] : memref<10240x128xf32, #tpu.memory_space<vmem_shared>> -> memref<10240x128xf32, #tpu.memory_space<vmem_shared>>
      tpu.wait_indirect_dma semaphore(%run_scoped3A_145 : memref<!tpu.dma_semaphore, #tpu.memory_space<semaphore_mem>>) src(%arg8 : memref<80x128xf32, #tpu.memory_space<vmem>>) dst(%dma_wait3A_157 : memref<10240x128xf32, #tpu.memory_space<vmem_shared>>)
      tpu.yield
    }) : () -> ()
    %barrier3A_140 = arith.constant 0 : index
    tpu.barrier barrier_id(%barrier3A_140)
    %mul3A_141 = arith.constant 640 : i32
    %mul3A_142 = arith.muli %arg1, %mul3A_141 : i32
    %mul3A_143 = arith.constant 640 : i32
    %mul3A_144 = arith.muli %arg1, %mul3A_143 : i32
    "tpu.region"() ({
      %run_scoped3A_145 = tpu.sem_alloc : memref<!tpu.dma_semaphore, #tpu.memory_space<semaphore_mem>>
      %dma_start3A_146 = arith.constant 0 : i32
      %dma_start3A_147 = tpu.memref_slice %arg5[%arg0, %mul3A_144, %dma_start3A_146] : memref<2x10240x128xf32, #tpu.memory_space<hbm>> -> memref<1x640x128xf32, #tpu.memory_space<hbm>>
      %dma_start3A_148 = tpu.memref_squeeze %dma_start3A_147 : memref<1x640x128xf32, #tpu.memory_space<hbm>> -> memref<640x128xf32, #tpu.memory_space<hbm>>
      %dma_start3A_149 = arith.constant 0 : i32
      %dma_start3A_150 = tpu.memref_slice %arg10[%mul3A_142, %dma_start3A_149] : memref<10240x128xf32, #tpu.memory_space<vmem_shared>> -> memref<640x128xf32, #tpu.memory_space<vmem_shared>>
      tpu.enqueue_dma source(%dma_start3A_150 : memref<640x128xf32, #tpu.memory_space<vmem_shared>>) target(%dma_start3A_148 : memref<640x128xf32, #tpu.memory_space<hbm>>) target_semaphore(%run_scoped3A_145 : memref<!tpu.dma_semaphore, #tpu.memory_space<semaphore_mem>>)
      %dma_wait3A_151 = arith.constant 0 : i32
      %dma_wait3A_152 = tpu.memref_slice %arg5[%arg0, %mul3A_144, %dma_wait3A_151] : memref<2x10240x128xf32, #tpu.memory_space<hbm>> -> memref<1x640x128xf32, #tpu.memory_space<hbm>>
      %dma_wait3A_153 = tpu.memref_squeeze %dma_wait3A_152 : memref<1x640x128xf32, #tpu.memory_space<hbm>> -> memref<640x128xf32, #tpu.memory_space<hbm>>
      %dma_wait3A_154 = arith.constant 0 : i32
      %dma_wait3A_155 = tpu.memref_slice %arg10[%mul3A_142, %dma_wait3A_154] : memref<10240x128xf32, #tpu.memory_space<vmem_shared>> -> memref<640x128xf32, #tpu.memory_space<vmem_shared>>
      tpu.wait_dma2 semaphore(%run_scoped3A_145 : memref<!tpu.dma_semaphore, #tpu.memory_space<semaphore_mem>>) src(%dma_wait3A_155 : memref<640x128xf32, #tpu.memory_space<vmem_shared>>) dst(%dma_wait3A_153 : memref<640x128xf32, #tpu.memory_space<hbm>>)
      tpu.yield
    }) : () -> ()
    return
  }
}

module attributes {stable_mosaic.version = 14 : i64} {
  func.func @body(%arg0: i32, %arg1: memref<1024x128xf32, #tpu.memory_space<vmem>>, %arg2: memref<128x128xf32, #tpu.memory_space<vmem>>, %arg3: memref<2x1024x16xf32, #tpu.memory_space<vmem>>, %arg4: memref<1024x128xf32, #tpu.memory_space<vmem>>) attributes {dimension_semantics = [#tpu.dimension_semantics<arbitrary>], iteration_bounds = array<i64: 10>, scalar_prefetch = 0 : i64, scratch_operands = 0 : i64, tpu.core_type = #tpu.core_type<tc>, window_params = [{transform_indices = @transform_0, window_bounds = array<i64: 1024, 128>}, {pipeline_mode = #tpu.pipeline_mode<synchronous>, transform_indices = @transform_1, window_bounds = array<i64: 128, 128>}, {transform_indices = @transform_2, window_bounds = array<i64: 2, 1024, 16>}, {transform_indices = @transform_3, window_bounds = array<i64: 1024, 128>}]} {
    %get3A = arith.constant 0 : index
    %get3A_0 = arith.constant 0 : index
    %get3A_1 = vector.load %arg1[%get3A, %get3A_0] : memref<1024x128xf32, #tpu.memory_space<vmem>>, vector<1024x128xf32>
    %get3A_2 = arith.constant 0 : index
    %get3A_3 = arith.constant 0 : index
    %get3A_4 = vector.load %arg2[%get3A_2, %get3A_3] : memref<128x128xf32, #tpu.memory_space<vmem>>, vector<128x128xf32>
    %dot_general3A = arith.constant dense<0.000000e+00> : vector<1024x128xf32>
    %dot_general3A_5 = tpu.matmul %get3A_1, %get3A_4, %dot_general3A {dimension_numbers = #tpu.dot_dimension_numbers<[1], [0], [0], [1], [0, 0, 1, 1], [], []>, transpose_lhs_hint = false} : vector<1024x128xf32>, vector<128x128xf32>, vector<1024x128xf32> -> vector<1024x128xf32>
    %get3A_6 = arith.constant 0 : index
    %get3A_7 = arith.constant 0 : index
    %get3A_8 = arith.constant 0 : index
    %get3A_9 = vector.load %arg3[%get3A_6, %get3A_7, %get3A_8] : memref<2x1024x16xf32, #tpu.memory_space<vmem>>, vector<1x1024x1xf32>
    %get3A_10 = vector.shape_cast %get3A_9 : vector<1x1024x1xf32> to vector<1024x1xf32>
    %get3A_11 = arith.constant 1 : index
    %get3A_12 = arith.constant 0 : index
    %get3A_13 = arith.constant 0 : index
    %get3A_14 = vector.load %arg3[%get3A_11, %get3A_12, %get3A_13] : memref<2x1024x16xf32, #tpu.memory_space<vmem>>, vector<1x1024x1xf32>
    %get3A_15 = vector.shape_cast %get3A_14 : vector<1x1024x1xf32> to vector<1024x1xf32>
    %add3A = arith.addf %get3A_10, %get3A_15 : vector<1024x1xf32>
    %add3A_16 = arith.constant 1.000000e+00 : f32
    %add3A_17 = vector.broadcast %add3A_16 : f32 to vector<1024x1xf32>
    %add3A_18 = arith.addf %add3A, %add3A_17 : vector<1024x1xf32>
    %rsqrt3A = math.rsqrt %add3A_18 : vector<1024x1xf32>
    %mul3A = vector.broadcast %rsqrt3A : vector<1024x1xf32> to vector<1024x128xf32>
    %mul3A_19 = arith.mulf %dot_general3A_5, %mul3A : vector<1024x128xf32>
    %swap3A = arith.constant 0 : index
    %swap3A_20 = arith.constant 0 : index
    %swap3A_21 = vector.load %arg4[%swap3A, %swap3A_20] : memref<1024x128xf32, #tpu.memory_space<vmem>>, vector<1024x128xf32>
    tpu.vector_store %arg4[%swap3A, %swap3A_20], %mul3A_19 {strides = array<i32>} : memref<1024x128xf32, #tpu.memory_space<vmem>>, vector<1024x128xf32>,
    return
  }
  func.func @transform_0(%arg0: i32) -> (i32, i32) {
    %c0_i32 = arith.constant 0 : i32
    %c0_i32_0 = arith.constant 0 : i32
    return %arg0, %c0_i32 : i32, i32
  }
  func.func @transform_1(%arg0: i32) -> (i32, i32) {
    %c0_i32 = arith.constant 0 : i32
    %c0_i32_0 = arith.constant 0 : i32
    %c0_i32_1 = arith.constant 0 : i32
    return %c0_i32, %c0_i32_0 : i32, i32
  }
  func.func @transform_2(%arg0: i32) -> (i32, i32, i32) {
    %c0_i32 = arith.constant 0 : i32
    %c0_i32_0 = arith.constant 0 : i32
    %c0_i32_1 = arith.constant 0 : i32
    return %c0_i32, %arg0, %c0_i32_0 : i32, i32, i32
  }
  func.func @transform_3(%arg0: i32) -> (i32, i32) {
    %c0_i32 = arith.constant 0 : i32
    %c0_i32_0 = arith.constant 0 : i32
    return %arg0, %c0_i32 : i32, i32
  }
}

module attributes {stable_mosaic.version = 14 : i64} {
  func.func @body(%arg0: i32, %arg1: memref<2x1024x128xf32, #tpu.memory_space<vmem>>, %arg2: memref<1024x128xf32, #tpu.memory_space<vmem>>, %arg3: memref<2x1024x16xf32, #tpu.memory_space<vmem>>, %arg4: memref<128xf32, #tpu.memory_space<vmem>>, %arg5: memref<1024x128xf32, #tpu.memory_space<vmem>>, %arg6: memref<1024x128xf32, #tpu.memory_space<vmem>>) attributes {dimension_semantics = [#tpu.dimension_semantics<arbitrary>], iteration_bounds = array<i64: 10>, scalar_prefetch = 0 : i64, scratch_operands = 0 : i64, tpu.core_type = #tpu.core_type<tc>, window_params = [{transform_indices = @transform_0, window_bounds = array<i64: 2, 1024, 128>}, {transform_indices = @transform_1, window_bounds = array<i64: 1024, 128>}, {transform_indices = @transform_2, window_bounds = array<i64: 2, 1024, 16>}, {pipeline_mode = #tpu.pipeline_mode<synchronous>, transform_indices = @transform_3, window_bounds = array<i64: 128>}, {transform_indices = @transform_4, window_bounds = array<i64: 1024, 128>}, {transform_indices = @transform_5, window_bounds = array<i64: 1024, 128>}]} {
    %get3A = arith.constant 0 : index
    %get3A_0 = arith.constant 0 : index
    %get3A_1 = arith.constant 0 : index
    %get3A_2 = vector.load %arg3[%get3A, %get3A_0, %get3A_1] : memref<2x1024x16xf32, #tpu.memory_space<vmem>>, vector<1x1024x1xf32>
    %get3A_3 = vector.shape_cast %get3A_2 : vector<1x1024x1xf32> to vector<1024x1xf32>
    %get3A_4 = arith.constant 1 : index
    %get3A_5 = arith.constant 0 : index
    %get3A_6 = arith.constant 0 : index
    %get3A_7 = vector.load %arg3[%get3A_4, %get3A_5, %get3A_6] : memref<2x1024x16xf32, #tpu.memory_space<vmem>>, vector<1x1024x1xf32>
    %get3A_8 = vector.shape_cast %get3A_7 : vector<1x1024x1xf32> to vector<1024x1xf32>
    %add3A = arith.addf %get3A_3, %get3A_8 : vector<1024x1xf32>
    %add3A_9 = arith.constant 1.000000e+00 : f32
    %add3A_10 = vector.broadcast %add3A_9 : f32 to vector<1024x1xf32>
    %add3A_11 = arith.addf %add3A, %add3A_10 : vector<1024x1xf32>
    %rsqrt3A = math.rsqrt %add3A_11 : vector<1024x1xf32>
    %get3A_12 = arith.constant 0 : index
    %get3A_13 = arith.constant 0 : index
    %get3A_14 = arith.constant 0 : index
    %get3A_15 = vector.load %arg1[%get3A_12, %get3A_13, %get3A_14] : memref<2x1024x128xf32, #tpu.memory_space<vmem>>, vector<1x1024x128xf32>
    %get3A_16 = vector.shape_cast %get3A_15 : vector<1x1024x128xf32> to vector<1024x128xf32>
    %get3A_17 = arith.constant 1 : index
    %get3A_18 = arith.constant 0 : index
    %get3A_19 = arith.constant 0 : index
    %get3A_20 = vector.load %arg1[%get3A_17, %get3A_18, %get3A_19] : memref<2x1024x128xf32, #tpu.memory_space<vmem>>, vector<1x1024x128xf32>
    %get3A_21 = vector.shape_cast %get3A_20 : vector<1x1024x128xf32> to vector<1024x128xf32>
    %add3A_22 = arith.addf %get3A_16, %get3A_21 : vector<1024x128xf32>
    %get3A_23 = arith.constant 0 : index
    %get3A_24 = arith.constant 0 : index
    %get3A_25 = vector.load %arg2[%get3A_23, %get3A_24] : memref<1024x128xf32, #tpu.memory_space<vmem>>, vector<1024x128xf32>
    %add3A_26 = arith.addf %add3A_22, %get3A_25 : vector<1024x128xf32>
    %mul3A = vector.broadcast %rsqrt3A : vector<1024x1xf32> to vector<1024x128xf32>
    %mul3A_27 = arith.mulf %add3A_26, %mul3A : vector<1024x128xf32>
    %get3A_28 = arith.constant 0 : index
    %get3A_29 = vector.load %arg4[%get3A_28] : memref<128xf32, #tpu.memory_space<vmem>>, vector<128xf32>
    %broadcast_in_dim3A = vector.shape_cast %get3A_29 : vector<128xf32> to vector<1x128xf32>
    %add3A_30 = vector.broadcast %broadcast_in_dim3A : vector<1x128xf32> to vector<1024x128xf32>
    %add3A_31 = arith.addf %mul3A_27, %add3A_30 : vector<1024x128xf32>
    %max3A = arith.constant 0.000000e+00 : f32
    %max3A_32 = vector.broadcast %max3A : f32 to vector<1024x128xf32>
    %max3A_33 = arith.maximumf %add3A_31, %max3A_32 : vector<1024x128xf32>
    %swap3A = arith.constant 0 : index
    %swap3A_34 = arith.constant 0 : index
    %swap3A_35 = vector.load %arg5[%swap3A, %swap3A_34] : memref<1024x128xf32, #tpu.memory_space<vmem>>, vector<1024x128xf32>
    tpu.vector_store %arg5[%swap3A, %swap3A_34], %max3A_33 {strides = array<i32>} : memref<1024x128xf32, #tpu.memory_space<vmem>>, vector<1024x128xf32>,
    %mul3A_36 = vector.broadcast %rsqrt3A : vector<1024x1xf32> to vector<1024x128xf32>
    %mul3A_37 = arith.mulf %max3A_33, %mul3A_36 : vector<1024x128xf32>
    %swap3A_38 = arith.constant 0 : index
    %swap3A_39 = arith.constant 0 : index
    %swap3A_40 = vector.load %arg6[%swap3A_38, %swap3A_39] : memref<1024x128xf32, #tpu.memory_space<vmem>>, vector<1024x128xf32>
    tpu.vector_store %arg6[%swap3A_38, %swap3A_39], %mul3A_37 {strides = array<i32>} : memref<1024x128xf32, #tpu.memory_space<vmem>>, vector<1024x128xf32>,
    return
  }
  func.func @transform_0(%arg0: i32) -> (i32, i32, i32) {
    %c0_i32 = arith.constant 0 : i32
    %c0_i32_0 = arith.constant 0 : i32
    %c0_i32_1 = arith.constant 0 : i32
    return %c0_i32, %arg0, %c0_i32_0 : i32, i32, i32
  }
  func.func @transform_1(%arg0: i32) -> (i32, i32) {
    %c0_i32 = arith.constant 0 : i32
    %c0_i32_0 = arith.constant 0 : i32
    return %arg0, %c0_i32 : i32, i32
  }
  func.func @transform_2(%arg0: i32) -> (i32, i32, i32) {
    %c0_i32 = arith.constant 0 : i32
    %c0_i32_0 = arith.constant 0 : i32
    %c0_i32_1 = arith.constant 0 : i32
    return %c0_i32, %arg0, %c0_i32_0 : i32, i32, i32
  }
  func.func @transform_3(%arg0: i32) -> i32 {
    %c0_i32 = arith.constant 0 : i32
    %c0_i32_0 = arith.constant 0 : i32
    return %c0_i32 : i32
  }
  func.func @transform_4(%arg0: i32) -> (i32, i32) {
    %c0_i32 = arith.constant 0 : i32
    %c0_i32_0 = arith.constant 0 : i32
    return %arg0, %c0_i32 : i32, i32
  }
  func.func @transform_5(%arg0: i32) -> (i32, i32) {
    %c0_i32 = arith.constant 0 : i32
    %c0_i32_0 = arith.constant 0 : i32
    return %arg0, %c0_i32 : i32, i32
  }
}

module attributes {stable_mosaic.version = 14 : i64} {
  func.func @body(%arg0: i32, %arg1: memref<2x1024x128xf32, #tpu.memory_space<vmem>>, %arg2: memref<1024x128xf32, #tpu.memory_space<vmem>>, %arg3: memref<2x1024x16xf32, #tpu.memory_space<vmem>>, %arg4: memref<64xf32, #tpu.memory_space<vmem>>, %arg5: memref<128x64xf32, #tpu.memory_space<vmem>>, %arg6: memref<1024x64xf32, #tpu.memory_space<vmem>>) attributes {dimension_semantics = [#tpu.dimension_semantics<arbitrary>], iteration_bounds = array<i64: 10>, scalar_prefetch = 0 : i64, scratch_operands = 0 : i64, tpu.core_type = #tpu.core_type<tc>, window_params = [{transform_indices = @transform_0, window_bounds = array<i64: 2, 1024, 128>}, {transform_indices = @transform_1, window_bounds = array<i64: 1024, 128>}, {transform_indices = @transform_2, window_bounds = array<i64: 2, 1024, 16>}, {pipeline_mode = #tpu.pipeline_mode<synchronous>, transform_indices = @transform_3, window_bounds = array<i64: 64>}, {pipeline_mode = #tpu.pipeline_mode<synchronous>, transform_indices = @transform_4, window_bounds = array<i64: 128, 64>}, {transform_indices = @transform_5, window_bounds = array<i64: 1024, 64>}]} {
    %get3A = arith.constant 0 : index
    %get3A_0 = arith.constant 0 : index
    %get3A_1 = arith.constant 0 : index
    %get3A_2 = vector.load %arg3[%get3A, %get3A_0, %get3A_1] : memref<2x1024x16xf32, #tpu.memory_space<vmem>>, vector<1x1024x1xf32>
    %get3A_3 = vector.shape_cast %get3A_2 : vector<1x1024x1xf32> to vector<1024x1xf32>
    %get3A_4 = arith.constant 1 : index
    %get3A_5 = arith.constant 0 : index
    %get3A_6 = arith.constant 0 : index
    %get3A_7 = vector.load %arg3[%get3A_4, %get3A_5, %get3A_6] : memref<2x1024x16xf32, #tpu.memory_space<vmem>>, vector<1x1024x1xf32>
    %get3A_8 = vector.shape_cast %get3A_7 : vector<1x1024x1xf32> to vector<1024x1xf32>
    %add3A = arith.addf %get3A_3, %get3A_8 : vector<1024x1xf32>
    %add3A_9 = arith.constant 1.000000e+00 : f32
    %add3A_10 = vector.broadcast %add3A_9 : f32 to vector<1024x1xf32>
    %add3A_11 = arith.addf %add3A, %add3A_10 : vector<1024x1xf32>
    %rsqrt3A = math.rsqrt %add3A_11 : vector<1024x1xf32>
    %get3A_12 = arith.constant 0 : index
    %get3A_13 = arith.constant 0 : index
    %get3A_14 = arith.constant 0 : index
    %get3A_15 = vector.load %arg1[%get3A_12, %get3A_13, %get3A_14] : memref<2x1024x128xf32, #tpu.memory_space<vmem>>, vector<1x1024x128xf32>
    %get3A_16 = vector.shape_cast %get3A_15 : vector<1x1024x128xf32> to vector<1024x128xf32>
    %get3A_17 = arith.constant 1 : index
    %get3A_18 = arith.constant 0 : index
    %get3A_19 = arith.constant 0 : index
    %get3A_20 = vector.load %arg1[%get3A_17, %get3A_18, %get3A_19] : memref<2x1024x128xf32, #tpu.memory_space<vmem>>, vector<1x1024x128xf32>
    %get3A_21 = vector.shape_cast %get3A_20 : vector<1x1024x128xf32> to vector<1024x128xf32>
    %add3A_22 = arith.addf %get3A_16, %get3A_21 : vector<1024x128xf32>
    %get3A_23 = arith.constant 0 : index
    %get3A_24 = arith.constant 0 : index
    %get3A_25 = vector.load %arg2[%get3A_23, %get3A_24] : memref<1024x128xf32, #tpu.memory_space<vmem>>, vector<1024x128xf32>
    %mul3A = vector.broadcast %rsqrt3A : vector<1024x1xf32> to vector<1024x128xf32>
    %mul3A_26 = arith.mulf %get3A_25, %mul3A : vector<1024x128xf32>
    %add3A_27 = arith.addf %add3A_22, %mul3A_26 : vector<1024x128xf32>
    %get3A_28 = arith.constant 0 : index
    %get3A_29 = arith.constant 0 : index
    %get3A_30 = vector.load %arg5[%get3A_28, %get3A_29] : memref<128x64xf32, #tpu.memory_space<vmem>>, vector<128x64xf32>
    %dot_general3A = arith.constant dense<0.000000e+00> : vector<1024x64xf32>
    %dot_general3A_31 = tpu.matmul %add3A_27, %get3A_30, %dot_general3A {dimension_numbers = #tpu.dot_dimension_numbers<[1], [0], [0], [1], [0, 0, 1, 1], [], []>, transpose_lhs_hint = false} : vector<1024x128xf32>, vector<128x64xf32>, vector<1024x64xf32> -> vector<1024x64xf32>
    %mul3A_32 = vector.broadcast %rsqrt3A : vector<1024x1xf32> to vector<1024x64xf32>
    %mul3A_33 = arith.mulf %dot_general3A_31, %mul3A_32 : vector<1024x64xf32>
    %get3A_34 = arith.constant 0 : index
    %get3A_35 = vector.load %arg4[%get3A_34] : memref<64xf32, #tpu.memory_space<vmem>>, vector<64xf32>
    %broadcast_in_dim3A = vector.shape_cast %get3A_35 : vector<64xf32> to vector<1x64xf32>
    %add3A_36 = vector.broadcast %broadcast_in_dim3A : vector<1x64xf32> to vector<1024x64xf32>
    %add3A_37 = arith.addf %mul3A_33, %add3A_36 : vector<1024x64xf32>
    %reduce_max3A = arith.constant dense<0xFF800000> : vector<1024xf32>
    %reduce_max3A_38 = vector.multi_reduction <maximumf>, %add3A_37, %reduce_max3A [1] : vector<1024x64xf32> to vector<1024xf32>
    %broadcast_in_dim3A_39 = vector.shape_cast %reduce_max3A_38 : vector<1024xf32> to vector<1024x1xf32>
    %sub3A = vector.broadcast %broadcast_in_dim3A_39 : vector<1024x1xf32> to vector<1024x64xf32>
    %sub3A_40 = arith.subf %add3A_37, %sub3A : vector<1024x64xf32>
    %exp3A = math.exp %sub3A_40 : vector<1024x64xf32>
    %reduce_sum3A = arith.constant dense<0.000000e+00> : vector<1024xf32>
    %reduce_sum3A_41 = vector.multi_reduction <add>, %exp3A, %reduce_sum3A [1] : vector<1024x64xf32> to vector<1024xf32>
    %broadcast_in_dim3A_42 = vector.shape_cast %reduce_sum3A_41 : vector<1024xf32> to vector<1024x1xf32>
    %log3A = math.log %broadcast_in_dim3A_42 : vector<1024x1xf32>
    %add3A_43 = arith.addf %log3A, %broadcast_in_dim3A_39 : vector<1024x1xf32>
    %sub3A_44 = vector.broadcast %add3A_43 : vector<1024x1xf32> to vector<1024x64xf32>
    %sub3A_45 = arith.subf %add3A_37, %sub3A_44 : vector<1024x64xf32>
    %swap3A = arith.constant 0 : index
    %swap3A_46 = arith.constant 0 : index
    %swap3A_47 = vector.load %arg6[%swap3A, %swap3A_46] : memref<1024x64xf32, #tpu.memory_space<vmem>>, vector<1024x64xf32>
    tpu.vector_store %arg6[%swap3A, %swap3A_46], %sub3A_45 {strides = array<i32>} : memref<1024x64xf32, #tpu.memory_space<vmem>>, vector<1024x64xf32>,
    return
  }
  func.func @transform_0(%arg0: i32) -> (i32, i32, i32) {
    %c0_i32 = arith.constant 0 : i32
    %c0_i32_0 = arith.constant 0 : i32
    %c0_i32_1 = arith.constant 0 : i32
    return %c0_i32, %arg0, %c0_i32_0 : i32, i32, i32
  }
  func.func @transform_1(%arg0: i32) -> (i32, i32) {
    %c0_i32 = arith.constant 0 : i32
    %c0_i32_0 = arith.constant 0 : i32
    return %arg0, %c0_i32 : i32, i32
  }
  func.func @transform_2(%arg0: i32) -> (i32, i32, i32) {
    %c0_i32 = arith.constant 0 : i32
    %c0_i32_0 = arith.constant 0 : i32
    %c0_i32_1 = arith.constant 0 : i32
    return %c0_i32, %arg0, %c0_i32_0 : i32, i32, i32
  }
  func.func @transform_3(%arg0: i32) -> i32 {
    %c0_i32 = arith.constant 0 : i32
    %c0_i32_0 = arith.constant 0 : i32
    return %c0_i32 : i32
  }
  func.func @transform_4(%arg0: i32) -> (i32, i32) {
    %c0_i32 = arith.constant 0 : i32
    %c0_i32_0 = arith.constant 0 : i32
    %c0_i32_1 = arith.constant 0 : i32
    return %c0_i32, %c0_i32_0 : i32, i32
  }
  func.func @transform_5(%arg0: i32) -> (i32, i32) {
    %c0_i32 = arith.constant 0 : i32
    %c0_i32_0 = arith.constant 0 : i32
    return %arg0, %c0_i32 : i32, i32
  }
}

</mosaic_0001>

<sc_bundles>
// kernel: kernel.11.cloned.1.call-start
scs
__scs_entry_jumppad:
0x0: {  	(pc) =	sbr.rel $0x88, $3  }
0x1: {  	(tag) =	ssettag $0x0;
	lr =	simm.s32 $0x1  }
0x2: {  	[smem:$0x3F9B] =	sst lr;
	_ =	strace $0xD0000000  }
0x3: {  	_ = 	snop  }
0x4: {  	_ = 	snop  }
0x5: {  	_ = 	snop  }
0x6: {  	_ = 	snop  }
0x7: {  	_ = 	snop  }
__scs_overlays_trampoline_lowered:
0x8: {  	[smem:$0x3FAA] =	sst s0  }
0x9: {  	[smem:$0x3FAB] =	sst s1  }
0xa: {  	[smem:$0x3FAC] =	sst s2  }
0xb: {  	[smem:$0x3FAD] =	sst s3  }
0xc: {  	[smem:$0x3FAE] =	sst s4  }
0xd: {  	[smem:$0x3FAF] =	sst s5  }
0xe: {  	[smem:$0x3FB0] =	sst s6  }
0xf: {  	[smem:$0x3FB1] =	sst s7  }
0x10: {  	[smem:$0x3FB2] =	sst s8  }
0x11: {  	[smem:$0x3FB3] =	sst s9;
	s0 =	simm.s32 @!p0 $0x0  }
0x12: {  	s1 =	sld [smem:$0x3F99];
	s0 =	simm.s32 @p0 $0x1  }
0x13: {  	[smem:$0x3FB4] =	sst s0;
	s0 =	simm.s32 @!p1 $0x0  }
0x14: {  	s2 =	sld [smem:$0x3F98];
	s0 =	simm.s32 @p1 $0x1  }
0x15: {  	[smem:$0x3FB5] =	sst s0;
	s0 =	simm.s32 @!p2 $0x0  }
0x16: {  	s3 =	sld [smem:$0x3FDB];
	s0 =	simm.s32 @p2 $0x1  }
0x17: {  	s4 =	simm.s32 $0x1BF5;
	[smem:$0x3FB7] =	sst s0  }
0x18: {  	s0 =	sld [smem:$0x3F9A];
	_ =	swait.ge [sflag:s4], $0x0  }
0x19: {  	s7 =	sld [smem:$0x3F9B]  }
0x1a: {  	s8 =	sadd.s32 $0xFFFFE003, lr  }
0x1b: {  	s9 =	sadd.s32 $0xFFFFFEF7, lr;
	s5 =	simm.s32 $0xFFFFFFFF;
	p2 =	slt.u32 s8, $0xFFFFF086  }
0x1c: {  	p1 =	slt.u32 s9, $0xF7A;
	s5 =	simm.s32 @!p2 $0x0  }
0x1d: {  	s5 =	simm.s32 @p1 $0x1;
	p0 =	seq.s32 s7, s2  }
0x1e: {  	s7 =	smul.u32 @!p0 $0xF7A, s2;
	p2 =	seq.s32 @!p0 s5, $0x0  }
0x1f: {  	s9 =	smul.u32 $0xF7A, s1;
	s8 =	simm.s32 @!p0 $0x1BF5;
	p2 =	por !p2, p0  }
0x20: {  	[sflag:s8] =	ssyncset.s32 @!p0 $0xFFFFF086;
	s6 =	sadd.s32 @!p0 s3, s7;
	s7 =	simm.s32 @!p0 $0x108  }
0x21: {  	s3 =	sadd.s32 s3, s9;
	s6 =	sadd.s32 @!p0 $0x88, s6;
	s7 =	simm.s32 @p2 $0x1082  }
0x22: {  	[simem:s7], [sflag:s8] =	dma.local @!p0 [hbm:s6], $0xF7A  }
0x23: {  	s9 =	sor.u32 $0xD0000000, s2;
	s6 =	simm.s32 $0x108;
	_ =	swait.ge @!p0 [sflag:s8], $0x0  }
0x24: {  	s3 =	sadd.s32 $0x88, s3;
	s6 =	simm.s32 @!p1 $0x1082;
	[sflag:s4] =	ssyncset.s32 $0xFFFFF086  }
0x25: {  	[simem:s6], [sflag:s4] =	dma.local [hbm:s3], $0xF7A  }
0x26: {  	[smem:$0x3F9B] =	sst s1;
	(tag) =	ssettag s2;
	_ =	strace s9  }
0x27: {  	s1 =	sld [smem:$0x3FAB]  }
0x28: {  	s2 =	sld [smem:$0x3FAC]  }
0x29: {  	s4 =	sld [smem:$0x3FAE]  }
0x2a: {  	p0 =	seq.s32 s5, $0x0;
	s5 =	sld [smem:$0x3FAF]  }
0x2b: {  	s6 =	sld [smem:$0x3FB0]  }
0x2c: {  	s7 =	sld [smem:$0x3FB1]  }
0x2d: {  	s3 =	simm.s32 $0x108;
	s8 =	sld [smem:$0x3FB2]  }
0x2e: {  	s3 =	simm.s32 @!p0 $0x1082;
	s9 =	sld [smem:$0x3FB3]  }
0x2f: {  	lr =	sadd.s32 s0, s3;
	s0 =	sld [smem:$0x3FAA]  }
0x30: {  	s3 =	sld [smem:$0x3FAD]  }
0x31: {  	[smem:$0x3FB6] =	sst s10  }
0x32: {  	s10 =	sld [smem:$0x3FB4];
	_ =	sdelay $0x3  }
0x33: {  	p0 =	seq.s32 s10, $0x1;
	s10 =	sld [smem:$0x3FB6];
	_ =	sdelay $0x3  }
0x34: {  	[smem:$0x3FB6] =	sst s10  }
0x35: {  	s10 =	sld [smem:$0x3FB5];
	_ =	sdelay $0x3  }
0x36: {  	p1 =	seq.s32 s10, $0x1;
	s10 =	sld [smem:$0x3FB6];
	_ =	sdelay $0x3  }
0x37: {  	[smem:$0x3FB6] =	sst s10  }
0x38: {  	s10 =	sld [smem:$0x3FB7]  }
0x39: {  	_ = 	snop;
	(pc) =	sbr.ind lr, $3  }
0x3a: {  	_ = 	snop  }
0x3b: {  	_ = 	snop  }
0x3c: {  	p2 =	seq.s32 s10, $0x1;
	s10 =	sld [smem:$0x3FB6]  }
0x3d: {  	_ =	shalt  }
0x3e: {  	_ =	shalt  }
0x3f: {  	_ =	shalt  }
0x40: {  	_ =	shalt  }
0x41: {  	_ =	shalt  }
0x42: {  	_ =	shalt  }
0x43: {  	_ =	shalt  }
0x44: {  	_ =	shalt  }
0x45: {  	_ =	shalt  }
0x46: {  	_ =	shalt  }
0x47: {  	_ =	shalt  }
0x48: {  	_ =	shalt  }
0x49: {  	_ =	shalt  }
0x4a: {  	_ =	shalt  }
0x4b: {  	_ =	shalt  }
0x4c: {  	_ =	shalt  }
0x4d: {  	_ =	shalt  }
0x4e: {  	_ =	shalt  }
0x4f: {  	_ =	shalt  }
0x50: {  	_ =	shalt  }
0x51: {  	_ =	shalt  }
0x52: {  	_ =	shalt  }
0x53: {  	_ =	shalt  }
0x54: {  	_ =	shalt  }
0x55: {  	_ =	shalt  }
0x56: {  	_ =	shalt  }
0x57: {  	_ =	shalt  }
0x58: {  	_ =	shalt  }
0x59: {  	_ =	shalt  }
0x5a: {  	_ =	shalt  }
0x5b: {  	_ =	shalt  }
0x5c: {  	_ =	shalt  }
0x5d: {  	_ =	shalt  }
0x5e: {  	_ =	shalt  }
0x5f: {  	_ =	shalt  }
0x60: {  	_ =	shalt  }
0x61: {  	_ =	shalt  }
0x62: {  	_ =	shalt  }
0x63: {  	_ =	shalt  }
0x64: {  	_ =	shalt  }
0x65: {  	_ =	shalt  }
0x66: {  	_ =	shalt  }
0x67: {  	_ =	shalt  }
0x68: {  	_ =	shalt  }
0x69: {  	_ =	shalt  }
0x6a: {  	_ =	shalt  }
0x6b: {  	_ =	shalt  }
0x6c: {  	_ =	shalt  }
0x6d: {  	_ =	shalt  }
0x6e: {  	_ =	shalt  }
0x6f: {  	_ =	shalt  }
0x70: {  	_ =	shalt  }
0x71: {  	_ =	shalt  }
0x72: {  	_ =	shalt  }
0x73: {  	_ =	shalt  }
0x74: {  	_ =	shalt  }
0x75: {  	_ =	shalt  }
0x76: {  	_ =	shalt  }
0x77: {  	_ =	shalt  }
0x78: {  	_ =	shalt  }
0x79: {  	_ =	shalt  }
0x7a: {  	_ =	shalt  }
0x7b: {  	_ =	shalt  }
0x7c: {  	_ =	shalt  }
0x7d: {  	_ =	shalt  }
0x7e: {  	_ =	shalt  }
0x7f: {  	_ =	shalt  }
0x80: {  	_ =	shalt  }
0x81: {  	_ =	shalt  }
0x82: {  	_ =	shalt  }
0x83: {  	_ =	shalt  }
0x84: {  	_ =	shalt  }
0x85: {  	_ =	shalt  }
0x86: {  	_ =	shalt  }
0x87: {  	_ =	shalt  }
.Lfunc_end0:
.L_simem_size_0:
called_computation.1_lowered:
.L_overlay_start_0:
0x88: {  	s2 =	sld [smem:$0x3FD9]  }
0x89: {  	s3 =	sld [smem:$0x3FFE];
	_ =	sdelay $0x1  }
0x8a: {  	s1 =	srdreg.scid  }
0x8b: {  	s0 =	sand.u32 $0x1, s1  }
0x8c: {  	s16 =	sshll.u32 s0, $0xA;
	s2 =	sadd.s32 s3, s2  }
0x8d: {  	s2 =	sadd.s32 s2, s16  }
0x8e: {  	[smem:$0x3FC2] =	sst s2  }
0x8f: {  	_ = 	snop  }
0x90: {  	(tm) =	ssettm $0x1  }
0x91: {  	s17 =	sld [smem:$0x3FFB];
	_ =	sdelay $0x3  }
0x92: {  	_ =	strace s17  }
0x93: {  	s2 =	sld [smem:$0x3FFC];
	_ =	sdelay $0x3  }
0x94: {  	_ =	strace s2  }
0x95: {  	s2 =	sld [smem:$0x3FFD];
	_ =	sdelay $0x3  }
0x96: {  	_ =	strace s2  }
0x97: {  	_ =	strace $0x8FFFFFFF  }
0x98: {  	s18 =	sld [smem:$0x3FDB];
	_ =	sdelay $0x1  }
0x99: {  	s19 =	simm.s32 $_scs_section_size  }
0x9a: {  	s4 =	simm.s32 $_size__tile_overlayer_lowered;
	s5 =	simm.s32 $_tile_overlayer_lowered  }
0x9b: {  	s22 =	simm.s32 $0x1BFF;
	s21 =	sshll.u32 s5, $0x1;
	s2 =	sadd.s32 s19, s18  }
0x9c: {  	s6 =	simm.s32 $0x0;
	s20 =	sshll.u32 s4, $0x1;
	s4 =	sadd.s32 s21, s2  }
0x9d: {  	[timem:s6], [sflag:s22] =	dma.local [hbm:s4], s20  }
0x9e: {  	_ =	swait.ge [sflag:s22], s20  }
0x9f: {  	s3 =	ssub.s32 $0x0, s20;
	[sflag:s22] =	ssyncset.done $0x0  }
0xa0: {  	[sflag:s22] =	ssyncadd.s32 s3;
	_ =	sdelay $0x1  }
0xa1: {  	s23 =	simm.s32 $0x1B8B  }
0xa2: {  	_ =	swait.ge [sflag:s23], $0x1  }
0xa3: {  	[sflag:s23] =	ssyncset.done $0x0  }
0xa4: {  	s25 =	simm.s32 $0x1B8E;
	s24 =	sld [smem:$0x3FFE];
	[sflag:s23] =	ssyncadd.s32 $0xFFFFFFFF  }
0xa5: {  	s26 =	simm.s32 $execute0_lowered;
	[smem:$0x3FD2] =	sst s25  }
0xa6: {  	s4 =	sshll.u32 s26, $0x1;
	_ =	strace $0x80000049;
	[dreg:$0x1] =	wrdreg $0xFFFFFFFF  }
0xa7: {  	s28 =	simm.s32 $_size_execute0_lowered;
	s2 =	sadd.s32 s2, s4;
	[dreg:$0x0] =	wrdreg $0x0  }
0xa8: {  	s4 =	sshll.u32 s28, $0x1;
	[dreg:$0x2] =	wrdreg s2  }
0xa9: {  	[dreg:$0x3] =	wrdreg s4  }
0xaa: {  	[dreg:$0x4] =	wrdreg $0xC0  }
0xab: {  	_ =	task [dreg:s6], $0x5FFFF  }
0xac: {  	[dreg:$0x1] =	wrdreg $0xFFFFFFFF  }
0xad: {  	[dreg:$0x0] =	wrdreg $0x60  }
0xae: {  	[dreg:$0x2] =	wrdreg s24  }
0xaf: {  	[dreg:$0x3] =	wrdreg $0x70000  }
0xb0: {  	[dreg:$0x4] =	wrdreg $0x9  }
0xb1: {  	_ =	task.clear_ibuf [dreg:s6], $0x5FFFF;
	_ =	strace $0x90000049  }
0xb2: {  	s29 =	simm.s32 $0x9;
	_ =	strace $0x8000004B  }
0xb3: {  	_ =	swait.ge [sflag:s29], $0x1  }
0xb4: {  	[sflag:s29] =	ssyncadd.s32 $0xFFFFFFFF  }
0xb5: {  	_ =	strace $0x9000004B  }
0xb6: {  	_ =	sfence  }
0xb7: {  	s30 =	sld [smem:$0x0];
	_ =	sdelay $0x2  }
0xb8: {  	s31 =	sshll.u32 s1, $0xD;
	s1 =	sshrl.u32 s1, $0x2  }
0xb9: {  	s3 =	sand.u32 $0x4000, s31;
	s1 =	sadd.s32 s1, s30  }
0xba: {  	s0 =	sor.u32 s3, s0;
	s1 =	sshll.u32 s1, $0x11  }
0xbb: {  	s0 =	sor.u32 s1, s0  }
0xbc: {  	s0 =	sadd.s32 $0x8F2B, s0  }
0xbd: {  	[sflag:s0] =	ssyncadd.remote.s32 $0x1  }
0xbe: {  	_ =	sfence.sel $0xFFFF  }
0xbf: {  	[dreg:$0x0] =	wrdreg $0xFFFFFFFF;
	(pc) =	sbr.abs _section_cstart, $3  }
0xc0: {  	[dreg:$0x1] =	wrdreg $0xFFFFFFFF  }
0xc1: {  	_ =	task.clear_ibuf [dreg:s6], $0x2FFFF;
	_ =	strace $0x9FFFFFFF  }
0xc2: {  	(tm) =	ssettm $0x7FFFFFFF  }
0xc3: {  	_ =	shalt  }
tec
execute0_lowered:
.L_overlay_start_1:
0x0: {  	(tag) =	ssettag $0x1  }
0x1: {  	s0 =	rddreg [dreg:$0x0]  }
0x2: {  	s1 =	rddreg [dreg:$0x1];
	s3 =	simm.s32 $0x0;
	s2 =	srdreg.scid  }
0x3: {  	s25 =	stileid.u32;
	s19 =	simm.s32 $0x2000;
	s20 =	simm.s32 $0x3  }
0x4: {  	s30 =	simm.s32 $0x1000;
	s31 =	simm.s32 $0x4800;
	s21 =	simm.s32 $0x2  }
0x5: {  	s22 =	simm.s32 $0x1C00;
	[smem:$0x7FF] =	sst s3;
	s5 =	sand.u32 $0x1, s2  }
0x6: {  	s7 =	smul.u32 $0x14000, s25;
	s8 =	sshll.u32 s25, $0x1;
	s4 =	sadd.s32 $0x7A000, s0  }
0x7: {  	s14 =	sadd.s32 $0x66000, s0;
	s15 =	sadd.s32 $0x2000, s0;
	s18 =	smul.u32 $0x50000, s25  }
0x8: {  	s6 =	smul.u32 $0x140000, s5;
	s8 =	sor.u32 s5, s8;
	s5 =	ssub.s32 $0x2, s5  }
0x9: {  	_ =	strace $0x8000004A;
	s26 =	smul.u32 $0x5000, s8;
	s28 =	sshrl.u32 s5, $0x1  }
0xa: {  	s29 =	sshrl.u32 s18, $0x2;
	s18 =	simm.s32 $0x50;
	s6 =	sadd.s32 s7, s6  }
0xb: {  	s17 =	ssub.s32 s5, s28;
	s6 =	sshrl.u32 s6, $0x3;
	s12 =	sshrl.u32 s26, $0x3  }
0xc: {  	s5 =	smul.u32 $0x280, s25;
	s0 =	sadd.s32 s6, s0;
	s6 =	sadd.s32 s14, s12  }
0xd: {  	s9 =	sadd.s32 $0x200, s12;
	s7 =	sadd.s32 s15, s12;
	s11 =	sadd.s32 $0x400, s12  }
0xe: {  	s13 =	sadd.s32 $0x600, s12;
	s16 =	sadd.s32 $0x800, s12;
	s8 =	sadd.s32 s14, s9  }
0xf: {  	s9 =	sadd.s32 s15, s9;
	s10 =	sadd.s32 s14, s11;
	s11 =	sadd.s32 s15, s11  }
0x10: {  	s12 =	sadd.s32 s14, s13;
	s13 =	sadd.s32 s15, s13;
	s14 =	sadd.s32 s14, s16  }
0x11: {  	s15 =	sadd.s32 s15, s16;
	s16 =	sadd.s32 $0xA2000, s0;
	s0 =	sadd.s32 s29, s1  }
0x12: {  	v0 =	vimm.f32 $0.0e+00;
	v1 =	vlaneseq.u32;
	s17 =	smax.u32 s17, $0x1;
	s25 =	sshrl.u32 s0, $0x3;
	s0 =	simm.s32 $0x1  }
.LBB2_1:
0x13: {  	s23 =	simm.s32 $0x70;
	s24 =	simm.s32 $0x3C0  }
.LBB2_2:
0x14: {  	p0 =	sne.s32 s24, $0x9FC0;
	[tilespmem:s23+$0x2000] =	vst v0  }
0x15: {  	[tilespmem:s23+$0x1F90] =	vst v0  }
0x16: {  	[tilespmem:s23+$0x1FA0] =	vst v0  }
.Ltmp0:
0x17: {  	[tilespmem:s23+$0x1FB0] =	vst v0;
	(pc) =	sbr.rel @p0 .LBB2_2-.Ltmp0, $4  }
0x18: {  	[tilespmem:s23+$0x1FC0] =	vst v0  }
0x19: {  	[tilespmem:s23+$0x1FD0] =	vst v0  }
0x1a: {  	[tilespmem:s23+$0x1FE0] =	vst v0  }
0x1b: {  	[tilespmem:s23+$0x1FF0] =	vst v0;
	s23 =	sshra.s32 s24, $0x2;
	s24 =	sadd.s32 $0x200, s24  }
0x1c: {  	[tilespmem:s23+$0x2000] =	vst v0  }
0x1d: {  	[tilespmem:s23+$0x1F90] =	vst v0  }
0x1e: {  	[tilespmem:s23+$0x1FA0] =	vst v0  }
0x1f: {  	[tilespmem:s23+$0x1FB0] =	vst v0  }
0x20: {  	[tilespmem:s23+$0x1FC0] =	vst v0  }
0x21: {  	[tilespmem:s23+$0x1FD0] =	vst v0;
	s26 =	sadd.s32 $0x0, s5  }
0x22: {  	[tilespmem:s23+$0x1FE0] =	vst v0;
	s24 =	sadd.s32 $0x40, s26  }
0x23: {  	[tilespmem:s23+$0x1FF0] =	vst v0;
	s23 =	simm.s32 $0x20;
	s28 =	sadd.s32 $0x10, s26;
	v2 =	vor.u32 s24, v1  }
0x24: {  	s2 =	sadd.s32 $0x20, s26;
	v3 =	vor.u32 s28, v1;
	[tilespmem:s23+$0x20] =	vst v2  }
0x25: {  	s29 =	sadd.s32 $0x30, s26;
	v4 =	vor.u32 s2, v1;
	[tilespmem:s23+$0xFFFFFFF0] =	vst v3  }
0x26: {  	s24 =	simm.s32 $0x50;
	v2 =	vor.u32 s26, v1;
	v3 =	vor.u32 s29, v1;
	[tilespmem:s23+$0x0] =	vst v4  }
.LBB2_4:
0x27: {  	s26 =	sadd.s32 s24, s5  }
0x28: {  	p0 =	sne.s32 s24, $0x230;
	s24 =	sadd.s32 $0x50, s24;
	[tilespmem:s23+$0x10] =	vst v3;
	s28 =	sadd.s32 $0x10, s26  }
.Ltmp1:
0x29: {  	s29 =	sadd.s32 $0x20, s26;
	s2 =	sadd.s32 $0x40, s26;
	[tilespmem:s23+$0xFFFFFFE0] =	vst v2;
	v2 =	vor.u32 s26, v1;
	(pc) =	sbr.rel @p0 .LBB2_4-.Ltmp1, $4  }
0x2a: {  	s26 =	sadd.s32 $0x30, s26;
	s23 =	sadd.s32 $0x80, s23;
	v4 =	vor.u32 s28, v1;
	v5 =	vor.u32 s29, v1;
	v6 =	vor.u32 s2, v1  }
0x2b: {  	v3 =	vor.u32 s26, v1;
	[tilespmem:s23+$0x20] =	vst v6  }
0x2c: {  	[tilespmem:s23+$0xFFFFFFF0] =	vst v4  }
0x2d: {  	[tilespmem:s23+$0x0] =	vst v5  }
0x2e: {  	[tilespmem:s23+$0x10] =	vst v3  }
0x2f: {  	[tilespmem:s23+$0xFFFFFFE0] =	vst v2;
	s2 =	simm.s32 $0x0  }
0x30: {  	[spmem:s1] =	stream.indirect.scatter [tilespmem:s19], [sflag:$0x3], $0x80, s2, s18, $0xb8;
	[tilespmem:$0x1B000] =	vst v63  }
0x31: {  	_ =	swait.ge [sflag:s20], $0x2800  }
0x32: {  	[sflag:s20] =	ssyncset.done $0x0  }
0x33: {  	s26 =	simm.s32 $0x80;
	[sflag:s20] =	ssyncadd.s32 $0xFFFFD800  }
0x34: {  	[spmem:s1] =	stream.indirect.scatter [tilespmem:s19], [sflag:$0x3], $0x80, s26, s18, $0xb8;
	[tilespmem:$0x1B000] =	vst v63  }
0x35: {  	_ =	swait.ge [sflag:s20], $0x2800  }
0x36: {  	[sflag:s20] =	ssyncset.done $0x0  }
0x37: {  	s28 =	simm.s32 $0x100;
	[sflag:s20] =	ssyncadd.s32 $0xFFFFD800  }
0x38: {  	[spmem:s1] =	stream.indirect.scatter [tilespmem:s19], [sflag:$0x3], $0x80, s28, s18, $0xb8;
	[tilespmem:$0x1B000] =	vst v63  }
0x39: {  	_ =	swait.ge [sflag:s20], $0x2800  }
0x3a: {  	[sflag:s20] =	ssyncset.done $0x0  }
0x3b: {  	s29 =	simm.s32 $0x180;
	[sflag:s20] =	ssyncadd.s32 $0xFFFFD800  }
0x3c: {  	[spmem:s1] =	stream.indirect.scatter [tilespmem:s19], [sflag:$0x3], $0x80, s29, s18, $0xb8;
	[tilespmem:$0x1B000] =	vst v63  }
0x3d: {  	_ =	swait.ge [sflag:s20], $0x2800  }
0x3e: {  	[sflag:s20] =	ssyncset.done $0x0  }
0x3f: {  	s24 =	simm.s32 $0x200;
	[sflag:s20] =	ssyncadd.s32 $0xFFFFD800  }
0x40: {  	[spmem:s1] =	stream.indirect.scatter [tilespmem:s19], [sflag:$0x3], $0x80, s24, s18, $0xb8;
	[tilespmem:$0x1B000] =	vst v63  }
0x41: {  	_ =	swait.ge [sflag:s20], $0x2800  }
0x42: {  	[sflag:s20] =	ssyncset.done $0x0  }
0x43: {  	s26 =	simm.s32 $0x280;
	[sflag:s20] =	ssyncadd.s32 $0xFFFFD800  }
0x44: {  	[spmem:s1] =	stream.indirect.scatter [tilespmem:s19], [sflag:$0x3], $0x80, s26, s18, $0xb8;
	[tilespmem:$0x1B000] =	vst v63  }
0x45: {  	_ =	swait.ge [sflag:s20], $0x2800  }
0x46: {  	[sflag:s20] =	ssyncset.done $0x0  }
0x47: {  	s28 =	simm.s32 $0x300;
	[sflag:s20] =	ssyncadd.s32 $0xFFFFD800  }
0x48: {  	[spmem:s1] =	stream.indirect.scatter [tilespmem:s19], [sflag:$0x3], $0x80, s28, s18, $0xb8;
	[tilespmem:$0x1B000] =	vst v63  }
0x49: {  	_ =	swait.ge [sflag:s20], $0x2800  }
0x4a: {  	[sflag:s20] =	ssyncset.done $0x0  }
0x4b: {  	s29 =	simm.s32 $0x380;
	[sflag:s20] =	ssyncadd.s32 $0xFFFFD800  }
0x4c: {  	[spmem:s1] =	stream.indirect.scatter [tilespmem:s19], [sflag:$0x3], $0x80, s29, s18, $0xb8;
	[tilespmem:$0x1B000] =	vst v63  }
0x4d: {  	_ =	swait.ge [sflag:s20], $0x2800  }
0x4e: {  	[sflag:s20] =	ssyncset.done $0x0  }
0x4f: {  	[sflag:s20] =	ssyncadd.s32 $0xFFFFD800  }
0x50: {  	[bflag:$0x0] =	sbarrier.arrive $0xFFFF  }
0x51: {  	[tilespmem:s2], [sflag:$0x3] =	stream.linear.gather [hbm4b:s6+s2], $0xC80, $0x38;
	[tilespmem:$0x1B000] =	vst v63  }
0x52: {  	_ =	swait.ge [sflag:s20], $0xC80  }
0x53: {  	[sflag:s20] =	ssyncset.done $0x0  }
0x54: {  	[sflag:s20] =	ssyncadd.s32 $0xFFFFF380  }
0x55: {  	[tilespmem:s30], [sflag:$0x3] =	stream.linear.gather [hbm4b:s7+s2], $0xC80, $0x38;
	[tilespmem:$0x1B000] =	vst v63  }
0x56: {  	_ =	swait.ge [sflag:s20], $0xC80  }
0x57: {  	[sflag:s20] =	ssyncset.done $0x0  }
0x58: {  	[sflag:s20] =	ssyncadd.s32 $0xFFFFF380  }
0x59: {  	[tilespmem:s19], [sflag:$0x1] =	stream.indirect.gather [hbm4b:s4+s18], $0x80, s2, s18, $0xb8;
	[tilespmem:$0x1B000] =	vst v63  }
0x5a: {  	s24 =	simm.s32 $0x80  }
0x5b: {  	[tilespmem:s31], [sflag:$0x2] =	stream.indirect.gather [hbm4b:s4+s18], $0x80, s24, s18, $0xb8;
	[tilespmem:$0x1B000] =	vst v63  }
0x5c: {  	_ =	swait.ge [sflag:s0], $0x2800  }
0x5d: {  	[sflag:s0] =	ssyncset.done $0x0  }
0x5e: {  	s26 =	simm.s32 $0x1000;
	[sflag:s0] =	ssyncadd.s32 $0xFFFFD800  }
0x5f: {  	[spmem:s1] =	stream.indirect.scatter.add.f32 [tilespmem:s19], [sflag:$0x3], $0x80, s26, s18, $0xb8;
	[tilespmem:$0x1B000] =	vst v63  }
0x60: {  	_ =	swait.ge [sflag:s20], $0x2800  }
0x61: {  	[sflag:s20] =	ssyncset.done $0x0  }
0x62: {  	s28 =	simm.s32 $0x100;
	[sflag:s20] =	ssyncadd.s32 $0xFFFFD800  }
0x63: {  	[tilespmem:s19], [sflag:$0x1] =	stream.indirect.gather [hbm4b:s4+s18], $0x80, s28, s18, $0xb8;
	[tilespmem:$0x1B000] =	vst v63  }
0x64: {  	_ =	swait.ge [sflag:s21], $0x2800  }
0x65: {  	[sflag:s21] =	ssyncset.done $0x0  }
0x66: {  	s29 =	simm.s32 $0x1080;
	[sflag:s21] =	ssyncadd.s32 $0xFFFFD800  }
0x67: {  	[spmem:s1] =	stream.indirect.scatter.add.f32 [tilespmem:s31], [sflag:$0x3], $0x80, s29, s18, $0xb8;
	[tilespmem:$0x1B000] =	vst v63  }
0x68: {  	_ =	swait.ge [sflag:s20], $0x2800  }
0x69: {  	s23 =	simm.s32 $0x100;
	s24 =	simm.s32 $0x800;
	[sflag:s20] =	ssyncset.done $0x0  }
.LBB2_6:
0x6a: {  	s2 =	sadd.s32 $0x80, s23  }
0x6b: {  	[sflag:s20] =	ssyncadd.s32 $0xFFFFD800;
	s26 =	smov.u32 s24;
	s28 =	sadd.s32 $0x400, s24  }
0x6c: {  	[tilespmem:s31], [sflag:$0x2] =	stream.indirect.gather [hbm4b:s4+s18], $0x80, s2, s18, $0xb8;
	[tilespmem:$0x1B000] =	vst v63  }
0x6d: {  	p0 =	sne.s32 s24, $0x2C00;
	_ =	swait.ge [sflag:s0], $0x2800  }
0x6e: {  	[sflag:s0] =	ssyncset.done $0x0  }
0x6f: {  	s2 =	sadd.s32 $0x1000, s23;
	[sflag:s0] =	ssyncadd.s32 $0xFFFFD800  }
0x70: {  	[spmem:s1] =	stream.indirect.scatter.add.f32 [tilespmem:s19], [sflag:$0x3], $0x80, s2, s18, $0xb8;
	[tilespmem:$0x1B000] =	vst v63  }
0x71: {  	_ =	swait.ge [sflag:s20], $0x2800  }
0x72: {  	[sflag:s20] =	ssyncset.done $0x0  }
0x73: {  	s2 =	sadd.s32 $0x100, s23;
	[sflag:s20] =	ssyncadd.s32 $0xFFFFD800  }
0x74: {  	[tilespmem:s19], [sflag:$0x1] =	stream.indirect.gather [hbm4b:s4+s18], $0x80, s2, s18, $0xb8;
	[tilespmem:$0x1B000] =	vst v63  }
0x75: {  	_ =	swait.ge [sflag:s21], $0x2800  }
.Ltmp2:
0x76: {  	[sflag:s21] =	ssyncset.done $0x0;
	(pc) =	sbr.rel @p0 .LBB2_6-.Ltmp2, $4  }
0x77: {  	s2 =	sadd.s32 $0x1080, s23;
	[sflag:s21] =	ssyncadd.s32 $0xFFFFD800  }
0x78: {  	[spmem:s1] =	stream.indirect.scatter.add.f32 [tilespmem:s31], [sflag:$0x3], $0x80, s2, s18, $0xb8;
	[tilespmem:$0x1B000] =	vst v63  }
0x79: {  	_ =	swait.ge [sflag:s20], $0x2800  }
0x7a: {  	s24 =	smov.u32 s28;
	s23 =	sshra.s32 s26, $0x2;
	[sflag:s20] =	ssyncset.done $0x0  }
0x7b: {  	s2 =	sadd.s32 $0x80, s23;
	[sflag:s20] =	ssyncadd.s32 $0xFFFFD800  }
0x7c: {  	[tilespmem:s31], [sflag:$0x2] =	stream.indirect.gather [hbm4b:s4+s18], $0x80, s2, s18, $0xb8;
	[tilespmem:$0x1B000] =	vst v63  }
0x7d: {  	_ =	swait.ge [sflag:s0], $0x2800  }
0x7e: {  	[sflag:s0] =	ssyncset.done $0x0  }
0x7f: {  	s26 =	sadd.s32 $0x1000, s23;
	[sflag:s0] =	ssyncadd.s32 $0xFFFFD800  }
0x80: {  	[spmem:s1] =	stream.indirect.scatter.add.f32 [tilespmem:s19], [sflag:$0x3], $0x80, s26, s18, $0xb8;
	[tilespmem:$0x1B000] =	vst v63  }
0x81: {  	_ =	swait.ge [sflag:s20], $0x2800  }
0x82: {  	[sflag:s20] =	ssyncset.done $0x0  }
0x83: {  	s28 =	sadd.s32 $0x100, s23;
	[sflag:s20] =	ssyncadd.s32 $0xFFFFD800  }
0x84: {  	[tilespmem:s19], [sflag:$0x1] =	stream.indirect.gather [hbm4b:s4+s18], $0x80, s28, s18, $0xb8;
	[tilespmem:$0x1B000] =	vst v63  }
0x85: {  	_ =	swait.ge [sflag:s21], $0x2800  }
0x86: {  	[sflag:s21] =	ssyncset.done $0x0  }
0x87: {  	s29 =	sadd.s32 $0x1080, s23;
	[sflag:s21] =	ssyncadd.s32 $0xFFFFD800  }
0x88: {  	[spmem:s1] =	stream.indirect.scatter.add.f32 [tilespmem:s31], [sflag:$0x3], $0x80, s29, s18, $0xb8;
	[tilespmem:$0x1B000] =	vst v63  }
0x89: {  	_ =	swait.ge [sflag:s20], $0x2800  }
0x8a: {  	[sflag:s20] =	ssyncset.done $0x0  }
0x8b: {  	[sflag:s20] =	ssyncadd.s32 $0xFFFFD800  }
0x8c: {  	_ =	swait.ge [sflag:s0], $0x2800  }
0x8d: {  	[sflag:s0] =	ssyncset.done $0x0  }
0x8e: {  	[sflag:s0] =	ssyncadd.s32 $0xFFFFD800  }
0x8f: {  	[spmem:s1] =	stream.indirect.scatter.add.f32 [tilespmem:s19], [sflag:$0x3], $0x80, s22, s18, $0xb8;
	[tilespmem:$0x1B000] =	vst v63  }
0x90: {  	_ =	swait.ge [sflag:s20], $0x2800  }
0x91: {  	[sflag:s20] =	ssyncset.done $0x0  }
0x92: {  	s23 =	simm.s32 $0x0;
	[sflag:s20] =	ssyncadd.s32 $0xFFFFD800  }
0x93: {  	[tilespmem:s23], [sflag:$0x3] =	stream.linear.gather [hbm4b:s8+s23], $0xC80, $0x38;
	[tilespmem:$0x1B000] =	vst v63  }
0x94: {  	_ =	swait.ge [sflag:s20], $0xC80  }
0x95: {  	[sflag:s20] =	ssyncset.done $0x0  }
0x96: {  	[sflag:s20] =	ssyncadd.s32 $0xFFFFF380  }
0x97: {  	[tilespmem:s30], [sflag:$0x3] =	stream.linear.gather [hbm4b:s9+s23], $0xC80, $0x38;
	[tilespmem:$0x1B000] =	vst v63  }
0x98: {  	_ =	swait.ge [sflag:s20], $0xC80  }
0x99: {  	[sflag:s20] =	ssyncset.done $0x0  }
0x9a: {  	[sflag:s20] =	ssyncadd.s32 $0xFFFFF380  }
0x9b: {  	[tilespmem:s19], [sflag:$0x1] =	stream.indirect.gather [hbm4b:s4+s18], $0x80, s23, s18, $0xb8;
	[tilespmem:$0x1B000] =	vst v63  }
0x9c: {  	s24 =	simm.s32 $0x80  }
0x9d: {  	[tilespmem:s31], [sflag:$0x2] =	stream.indirect.gather [hbm4b:s4+s18], $0x80, s24, s18, $0xb8;
	[tilespmem:$0x1B000] =	vst v63  }
0x9e: {  	_ =	swait.ge [sflag:s0], $0x2800  }
0x9f: {  	[sflag:s0] =	ssyncset.done $0x0  }
0xa0: {  	s26 =	simm.s32 $0x1000;
	[sflag:s0] =	ssyncadd.s32 $0xFFFFD800  }
0xa1: {  	[spmem:s1] =	stream.indirect.scatter.add.f32 [tilespmem:s19], [sflag:$0x3], $0x80, s26, s18, $0xb8;
	[tilespmem:$0x1B000] =	vst v63  }
0xa2: {  	_ =	swait.ge [sflag:s20], $0x2800  }
0xa3: {  	[sflag:s20] =	ssyncset.done $0x0  }
0xa4: {  	s28 =	simm.s32 $0x100;
	[sflag:s20] =	ssyncadd.s32 $0xFFFFD800  }
0xa5: {  	[tilespmem:s19], [sflag:$0x1] =	stream.indirect.gather [hbm4b:s4+s18], $0x80, s28, s18, $0xb8;
	[tilespmem:$0x1B000] =	vst v63  }
0xa6: {  	_ =	swait.ge [sflag:s21], $0x2800  }
0xa7: {  	[sflag:s21] =	ssyncset.done $0x0  }
0xa8: {  	s29 =	simm.s32 $0x1080;
	[sflag:s21] =	ssyncadd.s32 $0xFFFFD800  }
0xa9: {  	[spmem:s1] =	stream.indirect.scatter.add.f32 [tilespmem:s31], [sflag:$0x3], $0x80, s29, s18, $0xb8;
	[tilespmem:$0x1B000] =	vst v63  }
0xaa: {  	_ =	swait.ge [sflag:s20], $0x2800  }
0xab: {  	s23 =	simm.s32 $0x100;
	s24 =	simm.s32 $0x800;
	[sflag:s20] =	ssyncset.done $0x0  }
.LBB2_8:
0xac: {  	s2 =	sadd.s32 $0x80, s23  }
0xad: {  	[sflag:s20] =	ssyncadd.s32 $0xFFFFD800;
	s26 =	smov.u32 s24;
	s28 =	sadd.s32 $0x400, s24  }
0xae: {  	[tilespmem:s31], [sflag:$0x2] =	stream.indirect.gather [hbm4b:s4+s18], $0x80, s2, s18, $0xb8;
	[tilespmem:$0x1B000] =	vst v63  }
0xaf: {  	p0 =	sne.s32 s24, $0x2C00;
	_ =	swait.ge [sflag:s0], $0x2800  }
0xb0: {  	[sflag:s0] =	ssyncset.done $0x0  }
0xb1: {  	s2 =	sadd.s32 $0x1000, s23;
	[sflag:s0] =	ssyncadd.s32 $0xFFFFD800  }
0xb2: {  	[spmem:s1] =	stream.indirect.scatter.add.f32 [tilespmem:s19], [sflag:$0x3], $0x80, s2, s18, $0xb8;
	[tilespmem:$0x1B000] =	vst v63  }
0xb3: {  	_ =	swait.ge [sflag:s20], $0x2800  }
0xb4: {  	[sflag:s20] =	ssyncset.done $0x0  }
0xb5: {  	s2 =	sadd.s32 $0x100, s23;
	[sflag:s20] =	ssyncadd.s32 $0xFFFFD800  }
0xb6: {  	[tilespmem:s19], [sflag:$0x1] =	stream.indirect.gather [hbm4b:s4+s18], $0x80, s2, s18, $0xb8;
	[tilespmem:$0x1B000] =	vst v63  }
0xb7: {  	_ =	swait.ge [sflag:s21], $0x2800  }
.Ltmp3:
0xb8: {  	[sflag:s21] =	ssyncset.done $0x0;
	(pc) =	sbr.rel @p0 .LBB2_8-.Ltmp3, $4  }
0xb9: {  	s2 =	sadd.s32 $0x1080, s23;
	[sflag:s21] =	ssyncadd.s32 $0xFFFFD800  }
0xba: {  	[spmem:s1] =	stream.indirect.scatter.add.f32 [tilespmem:s31], [sflag:$0x3], $0x80, s2, s18, $0xb8;
	[tilespmem:$0x1B000] =	vst v63  }
0xbb: {  	_ =	swait.ge [sflag:s20], $0x2800  }
0xbc: {  	s24 =	smov.u32 s28;
	s23 =	sshra.s32 s26, $0x2;
	[sflag:s20] =	ssyncset.done $0x0  }
0xbd: {  	s2 =	sadd.s32 $0x80, s23;
	[sflag:s20] =	ssyncadd.s32 $0xFFFFD800  }
0xbe: {  	[tilespmem:s31], [sflag:$0x2] =	stream.indirect.gather [hbm4b:s4+s18], $0x80, s2, s18, $0xb8;
	[tilespmem:$0x1B000] =	vst v63  }
0xbf: {  	_ =	swait.ge [sflag:s0], $0x2800  }
0xc0: {  	[sflag:s0] =	ssyncset.done $0x0  }
0xc1: {  	s26 =	sadd.s32 $0x1000, s23;
	[sflag:s0] =	ssyncadd.s32 $0xFFFFD800  }
0xc2: {  	[spmem:s1] =	stream.indirect.scatter.add.f32 [tilespmem:s19], [sflag:$0x3], $0x80, s26, s18, $0xb8;
	[tilespmem:$0x1B000] =	vst v63  }
0xc3: {  	_ =	swait.ge [sflag:s20], $0x2800  }
0xc4: {  	[sflag:s20] =	ssyncset.done $0x0  }
0xc5: {  	s28 =	sadd.s32 $0x100, s23;
	[sflag:s20] =	ssyncadd.s32 $0xFFFFD800  }
0xc6: {  	[tilespmem:s19], [sflag:$0x1] =	stream.indirect.gather [hbm4b:s4+s18], $0x80, s28, s18, $0xb8;
	[tilespmem:$0x1B000] =	vst v63  }
0xc7: {  	_ =	swait.ge [sflag:s21], $0x2800  }
0xc8: {  	[sflag:s21] =	ssyncset.done $0x0  }
0xc9: {  	s29 =	sadd.s32 $0x1080, s23;
	[sflag:s21] =	ssyncadd.s32 $0xFFFFD800  }
0xca: {  	[spmem:s1] =	stream.indirect.scatter.add.f32 [tilespmem:s31], [sflag:$0x3], $0x80, s29, s18, $0xb8;
	[tilespmem:$0x1B000] =	vst v63  }
0xcb: {  	_ =	swait.ge [sflag:s20], $0x2800  }
0xcc: {  	[sflag:s20] =	ssyncset.done $0x0  }
0xcd: {  	[sflag:s20] =	ssyncadd.s32 $0xFFFFD800  }
0xce: {  	_ =	swait.ge [sflag:s0], $0x2800  }
0xcf: {  	[sflag:s0] =	ssyncset.done $0x0  }
0xd0: {  	[sflag:s0] =	ssyncadd.s32 $0xFFFFD800  }
0xd1: {  	[spmem:s1] =	stream.indirect.scatter.add.f32 [tilespmem:s19], [sflag:$0x3], $0x80, s22, s18, $0xb8;
	[tilespmem:$0x1B000] =	vst v63  }
0xd2: {  	_ =	swait.ge [sflag:s20], $0x2800  }
0xd3: {  	[sflag:s20] =	ssyncset.done $0x0  }
0xd4: {  	s23 =	simm.s32 $0x0;
	[sflag:s20] =	ssyncadd.s32 $0xFFFFD800  }
0xd5: {  	[tilespmem:s23], [sflag:$0x3] =	stream.linear.gather [hbm4b:s10+s23], $0xC80, $0x38;
	[tilespmem:$0x1B000] =	vst v63  }
0xd6: {  	_ =	swait.ge [sflag:s20], $0xC80  }
0xd7: {  	[sflag:s20] =	ssyncset.done $0x0  }
0xd8: {  	[sflag:s20] =	ssyncadd.s32 $0xFFFFF380  }
0xd9: {  	[tilespmem:s30], [sflag:$0x3] =	stream.linear.gather [hbm4b:s11+s23], $0xC80, $0x38;
	[tilespmem:$0x1B000] =	vst v63  }
0xda: {  	_ =	swait.ge [sflag:s20], $0xC80  }
0xdb: {  	[sflag:s20] =	ssyncset.done $0x0  }
0xdc: {  	[sflag:s20] =	ssyncadd.s32 $0xFFFFF380  }
0xdd: {  	[tilespmem:s19], [sflag:$0x1] =	stream.indirect.gather [hbm4b:s4+s18], $0x80, s23, s18, $0xb8;
	[tilespmem:$0x1B000] =	vst v63  }
0xde: {  	s24 =	simm.s32 $0x80  }
0xdf: {  	[tilespmem:s31], [sflag:$0x2] =	stream.indirect.gather [hbm4b:s4+s18], $0x80, s24, s18, $0xb8;
	[tilespmem:$0x1B000] =	vst v63  }
0xe0: {  	_ =	swait.ge [sflag:s0], $0x2800  }
0xe1: {  	[sflag:s0] =	ssyncset.done $0x0  }
0xe2: {  	s26 =	simm.s32 $0x1000;
	[sflag:s0] =	ssyncadd.s32 $0xFFFFD800  }
0xe3: {  	[spmem:s1] =	stream.indirect.scatter.add.f32 [tilespmem:s19], [sflag:$0x3], $0x80, s26, s18, $0xb8;
	[tilespmem:$0x1B000] =	vst v63  }
0xe4: {  	_ =	swait.ge [sflag:s20], $0x2800  }
0xe5: {  	[sflag:s20] =	ssyncset.done $0x0  }
0xe6: {  	s28 =	simm.s32 $0x100;
	[sflag:s20] =	ssyncadd.s32 $0xFFFFD800  }
0xe7: {  	[tilespmem:s19], [sflag:$0x1] =	stream.indirect.gather [hbm4b:s4+s18], $0x80, s28, s18, $0xb8;
	[tilespmem:$0x1B000] =	vst v63  }
0xe8: {  	_ =	swait.ge [sflag:s21], $0x2800  }
0xe9: {  	[sflag:s21] =	ssyncset.done $0x0  }
0xea: {  	s29 =	simm.s32 $0x1080;
	[sflag:s21] =	ssyncadd.s32 $0xFFFFD800  }
0xeb: {  	[spmem:s1] =	stream.indirect.scatter.add.f32 [tilespmem:s31], [sflag:$0x3], $0x80, s29, s18, $0xb8;
	[tilespmem:$0x1B000] =	vst v63  }
0xec: {  	_ =	swait.ge [sflag:s20], $0x2800  }
0xed: {  	s23 =	simm.s32 $0x100;
	s24 =	simm.s32 $0x800;
	[sflag:s20] =	ssyncset.done $0x0  }
.LBB2_10:
0xee: {  	s2 =	sadd.s32 $0x80, s23  }
0xef: {  	[sflag:s20] =	ssyncadd.s32 $0xFFFFD800;
	s26 =	smov.u32 s24;
	s28 =	sadd.s32 $0x400, s24  }
0xf0: {  	[tilespmem:s31], [sflag:$0x2] =	stream.indirect.gather [hbm4b:s4+s18], $0x80, s2, s18, $0xb8;
	[tilespmem:$0x1B000] =	vst v63  }
0xf1: {  	p0 =	sne.s32 s24, $0x2C00;
	_ =	swait.ge [sflag:s0], $0x2800  }
0xf2: {  	[sflag:s0] =	ssyncset.done $0x0  }
0xf3: {  	s2 =	sadd.s32 $0x1000, s23;
	[sflag:s0] =	ssyncadd.s32 $0xFFFFD800  }
0xf4: {  	[spmem:s1] =	stream.indirect.scatter.add.f32 [tilespmem:s19], [sflag:$0x3], $0x80, s2, s18, $0xb8;
	[tilespmem:$0x1B000] =	vst v63  }
0xf5: {  	_ =	swait.ge [sflag:s20], $0x2800  }
0xf6: {  	[sflag:s20] =	ssyncset.done $0x0  }
0xf7: {  	s2 =	sadd.s32 $0x100, s23;
	[sflag:s20] =	ssyncadd.s32 $0xFFFFD800  }
0xf8: {  	[tilespmem:s19], [sflag:$0x1] =	stream.indirect.gather [hbm4b:s4+s18], $0x80, s2, s18, $0xb8;
	[tilespmem:$0x1B000] =	vst v63  }
0xf9: {  	_ =	swait.ge [sflag:s21], $0x2800  }
.Ltmp4:
0xfa: {  	[sflag:s21] =	ssyncset.done $0x0;
	(pc) =	sbr.rel @p0 .LBB2_10-.Ltmp4, $4  }
0xfb: {  	s2 =	sadd.s32 $0x1080, s23;
	[sflag:s21] =	ssyncadd.s32 $0xFFFFD800  }
0xfc: {  	[spmem:s1] =	stream.indirect.scatter.add.f32 [tilespmem:s31], [sflag:$0x3], $0x80, s2, s18, $0xb8;
	[tilespmem:$0x1B000] =	vst v63  }
0xfd: {  	_ =	swait.ge [sflag:s20], $0x2800  }
0xfe: {  	s24 =	smov.u32 s28;
	s23 =	sshra.s32 s26, $0x2;
	[sflag:s20] =	ssyncset.done $0x0  }
0xff: {  	s2 =	sadd.s32 $0x80, s23;
	[sflag:s20] =	ssyncadd.s32 $0xFFFFD800  }
0x100: {  	[tilespmem:s31], [sflag:$0x2] =	stream.indirect.gather [hbm4b:s4+s18], $0x80, s2, s18, $0xb8;
	[tilespmem:$0x1B000] =	vst v63  }
0x101: {  	_ =	swait.ge [sflag:s0], $0x2800  }
0x102: {  	[sflag:s0] =	ssyncset.done $0x0  }
0x103: {  	s26 =	sadd.s32 $0x1000, s23;
	[sflag:s0] =	ssyncadd.s32 $0xFFFFD800  }
0x104: {  	[spmem:s1] =	stream.indirect.scatter.add.f32 [tilespmem:s19], [sflag:$0x3], $0x80, s26, s18, $0xb8;
	[tilespmem:$0x1B000] =	vst v63  }
0x105: {  	_ =	swait.ge [sflag:s20], $0x2800  }
0x106: {  	[sflag:s20] =	ssyncset.done $0x0  }
0x107: {  	s28 =	sadd.s32 $0x100, s23;
	[sflag:s20] =	ssyncadd.s32 $0xFFFFD800  }
0x108: {  	[tilespmem:s19], [sflag:$0x1] =	stream.indirect.gather [hbm4b:s4+s18], $0x80, s28, s18, $0xb8;
	[tilespmem:$0x1B000] =	vst v63  }
0x109: {  	_ =	swait.ge [sflag:s21], $0x2800  }
0x10a: {  	[sflag:s21] =	ssyncset.done $0x0  }
0x10b: {  	s29 =	sadd.s32 $0x1080, s23;
	[sflag:s21] =	ssyncadd.s32 $0xFFFFD800  }
0x10c: {  	[spmem:s1] =	stream.indirect.scatter.add.f32 [tilespmem:s31], [sflag:$0x3], $0x80, s29, s18, $0xb8;
	[tilespmem:$0x1B000] =	vst v63  }
0x10d: {  	_ =	swait.ge [sflag:s20], $0x2800  }
0x10e: {  	[sflag:s20] =	ssyncset.done $0x0  }
0x10f: {  	[sflag:s20] =	ssyncadd.s32 $0xFFFFD800  }
0x110: {  	_ =	swait.ge [sflag:s0], $0x2800  }
0x111: {  	[sflag:s0] =	ssyncset.done $0x0  }
0x112: {  	[sflag:s0] =	ssyncadd.s32 $0xFFFFD800  }
0x113: {  	[spmem:s1] =	stream.indirect.scatter.add.f32 [tilespmem:s19], [sflag:$0x3], $0x80, s22, s18, $0xb8;
	[tilespmem:$0x1B000] =	vst v63  }
0x114: {  	_ =	swait.ge [sflag:s20], $0x2800  }
0x115: {  	[sflag:s20] =	ssyncset.done $0x0  }
0x116: {  	s23 =	simm.s32 $0x0;
	[sflag:s20] =	ssyncadd.s32 $0xFFFFD800  }
0x117: {  	[tilespmem:s23], [sflag:$0x3] =	stream.linear.gather [hbm4b:s12+s23], $0xC80, $0x38;
	[tilespmem:$0x1B000] =	vst v63  }
0x118: {  	_ =	swait.ge [sflag:s20], $0xC80  }
0x119: {  	[sflag:s20] =	ssyncset.done $0x0  }
0x11a: {  	[sflag:s20] =	ssyncadd.s32 $0xFFFFF380  }
0x11b: {  	[tilespmem:s30], [sflag:$0x3] =	stream.linear.gather [hbm4b:s13+s23], $0xC80, $0x38;
	[tilespmem:$0x1B000] =	vst v63  }
0x11c: {  	_ =	swait.ge [sflag:s20], $0xC80  }
0x11d: {  	[sflag:s20] =	ssyncset.done $0x0  }
0x11e: {  	[sflag:s20] =	ssyncadd.s32 $0xFFFFF380  }
0x11f: {  	[tilespmem:s19], [sflag:$0x1] =	stream.indirect.gather [hbm4b:s4+s18], $0x80, s23, s18, $0xb8;
	[tilespmem:$0x1B000] =	vst v63  }
0x120: {  	s24 =	simm.s32 $0x80  }
0x121: {  	[tilespmem:s31], [sflag:$0x2] =	stream.indirect.gather [hbm4b:s4+s18], $0x80, s24, s18, $0xb8;
	[tilespmem:$0x1B000] =	vst v63  }
0x122: {  	_ =	swait.ge [sflag:s0], $0x2800  }
0x123: {  	[sflag:s0] =	ssyncset.done $0x0  }
0x124: {  	s26 =	simm.s32 $0x1000;
	[sflag:s0] =	ssyncadd.s32 $0xFFFFD800  }
0x125: {  	[spmem:s1] =	stream.indirect.scatter.add.f32 [tilespmem:s19], [sflag:$0x3], $0x80, s26, s18, $0xb8;
	[tilespmem:$0x1B000] =	vst v63  }
0x126: {  	_ =	swait.ge [sflag:s20], $0x2800  }
0x127: {  	[sflag:s20] =	ssyncset.done $0x0  }
0x128: {  	s28 =	simm.s32 $0x100;
	[sflag:s20] =	ssyncadd.s32 $0xFFFFD800  }
0x129: {  	[tilespmem:s19], [sflag:$0x1] =	stream.indirect.gather [hbm4b:s4+s18], $0x80, s28, s18, $0xb8;
	[tilespmem:$0x1B000] =	vst v63  }
0x12a: {  	_ =	swait.ge [sflag:s21], $0x2800  }
0x12b: {  	[sflag:s21] =	ssyncset.done $0x0  }
0x12c: {  	s29 =	simm.s32 $0x1080;
	[sflag:s21] =	ssyncadd.s32 $0xFFFFD800  }
0x12d: {  	[spmem:s1] =	stream.indirect.scatter.add.f32 [tilespmem:s31], [sflag:$0x3], $0x80, s29, s18, $0xb8;
	[tilespmem:$0x1B000] =	vst v63  }
0x12e: {  	_ =	swait.ge [sflag:s20], $0x2800  }
0x12f: {  	s23 =	simm.s32 $0x100;
	s24 =	simm.s32 $0x800;
	[sflag:s20] =	ssyncset.done $0x0  }
.LBB2_12:
0x130: {  	s2 =	sadd.s32 $0x80, s23  }
0x131: {  	[sflag:s20] =	ssyncadd.s32 $0xFFFFD800;
	s26 =	smov.u32 s24;
	s28 =	sadd.s32 $0x400, s24  }
0x132: {  	[tilespmem:s31], [sflag:$0x2] =	stream.indirect.gather [hbm4b:s4+s18], $0x80, s2, s18, $0xb8;
	[tilespmem:$0x1B000] =	vst v63  }
0x133: {  	p0 =	sne.s32 s24, $0x2C00;
	_ =	swait.ge [sflag:s0], $0x2800  }
0x134: {  	[sflag:s0] =	ssyncset.done $0x0  }
0x135: {  	s2 =	sadd.s32 $0x1000, s23;
	[sflag:s0] =	ssyncadd.s32 $0xFFFFD800  }
0x136: {  	[spmem:s1] =	stream.indirect.scatter.add.f32 [tilespmem:s19], [sflag:$0x3], $0x80, s2, s18, $0xb8;
	[tilespmem:$0x1B000] =	vst v63  }
0x137: {  	_ =	swait.ge [sflag:s20], $0x2800  }
0x138: {  	[sflag:s20] =	ssyncset.done $0x0  }
0x139: {  	s2 =	sadd.s32 $0x100, s23;
	[sflag:s20] =	ssyncadd.s32 $0xFFFFD800  }
0x13a: {  	[tilespmem:s19], [sflag:$0x1] =	stream.indirect.gather [hbm4b:s4+s18], $0x80, s2, s18, $0xb8;
	[tilespmem:$0x1B000] =	vst v63  }
0x13b: {  	_ =	swait.ge [sflag:s21], $0x2800  }
.Ltmp5:
0x13c: {  	[sflag:s21] =	ssyncset.done $0x0;
	(pc) =	sbr.rel @p0 .LBB2_12-.Ltmp5, $4  }
0x13d: {  	s2 =	sadd.s32 $0x1080, s23;
	[sflag:s21] =	ssyncadd.s32 $0xFFFFD800  }
0x13e: {  	[spmem:s1] =	stream.indirect.scatter.add.f32 [tilespmem:s31], [sflag:$0x3], $0x80, s2, s18, $0xb8;
	[tilespmem:$0x1B000] =	vst v63  }
0x13f: {  	_ =	swait.ge [sflag:s20], $0x2800  }
0x140: {  	s24 =	smov.u32 s28;
	s23 =	sshra.s32 s26, $0x2;
	[sflag:s20] =	ssyncset.done $0x0  }
0x141: {  	s2 =	sadd.s32 $0x80, s23;
	[sflag:s20] =	ssyncadd.s32 $0xFFFFD800  }
0x142: {  	[tilespmem:s31], [sflag:$0x2] =	stream.indirect.gather [hbm4b:s4+s18], $0x80, s2, s18, $0xb8;
	[tilespmem:$0x1B000] =	vst v63  }
0x143: {  	_ =	swait.ge [sflag:s0], $0x2800  }
0x144: {  	[sflag:s0] =	ssyncset.done $0x0  }
0x145: {  	s26 =	sadd.s32 $0x1000, s23;
	[sflag:s0] =	ssyncadd.s32 $0xFFFFD800  }
0x146: {  	[spmem:s1] =	stream.indirect.scatter.add.f32 [tilespmem:s19], [sflag:$0x3], $0x80, s26, s18, $0xb8;
	[tilespmem:$0x1B000] =	vst v63  }
0x147: {  	_ =	swait.ge [sflag:s20], $0x2800  }
0x148: {  	[sflag:s20] =	ssyncset.done $0x0  }
0x149: {  	s28 =	sadd.s32 $0x100, s23;
	[sflag:s20] =	ssyncadd.s32 $0xFFFFD800  }
0x14a: {  	[tilespmem:s19], [sflag:$0x1] =	stream.indirect.gather [hbm4b:s4+s18], $0x80, s28, s18, $0xb8;
	[tilespmem:$0x1B000] =	vst v63  }
0x14b: {  	_ =	swait.ge [sflag:s21], $0x2800  }
0x14c: {  	[sflag:s21] =	ssyncset.done $0x0  }
0x14d: {  	s29 =	sadd.s32 $0x1080, s23;
	[sflag:s21] =	ssyncadd.s32 $0xFFFFD800  }
0x14e: {  	[spmem:s1] =	stream.indirect.scatter.add.f32 [tilespmem:s31], [sflag:$0x3], $0x80, s29, s18, $0xb8;
	[tilespmem:$0x1B000] =	vst v63  }
0x14f: {  	_ =	swait.ge [sflag:s20], $0x2800  }
0x150: {  	[sflag:s20] =	ssyncset.done $0x0  }
0x151: {  	[sflag:s20] =	ssyncadd.s32 $0xFFFFD800  }
0x152: {  	_ =	swait.ge [sflag:s0], $0x2800  }
0x153: {  	[sflag:s0] =	ssyncset.done $0x0  }
0x154: {  	[sflag:s0] =	ssyncadd.s32 $0xFFFFD800  }
0x155: {  	[spmem:s1] =	stream.indirect.scatter.add.f32 [tilespmem:s19], [sflag:$0x3], $0x80, s22, s18, $0xb8;
	[tilespmem:$0x1B000] =	vst v63  }
0x156: {  	_ =	swait.ge [sflag:s20], $0x2800  }
0x157: {  	[sflag:s20] =	ssyncset.done $0x0  }
0x158: {  	s23 =	simm.s32 $0x0;
	[sflag:s20] =	ssyncadd.s32 $0xFFFFD800  }
0x159: {  	[tilespmem:s23], [sflag:$0x3] =	stream.linear.gather [hbm4b:s14+s23], $0xC80, $0x38;
	[tilespmem:$0x1B000] =	vst v63  }
0x15a: {  	_ =	swait.ge [sflag:s20], $0xC80  }
0x15b: {  	[sflag:s20] =	ssyncset.done $0x0  }
0x15c: {  	[sflag:s20] =	ssyncadd.s32 $0xFFFFF380  }
0x15d: {  	[tilespmem:s30], [sflag:$0x3] =	stream.linear.gather [hbm4b:s15+s23], $0xC80, $0x38;
	[tilespmem:$0x1B000] =	vst v63  }
0x15e: {  	_ =	swait.ge [sflag:s20], $0xC80  }
0x15f: {  	[sflag:s20] =	ssyncset.done $0x0  }
0x160: {  	[sflag:s20] =	ssyncadd.s32 $0xFFFFF380  }
0x161: {  	[tilespmem:s19], [sflag:$0x1] =	stream.indirect.gather [hbm4b:s4+s18], $0x80, s23, s18, $0xb8;
	[tilespmem:$0x1B000] =	vst v63  }
0x162: {  	s24 =	simm.s32 $0x80  }
0x163: {  	[tilespmem:s31], [sflag:$0x2] =	stream.indirect.gather [hbm4b:s4+s18], $0x80, s24, s18, $0xb8;
	[tilespmem:$0x1B000] =	vst v63  }
0x164: {  	_ =	swait.ge [sflag:s0], $0x2800  }
0x165: {  	[sflag:s0] =	ssyncset.done $0x0  }
0x166: {  	s26 =	simm.s32 $0x1000;
	[sflag:s0] =	ssyncadd.s32 $0xFFFFD800  }
0x167: {  	[spmem:s1] =	stream.indirect.scatter.add.f32 [tilespmem:s19], [sflag:$0x3], $0x80, s26, s18, $0xb8;
	[tilespmem:$0x1B000] =	vst v63  }
0x168: {  	_ =	swait.ge [sflag:s20], $0x2800  }
0x169: {  	[sflag:s20] =	ssyncset.done $0x0  }
0x16a: {  	s28 =	simm.s32 $0x100;
	[sflag:s20] =	ssyncadd.s32 $0xFFFFD800  }
0x16b: {  	[tilespmem:s19], [sflag:$0x1] =	stream.indirect.gather [hbm4b:s4+s18], $0x80, s28, s18, $0xb8;
	[tilespmem:$0x1B000] =	vst v63  }
0x16c: {  	_ =	swait.ge [sflag:s21], $0x2800  }
0x16d: {  	[sflag:s21] =	ssyncset.done $0x0  }
0x16e: {  	s29 =	simm.s32 $0x1080;
	[sflag:s21] =	ssyncadd.s32 $0xFFFFD800  }
0x16f: {  	[spmem:s1] =	stream.indirect.scatter.add.f32 [tilespmem:s31], [sflag:$0x3], $0x80, s29, s18, $0xb8;
	[tilespmem:$0x1B000] =	vst v63  }
0x170: {  	_ =	swait.ge [sflag:s20], $0x2800  }
0x171: {  	s23 =	simm.s32 $0x100;
	s24 =	simm.s32 $0x800;
	[sflag:s20] =	ssyncset.done $0x0  }
.LBB2_14:
0x172: {  	s2 =	sadd.s32 $0x80, s23  }
0x173: {  	[sflag:s20] =	ssyncadd.s32 $0xFFFFD800;
	s26 =	smov.u32 s24;
	s28 =	sadd.s32 $0x400, s24  }
0x174: {  	[tilespmem:s31], [sflag:$0x2] =	stream.indirect.gather [hbm4b:s4+s18], $0x80, s2, s18, $0xb8;
	[tilespmem:$0x1B000] =	vst v63  }
0x175: {  	p0 =	sne.s32 s24, $0x2C00;
	_ =	swait.ge [sflag:s0], $0x2800  }
0x176: {  	[sflag:s0] =	ssyncset.done $0x0  }
0x177: {  	s2 =	sadd.s32 $0x1000, s23;
	[sflag:s0] =	ssyncadd.s32 $0xFFFFD800  }
0x178: {  	[spmem:s1] =	stream.indirect.scatter.add.f32 [tilespmem:s19], [sflag:$0x3], $0x80, s2, s18, $0xb8;
	[tilespmem:$0x1B000] =	vst v63  }
0x179: {  	_ =	swait.ge [sflag:s20], $0x2800  }
0x17a: {  	[sflag:s20] =	ssyncset.done $0x0  }
0x17b: {  	s2 =	sadd.s32 $0x100, s23;
	[sflag:s20] =	ssyncadd.s32 $0xFFFFD800  }
0x17c: {  	[tilespmem:s19], [sflag:$0x1] =	stream.indirect.gather [hbm4b:s4+s18], $0x80, s2, s18, $0xb8;
	[tilespmem:$0x1B000] =	vst v63  }
0x17d: {  	_ =	swait.ge [sflag:s21], $0x2800  }
.Ltmp6:
0x17e: {  	[sflag:s21] =	ssyncset.done $0x0;
	(pc) =	sbr.rel @p0 .LBB2_14-.Ltmp6, $4  }
0x17f: {  	s2 =	sadd.s32 $0x1080, s23;
	[sflag:s21] =	ssyncadd.s32 $0xFFFFD800  }
0x180: {  	[spmem:s1] =	stream.indirect.scatter.add.f32 [tilespmem:s31], [sflag:$0x3], $0x80, s2, s18, $0xb8;
	[tilespmem:$0x1B000] =	vst v63  }
0x181: {  	_ =	swait.ge [sflag:s20], $0x2800  }
0x182: {  	s24 =	smov.u32 s28;
	s23 =	sshra.s32 s26, $0x2;
	[sflag:s20] =	ssyncset.done $0x0  }
0x183: {  	s2 =	sadd.s32 $0x80, s23;
	[sflag:s20] =	ssyncadd.s32 $0xFFFFD800  }
0x184: {  	[tilespmem:s31], [sflag:$0x2] =	stream.indirect.gather [hbm4b:s4+s18], $0x80, s2, s18, $0xb8;
	[tilespmem:$0x1B000] =	vst v63  }
0x185: {  	_ =	swait.ge [sflag:s0], $0x2800  }
0x186: {  	[sflag:s0] =	ssyncset.done $0x0  }
0x187: {  	s24 =	sadd.s32 $0x1000, s23;
	[sflag:s0] =	ssyncadd.s32 $0xFFFFD800  }
0x188: {  	[spmem:s1] =	stream.indirect.scatter.add.f32 [tilespmem:s19], [sflag:$0x3], $0x80, s24, s18, $0xb8;
	[tilespmem:$0x1B000] =	vst v63  }
0x189: {  	_ =	swait.ge [sflag:s20], $0x2800  }
0x18a: {  	[sflag:s20] =	ssyncset.done $0x0  }
0x18b: {  	s26 =	sadd.s32 $0x100, s23;
	[sflag:s20] =	ssyncadd.s32 $0xFFFFD800  }
0x18c: {  	[tilespmem:s19], [sflag:$0x1] =	stream.indirect.gather [hbm4b:s4+s18], $0x80, s26, s18, $0xb8;
	[tilespmem:$0x1B000] =	vst v63  }
0x18d: {  	_ =	swait.ge [sflag:s21], $0x2800  }
0x18e: {  	[sflag:s21] =	ssyncset.done $0x0  }
0x18f: {  	s28 =	sadd.s32 $0x1080, s23;
	[sflag:s21] =	ssyncadd.s32 $0xFFFFD800  }
0x190: {  	[spmem:s1] =	stream.indirect.scatter.add.f32 [tilespmem:s31], [sflag:$0x3], $0x80, s28, s18, $0xb8;
	[tilespmem:$0x1B000] =	vst v63  }
0x191: {  	_ =	swait.ge [sflag:s20], $0x2800  }
0x192: {  	[sflag:s20] =	ssyncset.done $0x0  }
0x193: {  	[sflag:s20] =	ssyncadd.s32 $0xFFFFD800  }
0x194: {  	_ =	swait.ge [sflag:s0], $0x2800  }
0x195: {  	[sflag:s0] =	ssyncset.done $0x0  }
0x196: {  	[sflag:s0] =	ssyncadd.s32 $0xFFFFD800  }
0x197: {  	[spmem:s1] =	stream.indirect.scatter.add.f32 [tilespmem:s19], [sflag:$0x3], $0x80, s22, s18, $0xb8;
	[tilespmem:$0x1B000] =	vst v63  }
0x198: {  	_ =	swait.ge [sflag:s20], $0x2800  }
0x199: {  	s29 =	stileid.u32;
	s3 =	sadd.s32 $0x1, s3;
	[sflag:s20] =	ssyncset.done $0x0  }
0x19a: {  	s2 =	sshll.u32 s29, $0x6;
	p0 =	sne.s32 s3, s17;
	[sflag:s20] =	ssyncadd.s32 $0xFFFFD800  }
.Ltmp7:
0x19b: {  	s2 =	sor.u32 $0x1C03, s2;
	[bflag:$0x0] =	sbarrier.arrive $0xFFFF;
	(pc) =	sbr.rel @p0 .LBB2_1-.Ltmp7, $4  }
0x19c: {  	[hbm:s16], [sflag:s2] =	dma.local [spmem:s25], $0x2800  }
0x19d: {  	_ =	swait.ge [sflag:s20], $0x2800  }
0x19e: {  	[sflag:s20] =	ssyncset.done $0x0  }
0x19f: {  	[sflag:s20] =	ssyncadd.s32 $0xFFFFD800  }
0x1a0: {  	_ =	sfence.sel $0x180000  }
0x1a1: {  	[bflag:$0x0] =	sbarrier.arrive $0xFFFF  }
0x1a2: {  	_ =	strace $0x9000004A  }
0x1a3: {  	s0 =	stileid.u32;
	[bflag:$0x2] =	sbarrier.arrive $0xFFFF  }
0x1a4: {  	p0 =	sne.s32 s0, $0x0;
	s0 =	rddreg [dreg:$0x2]  }
0x1a5: {  	s0 =	sadd.s32 @!p0 $0x100000, s0  }
0x1a6: {  	[sflag:s0] =	ssyncadd.tile.s32 @!p0 $0x1;
	_ =	shalt  }
.Lfunc_end2:
_tile_overlayer_lowered:
.L_overlay_start_2:
0x1a7: {  	(tag) =	ssettag $0x2  }
0x1a8: {  	s0 =	rddreg [dreg:$0x0];
	s2 =	stileid.u32  }
0x1a9: {  	s1 =	rddreg [dreg:$0x1];
	p0 =	sne.s32 s2, $0x0  }
0x1aa: {  	s3 =	rddreg [dreg:$0x2];
	[bflag:$0x3] =	sbarrier.arrive $0xFFFF;
	s2 =	simm.s32 @!p0 $0x1C03  }
0x1ab: {  	[timem:s3], [sflag:s2] =	dma.local @!p0 [hbm:s0], s1  }
0x1ac: {  	s0 =	simm.s32 @!p0 $0x3  }
0x1ad: {  	_ =	swait.ge @!p0 [sflag:s0], s1  }
0x1ae: {  	s1 =	ssub.s32 @!p0 $0x0, s1;
	[sflag:s0] =	ssyncset.done @!p0 $0x0  }
0x1af: {  	[sflag:s0] =	ssyncadd.s32 @!p0 s1  }
0x1b0: {  	[bflag:$0x3] =	sbarrier.arrive $0xFFFF  }
0x1b1: {  	_ =	shalt  }

// kernel: kernel.14.cloned.1.call-start
scs
__scs_entry_jumppad:
0x0: {  	(pc) =	sbr.rel $0x88, $3  }
0x1: {  	(tag) =	ssettag $0x0;
	lr =	simm.s32 $0x1  }
0x2: {  	[smem:$0x3F9B] =	sst lr;
	_ =	strace $0xD0000000  }
0x3: {  	_ = 	snop  }
0x4: {  	_ = 	snop  }
0x5: {  	_ = 	snop  }
0x6: {  	_ = 	snop  }
0x7: {  	_ = 	snop  }
__scs_overlays_trampoline_lowered:
0x8: {  	[smem:$0x3FAA] =	sst s0  }
0x9: {  	[smem:$0x3FAB] =	sst s1  }
0xa: {  	[smem:$0x3FAC] =	sst s2  }
0xb: {  	[smem:$0x3FAD] =	sst s3  }
0xc: {  	[smem:$0x3FAE] =	sst s4  }
0xd: {  	[smem:$0x3FAF] =	sst s5  }
0xe: {  	[smem:$0x3FB0] =	sst s6  }
0xf: {  	[smem:$0x3FB1] =	sst s7  }
0x10: {  	[smem:$0x3FB2] =	sst s8  }
0x11: {  	[smem:$0x3FB3] =	sst s9;
	s0 =	simm.s32 @!p0 $0x0  }
0x12: {  	s1 =	sld [smem:$0x3F99];
	s0 =	simm.s32 @p0 $0x1  }
0x13: {  	[smem:$0x3FB4] =	sst s0;
	s0 =	simm.s32 @!p1 $0x0  }
0x14: {  	s2 =	sld [smem:$0x3F98];
	s0 =	simm.s32 @p1 $0x1  }
0x15: {  	[smem:$0x3FB5] =	sst s0;
	s0 =	simm.s32 @!p2 $0x0  }
0x16: {  	s3 =	sld [smem:$0x3FDB];
	s0 =	simm.s32 @p2 $0x1  }
0x17: {  	s4 =	simm.s32 $0x1BF5;
	[smem:$0x3FB7] =	sst s0  }
0x18: {  	s0 =	sld [smem:$0x3F9A];
	_ =	swait.ge [sflag:s4], $0x0  }
0x19: {  	s7 =	sld [smem:$0x3F9B]  }
0x1a: {  	s8 =	sadd.s32 $0xFFFFE003, lr  }
0x1b: {  	s9 =	sadd.s32 $0xFFFFFEF7, lr;
	s5 =	simm.s32 $0xFFFFFFFF;
	p2 =	slt.u32 s8, $0xFFFFF086  }
0x1c: {  	p1 =	slt.u32 s9, $0xF7A;
	s5 =	simm.s32 @!p2 $0x0  }
0x1d: {  	s5 =	simm.s32 @p1 $0x1;
	p0 =	seq.s32 s7, s2  }
0x1e: {  	s7 =	smul.u32 @!p0 $0xF7A, s2;
	p2 =	seq.s32 @!p0 s5, $0x0  }
0x1f: {  	s9 =	smul.u32 $0xF7A, s1;
	s8 =	simm.s32 @!p0 $0x1BF5;
	p2 =	por !p2, p0  }
0x20: {  	[sflag:s8] =	ssyncset.s32 @!p0 $0xFFFFF086;
	s6 =	sadd.s32 @!p0 s3, s7;
	s7 =	simm.s32 @!p0 $0x108  }
0x21: {  	s3 =	sadd.s32 s3, s9;
	s6 =	sadd.s32 @!p0 $0x88, s6;
	s7 =	simm.s32 @p2 $0x1082  }
0x22: {  	[simem:s7], [sflag:s8] =	dma.local @!p0 [hbm:s6], $0xF7A  }
0x23: {  	s9 =	sor.u32 $0xD0000000, s2;
	s6 =	simm.s32 $0x108;
	_ =	swait.ge @!p0 [sflag:s8], $0x0  }
0x24: {  	s3 =	sadd.s32 $0x88, s3;
	s6 =	simm.s32 @!p1 $0x1082;
	[sflag:s4] =	ssyncset.s32 $0xFFFFF086  }
0x25: {  	[simem:s6], [sflag:s4] =	dma.local [hbm:s3], $0xF7A  }
0x26: {  	[smem:$0x3F9B] =	sst s1;
	(tag) =	ssettag s2;
	_ =	strace s9  }
0x27: {  	s1 =	sld [smem:$0x3FAB]  }
0x28: {  	s2 =	sld [smem:$0x3FAC]  }
0x29: {  	s4 =	sld [smem:$0x3FAE]  }
0x2a: {  	p0 =	seq.s32 s5, $0x0;
	s5 =	sld [smem:$0x3FAF]  }
0x2b: {  	s6 =	sld [smem:$0x3FB0]  }
0x2c: {  	s7 =	sld [smem:$0x3FB1]  }
0x2d: {  	s3 =	simm.s32 $0x108;
	s8 =	sld [smem:$0x3FB2]  }
0x2e: {  	s3 =	simm.s32 @!p0 $0x1082;
	s9 =	sld [smem:$0x3FB3]  }
0x2f: {  	lr =	sadd.s32 s0, s3;
	s0 =	sld [smem:$0x3FAA]  }
0x30: {  	s3 =	sld [smem:$0x3FAD]  }
0x31: {  	[smem:$0x3FB6] =	sst s10  }
0x32: {  	s10 =	sld [smem:$0x3FB4];
	_ =	sdelay $0x3  }
0x33: {  	p0 =	seq.s32 s10, $0x1;
	s10 =	sld [smem:$0x3FB6];
	_ =	sdelay $0x3  }
0x34: {  	[smem:$0x3FB6] =	sst s10  }
0x35: {  	s10 =	sld [smem:$0x3FB5];
	_ =	sdelay $0x3  }
0x36: {  	p1 =	seq.s32 s10, $0x1;
	s10 =	sld [smem:$0x3FB6];
	_ =	sdelay $0x3  }
0x37: {  	[smem:$0x3FB6] =	sst s10  }
0x38: {  	s10 =	sld [smem:$0x3FB7]  }
0x39: {  	_ = 	snop;
	(pc) =	sbr.ind lr, $3  }
0x3a: {  	_ = 	snop  }
0x3b: {  	_ = 	snop  }
0x3c: {  	p2 =	seq.s32 s10, $0x1;
	s10 =	sld [smem:$0x3FB6]  }
0x3d: {  	_ =	shalt  }
0x3e: {  	_ =	shalt  }
0x3f: {  	_ =	shalt  }
0x40: {  	_ =	shalt  }
0x41: {  	_ =	shalt  }
0x42: {  	_ =	shalt  }
0x43: {  	_ =	shalt  }
0x44: {  	_ =	shalt  }
0x45: {  	_ =	shalt  }
0x46: {  	_ =	shalt  }
0x47: {  	_ =	shalt  }
0x48: {  	_ =	shalt  }
0x49: {  	_ =	shalt  }
0x4a: {  	_ =	shalt  }
0x4b: {  	_ =	shalt  }
0x4c: {  	_ =	shalt  }
0x4d: {  	_ =	shalt  }
0x4e: {  	_ =	shalt  }
0x4f: {  	_ =	shalt  }
0x50: {  	_ =	shalt  }
0x51: {  	_ =	shalt  }
0x52: {  	_ =	shalt  }
0x53: {  	_ =	shalt  }
0x54: {  	_ =	shalt  }
0x55: {  	_ =	shalt  }
0x56: {  	_ =	shalt  }
0x57: {  	_ =	shalt  }
0x58: {  	_ =	shalt  }
0x59: {  	_ =	shalt  }
0x5a: {  	_ =	shalt  }
0x5b: {  	_ =	shalt  }
0x5c: {  	_ =	shalt  }
0x5d: {  	_ =	shalt  }
0x5e: {  	_ =	shalt  }
0x5f: {  	_ =	shalt  }
0x60: {  	_ =	shalt  }
0x61: {  	_ =	shalt  }
0x62: {  	_ =	shalt  }
0x63: {  	_ =	shalt  }
0x64: {  	_ =	shalt  }
0x65: {  	_ =	shalt  }
0x66: {  	_ =	shalt  }
0x67: {  	_ =	shalt  }
0x68: {  	_ =	shalt  }
0x69: {  	_ =	shalt  }
0x6a: {  	_ =	shalt  }
0x6b: {  	_ =	shalt  }
0x6c: {  	_ =	shalt  }
0x6d: {  	_ =	shalt  }
0x6e: {  	_ =	shalt  }
0x6f: {  	_ =	shalt  }
0x70: {  	_ =	shalt  }
0x71: {  	_ =	shalt  }
0x72: {  	_ =	shalt  }
0x73: {  	_ =	shalt  }
0x74: {  	_ =	shalt  }
0x75: {  	_ =	shalt  }
0x76: {  	_ =	shalt  }
0x77: {  	_ =	shalt  }
0x78: {  	_ =	shalt  }
0x79: {  	_ =	shalt  }
0x7a: {  	_ =	shalt  }
0x7b: {  	_ =	shalt  }
0x7c: {  	_ =	shalt  }
0x7d: {  	_ =	shalt  }
0x7e: {  	_ =	shalt  }
0x7f: {  	_ =	shalt  }
0x80: {  	_ =	shalt  }
0x81: {  	_ =	shalt  }
0x82: {  	_ =	shalt  }
0x83: {  	_ =	shalt  }
0x84: {  	_ =	shalt  }
0x85: {  	_ =	shalt  }
0x86: {  	_ =	shalt  }
0x87: {  	_ =	shalt  }
.Lfunc_end0:
.L_simem_size_0:
called_computation.2_lowered:
.L_overlay_start_0:
0x88: {  	s2 =	sld [smem:$0x3FD9]  }
0x89: {  	s3 =	sld [smem:$0x3FFE];
	_ =	sdelay $0x1  }
0x8a: {  	s1 =	srdreg.scid  }
0x8b: {  	s0 =	sand.u32 $0x1, s1  }
0x8c: {  	s16 =	sshll.u32 s0, $0xA;
	s2 =	sadd.s32 s3, s2  }
0x8d: {  	s2 =	sadd.s32 s2, s16  }
0x8e: {  	[smem:$0x3FC2] =	sst s2  }
0x8f: {  	_ = 	snop  }
0x90: {  	(tm) =	ssettm $0x1  }
0x91: {  	s17 =	sld [smem:$0x3FFB];
	_ =	sdelay $0x3  }
0x92: {  	_ =	strace s17  }
0x93: {  	s2 =	sld [smem:$0x3FFC];
	_ =	sdelay $0x3  }
0x94: {  	_ =	strace s2  }
0x95: {  	s2 =	sld [smem:$0x3FFD];
	_ =	sdelay $0x3  }
0x96: {  	_ =	strace s2  }
0x97: {  	_ =	strace $0x8FFFFFFF  }
0x98: {  	s18 =	sld [smem:$0x3FDB];
	_ =	sdelay $0x1  }
0x99: {  	s19 =	simm.s32 $_scs_section_size  }
0x9a: {  	s4 =	simm.s32 $_size__tile_overlayer_lowered;
	s5 =	simm.s32 $_tile_overlayer_lowered  }
0x9b: {  	s22 =	simm.s32 $0x1BFF;
	s21 =	sshll.u32 s5, $0x1;
	s2 =	sadd.s32 s19, s18  }
0x9c: {  	s6 =	simm.s32 $0x0;
	s20 =	sshll.u32 s4, $0x1;
	s4 =	sadd.s32 s21, s2  }
0x9d: {  	[timem:s6], [sflag:s22] =	dma.local [hbm:s4], s20  }
0x9e: {  	_ =	swait.ge [sflag:s22], s20  }
0x9f: {  	s3 =	ssub.s32 $0x0, s20;
	[sflag:s22] =	ssyncset.done $0x0  }
0xa0: {  	[sflag:s22] =	ssyncadd.s32 s3;
	_ =	sdelay $0x1  }
0xa1: {  	s23 =	simm.s32 $0x1B8B  }
0xa2: {  	_ =	swait.ge [sflag:s23], $0x1  }
0xa3: {  	[sflag:s23] =	ssyncset.done $0x0  }
0xa4: {  	s25 =	simm.s32 $0x1B8E;
	s24 =	sld [smem:$0x3FFE];
	[sflag:s23] =	ssyncadd.s32 $0xFFFFFFFF  }
0xa5: {  	s26 =	simm.s32 $execute0_lowered;
	[smem:$0x3FD2] =	sst s25  }
0xa6: {  	s4 =	sshll.u32 s26, $0x1;
	_ =	strace $0x8000004C;
	[dreg:$0x1] =	wrdreg $0xFFFFFFFF  }
0xa7: {  	s28 =	simm.s32 $_size_execute0_lowered;
	s2 =	sadd.s32 s2, s4;
	[dreg:$0x0] =	wrdreg $0x0  }
0xa8: {  	s4 =	sshll.u32 s28, $0x1;
	[dreg:$0x2] =	wrdreg s2  }
0xa9: {  	[dreg:$0x3] =	wrdreg s4  }
0xaa: {  	[dreg:$0x4] =	wrdreg $0xC0  }
0xab: {  	_ =	task [dreg:s6], $0x5FFFF  }
0xac: {  	[dreg:$0x1] =	wrdreg $0xFFFFFFFF  }
0xad: {  	[dreg:$0x0] =	wrdreg $0x60  }
0xae: {  	[dreg:$0x2] =	wrdreg s24  }
0xaf: {  	[dreg:$0x3] =	wrdreg $0x70000  }
0xb0: {  	[dreg:$0x4] =	wrdreg $0x9  }
0xb1: {  	_ =	task.clear_ibuf [dreg:s6], $0x5FFFF;
	_ =	strace $0x9000004C  }
0xb2: {  	s29 =	simm.s32 $0x9;
	_ =	strace $0x8000004E  }
0xb3: {  	_ =	swait.ge [sflag:s29], $0x1  }
0xb4: {  	[sflag:s29] =	ssyncadd.s32 $0xFFFFFFFF  }
0xb5: {  	_ =	strace $0x9000004E  }
0xb6: {  	_ =	sfence  }
0xb7: {  	s30 =	sld [smem:$0x0];
	_ =	sdelay $0x2  }
0xb8: {  	s31 =	sshll.u32 s1, $0xD;
	s1 =	sshrl.u32 s1, $0x2  }
0xb9: {  	s3 =	sand.u32 $0x4000, s31;
	s1 =	sadd.s32 s1, s30  }
0xba: {  	s0 =	sor.u32 s3, s0;
	s1 =	sshll.u32 s1, $0x11  }
0xbb: {  	s0 =	sor.u32 s1, s0  }
0xbc: {  	s0 =	sadd.s32 $0x8F2B, s0  }
0xbd: {  	[sflag:s0] =	ssyncadd.remote.s32 $0x1  }
0xbe: {  	_ =	sfence.sel $0xFFFF  }
0xbf: {  	[dreg:$0x0] =	wrdreg $0xFFFFFFFF;
	(pc) =	sbr.abs _section_cstart, $3  }
0xc0: {  	[dreg:$0x1] =	wrdreg $0xFFFFFFFF  }
0xc1: {  	_ =	task.clear_ibuf [dreg:s6], $0x2FFFF;
	_ =	strace $0x9FFFFFFF  }
0xc2: {  	(tm) =	ssettm $0x7FFFFFFF  }
0xc3: {  	_ =	shalt  }
tec
execute0_lowered:
.L_overlay_start_1:
0x0: {  	(tag) =	ssettag $0x1  }
0x1: {  	s0 =	rddreg [dreg:$0x0]  }
0x2: {  	s1 =	rddreg [dreg:$0x1];
	s3 =	simm.s32 $0x0;
	s2 =	srdreg.scid  }
0x3: {  	s25 =	stileid.u32;
	s19 =	simm.s32 $0x2000;
	s20 =	simm.s32 $0x3  }
0x4: {  	s30 =	simm.s32 $0x1000;
	s31 =	simm.s32 $0x4800;
	s21 =	simm.s32 $0x2  }
0x5: {  	s22 =	simm.s32 $0x1C00;
	[smem:$0x7FF] =	sst s3;
	s5 =	sand.u32 $0x1, s2  }
0x6: {  	s7 =	smul.u32 $0x14000, s25;
	s8 =	sshll.u32 s25, $0x1;
	s4 =	sadd.s32 $0x7A000, s0  }
0x7: {  	s14 =	sadd.s32 $0x66000, s0;
	s15 =	sadd.s32 $0x2000, s0;
	s18 =	smul.u32 $0x50000, s25  }
0x8: {  	s6 =	smul.u32 $0x140000, s5;
	s8 =	sor.u32 s5, s8;
	s5 =	ssub.s32 $0x2, s5  }
0x9: {  	_ =	strace $0x8000004D;
	s26 =	smul.u32 $0x5000, s8;
	s28 =	sshrl.u32 s5, $0x1  }
0xa: {  	s29 =	sshrl.u32 s18, $0x2;
	s18 =	simm.s32 $0x50;
	s6 =	sadd.s32 s7, s6  }
0xb: {  	s17 =	ssub.s32 s5, s28;
	s6 =	sshrl.u32 s6, $0x3;
	s12 =	sshrl.u32 s26, $0x3  }
0xc: {  	s5 =	smul.u32 $0x280, s25;
	s0 =	sadd.s32 s6, s0;
	s6 =	sadd.s32 s14, s12  }
0xd: {  	s9 =	sadd.s32 $0x200, s12;
	s7 =	sadd.s32 s15, s12;
	s11 =	sadd.s32 $0x400, s12  }
0xe: {  	s13 =	sadd.s32 $0x600, s12;
	s16 =	sadd.s32 $0x800, s12;
	s8 =	sadd.s32 s14, s9  }
0xf: {  	s9 =	sadd.s32 s15, s9;
	s10 =	sadd.s32 s14, s11;
	s11 =	sadd.s32 s15, s11  }
0x10: {  	s12 =	sadd.s32 s14, s13;
	s13 =	sadd.s32 s15, s13;
	s14 =	sadd.s32 s14, s16  }
0x11: {  	s15 =	sadd.s32 s15, s16;
	s16 =	sadd.s32 $0xA2000, s0;
	s0 =	sadd.s32 s29, s1  }
0x12: {  	v0 =	vimm.f32 $0.0e+00;
	v1 =	vlaneseq.u32;
	s17 =	smax.u32 s17, $0x1;
	s25 =	sshrl.u32 s0, $0x3;
	s0 =	simm.s32 $0x1  }
.LBB2_1:
0x13: {  	s23 =	simm.s32 $0x70;
	s24 =	simm.s32 $0x3C0  }
.LBB2_2:
0x14: {  	p0 =	sne.s32 s24, $0x9FC0;
	[tilespmem:s23+$0x2000] =	vst v0  }
0x15: {  	[tilespmem:s23+$0x1F90] =	vst v0  }
0x16: {  	[tilespmem:s23+$0x1FA0] =	vst v0  }
.Ltmp0:
0x17: {  	[tilespmem:s23+$0x1FB0] =	vst v0;
	(pc) =	sbr.rel @p0 .LBB2_2-.Ltmp0, $4  }
0x18: {  	[tilespmem:s23+$0x1FC0] =	vst v0  }
0x19: {  	[tilespmem:s23+$0x1FD0] =	vst v0  }
0x1a: {  	[tilespmem:s23+$0x1FE0] =	vst v0  }
0x1b: {  	[tilespmem:s23+$0x1FF0] =	vst v0;
	s23 =	sshra.s32 s24, $0x2;
	s24 =	sadd.s32 $0x200, s24  }
0x1c: {  	[tilespmem:s23+$0x2000] =	vst v0  }
0x1d: {  	[tilespmem:s23+$0x1F90] =	vst v0  }
0x1e: {  	[tilespmem:s23+$0x1FA0] =	vst v0  }
0x1f: {  	[tilespmem:s23+$0x1FB0] =	vst v0  }
0x20: {  	[tilespmem:s23+$0x1FC0] =	vst v0  }
0x21: {  	[tilespmem:s23+$0x1FD0] =	vst v0;
	s26 =	sadd.s32 $0x0, s5  }
0x22: {  	[tilespmem:s23+$0x1FE0] =	vst v0;
	s24 =	sadd.s32 $0x40, s26  }
0x23: {  	[tilespmem:s23+$0x1FF0] =	vst v0;
	s23 =	simm.s32 $0x20;
	s28 =	sadd.s32 $0x10, s26;
	v2 =	vor.u32 s24, v1  }
0x24: {  	s2 =	sadd.s32 $0x20, s26;
	v3 =	vor.u32 s28, v1;
	[tilespmem:s23+$0x20] =	vst v2  }
0x25: {  	s29 =	sadd.s32 $0x30, s26;
	v4 =	vor.u32 s2, v1;
	[tilespmem:s23+$0xFFFFFFF0] =	vst v3  }
0x26: {  	s24 =	simm.s32 $0x50;
	v2 =	vor.u32 s26, v1;
	v3 =	vor.u32 s29, v1;
	[tilespmem:s23+$0x0] =	vst v4  }
.LBB2_4:
0x27: {  	s26 =	sadd.s32 s24, s5  }
0x28: {  	p0 =	sne.s32 s24, $0x230;
	s24 =	sadd.s32 $0x50, s24;
	[tilespmem:s23+$0x10] =	vst v3;
	s28 =	sadd.s32 $0x10, s26  }
.Ltmp1:
0x29: {  	s29 =	sadd.s32 $0x20, s26;
	s2 =	sadd.s32 $0x40, s26;
	[tilespmem:s23+$0xFFFFFFE0] =	vst v2;
	v2 =	vor.u32 s26, v1;
	(pc) =	sbr.rel @p0 .LBB2_4-.Ltmp1, $4  }
0x2a: {  	s26 =	sadd.s32 $0x30, s26;
	s23 =	sadd.s32 $0x80, s23;
	v4 =	vor.u32 s28, v1;
	v5 =	vor.u32 s29, v1;
	v6 =	vor.u32 s2, v1  }
0x2b: {  	v3 =	vor.u32 s26, v1;
	[tilespmem:s23+$0x20] =	vst v6  }
0x2c: {  	[tilespmem:s23+$0xFFFFFFF0] =	vst v4  }
0x2d: {  	[tilespmem:s23+$0x0] =	vst v5  }
0x2e: {  	[tilespmem:s23+$0x10] =	vst v3  }
0x2f: {  	[tilespmem:s23+$0xFFFFFFE0] =	vst v2;
	s2 =	simm.s32 $0x0  }
0x30: {  	[spmem:s1] =	stream.indirect.scatter [tilespmem:s19], [sflag:$0x3], $0x80, s2, s18, $0xb8;
	[tilespmem:$0x1B000] =	vst v63  }
0x31: {  	_ =	swait.ge [sflag:s20], $0x2800  }
0x32: {  	[sflag:s20] =	ssyncset.done $0x0  }
0x33: {  	s26 =	simm.s32 $0x80;
	[sflag:s20] =	ssyncadd.s32 $0xFFFFD800  }
0x34: {  	[spmem:s1] =	stream.indirect.scatter [tilespmem:s19], [sflag:$0x3], $0x80, s26, s18, $0xb8;
	[tilespmem:$0x1B000] =	vst v63  }
0x35: {  	_ =	swait.ge [sflag:s20], $0x2800  }
0x36: {  	[sflag:s20] =	ssyncset.done $0x0  }
0x37: {  	s28 =	simm.s32 $0x100;
	[sflag:s20] =	ssyncadd.s32 $0xFFFFD800  }
0x38: {  	[spmem:s1] =	stream.indirect.scatter [tilespmem:s19], [sflag:$0x3], $0x80, s28, s18, $0xb8;
	[tilespmem:$0x1B000] =	vst v63  }
0x39: {  	_ =	swait.ge [sflag:s20], $0x2800  }
0x3a: {  	[sflag:s20] =	ssyncset.done $0x0  }
0x3b: {  	s29 =	simm.s32 $0x180;
	[sflag:s20] =	ssyncadd.s32 $0xFFFFD800  }
0x3c: {  	[spmem:s1] =	stream.indirect.scatter [tilespmem:s19], [sflag:$0x3], $0x80, s29, s18, $0xb8;
	[tilespmem:$0x1B000] =	vst v63  }
0x3d: {  	_ =	swait.ge [sflag:s20], $0x2800  }
0x3e: {  	[sflag:s20] =	ssyncset.done $0x0  }
0x3f: {  	s24 =	simm.s32 $0x200;
	[sflag:s20] =	ssyncadd.s32 $0xFFFFD800  }
0x40: {  	[spmem:s1] =	stream.indirect.scatter [tilespmem:s19], [sflag:$0x3], $0x80, s24, s18, $0xb8;
	[tilespmem:$0x1B000] =	vst v63  }
0x41: {  	_ =	swait.ge [sflag:s20], $0x2800  }
0x42: {  	[sflag:s20] =	ssyncset.done $0x0  }
0x43: {  	s26 =	simm.s32 $0x280;
	[sflag:s20] =	ssyncadd.s32 $0xFFFFD800  }
0x44: {  	[spmem:s1] =	stream.indirect.scatter [tilespmem:s19], [sflag:$0x3], $0x80, s26, s18, $0xb8;
	[tilespmem:$0x1B000] =	vst v63  }
0x45: {  	_ =	swait.ge [sflag:s20], $0x2800  }
0x46: {  	[sflag:s20] =	ssyncset.done $0x0  }
0x47: {  	s28 =	simm.s32 $0x300;
	[sflag:s20] =	ssyncadd.s32 $0xFFFFD800  }
0x48: {  	[spmem:s1] =	stream.indirect.scatter [tilespmem:s19], [sflag:$0x3], $0x80, s28, s18, $0xb8;
	[tilespmem:$0x1B000] =	vst v63  }
0x49: {  	_ =	swait.ge [sflag:s20], $0x2800  }
0x4a: {  	[sflag:s20] =	ssyncset.done $0x0  }
0x4b: {  	s29 =	simm.s32 $0x380;
	[sflag:s20] =	ssyncadd.s32 $0xFFFFD800  }
0x4c: {  	[spmem:s1] =	stream.indirect.scatter [tilespmem:s19], [sflag:$0x3], $0x80, s29, s18, $0xb8;
	[tilespmem:$0x1B000] =	vst v63  }
0x4d: {  	_ =	swait.ge [sflag:s20], $0x2800  }
0x4e: {  	[sflag:s20] =	ssyncset.done $0x0  }
0x4f: {  	[sflag:s20] =	ssyncadd.s32 $0xFFFFD800  }
0x50: {  	[bflag:$0x0] =	sbarrier.arrive $0xFFFF  }
0x51: {  	[tilespmem:s2], [sflag:$0x3] =	stream.linear.gather [hbm4b:s6+s2], $0xC80, $0x38;
	[tilespmem:$0x1B000] =	vst v63  }
0x52: {  	_ =	swait.ge [sflag:s20], $0xC80  }
0x53: {  	[sflag:s20] =	ssyncset.done $0x0  }
0x54: {  	[sflag:s20] =	ssyncadd.s32 $0xFFFFF380  }
0x55: {  	[tilespmem:s30], [sflag:$0x3] =	stream.linear.gather [hbm4b:s7+s2], $0xC80, $0x38;
	[tilespmem:$0x1B000] =	vst v63  }
0x56: {  	_ =	swait.ge [sflag:s20], $0xC80  }
0x57: {  	[sflag:s20] =	ssyncset.done $0x0  }
0x58: {  	[sflag:s20] =	ssyncadd.s32 $0xFFFFF380  }
0x59: {  	[tilespmem:s19], [sflag:$0x1] =	stream.indirect.gather [hbm4b:s4+s18], $0x80, s2, s18, $0xb8;
	[tilespmem:$0x1B000] =	vst v63  }
0x5a: {  	s24 =	simm.s32 $0x80  }
0x5b: {  	[tilespmem:s31], [sflag:$0x2] =	stream.indirect.gather [hbm4b:s4+s18], $0x80, s24, s18, $0xb8;
	[tilespmem:$0x1B000] =	vst v63  }
0x5c: {  	_ =	swait.ge [sflag:s0], $0x2800  }
0x5d: {  	[sflag:s0] =	ssyncset.done $0x0  }
0x5e: {  	s26 =	simm.s32 $0x1000;
	[sflag:s0] =	ssyncadd.s32 $0xFFFFD800  }
0x5f: {  	[spmem:s1] =	stream.indirect.scatter.add.f32 [tilespmem:s19], [sflag:$0x3], $0x80, s26, s18, $0xb8;
	[tilespmem:$0x1B000] =	vst v63  }
0x60: {  	_ =	swait.ge [sflag:s20], $0x2800  }
0x61: {  	[sflag:s20] =	ssyncset.done $0x0  }
0x62: {  	s28 =	simm.s32 $0x100;
	[sflag:s20] =	ssyncadd.s32 $0xFFFFD800  }
0x63: {  	[tilespmem:s19], [sflag:$0x1] =	stream.indirect.gather [hbm4b:s4+s18], $0x80, s28, s18, $0xb8;
	[tilespmem:$0x1B000] =	vst v63  }
0x64: {  	_ =	swait.ge [sflag:s21], $0x2800  }
0x65: {  	[sflag:s21] =	ssyncset.done $0x0  }
0x66: {  	s29 =	simm.s32 $0x1080;
	[sflag:s21] =	ssyncadd.s32 $0xFFFFD800  }
0x67: {  	[spmem:s1] =	stream.indirect.scatter.add.f32 [tilespmem:s31], [sflag:$0x3], $0x80, s29, s18, $0xb8;
	[tilespmem:$0x1B000] =	vst v63  }
0x68: {  	_ =	swait.ge [sflag:s20], $0x2800  }
0x69: {  	s23 =	simm.s32 $0x100;
	s24 =	simm.s32 $0x800;
	[sflag:s20] =	ssyncset.done $0x0  }
.LBB2_6:
0x6a: {  	s2 =	sadd.s32 $0x80, s23  }
0x6b: {  	[sflag:s20] =	ssyncadd.s32 $0xFFFFD800;
	s26 =	smov.u32 s24;
	s28 =	sadd.s32 $0x400, s24  }
0x6c: {  	[tilespmem:s31], [sflag:$0x2] =	stream.indirect.gather [hbm4b:s4+s18], $0x80, s2, s18, $0xb8;
	[tilespmem:$0x1B000] =	vst v63  }
0x6d: {  	p0 =	sne.s32 s24, $0x2C00;
	_ =	swait.ge [sflag:s0], $0x2800  }
0x6e: {  	[sflag:s0] =	ssyncset.done $0x0  }
0x6f: {  	s2 =	sadd.s32 $0x1000, s23;
	[sflag:s0] =	ssyncadd.s32 $0xFFFFD800  }
0x70: {  	[spmem:s1] =	stream.indirect.scatter.add.f32 [tilespmem:s19], [sflag:$0x3], $0x80, s2, s18, $0xb8;
	[tilespmem:$0x1B000] =	vst v63  }
0x71: {  	_ =	swait.ge [sflag:s20], $0x2800  }
0x72: {  	[sflag:s20] =	ssyncset.done $0x0  }
0x73: {  	s2 =	sadd.s32 $0x100, s23;
	[sflag:s20] =	ssyncadd.s32 $0xFFFFD800  }
0x74: {  	[tilespmem:s19], [sflag:$0x1] =	stream.indirect.gather [hbm4b:s4+s18], $0x80, s2, s18, $0xb8;
	[tilespmem:$0x1B000] =	vst v63  }
0x75: {  	_ =	swait.ge [sflag:s21], $0x2800  }
.Ltmp2:
0x76: {  	[sflag:s21] =	ssyncset.done $0x0;
	(pc) =	sbr.rel @p0 .LBB2_6-.Ltmp2, $4  }
0x77: {  	s2 =	sadd.s32 $0x1080, s23;
	[sflag:s21] =	ssyncadd.s32 $0xFFFFD800  }
0x78: {  	[spmem:s1] =	stream.indirect.scatter.add.f32 [tilespmem:s31], [sflag:$0x3], $0x80, s2, s18, $0xb8;
	[tilespmem:$0x1B000] =	vst v63  }
0x79: {  	_ =	swait.ge [sflag:s20], $0x2800  }
0x7a: {  	s24 =	smov.u32 s28;
	s23 =	sshra.s32 s26, $0x2;
	[sflag:s20] =	ssyncset.done $0x0  }
0x7b: {  	s2 =	sadd.s32 $0x80, s23;
	[sflag:s20] =	ssyncadd.s32 $0xFFFFD800  }
0x7c: {  	[tilespmem:s31], [sflag:$0x2] =	stream.indirect.gather [hbm4b:s4+s18], $0x80, s2, s18, $0xb8;
	[tilespmem:$0x1B000] =	vst v63  }
0x7d: {  	_ =	swait.ge [sflag:s0], $0x2800  }
0x7e: {  	[sflag:s0] =	ssyncset.done $0x0  }
0x7f: {  	s26 =	sadd.s32 $0x1000, s23;
	[sflag:s0] =	ssyncadd.s32 $0xFFFFD800  }
0x80: {  	[spmem:s1] =	stream.indirect.scatter.add.f32 [tilespmem:s19], [sflag:$0x3], $0x80, s26, s18, $0xb8;
	[tilespmem:$0x1B000] =	vst v63  }
0x81: {  	_ =	swait.ge [sflag:s20], $0x2800  }
0x82: {  	[sflag:s20] =	ssyncset.done $0x0  }
0x83: {  	s28 =	sadd.s32 $0x100, s23;
	[sflag:s20] =	ssyncadd.s32 $0xFFFFD800  }
0x84: {  	[tilespmem:s19], [sflag:$0x1] =	stream.indirect.gather [hbm4b:s4+s18], $0x80, s28, s18, $0xb8;
	[tilespmem:$0x1B000] =	vst v63  }
0x85: {  	_ =	swait.ge [sflag:s21], $0x2800  }
0x86: {  	[sflag:s21] =	ssyncset.done $0x0  }
0x87: {  	s29 =	sadd.s32 $0x1080, s23;
	[sflag:s21] =	ssyncadd.s32 $0xFFFFD800  }
0x88: {  	[spmem:s1] =	stream.indirect.scatter.add.f32 [tilespmem:s31], [sflag:$0x3], $0x80, s29, s18, $0xb8;
	[tilespmem:$0x1B000] =	vst v63  }
0x89: {  	_ =	swait.ge [sflag:s20], $0x2800  }
0x8a: {  	[sflag:s20] =	ssyncset.done $0x0  }
0x8b: {  	[sflag:s20] =	ssyncadd.s32 $0xFFFFD800  }
0x8c: {  	_ =	swait.ge [sflag:s0], $0x2800  }
0x8d: {  	[sflag:s0] =	ssyncset.done $0x0  }
0x8e: {  	[sflag:s0] =	ssyncadd.s32 $0xFFFFD800  }
0x8f: {  	[spmem:s1] =	stream.indirect.scatter.add.f32 [tilespmem:s19], [sflag:$0x3], $0x80, s22, s18, $0xb8;
	[tilespmem:$0x1B000] =	vst v63  }
0x90: {  	_ =	swait.ge [sflag:s20], $0x2800  }
0x91: {  	[sflag:s20] =	ssyncset.done $0x0  }
0x92: {  	s23 =	simm.s32 $0x0;
	[sflag:s20] =	ssyncadd.s32 $0xFFFFD800  }
0x93: {  	[tilespmem:s23], [sflag:$0x3] =	stream.linear.gather [hbm4b:s8+s23], $0xC80, $0x38;
	[tilespmem:$0x1B000] =	vst v63  }
0x94: {  	_ =	swait.ge [sflag:s20], $0xC80  }
0x95: {  	[sflag:s20] =	ssyncset.done $0x0  }
0x96: {  	[sflag:s20] =	ssyncadd.s32 $0xFFFFF380  }
0x97: {  	[tilespmem:s30], [sflag:$0x3] =	stream.linear.gather [hbm4b:s9+s23], $0xC80, $0x38;
	[tilespmem:$0x1B000] =	vst v63  }
0x98: {  	_ =	swait.ge [sflag:s20], $0xC80  }
0x99: {  	[sflag:s20] =	ssyncset.done $0x0  }
0x9a: {  	[sflag:s20] =	ssyncadd.s32 $0xFFFFF380  }
0x9b: {  	[tilespmem:s19], [sflag:$0x1] =	stream.indirect.gather [hbm4b:s4+s18], $0x80, s23, s18, $0xb8;
	[tilespmem:$0x1B000] =	vst v63  }
0x9c: {  	s24 =	simm.s32 $0x80  }
0x9d: {  	[tilespmem:s31], [sflag:$0x2] =	stream.indirect.gather [hbm4b:s4+s18], $0x80, s24, s18, $0xb8;
	[tilespmem:$0x1B000] =	vst v63  }
0x9e: {  	_ =	swait.ge [sflag:s0], $0x2800  }
0x9f: {  	[sflag:s0] =	ssyncset.done $0x0  }
0xa0: {  	s26 =	simm.s32 $0x1000;
	[sflag:s0] =	ssyncadd.s32 $0xFFFFD800  }
0xa1: {  	[spmem:s1] =	stream.indirect.scatter.add.f32 [tilespmem:s19], [sflag:$0x3], $0x80, s26, s18, $0xb8;
	[tilespmem:$0x1B000] =	vst v63  }
0xa2: {  	_ =	swait.ge [sflag:s20], $0x2800  }
0xa3: {  	[sflag:s20] =	ssyncset.done $0x0  }
0xa4: {  	s28 =	simm.s32 $0x100;
	[sflag:s20] =	ssyncadd.s32 $0xFFFFD800  }
0xa5: {  	[tilespmem:s19], [sflag:$0x1] =	stream.indirect.gather [hbm4b:s4+s18], $0x80, s28, s18, $0xb8;
	[tilespmem:$0x1B000] =	vst v63  }
0xa6: {  	_ =	swait.ge [sflag:s21], $0x2800  }
0xa7: {  	[sflag:s21] =	ssyncset.done $0x0  }
0xa8: {  	s29 =	simm.s32 $0x1080;
	[sflag:s21] =	ssyncadd.s32 $0xFFFFD800  }
0xa9: {  	[spmem:s1] =	stream.indirect.scatter.add.f32 [tilespmem:s31], [sflag:$0x3], $0x80, s29, s18, $0xb8;
	[tilespmem:$0x1B000] =	vst v63  }
0xaa: {  	_ =	swait.ge [sflag:s20], $0x2800  }
0xab: {  	s23 =	simm.s32 $0x100;
	s24 =	simm.s32 $0x800;
	[sflag:s20] =	ssyncset.done $0x0  }
.LBB2_8:
0xac: {  	s2 =	sadd.s32 $0x80, s23  }
0xad: {  	[sflag:s20] =	ssyncadd.s32 $0xFFFFD800;
	s26 =	smov.u32 s24;
	s28 =	sadd.s32 $0x400, s24  }
0xae: {  	[tilespmem:s31], [sflag:$0x2] =	stream.indirect.gather [hbm4b:s4+s18], $0x80, s2, s18, $0xb8;
	[tilespmem:$0x1B000] =	vst v63  }
0xaf: {  	p0 =	sne.s32 s24, $0x2C00;
	_ =	swait.ge [sflag:s0], $0x2800  }
0xb0: {  	[sflag:s0] =	ssyncset.done $0x0  }
0xb1: {  	s2 =	sadd.s32 $0x1000, s23;
	[sflag:s0] =	ssyncadd.s32 $0xFFFFD800  }
0xb2: {  	[spmem:s1] =	stream.indirect.scatter.add.f32 [tilespmem:s19], [sflag:$0x3], $0x80, s2, s18, $0xb8;
	[tilespmem:$0x1B000] =	vst v63  }
0xb3: {  	_ =	swait.ge [sflag:s20], $0x2800  }
0xb4: {  	[sflag:s20] =	ssyncset.done $0x0  }
0xb5: {  	s2 =	sadd.s32 $0x100, s23;
	[sflag:s20] =	ssyncadd.s32 $0xFFFFD800  }
0xb6: {  	[tilespmem:s19], [sflag:$0x1] =	stream.indirect.gather [hbm4b:s4+s18], $0x80, s2, s18, $0xb8;
	[tilespmem:$0x1B000] =	vst v63  }
0xb7: {  	_ =	swait.ge [sflag:s21], $0x2800  }
.Ltmp3:
0xb8: {  	[sflag:s21] =	ssyncset.done $0x0;
	(pc) =	sbr.rel @p0 .LBB2_8-.Ltmp3, $4  }
0xb9: {  	s2 =	sadd.s32 $0x1080, s23;
	[sflag:s21] =	ssyncadd.s32 $0xFFFFD800  }
0xba: {  	[spmem:s1] =	stream.indirect.scatter.add.f32 [tilespmem:s31], [sflag:$0x3], $0x80, s2, s18, $0xb8;
	[tilespmem:$0x1B000] =	vst v63  }
0xbb: {  	_ =	swait.ge [sflag:s20], $0x2800  }
0xbc: {  	s24 =	smov.u32 s28;
	s23 =	sshra.s32 s26, $0x2;
	[sflag:s20] =	ssyncset.done $0x0  }
0xbd: {  	s2 =	sadd.s32 $0x80, s23;
	[sflag:s20] =	ssyncadd.s32 $0xFFFFD800  }
0xbe: {  	[tilespmem:s31], [sflag:$0x2] =	stream.indirect.gather [hbm4b:s4+s18], $0x80, s2, s18, $0xb8;
	[tilespmem:$0x1B000] =	vst v63  }
0xbf: {  	_ =	swait.ge [sflag:s0], $0x2800  }
0xc0: {  	[sflag:s0] =	ssyncset.done $0x0  }
0xc1: {  	s26 =	sadd.s32 $0x1000, s23;
	[sflag:s0] =	ssyncadd.s32 $0xFFFFD800  }
0xc2: {  	[spmem:s1] =	stream.indirect.scatter.add.f32 [tilespmem:s19], [sflag:$0x3], $0x80, s26, s18, $0xb8;
	[tilespmem:$0x1B000] =	vst v63  }
0xc3: {  	_ =	swait.ge [sflag:s20], $0x2800  }
0xc4: {  	[sflag:s20] =	ssyncset.done $0x0  }
0xc5: {  	s28 =	sadd.s32 $0x100, s23;
	[sflag:s20] =	ssyncadd.s32 $0xFFFFD800  }
0xc6: {  	[tilespmem:s19], [sflag:$0x1] =	stream.indirect.gather [hbm4b:s4+s18], $0x80, s28, s18, $0xb8;
	[tilespmem:$0x1B000] =	vst v63  }
0xc7: {  	_ =	swait.ge [sflag:s21], $0x2800  }
0xc8: {  	[sflag:s21] =	ssyncset.done $0x0  }
0xc9: {  	s29 =	sadd.s32 $0x1080, s23;
	[sflag:s21] =	ssyncadd.s32 $0xFFFFD800  }
0xca: {  	[spmem:s1] =	stream.indirect.scatter.add.f32 [tilespmem:s31], [sflag:$0x3], $0x80, s29, s18, $0xb8;
	[tilespmem:$0x1B000] =	vst v63  }
0xcb: {  	_ =	swait.ge [sflag:s20], $0x2800  }
0xcc: {  	[sflag:s20] =	ssyncset.done $0x0  }
0xcd: {  	[sflag:s20] =	ssyncadd.s32 $0xFFFFD800  }
0xce: {  	_ =	swait.ge [sflag:s0], $0x2800  }
0xcf: {  	[sflag:s0] =	ssyncset.done $0x0  }
0xd0: {  	[sflag:s0] =	ssyncadd.s32 $0xFFFFD800  }
0xd1: {  	[spmem:s1] =	stream.indirect.scatter.add.f32 [tilespmem:s19], [sflag:$0x3], $0x80, s22, s18, $0xb8;
	[tilespmem:$0x1B000] =	vst v63  }
0xd2: {  	_ =	swait.ge [sflag:s20], $0x2800  }
0xd3: {  	[sflag:s20] =	ssyncset.done $0x0  }
0xd4: {  	s23 =	simm.s32 $0x0;
	[sflag:s20] =	ssyncadd.s32 $0xFFFFD800  }
0xd5: {  	[tilespmem:s23], [sflag:$0x3] =	stream.linear.gather [hbm4b:s10+s23], $0xC80, $0x38;
	[tilespmem:$0x1B000] =	vst v63  }
0xd6: {  	_ =	swait.ge [sflag:s20], $0xC80  }
0xd7: {  	[sflag:s20] =	ssyncset.done $0x0  }
0xd8: {  	[sflag:s20] =	ssyncadd.s32 $0xFFFFF380  }
0xd9: {  	[tilespmem:s30], [sflag:$0x3] =	stream.linear.gather [hbm4b:s11+s23], $0xC80, $0x38;
	[tilespmem:$0x1B000] =	vst v63  }
0xda: {  	_ =	swait.ge [sflag:s20], $0xC80  }
0xdb: {  	[sflag:s20] =	ssyncset.done $0x0  }
0xdc: {  	[sflag:s20] =	ssyncadd.s32 $0xFFFFF380  }
0xdd: {  	[tilespmem:s19], [sflag:$0x1] =	stream.indirect.gather [hbm4b:s4+s18], $0x80, s23, s18, $0xb8;
	[tilespmem:$0x1B000] =	vst v63  }
0xde: {  	s24 =	simm.s32 $0x80  }
0xdf: {  	[tilespmem:s31], [sflag:$0x2] =	stream.indirect.gather [hbm4b:s4+s18], $0x80, s24, s18, $0xb8;
	[tilespmem:$0x1B000] =	vst v63  }
0xe0: {  	_ =	swait.ge [sflag:s0], $0x2800  }
0xe1: {  	[sflag:s0] =	ssyncset.done $0x0  }
0xe2: {  	s26 =	simm.s32 $0x1000;
	[sflag:s0] =	ssyncadd.s32 $0xFFFFD800  }
0xe3: {  	[spmem:s1] =	stream.indirect.scatter.add.f32 [tilespmem:s19], [sflag:$0x3], $0x80, s26, s18, $0xb8;
	[tilespmem:$0x1B000] =	vst v63  }
0xe4: {  	_ =	swait.ge [sflag:s20], $0x2800  }
0xe5: {  	[sflag:s20] =	ssyncset.done $0x0  }
0xe6: {  	s28 =	simm.s32 $0x100;
	[sflag:s20] =	ssyncadd.s32 $0xFFFFD800  }
0xe7: {  	[tilespmem:s19], [sflag:$0x1] =	stream.indirect.gather [hbm4b:s4+s18], $0x80, s28, s18, $0xb8;
	[tilespmem:$0x1B000] =	vst v63  }
0xe8: {  	_ =	swait.ge [sflag:s21], $0x2800  }
0xe9: {  	[sflag:s21] =	ssyncset.done $0x0  }
0xea: {  	s29 =	simm.s32 $0x1080;
	[sflag:s21] =	ssyncadd.s32 $0xFFFFD800  }
0xeb: {  	[spmem:s1] =	stream.indirect.scatter.add.f32 [tilespmem:s31], [sflag:$0x3], $0x80, s29, s18, $0xb8;
	[tilespmem:$0x1B000] =	vst v63  }
0xec: {  	_ =	swait.ge [sflag:s20], $0x2800  }
0xed: {  	s23 =	simm.s32 $0x100;
	s24 =	simm.s32 $0x800;
	[sflag:s20] =	ssyncset.done $0x0  }
.LBB2_10:
0xee: {  	s2 =	sadd.s32 $0x80, s23  }
0xef: {  	[sflag:s20] =	ssyncadd.s32 $0xFFFFD800;
	s26 =	smov.u32 s24;
	s28 =	sadd.s32 $0x400, s24  }
0xf0: {  	[tilespmem:s31], [sflag:$0x2] =	stream.indirect.gather [hbm4b:s4+s18], $0x80, s2, s18, $0xb8;
	[tilespmem:$0x1B000] =	vst v63  }
0xf1: {  	p0 =	sne.s32 s24, $0x2C00;
	_ =	swait.ge [sflag:s0], $0x2800  }
0xf2: {  	[sflag:s0] =	ssyncset.done $0x0  }
0xf3: {  	s2 =	sadd.s32 $0x1000, s23;
	[sflag:s0] =	ssyncadd.s32 $0xFFFFD800  }
0xf4: {  	[spmem:s1] =	stream.indirect.scatter.add.f32 [tilespmem:s19], [sflag:$0x3], $0x80, s2, s18, $0xb8;
	[tilespmem:$0x1B000] =	vst v63  }
0xf5: {  	_ =	swait.ge [sflag:s20], $0x2800  }
0xf6: {  	[sflag:s20] =	ssyncset.done $0x0  }
0xf7: {  	s2 =	sadd.s32 $0x100, s23;
	[sflag:s20] =	ssyncadd.s32 $0xFFFFD800  }
0xf8: {  	[tilespmem:s19], [sflag:$0x1] =	stream.indirect.gather [hbm4b:s4+s18], $0x80, s2, s18, $0xb8;
	[tilespmem:$0x1B000] =	vst v63  }
0xf9: {  	_ =	swait.ge [sflag:s21], $0x2800  }
.Ltmp4:
0xfa: {  	[sflag:s21] =	ssyncset.done $0x0;
	(pc) =	sbr.rel @p0 .LBB2_10-.Ltmp4, $4  }
0xfb: {  	s2 =	sadd.s32 $0x1080, s23;
	[sflag:s21] =	ssyncadd.s32 $0xFFFFD800  }
0xfc: {  	[spmem:s1] =	stream.indirect.scatter.add.f32 [tilespmem:s31], [sflag:$0x3], $0x80, s2, s18, $0xb8;
	[tilespmem:$0x1B000] =	vst v63  }
0xfd: {  	_ =	swait.ge [sflag:s20], $0x2800  }
0xfe: {  	s24 =	smov.u32 s28;
	s23 =	sshra.s32 s26, $0x2;
	[sflag:s20] =	ssyncset.done $0x0  }
0xff: {  	s2 =	sadd.s32 $0x80, s23;
	[sflag:s20] =	ssyncadd.s32 $0xFFFFD800  }
0x100: {  	[tilespmem:s31], [sflag:$0x2] =	stream.indirect.gather [hbm4b:s4+s18], $0x80, s2, s18, $0xb8;
	[tilespmem:$0x1B000] =	vst v63  }
0x101: {  	_ =	swait.ge [sflag:s0], $0x2800  }
0x102: {  	[sflag:s0] =	ssyncset.done $0x0  }
0x103: {  	s26 =	sadd.s32 $0x1000, s23;
	[sflag:s0] =	ssyncadd.s32 $0xFFFFD800  }
0x104: {  	[spmem:s1] =	stream.indirect.scatter.add.f32 [tilespmem:s19], [sflag:$0x3], $0x80, s26, s18, $0xb8;
	[tilespmem:$0x1B000] =	vst v63  }
0x105: {  	_ =	swait.ge [sflag:s20], $0x2800  }
0x106: {  	[sflag:s20] =	ssyncset.done $0x0  }
0x107: {  	s28 =	sadd.s32 $0x100, s23;
	[sflag:s20] =	ssyncadd.s32 $0xFFFFD800  }
0x108: {  	[tilespmem:s19], [sflag:$0x1] =	stream.indirect.gather [hbm4b:s4+s18], $0x80, s28, s18, $0xb8;
	[tilespmem:$0x1B000] =	vst v63  }
0x109: {  	_ =	swait.ge [sflag:s21], $0x2800  }
0x10a: {  	[sflag:s21] =	ssyncset.done $0x0  }
0x10b: {  	s29 =	sadd.s32 $0x1080, s23;
	[sflag:s21] =	ssyncadd.s32 $0xFFFFD800  }
0x10c: {  	[spmem:s1] =	stream.indirect.scatter.add.f32 [tilespmem:s31], [sflag:$0x3], $0x80, s29, s18, $0xb8;
	[tilespmem:$0x1B000] =	vst v63  }
0x10d: {  	_ =	swait.ge [sflag:s20], $0x2800  }
0x10e: {  	[sflag:s20] =	ssyncset.done $0x0  }
0x10f: {  	[sflag:s20] =	ssyncadd.s32 $0xFFFFD800  }
0x110: {  	_ =	swait.ge [sflag:s0], $0x2800  }
0x111: {  	[sflag:s0] =	ssyncset.done $0x0  }
0x112: {  	[sflag:s0] =	ssyncadd.s32 $0xFFFFD800  }
0x113: {  	[spmem:s1] =	stream.indirect.scatter.add.f32 [tilespmem:s19], [sflag:$0x3], $0x80, s22, s18, $0xb8;
	[tilespmem:$0x1B000] =	vst v63  }
0x114: {  	_ =	swait.ge [sflag:s20], $0x2800  }
0x115: {  	[sflag:s20] =	ssyncset.done $0x0  }
0x116: {  	s23 =	simm.s32 $0x0;
	[sflag:s20] =	ssyncadd.s32 $0xFFFFD800  }
0x117: {  	[tilespmem:s23], [sflag:$0x3] =	stream.linear.gather [hbm4b:s12+s23], $0xC80, $0x38;
	[tilespmem:$0x1B000] =	vst v63  }
0x118: {  	_ =	swait.ge [sflag:s20], $0xC80  }
0x119: {  	[sflag:s20] =	ssyncset.done $0x0  }
0x11a: {  	[sflag:s20] =	ssyncadd.s32 $0xFFFFF380  }
0x11b: {  	[tilespmem:s30], [sflag:$0x3] =	stream.linear.gather [hbm4b:s13+s23], $0xC80, $0x38;
	[tilespmem:$0x1B000] =	vst v63  }
0x11c: {  	_ =	swait.ge [sflag:s20], $0xC80  }
0x11d: {  	[sflag:s20] =	ssyncset.done $0x0  }
0x11e: {  	[sflag:s20] =	ssyncadd.s32 $0xFFFFF380  }
0x11f: {  	[tilespmem:s19], [sflag:$0x1] =	stream.indirect.gather [hbm4b:s4+s18], $0x80, s23, s18, $0xb8;
	[tilespmem:$0x1B000] =	vst v63  }
0x120: {  	s24 =	simm.s32 $0x80  }
0x121: {  	[tilespmem:s31], [sflag:$0x2] =	stream.indirect.gather [hbm4b:s4+s18], $0x80, s24, s18, $0xb8;
	[tilespmem:$0x1B000] =	vst v63  }
0x122: {  	_ =	swait.ge [sflag:s0], $0x2800  }
0x123: {  	[sflag:s0] =	ssyncset.done $0x0  }
0x124: {  	s26 =	simm.s32 $0x1000;
	[sflag:s0] =	ssyncadd.s32 $0xFFFFD800  }
0x125: {  	[spmem:s1] =	stream.indirect.scatter.add.f32 [tilespmem:s19], [sflag:$0x3], $0x80, s26, s18, $0xb8;
	[tilespmem:$0x1B000] =	vst v63  }
0x126: {  	_ =	swait.ge [sflag:s20], $0x2800  }
0x127: {  	[sflag:s20] =	ssyncset.done $0x0  }
0x128: {  	s28 =	simm.s32 $0x100;
	[sflag:s20] =	ssyncadd.s32 $0xFFFFD800  }
0x129: {  	[tilespmem:s19], [sflag:$0x1] =	stream.indirect.gather [hbm4b:s4+s18], $0x80, s28, s18, $0xb8;
	[tilespmem:$0x1B000] =	vst v63  }
0x12a: {  	_ =	swait.ge [sflag:s21], $0x2800  }
0x12b: {  	[sflag:s21] =	ssyncset.done $0x0  }
0x12c: {  	s29 =	simm.s32 $0x1080;
	[sflag:s21] =	ssyncadd.s32 $0xFFFFD800  }
0x12d: {  	[spmem:s1] =	stream.indirect.scatter.add.f32 [tilespmem:s31], [sflag:$0x3], $0x80, s29, s18, $0xb8;
	[tilespmem:$0x1B000] =	vst v63  }
0x12e: {  	_ =	swait.ge [sflag:s20], $0x2800  }
0x12f: {  	s23 =	simm.s32 $0x100;
	s24 =	simm.s32 $0x800;
	[sflag:s20] =	ssyncset.done $0x0  }
.LBB2_12:
0x130: {  	s2 =	sadd.s32 $0x80, s23  }
0x131: {  	[sflag:s20] =	ssyncadd.s32 $0xFFFFD800;
	s26 =	smov.u32 s24;
	s28 =	sadd.s32 $0x400, s24  }
0x132: {  	[tilespmem:s31], [sflag:$0x2] =	stream.indirect.gather [hbm4b:s4+s18], $0x80, s2, s18, $0xb8;
	[tilespmem:$0x1B000] =	vst v63  }
0x133: {  	p0 =	sne.s32 s24, $0x2C00;
	_ =	swait.ge [sflag:s0], $0x2800  }
0x134: {  	[sflag:s0] =	ssyncset.done $0x0  }
0x135: {  	s2 =	sadd.s32 $0x1000, s23;
	[sflag:s0] =	ssyncadd.s32 $0xFFFFD800  }
0x136: {  	[spmem:s1] =	stream.indirect.scatter.add.f32 [tilespmem:s19], [sflag:$0x3], $0x80, s2, s18, $0xb8;
	[tilespmem:$0x1B000] =	vst v63  }
0x137: {  	_ =	swait.ge [sflag:s20], $0x2800  }
0x138: {  	[sflag:s20] =	ssyncset.done $0x0  }
0x139: {  	s2 =	sadd.s32 $0x100, s23;
	[sflag:s20] =	ssyncadd.s32 $0xFFFFD800  }
0x13a: {  	[tilespmem:s19], [sflag:$0x1] =	stream.indirect.gather [hbm4b:s4+s18], $0x80, s2, s18, $0xb8;
	[tilespmem:$0x1B000] =	vst v63  }
0x13b: {  	_ =	swait.ge [sflag:s21], $0x2800  }
.Ltmp5:
0x13c: {  	[sflag:s21] =	ssyncset.done $0x0;
	(pc) =	sbr.rel @p0 .LBB2_12-.Ltmp5, $4  }
0x13d: {  	s2 =	sadd.s32 $0x1080, s23;
	[sflag:s21] =	ssyncadd.s32 $0xFFFFD800  }
0x13e: {  	[spmem:s1] =	stream.indirect.scatter.add.f32 [tilespmem:s31], [sflag:$0x3], $0x80, s2, s18, $0xb8;
	[tilespmem:$0x1B000] =	vst v63  }
0x13f: {  	_ =	swait.ge [sflag:s20], $0x2800  }
0x140: {  	s24 =	smov.u32 s28;
	s23 =	sshra.s32 s26, $0x2;
	[sflag:s20] =	ssyncset.done $0x0  }
0x141: {  	s2 =	sadd.s32 $0x80, s23;
	[sflag:s20] =	ssyncadd.s32 $0xFFFFD800  }
0x142: {  	[tilespmem:s31], [sflag:$0x2] =	stream.indirect.gather [hbm4b:s4+s18], $0x80, s2, s18, $0xb8;
	[tilespmem:$0x1B000] =	vst v63  }
0x143: {  	_ =	swait.ge [sflag:s0], $0x2800  }
0x144: {  	[sflag:s0] =	ssyncset.done $0x0  }
0x145: {  	s26 =	sadd.s32 $0x1000, s23;
	[sflag:s0] =	ssyncadd.s32 $0xFFFFD800  }
0x146: {  	[spmem:s1] =	stream.indirect.scatter.add.f32 [tilespmem:s19], [sflag:$0x3], $0x80, s26, s18, $0xb8;
	[tilespmem:$0x1B000] =	vst v63  }
0x147: {  	_ =	swait.ge [sflag:s20], $0x2800  }
0x148: {  	[sflag:s20] =	ssyncset.done $0x0  }
0x149: {  	s28 =	sadd.s32 $0x100, s23;
	[sflag:s20] =	ssyncadd.s32 $0xFFFFD800  }
0x14a: {  	[tilespmem:s19], [sflag:$0x1] =	stream.indirect.gather [hbm4b:s4+s18], $0x80, s28, s18, $0xb8;
	[tilespmem:$0x1B000] =	vst v63  }
0x14b: {  	_ =	swait.ge [sflag:s21], $0x2800  }
0x14c: {  	[sflag:s21] =	ssyncset.done $0x0  }
0x14d: {  	s29 =	sadd.s32 $0x1080, s23;
	[sflag:s21] =	ssyncadd.s32 $0xFFFFD800  }
0x14e: {  	[spmem:s1] =	stream.indirect.scatter.add.f32 [tilespmem:s31], [sflag:$0x3], $0x80, s29, s18, $0xb8;
	[tilespmem:$0x1B000] =	vst v63  }
0x14f: {  	_ =	swait.ge [sflag:s20], $0x2800  }
0x150: {  	[sflag:s20] =	ssyncset.done $0x0  }
0x151: {  	[sflag:s20] =	ssyncadd.s32 $0xFFFFD800  }
0x152: {  	_ =	swait.ge [sflag:s0], $0x2800  }
0x153: {  	[sflag:s0] =	ssyncset.done $0x0  }
0x154: {  	[sflag:s0] =	ssyncadd.s32 $0xFFFFD800  }
0x155: {  	[spmem:s1] =	stream.indirect.scatter.add.f32 [tilespmem:s19], [sflag:$0x3], $0x80, s22, s18, $0xb8;
	[tilespmem:$0x1B000] =	vst v63  }
0x156: {  	_ =	swait.ge [sflag:s20], $0x2800  }
0x157: {  	[sflag:s20] =	ssyncset.done $0x0  }
0x158: {  	s23 =	simm.s32 $0x0;
	[sflag:s20] =	ssyncadd.s32 $0xFFFFD800  }
0x159: {  	[tilespmem:s23], [sflag:$0x3] =	stream.linear.gather [hbm4b:s14+s23], $0xC80, $0x38;
	[tilespmem:$0x1B000] =	vst v63  }
0x15a: {  	_ =	swait.ge [sflag:s20], $0xC80  }
0x15b: {  	[sflag:s20] =	ssyncset.done $0x0  }
0x15c: {  	[sflag:s20] =	ssyncadd.s32 $0xFFFFF380  }
0x15d: {  	[tilespmem:s30], [sflag:$0x3] =	stream.linear.gather [hbm4b:s15+s23], $0xC80, $0x38;
	[tilespmem:$0x1B000] =	vst v63  }
0x15e: {  	_ =	swait.ge [sflag:s20], $0xC80  }
0x15f: {  	[sflag:s20] =	ssyncset.done $0x0  }
0x160: {  	[sflag:s20] =	ssyncadd.s32 $0xFFFFF380  }
0x161: {  	[tilespmem:s19], [sflag:$0x1] =	stream.indirect.gather [hbm4b:s4+s18], $0x80, s23, s18, $0xb8;
	[tilespmem:$0x1B000] =	vst v63  }
0x162: {  	s24 =	simm.s32 $0x80  }
0x163: {  	[tilespmem:s31], [sflag:$0x2] =	stream.indirect.gather [hbm4b:s4+s18], $0x80, s24, s18, $0xb8;
	[tilespmem:$0x1B000] =	vst v63  }
0x164: {  	_ =	swait.ge [sflag:s0], $0x2800  }
0x165: {  	[sflag:s0] =	ssyncset.done $0x0  }
0x166: {  	s26 =	simm.s32 $0x1000;
	[sflag:s0] =	ssyncadd.s32 $0xFFFFD800  }
0x167: {  	[spmem:s1] =	stream.indirect.scatter.add.f32 [tilespmem:s19], [sflag:$0x3], $0x80, s26, s18, $0xb8;
	[tilespmem:$0x1B000] =	vst v63  }
0x168: {  	_ =	swait.ge [sflag:s20], $0x2800  }
0x169: {  	[sflag:s20] =	ssyncset.done $0x0  }
0x16a: {  	s28 =	simm.s32 $0x100;
	[sflag:s20] =	ssyncadd.s32 $0xFFFFD800  }
0x16b: {  	[tilespmem:s19], [sflag:$0x1] =	stream.indirect.gather [hbm4b:s4+s18], $0x80, s28, s18, $0xb8;
	[tilespmem:$0x1B000] =	vst v63  }
0x16c: {  	_ =	swait.ge [sflag:s21], $0x2800  }
0x16d: {  	[sflag:s21] =	ssyncset.done $0x0  }
0x16e: {  	s29 =	simm.s32 $0x1080;
	[sflag:s21] =	ssyncadd.s32 $0xFFFFD800  }
0x16f: {  	[spmem:s1] =	stream.indirect.scatter.add.f32 [tilespmem:s31], [sflag:$0x3], $0x80, s29, s18, $0xb8;
	[tilespmem:$0x1B000] =	vst v63  }
0x170: {  	_ =	swait.ge [sflag:s20], $0x2800  }
0x171: {  	s23 =	simm.s32 $0x100;
	s24 =	simm.s32 $0x800;
	[sflag:s20] =	ssyncset.done $0x0  }
.LBB2_14:
0x172: {  	s2 =	sadd.s32 $0x80, s23  }
0x173: {  	[sflag:s20] =	ssyncadd.s32 $0xFFFFD800;
	s26 =	smov.u32 s24;
	s28 =	sadd.s32 $0x400, s24  }
0x174: {  	[tilespmem:s31], [sflag:$0x2] =	stream.indirect.gather [hbm4b:s4+s18], $0x80, s2, s18, $0xb8;
	[tilespmem:$0x1B000] =	vst v63  }
0x175: {  	p0 =	sne.s32 s24, $0x2C00;
	_ =	swait.ge [sflag:s0], $0x2800  }
0x176: {  	[sflag:s0] =	ssyncset.done $0x0  }
0x177: {  	s2 =	sadd.s32 $0x1000, s23;
	[sflag:s0] =	ssyncadd.s32 $0xFFFFD800  }
0x178: {  	[spmem:s1] =	stream.indirect.scatter.add.f32 [tilespmem:s19], [sflag:$0x3], $0x80, s2, s18, $0xb8;
	[tilespmem:$0x1B000] =	vst v63  }
0x179: {  	_ =	swait.ge [sflag:s20], $0x2800  }
0x17a: {  	[sflag:s20] =	ssyncset.done $0x0  }
0x17b: {  	s2 =	sadd.s32 $0x100, s23;
	[sflag:s20] =	ssyncadd.s32 $0xFFFFD800  }
0x17c: {  	[tilespmem:s19], [sflag:$0x1] =	stream.indirect.gather [hbm4b:s4+s18], $0x80, s2, s18, $0xb8;
	[tilespmem:$0x1B000] =	vst v63  }
0x17d: {  	_ =	swait.ge [sflag:s21], $0x2800  }
.Ltmp6:
0x17e: {  	[sflag:s21] =	ssyncset.done $0x0;
	(pc) =	sbr.rel @p0 .LBB2_14-.Ltmp6, $4  }
0x17f: {  	s2 =	sadd.s32 $0x1080, s23;
	[sflag:s21] =	ssyncadd.s32 $0xFFFFD800  }
0x180: {  	[spmem:s1] =	stream.indirect.scatter.add.f32 [tilespmem:s31], [sflag:$0x3], $0x80, s2, s18, $0xb8;
	[tilespmem:$0x1B000] =	vst v63  }
0x181: {  	_ =	swait.ge [sflag:s20], $0x2800  }
0x182: {  	s24 =	smov.u32 s28;
	s23 =	sshra.s32 s26, $0x2;
	[sflag:s20] =	ssyncset.done $0x0  }
0x183: {  	s2 =	sadd.s32 $0x80, s23;
	[sflag:s20] =	ssyncadd.s32 $0xFFFFD800  }
0x184: {  	[tilespmem:s31], [sflag:$0x2] =	stream.indirect.gather [hbm4b:s4+s18], $0x80, s2, s18, $0xb8;
	[tilespmem:$0x1B000] =	vst v63  }
0x185: {  	_ =	swait.ge [sflag:s0], $0x2800  }
0x186: {  	[sflag:s0] =	ssyncset.done $0x0  }
0x187: {  	s24 =	sadd.s32 $0x1000, s23;
	[sflag:s0] =	ssyncadd.s32 $0xFFFFD800  }
0x188: {  	[spmem:s1] =	stream.indirect.scatter.add.f32 [tilespmem:s19], [sflag:$0x3], $0x80, s24, s18, $0xb8;
	[tilespmem:$0x1B000] =	vst v63  }
0x189: {  	_ =	swait.ge [sflag:s20], $0x2800  }
0x18a: {  	[sflag:s20] =	ssyncset.done $0x0  }
0x18b: {  	s26 =	sadd.s32 $0x100, s23;
	[sflag:s20] =	ssyncadd.s32 $0xFFFFD800  }
0x18c: {  	[tilespmem:s19], [sflag:$0x1] =	stream.indirect.gather [hbm4b:s4+s18], $0x80, s26, s18, $0xb8;
	[tilespmem:$0x1B000] =	vst v63  }
0x18d: {  	_ =	swait.ge [sflag:s21], $0x2800  }
0x18e: {  	[sflag:s21] =	ssyncset.done $0x0  }
0x18f: {  	s28 =	sadd.s32 $0x1080, s23;
	[sflag:s21] =	ssyncadd.s32 $0xFFFFD800  }
0x190: {  	[spmem:s1] =	stream.indirect.scatter.add.f32 [tilespmem:s31], [sflag:$0x3], $0x80, s28, s18, $0xb8;
	[tilespmem:$0x1B000] =	vst v63  }
0x191: {  	_ =	swait.ge [sflag:s20], $0x2800  }
0x192: {  	[sflag:s20] =	ssyncset.done $0x0  }
0x193: {  	[sflag:s20] =	ssyncadd.s32 $0xFFFFD800  }
0x194: {  	_ =	swait.ge [sflag:s0], $0x2800  }
0x195: {  	[sflag:s0] =	ssyncset.done $0x0  }
0x196: {  	[sflag:s0] =	ssyncadd.s32 $0xFFFFD800  }
0x197: {  	[spmem:s1] =	stream.indirect.scatter.add.f32 [tilespmem:s19], [sflag:$0x3], $0x80, s22, s18, $0xb8;
	[tilespmem:$0x1B000] =	vst v63  }
0x198: {  	_ =	swait.ge [sflag:s20], $0x2800  }
0x199: {  	s29 =	stileid.u32;
	s3 =	sadd.s32 $0x1, s3;
	[sflag:s20] =	ssyncset.done $0x0  }
0x19a: {  	s2 =	sshll.u32 s29, $0x6;
	p0 =	sne.s32 s3, s17;
	[sflag:s20] =	ssyncadd.s32 $0xFFFFD800  }
.Ltmp7:
0x19b: {  	s2 =	sor.u32 $0x1C03, s2;
	[bflag:$0x0] =	sbarrier.arrive $0xFFFF;
	(pc) =	sbr.rel @p0 .LBB2_1-.Ltmp7, $4  }
0x19c: {  	[hbm:s16], [sflag:s2] =	dma.local [spmem:s25], $0x2800  }
0x19d: {  	_ =	swait.ge [sflag:s20], $0x2800  }
0x19e: {  	[sflag:s20] =	ssyncset.done $0x0  }
0x19f: {  	[sflag:s20] =	ssyncadd.s32 $0xFFFFD800  }
0x1a0: {  	_ =	sfence.sel $0x180000  }
0x1a1: {  	[bflag:$0x0] =	sbarrier.arrive $0xFFFF  }
0x1a2: {  	_ =	strace $0x9000004D  }
0x1a3: {  	s0 =	stileid.u32;
	[bflag:$0x2] =	sbarrier.arrive $0xFFFF  }
0x1a4: {  	p0 =	sne.s32 s0, $0x0;
	s0 =	rddreg [dreg:$0x2]  }
0x1a5: {  	s0 =	sadd.s32 @!p0 $0x100000, s0  }
0x1a6: {  	[sflag:s0] =	ssyncadd.tile.s32 @!p0 $0x1;
	_ =	shalt  }
.Lfunc_end2:
_tile_overlayer_lowered:
.L_overlay_start_2:
0x1a7: {  	(tag) =	ssettag $0x2  }
0x1a8: {  	s0 =	rddreg [dreg:$0x0];
	s2 =	stileid.u32  }
0x1a9: {  	s1 =	rddreg [dreg:$0x1];
	p0 =	sne.s32 s2, $0x0  }
0x1aa: {  	s3 =	rddreg [dreg:$0x2];
	[bflag:$0x3] =	sbarrier.arrive $0xFFFF;
	s2 =	simm.s32 @!p0 $0x1C03  }
0x1ab: {  	[timem:s3], [sflag:s2] =	dma.local @!p0 [hbm:s0], s1  }
0x1ac: {  	s0 =	simm.s32 @!p0 $0x3  }
0x1ad: {  	_ =	swait.ge @!p0 [sflag:s0], s1  }
0x1ae: {  	s1 =	ssub.s32 @!p0 $0x0, s1;
	[sflag:s0] =	ssyncset.done @!p0 $0x0  }
0x1af: {  	[sflag:s0] =	ssyncadd.s32 @!p0 s1  }
0x1b0: {  	[bflag:$0x3] =	sbarrier.arrive $0xFFFF  }
0x1b1: {  	_ =	shalt  }

// kernel: kernel.8.cloned.1.call-start
scs
__scs_entry_jumppad:
0x0: {  	(pc) =	sbr.rel $0x88, $3  }
0x1: {  	(tag) =	ssettag $0x0;
	lr =	simm.s32 $0x1  }
0x2: {  	[smem:$0x3F9B] =	sst lr;
	_ =	strace $0xD0000000  }
0x3: {  	_ = 	snop  }
0x4: {  	_ = 	snop  }
0x5: {  	_ = 	snop  }
0x6: {  	_ = 	snop  }
0x7: {  	_ = 	snop  }
__scs_overlays_trampoline_lowered:
0x8: {  	[smem:$0x3FAA] =	sst s0  }
0x9: {  	[smem:$0x3FAB] =	sst s1  }
0xa: {  	[smem:$0x3FAC] =	sst s2  }
0xb: {  	[smem:$0x3FAD] =	sst s3  }
0xc: {  	[smem:$0x3FAE] =	sst s4  }
0xd: {  	[smem:$0x3FAF] =	sst s5  }
0xe: {  	[smem:$0x3FB0] =	sst s6  }
0xf: {  	[smem:$0x3FB1] =	sst s7  }
0x10: {  	[smem:$0x3FB2] =	sst s8  }
0x11: {  	[smem:$0x3FB3] =	sst s9;
	s0 =	simm.s32 @!p0 $0x0  }
0x12: {  	s1 =	sld [smem:$0x3F99];
	s0 =	simm.s32 @p0 $0x1  }
0x13: {  	[smem:$0x3FB4] =	sst s0;
	s0 =	simm.s32 @!p1 $0x0  }
0x14: {  	s2 =	sld [smem:$0x3F98];
	s0 =	simm.s32 @p1 $0x1  }
0x15: {  	[smem:$0x3FB5] =	sst s0;
	s0 =	simm.s32 @!p2 $0x0  }
0x16: {  	s3 =	sld [smem:$0x3FDB];
	s0 =	simm.s32 @p2 $0x1  }
0x17: {  	s4 =	simm.s32 $0x1BF5;
	[smem:$0x3FB7] =	sst s0  }
0x18: {  	s0 =	sld [smem:$0x3F9A];
	_ =	swait.ge [sflag:s4], $0x0  }
0x19: {  	s7 =	sld [smem:$0x3F9B]  }
0x1a: {  	s8 =	sadd.s32 $0xFFFFE003, lr  }
0x1b: {  	s9 =	sadd.s32 $0xFFFFFEF7, lr;
	s5 =	simm.s32 $0xFFFFFFFF;
	p2 =	slt.u32 s8, $0xFFFFF086  }
0x1c: {  	p1 =	slt.u32 s9, $0xF7A;
	s5 =	simm.s32 @!p2 $0x0  }
0x1d: {  	s5 =	simm.s32 @p1 $0x1;
	p0 =	seq.s32 s7, s2  }
0x1e: {  	s7 =	smul.u32 @!p0 $0xF7A, s2;
	p2 =	seq.s32 @!p0 s5, $0x0  }
0x1f: {  	s9 =	smul.u32 $0xF7A, s1;
	s8 =	simm.s32 @!p0 $0x1BF5;
	p2 =	por !p2, p0  }
0x20: {  	[sflag:s8] =	ssyncset.s32 @!p0 $0xFFFFF086;
	s6 =	sadd.s32 @!p0 s3, s7;
	s7 =	simm.s32 @!p0 $0x108  }
0x21: {  	s3 =	sadd.s32 s3, s9;
	s6 =	sadd.s32 @!p0 $0x88, s6;
	s7 =	simm.s32 @p2 $0x1082  }
0x22: {  	[simem:s7], [sflag:s8] =	dma.local @!p0 [hbm:s6], $0xF7A  }
0x23: {  	s9 =	sor.u32 $0xD0000000, s2;
	s6 =	simm.s32 $0x108;
	_ =	swait.ge @!p0 [sflag:s8], $0x0  }
0x24: {  	s3 =	sadd.s32 $0x88, s3;
	s6 =	simm.s32 @!p1 $0x1082;
	[sflag:s4] =	ssyncset.s32 $0xFFFFF086  }
0x25: {  	[simem:s6], [sflag:s4] =	dma.local [hbm:s3], $0xF7A  }
0x26: {  	[smem:$0x3F9B] =	sst s1;
	(tag) =	ssettag s2;
	_ =	strace s9  }
0x27: {  	s1 =	sld [smem:$0x3FAB]  }
0x28: {  	s2 =	sld [smem:$0x3FAC]  }
0x29: {  	s4 =	sld [smem:$0x3FAE]  }
0x2a: {  	p0 =	seq.s32 s5, $0x0;
	s5 =	sld [smem:$0x3FAF]  }
0x2b: {  	s6 =	sld [smem:$0x3FB0]  }
0x2c: {  	s7 =	sld [smem:$0x3FB1]  }
0x2d: {  	s3 =	simm.s32 $0x108;
	s8 =	sld [smem:$0x3FB2]  }
0x2e: {  	s3 =	simm.s32 @!p0 $0x1082;
	s9 =	sld [smem:$0x3FB3]  }
0x2f: {  	lr =	sadd.s32 s0, s3;
	s0 =	sld [smem:$0x3FAA]  }
0x30: {  	s3 =	sld [smem:$0x3FAD]  }
0x31: {  	[smem:$0x3FB6] =	sst s10  }
0x32: {  	s10 =	sld [smem:$0x3FB4];
	_ =	sdelay $0x3  }
0x33: {  	p0 =	seq.s32 s10, $0x1;
	s10 =	sld [smem:$0x3FB6];
	_ =	sdelay $0x3  }
0x34: {  	[smem:$0x3FB6] =	sst s10  }
0x35: {  	s10 =	sld [smem:$0x3FB5];
	_ =	sdelay $0x3  }
0x36: {  	p1 =	seq.s32 s10, $0x1;
	s10 =	sld [smem:$0x3FB6];
	_ =	sdelay $0x3  }
0x37: {  	[smem:$0x3FB6] =	sst s10  }
0x38: {  	s10 =	sld [smem:$0x3FB7]  }
0x39: {  	_ = 	snop;
	(pc) =	sbr.ind lr, $3  }
0x3a: {  	_ = 	snop  }
0x3b: {  	_ = 	snop  }
0x3c: {  	p2 =	seq.s32 s10, $0x1;
	s10 =	sld [smem:$0x3FB6]  }
0x3d: {  	_ =	shalt  }
0x3e: {  	_ =	shalt  }
0x3f: {  	_ =	shalt  }
0x40: {  	_ =	shalt  }
0x41: {  	_ =	shalt  }
0x42: {  	_ =	shalt  }
0x43: {  	_ =	shalt  }
0x44: {  	_ =	shalt  }
0x45: {  	_ =	shalt  }
0x46: {  	_ =	shalt  }
0x47: {  	_ =	shalt  }
0x48: {  	_ =	shalt  }
0x49: {  	_ =	shalt  }
0x4a: {  	_ =	shalt  }
0x4b: {  	_ =	shalt  }
0x4c: {  	_ =	shalt  }
0x4d: {  	_ =	shalt  }
0x4e: {  	_ =	shalt  }
0x4f: {  	_ =	shalt  }
0x50: {  	_ =	shalt  }
0x51: {  	_ =	shalt  }
0x52: {  	_ =	shalt  }
0x53: {  	_ =	shalt  }
0x54: {  	_ =	shalt  }
0x55: {  	_ =	shalt  }
0x56: {  	_ =	shalt  }
0x57: {  	_ =	shalt  }
0x58: {  	_ =	shalt  }
0x59: {  	_ =	shalt  }
0x5a: {  	_ =	shalt  }
0x5b: {  	_ =	shalt  }
0x5c: {  	_ =	shalt  }
0x5d: {  	_ =	shalt  }
0x5e: {  	_ =	shalt  }
0x5f: {  	_ =	shalt  }
0x60: {  	_ =	shalt  }
0x61: {  	_ =	shalt  }
0x62: {  	_ =	shalt  }
0x63: {  	_ =	shalt  }
0x64: {  	_ =	shalt  }
0x65: {  	_ =	shalt  }
0x66: {  	_ =	shalt  }
0x67: {  	_ =	shalt  }
0x68: {  	_ =	shalt  }
0x69: {  	_ =	shalt  }
0x6a: {  	_ =	shalt  }
0x6b: {  	_ =	shalt  }
0x6c: {  	_ =	shalt  }
0x6d: {  	_ =	shalt  }
0x6e: {  	_ =	shalt  }
0x6f: {  	_ =	shalt  }
0x70: {  	_ =	shalt  }
0x71: {  	_ =	shalt  }
0x72: {  	_ =	shalt  }
0x73: {  	_ =	shalt  }
0x74: {  	_ =	shalt  }
0x75: {  	_ =	shalt  }
0x76: {  	_ =	shalt  }
0x77: {  	_ =	shalt  }
0x78: {  	_ =	shalt  }
0x79: {  	_ =	shalt  }
0x7a: {  	_ =	shalt  }
0x7b: {  	_ =	shalt  }
0x7c: {  	_ =	shalt  }
0x7d: {  	_ =	shalt  }
0x7e: {  	_ =	shalt  }
0x7f: {  	_ =	shalt  }
0x80: {  	_ =	shalt  }
0x81: {  	_ =	shalt  }
0x82: {  	_ =	shalt  }
0x83: {  	_ =	shalt  }
0x84: {  	_ =	shalt  }
0x85: {  	_ =	shalt  }
0x86: {  	_ =	shalt  }
0x87: {  	_ =	shalt  }
.Lfunc_end0:
.L_simem_size_0:
called_computation_lowered:
.L_overlay_start_0:
0x88: {  	s2 =	sld [smem:$0x3FD9]  }
0x89: {  	s3 =	sld [smem:$0x3FFE];
	_ =	sdelay $0x1  }
0x8a: {  	s1 =	srdreg.scid  }
0x8b: {  	s0 =	sand.u32 $0x1, s1  }
0x8c: {  	s16 =	sshll.u32 s0, $0xA;
	s2 =	sadd.s32 s3, s2  }
0x8d: {  	s2 =	sadd.s32 s2, s16  }
0x8e: {  	[smem:$0x3FC2] =	sst s2  }
0x8f: {  	_ = 	snop  }
0x90: {  	(tm) =	ssettm $0x1  }
0x91: {  	s17 =	sld [smem:$0x3FFB];
	_ =	sdelay $0x3  }
0x92: {  	_ =	strace s17  }
0x93: {  	s2 =	sld [smem:$0x3FFC];
	_ =	sdelay $0x3  }
0x94: {  	_ =	strace s2  }
0x95: {  	s2 =	sld [smem:$0x3FFD];
	_ =	sdelay $0x3  }
0x96: {  	_ =	strace s2  }
0x97: {  	_ =	strace $0x8FFFFFFF  }
0x98: {  	s18 =	sld [smem:$0x3FDB];
	_ =	sdelay $0x1  }
0x99: {  	s19 =	simm.s32 $_scs_section_size  }
0x9a: {  	s4 =	simm.s32 $_size__tile_overlayer_lowered;
	s5 =	simm.s32 $_tile_overlayer_lowered  }
0x9b: {  	s22 =	simm.s32 $0x1BFF;
	s21 =	sshll.u32 s5, $0x1;
	s2 =	sadd.s32 s19, s18  }
0x9c: {  	s6 =	simm.s32 $0x0;
	s20 =	sshll.u32 s4, $0x1;
	s4 =	sadd.s32 s21, s2  }
0x9d: {  	[timem:s6], [sflag:s22] =	dma.local [hbm:s4], s20  }
0x9e: {  	_ =	swait.ge [sflag:s22], s20  }
0x9f: {  	s3 =	ssub.s32 $0x0, s20;
	[sflag:s22] =	ssyncset.done $0x0  }
0xa0: {  	[sflag:s22] =	ssyncadd.s32 s3;
	_ =	sdelay $0x1  }
0xa1: {  	s23 =	simm.s32 $0x1B8B  }
0xa2: {  	_ =	swait.ge [sflag:s23], $0x1  }
0xa3: {  	[sflag:s23] =	ssyncset.done $0x0  }
0xa4: {  	s25 =	simm.s32 $0x1B8E;
	s24 =	sld [smem:$0x3FFE];
	[sflag:s23] =	ssyncadd.s32 $0xFFFFFFFF  }
0xa5: {  	s26 =	simm.s32 $execute0_lowered;
	[smem:$0x3FD2] =	sst s25  }
0xa6: {  	s4 =	sshll.u32 s26, $0x1;
	_ =	strace $0x80000046;
	[dreg:$0x1] =	wrdreg $0xFFFFFFFF  }
0xa7: {  	s28 =	simm.s32 $_size_execute0_lowered;
	s2 =	sadd.s32 s2, s4;
	[dreg:$0x0] =	wrdreg $0x0  }
0xa8: {  	s4 =	sshll.u32 s28, $0x1;
	[dreg:$0x2] =	wrdreg s2  }
0xa9: {  	[dreg:$0x3] =	wrdreg s4  }
0xaa: {  	[dreg:$0x4] =	wrdreg $0xC0  }
0xab: {  	_ =	task [dreg:s6], $0x5FFFF  }
0xac: {  	[dreg:$0x1] =	wrdreg $0xFFFFFFFF  }
0xad: {  	[dreg:$0x0] =	wrdreg $0x60  }
0xae: {  	[dreg:$0x2] =	wrdreg s24  }
0xaf: {  	[dreg:$0x3] =	wrdreg $0xB8000  }
0xb0: {  	[dreg:$0x4] =	wrdreg $0x9  }
0xb1: {  	_ =	task.clear_ibuf [dreg:s6], $0x5FFFF;
	_ =	strace $0x90000046  }
0xb2: {  	s29 =	simm.s32 $0x9;
	_ =	strace $0x80000048  }
0xb3: {  	_ =	swait.ge [sflag:s29], $0x1  }
0xb4: {  	[sflag:s29] =	ssyncadd.s32 $0xFFFFFFFF  }
0xb5: {  	_ =	strace $0x90000048  }
0xb6: {  	_ =	sfence  }
0xb7: {  	s30 =	sld [smem:$0x0];
	_ =	sdelay $0x2  }
0xb8: {  	s31 =	sshll.u32 s1, $0xD;
	s1 =	sshrl.u32 s1, $0x2  }
0xb9: {  	s3 =	sand.u32 $0x4000, s31;
	s1 =	sadd.s32 s1, s30  }
0xba: {  	s0 =	sor.u32 s3, s0;
	s1 =	sshll.u32 s1, $0x11  }
0xbb: {  	s0 =	sor.u32 s1, s0  }
0xbc: {  	s0 =	sadd.s32 $0x8F2B, s0  }
0xbd: {  	[sflag:s0] =	ssyncadd.remote.s32 $0x1  }
0xbe: {  	_ =	sfence.sel $0xFFFF  }
0xbf: {  	[dreg:$0x0] =	wrdreg $0xFFFFFFFF;
	(pc) =	sbr.abs _section_cstart, $3  }
0xc0: {  	[dreg:$0x1] =	wrdreg $0xFFFFFFFF  }
0xc1: {  	_ =	task.clear_ibuf [dreg:s6], $0x2FFFF;
	_ =	strace $0x9FFFFFFF  }
0xc2: {  	(tm) =	ssettm $0x7FFFFFFF  }
0xc3: {  	_ =	shalt  }
tec
execute0_lowered:
.L_overlay_start_1:
0x0: {  	(tag) =	ssettag $0x1  }
0x1: {  	s1 =	srdreg.scid;
	s5 =	rddreg [dreg:$0x0]  }
0x2: {  	s0 =	stileid.u32;
	s2 =	rddreg [dreg:$0x1]  }
0x3: {  	s3 =	simm.s32 $0x0;
	s13 =	simm.s32 $0x1;
	s15 =	simm.s32 $0x1000  }
0x4: {  	s17 =	simm.s32 $0x2000;
	s19 =	simm.s32 $0x3000;
	s21 =	simm.s32 $0x4000  }
0x5: {  	s22 =	simm.s32 $0x50;
	s23 =	simm.s32 $0x5000;
	s8 =	smul.u32 $0x14000, s0  }
0x6: {  	s4 =	sand.u32 $0x1, s1;
	s26 =	sshll.u32 s0, $0x1;
	s9 =	smul.u32 $0x50000, s0  }
0x7: {  	[smem:$0x7FF] =	sst s3;
	s1 =	sor.u32 s4, s26;
	s7 =	smul.u32 $0x140000, s4  }
0x8: {  	s29 =	ssub.s32 $0x2, s4;
	s6 =	smul.u32 $0xA00, s1;
	s1 =	rddreg [dreg:$0x2]  }
0x9: {  	_ =	strace $0x80000047;
	s30 =	sshrl.u32 s9, $0x2;
	s31 =	sshrl.u32 s29, $0x1  }
0xa: {  	s28 =	sadd.s32 s8, s7;
	s4 =	sadd.s32 s30, s2;
	s12 =	ssub.s32 s29, s31  }
0xb: {  	s10 =	sadd.s32 s6, s5;
	s6 =	sshrl.u32 s28, $0x3;
	s7 =	sadd.s32 $0xC000, s4  }
0xc: {  	s8 =	sadd.s32 $0x10000, s4;
	s11 =	sadd.s32 s6, s5;
	s5 =	sadd.s32 $0x4000, s4  }
0xd: {  	s6 =	sadd.s32 $0x8000, s4;
	s9 =	sadd.s32 $0x2000, s10;
	s10 =	sadd.s32 $0x16000, s11  }
0xe: {  	s11 =	smax.u32 s12, $0x1;
	s12 =	simm.s32 $0x7800;
	s14 =	sadd.s32 $0x200, s9  }
0xf: {  	v0 =	vimm.f32 $1.000000000e+00;
	v1 =	vimm.f32 $0.0e+00;
	s16 =	sadd.s32 $0x400, s9;
	s18 =	sadd.s32 $0x600, s9;
	s20 =	sadd.s32 $0x800, s9  }
.LBB2_1:
0x10: {  	s24 =	simm.s32 $0x0  }
.LBB2_2:
0x11: {  	p0 =	sne.s32 s24, $0x9E00  }
.Ltmp0:
0x12: {  	_ = 	snop;
	(pc) =	sbr.rel @p0 .LBB2_2-.Ltmp0, $3  }
0x13: {  	_ =	sdelay $0x1  }
0x14: {  	s25 =	sshra.s32 s24, $0x2  }
0x15: {  	s24 =	sadd.s32 $0x200, s24;
	[tilespmem:s25+$0x5000] =	vst v0  }
0x16: {  	s24 =	simm.s32 $0x200;
	s25 =	simm.s32 $0x0  }
.LBB2_4:
0x17: {  	p0 =	sne.s32 s24, $0xFE00;
	[tilespmem:s25+$0x7800] =	vst v1;
	s25 =	smov.u32 s24;
	s24 =	sadd.s32 $0x200, s24  }
.Ltmp1:
0x18: {  	(pc) =	sbr.rel @p0 .LBB2_4-.Ltmp1, $2  }
0x19: {  	_ =	sdelay $0x2  }
0x1a: {  	s25 =	sshra.s32 s25, $0x2  }
0x1b: {  	[tilespmem:s25+$0x7800] =	vst v1  }
0x1c: {  	[spmem:s4] =	stream.linear.scatter [tilespmem:s12], [sflag:$0x1], $0x4000, $0x38;
	[tilespmem:$0xE000] =	vst v63  }
0x1d: {  	_ =	swait.ge [sflag:s13], $0x4000  }
0x1e: {  	[sflag:s13] =	ssyncset.done $0x0  }
0x1f: {  	[sflag:s13] =	ssyncadd.s32 $0xFFFFC000  }
0x20: {  	[spmem:s5] =	stream.linear.scatter [tilespmem:s12], [sflag:$0x1], $0x4000, $0x38;
	[tilespmem:$0xE000] =	vst v63  }
0x21: {  	_ =	swait.ge [sflag:s13], $0x4000  }
0x22: {  	[sflag:s13] =	ssyncset.done $0x0  }
0x23: {  	[sflag:s13] =	ssyncadd.s32 $0xFFFFC000  }
0x24: {  	[spmem:s6] =	stream.linear.scatter [tilespmem:s12], [sflag:$0x1], $0x4000, $0x38;
	[tilespmem:$0xE000] =	vst v63  }
0x25: {  	_ =	swait.ge [sflag:s13], $0x4000  }
0x26: {  	[sflag:s13] =	ssyncset.done $0x0  }
0x27: {  	[sflag:s13] =	ssyncadd.s32 $0xFFFFC000  }
0x28: {  	[spmem:s7] =	stream.linear.scatter [tilespmem:s12], [sflag:$0x1], $0x4000, $0x38;
	[tilespmem:$0xE000] =	vst v63  }
0x29: {  	_ =	swait.ge [sflag:s13], $0x4000  }
0x2a: {  	[sflag:s13] =	ssyncset.done $0x0  }
0x2b: {  	[sflag:s13] =	ssyncadd.s32 $0xFFFFC000  }
0x2c: {  	[spmem:s8] =	stream.linear.scatter [tilespmem:s12], [sflag:$0x1], $0x4000, $0x38;
	[tilespmem:$0xE000] =	vst v63  }
0x2d: {  	_ =	swait.ge [sflag:s13], $0x4000  }
0x2e: {  	[sflag:s13] =	ssyncset.done $0x0  }
0x2f: {  	s24 =	simm.s32 $0x0;
	[sflag:s13] =	ssyncadd.s32 $0xFFFFC000  }
0x30: {  	[tilespmem:s24], [sflag:$0x1] =	stream.linear.gather [hbm4b:s9+s24], $0xC80, $0x38;
	[tilespmem:$0xE000] =	vst v63  }
0x31: {  	_ = 	snop  }
0x32: {  	[tilespmem:s15], [sflag:$0x1] =	stream.linear.gather [hbm4b:s14+s24], $0xC80, $0x38;
	[tilespmem:$0xE000] =	vst v63  }
0x33: {  	_ = 	snop  }
0x34: {  	[tilespmem:s17], [sflag:$0x1] =	stream.linear.gather [hbm4b:s16+s24], $0xC80, $0x38;
	[tilespmem:$0xE000] =	vst v63  }
0x35: {  	_ = 	snop  }
0x36: {  	[tilespmem:s19], [sflag:$0x1] =	stream.linear.gather [hbm4b:s18+s24], $0xC80, $0x38;
	[tilespmem:$0xE000] =	vst v63  }
0x37: {  	_ = 	snop  }
0x38: {  	[tilespmem:s21], [sflag:$0x1] =	stream.linear.gather [hbm4b:s20+s24], $0xC80, $0x38;
	[tilespmem:$0xE000] =	vst v63  }
0x39: {  	_ =	swait.ge [sflag:s13], $0x3E80  }
0x3a: {  	[sflag:s13] =	ssyncset.done $0x0  }
0x3b: {  	[sflag:s13] =	ssyncadd.s32 $0xFFFFC180  }
0x3c: {  	s31 =	simm.s32 $0x0;
	[bflag:$0x0] =	sbarrier.arrive $0xFFFF  }
0x3d: {  	[spmem:s2] =	stream.indirect.scatter.add.f32 [tilespmem:s23], [sflag:$0x1], $0x10, s31, s22, $0xb8;
	[tilespmem:$0xE000] =	vst v63  }
0x3e: {  	_ =	swait.ge [sflag:s13], $0x500  }
0x3f: {  	s24 =	simm.s32 $0x200;
	[sflag:s13] =	ssyncset.done $0x0  }
.LBB2_6:
0x40: {  	s25 =	sshra.s32 s24, $0x2;
	[sflag:s13] =	ssyncadd.s32 $0xFFFFFB00;
	p0 =	sne.s32 s24, $0x3000  }
0x41: {  	[spmem:s2] =	stream.indirect.scatter.add.f32 [tilespmem:s23], [sflag:$0x1], $0x10, s25, s22, $0xb8;
	[tilespmem:$0xE000] =	vst v63  }
.Ltmp2:
0x42: {  	_ = 	snop;
	(pc) =	sbr.rel @p0 .LBB2_6-.Ltmp2, $4  }
0x43: {  	_ = 	snop  }
0x44: {  	s24 =	sadd.s32 $0x200, s24  }
0x45: {  	_ =	swait.ge [sflag:s13], $0x500  }
0x46: {  	[sflag:s13] =	ssyncset.done $0x0  }
0x47: {  	[sflag:s13] =	ssyncadd.s32 $0xFFFFFB00;
	s24 =	simm.s32 $0x1000  }
0x48: {  	[spmem:s2] =	stream.indirect.scatter.add.f32 [tilespmem:s23], [sflag:$0x1], $0x10, s24, s22, $0xb8;
	[tilespmem:$0xE000] =	vst v63  }
0x49: {  	s24 =	simm.s32 $0x200;
	_ =	swait.ge [sflag:s13], $0x500  }
.LBB2_8:
0x4a: {  	s25 =	sshra.s32 s24, $0x2;
	[sflag:s13] =	ssyncset.done $0x0;
	p0 =	sne.s32 s24, $0x3000  }
.Ltmp3:
0x4b: {  	s25 =	sadd.s32 $0x1000, s25;
	[sflag:s13] =	ssyncadd.s32 $0xFFFFFB00;
	(pc) =	sbr.rel @p0 .LBB2_8-.Ltmp3, $3  }
0x4c: {  	[spmem:s2] =	stream.indirect.scatter.add.f32 [tilespmem:s23], [sflag:$0x1], $0x10, s25, s22, $0xb8;
	[tilespmem:$0xE000] =	vst v63  }
0x4d: {  	s24 =	sadd.s32 $0x200, s24;
	_ =	sdelay $0x1  }
0x4e: {  	_ =	swait.ge [sflag:s13], $0x500  }
0x4f: {  	[sflag:s13] =	ssyncset.done $0x0  }
0x50: {  	s24 =	simm.s32 $0x2000;
	[sflag:s13] =	ssyncadd.s32 $0xFFFFFB00  }
0x51: {  	[spmem:s2] =	stream.indirect.scatter.add.f32 [tilespmem:s23], [sflag:$0x1], $0x10, s24, s22, $0xb8;
	[tilespmem:$0xE000] =	vst v63  }
0x52: {  	s24 =	simm.s32 $0x200;
	_ =	swait.ge [sflag:s13], $0x500  }
.LBB2_10:
0x53: {  	s25 =	sshra.s32 s24, $0x2;
	[sflag:s13] =	ssyncset.done $0x0;
	p0 =	sne.s32 s24, $0x3000  }
.Ltmp4:
0x54: {  	s25 =	sadd.s32 $0x2000, s25;
	[sflag:s13] =	ssyncadd.s32 $0xFFFFFB00;
	(pc) =	sbr.rel @p0 .LBB2_10-.Ltmp4, $3  }
0x55: {  	[spmem:s2] =	stream.indirect.scatter.add.f32 [tilespmem:s23], [sflag:$0x1], $0x10, s25, s22, $0xb8;
	[tilespmem:$0xE000] =	vst v63  }
0x56: {  	s24 =	sadd.s32 $0x200, s24;
	_ =	sdelay $0x1  }
0x57: {  	_ =	swait.ge [sflag:s13], $0x500  }
0x58: {  	[sflag:s13] =	ssyncset.done $0x0  }
0x59: {  	s24 =	simm.s32 $0x3000;
	[sflag:s13] =	ssyncadd.s32 $0xFFFFFB00  }
0x5a: {  	[spmem:s2] =	stream.indirect.scatter.add.f32 [tilespmem:s23], [sflag:$0x1], $0x10, s24, s22, $0xb8;
	[tilespmem:$0xE000] =	vst v63  }
0x5b: {  	s24 =	simm.s32 $0x200;
	_ =	swait.ge [sflag:s13], $0x500  }
.LBB2_12:
0x5c: {  	s25 =	sshra.s32 s24, $0x2;
	[sflag:s13] =	ssyncset.done $0x0;
	p0 =	sne.s32 s24, $0x3000  }
.Ltmp5:
0x5d: {  	s25 =	sadd.s32 $0x3000, s25;
	[sflag:s13] =	ssyncadd.s32 $0xFFFFFB00;
	(pc) =	sbr.rel @p0 .LBB2_12-.Ltmp5, $3  }
0x5e: {  	[spmem:s2] =	stream.indirect.scatter.add.f32 [tilespmem:s23], [sflag:$0x1], $0x10, s25, s22, $0xb8;
	[tilespmem:$0xE000] =	vst v63  }
0x5f: {  	s24 =	sadd.s32 $0x200, s24;
	_ =	sdelay $0x1  }
0x60: {  	_ =	swait.ge [sflag:s13], $0x500  }
0x61: {  	[sflag:s13] =	ssyncset.done $0x0  }
0x62: {  	s24 =	simm.s32 $0x4000;
	[sflag:s13] =	ssyncadd.s32 $0xFFFFFB00  }
0x63: {  	[spmem:s2] =	stream.indirect.scatter.add.f32 [tilespmem:s23], [sflag:$0x1], $0x10, s24, s22, $0xb8;
	[tilespmem:$0xE000] =	vst v63  }
0x64: {  	s24 =	simm.s32 $0x200;
	_ =	swait.ge [sflag:s13], $0x500  }
.LBB2_14:
0x65: {  	s25 =	sshra.s32 s24, $0x2;
	[sflag:s13] =	ssyncset.done $0x0;
	p0 =	sne.s32 s24, $0x3000  }
.Ltmp6:
0x66: {  	s25 =	sadd.s32 $0x4000, s25;
	[sflag:s13] =	ssyncadd.s32 $0xFFFFFB00;
	(pc) =	sbr.rel @p0 .LBB2_14-.Ltmp6, $3  }
0x67: {  	[spmem:s2] =	stream.indirect.scatter.add.f32 [tilespmem:s23], [sflag:$0x1], $0x10, s25, s22, $0xb8;
	[tilespmem:$0xE000] =	vst v63  }
0x68: {  	s24 =	sadd.s32 $0x200, s24;
	_ =	sdelay $0x1  }
0x69: {  	_ =	swait.ge [sflag:s13], $0x500  }
0x6a: {  	[sflag:s13] =	ssyncset.done $0x0;
	s24 =	sshll.u32 s0, $0x6;
	s3 =	sadd.s32 $0x1, s3  }
0x6b: {  	s25 =	sshrl.u32 s4, $0x3;
	[sflag:s13] =	ssyncadd.s32 $0xFFFFFB00;
	p0 =	sne.s32 s3, s11  }
.Ltmp7:
0x6c: {  	s24 =	sor.u32 $0x1C01, s24;
	[bflag:$0x0] =	sbarrier.arrive $0xFFFF;
	(pc) =	sbr.rel @p0 .LBB2_1-.Ltmp7, $4  }
0x6d: {  	[hbm:s10], [sflag:s24] =	dma.local [spmem:s25], $0x2800  }
0x6e: {  	_ =	swait.ge [sflag:s13], $0x2800  }
0x6f: {  	[sflag:s13] =	ssyncset.done $0x0  }
0x70: {  	[sflag:s13] =	ssyncadd.s32 $0xFFFFD800  }
0x71: {  	_ =	sfence.sel $0x180000  }
0x72: {  	[bflag:$0x0] =	sbarrier.arrive $0xFFFF  }
0x73: {  	p0 =	sne.s32 s0, $0x0;
	_ =	strace $0x90000047  }
0x74: {  	s0 =	sadd.s32 @!p0 $0x100000, s1;
	[bflag:$0x2] =	sbarrier.arrive $0xFFFF  }
0x75: {  	[sflag:s0] =	ssyncadd.tile.s32 @!p0 $0x1;
	_ =	shalt  }
.Lfunc_end2:
_tile_overlayer_lowered:
.L_overlay_start_2:
0x76: {  	(tag) =	ssettag $0x2  }
0x77: {  	s0 =	rddreg [dreg:$0x0];
	s2 =	stileid.u32  }
0x78: {  	s1 =	rddreg [dreg:$0x1];
	p0 =	sne.s32 s2, $0x0  }
0x79: {  	s3 =	rddreg [dreg:$0x2];
	[bflag:$0x3] =	sbarrier.arrive $0xFFFF;
	s2 =	simm.s32 @!p0 $0x1C01  }
0x7a: {  	[timem:s3], [sflag:s2] =	dma.local @!p0 [hbm:s0], s1  }
0x7b: {  	s0 =	simm.s32 @!p0 $0x1  }
0x7c: {  	_ =	swait.ge @!p0 [sflag:s0], s1  }
0x7d: {  	s1 =	ssub.s32 @!p0 $0x0, s1;
	[sflag:s0] =	ssyncset.done @!p0 $0x0  }
0x7e: {  	[sflag:s0] =	ssyncadd.s32 @!p0 s1  }
0x7f: {  	[bflag:$0x3] =	sbarrier.arrive $0xFFFF  }
0x80: {  	_ =	shalt  }

</sc_bundles>
